<compile_context>
chip_gen: v7x
topology: tpu7x:2x2x1
jax: 0.10.2.dev20260603
libtpu: 0.0.44.dev20260713+nightly
codegen_flags: <defaults>
</compile_context>

<pallas_src>
import functools

import jax
import jax.numpy as jnp
from jax import lax
from jax.experimental import pallas as pl
from jax.experimental.pallas import tpu as pltpu
from jax.experimental.pallas import tpu_sc as plsc


def _down_body(x_ref, a_ref, wg_ref, p_ref, gt_ref):
    x = x_ref[...]
    p_ref[...] = jnp.dot(x, a_ref[...], preferred_element_type=jnp.float32)
    g = jnp.dot(x, wg_ref[...], preferred_element_type=jnp.float32)
    gt_ref[...] = g.T


def _up_body(p_ref, wt_ref, e8_ref, b_ref, o_ref):
    wrow_t = wt_ref[...]
    wfull = lax.dot_general(wrow_t, e8_ref[...],
                            (((0,), (0,)), ((), ())),
                            preferred_element_type=jnp.float32)
    o_ref[...] = jnp.dot(p_ref[...] * wfull, b_ref[...],
                         preferred_element_type=jnp.float32)


def _make_route(T, E):
    info = plsc.get_sparse_core_info()
    NC, NS, L = info.num_cores, info.num_subcores, info.num_lanes
    NW = NC * NS
    per_w = T // NW
    n_chunks = per_w // L
    mesh = plsc.VectorSubcoreMesh(core_axis_name="c", subcore_axis_name="s")

    @functools.partial(
        pl.kernel, mesh=mesh,
        out_type=jax.ShapeDtypeStruct((E, T), jnp.float32),
        scratch_types=[
            pltpu.VMEM((E, per_w), jnp.float32),
            pltpu.VMEM((E, per_w), jnp.float32),
        ],
    )
    def route(gt_hbm, wt_hbm, g_v, w_v):
        wid = lax.axis_index("s") * NC + lax.axis_index("c")
        base = wid * per_w
        pltpu.sync_copy(gt_hbm.at[:, pl.ds(base, per_w)], g_v)
        neg = jnp.float32(-1e30)
        for c in range(n_chunks):
            sl = pl.ds(c * L, L)
            ge = [g_v[e, sl] for e in range(E)]
            m1 = ge[0]
            for e in range(1, E):
                m1 = jnp.maximum(m1, ge[e])
            is1 = [ge[e] == m1 for e in range(E)]
            g2 = [jnp.where(is1[e], neg, ge[e]) for e in range(E)]
            m2 = g2[0]
            for e in range(1, E):
                m2 = jnp.maximum(m2, g2[e])
            t = jnp.exp(m2 - m1)
            w1 = 1.0 / (1.0 + t)
            w2 = t / (1.0 + t)
            for e in range(E):
                w_v[e, sl] = (jnp.where(is1[e], w1, 0.0)
                              + jnp.where(g2[e] == m2, w2, 0.0))
        pltpu.sync_copy(w_v, wt_hbm.at[:, pl.ds(base, per_w)])

    return route


def kernel(inputs, Wg, A, Bm):
    Bsz, S, D = inputs.shape
    E, _, R = A.shape
    T = Bsz * S
    x = inputs.reshape(T, D)
    a_all = jnp.transpose(A, (1, 0, 2)).reshape(D, E * R)
    b_all = Bm.reshape(E * R, D)
    e8 = (jax.lax.broadcasted_iota(jnp.int32, (E, E * R), 1) // R
          == jax.lax.broadcasted_iota(jnp.int32, (E, E * R), 0)
          ).astype(jnp.float32)

    TB = 1024
    p, gt = pl.pallas_call(
        _down_body,
        grid=(T // TB,),
        in_specs=[
            pl.BlockSpec((TB, D), lambda i: (i, 0)),
            pl.BlockSpec((D, E * R), lambda i: (0, 0)),
            pl.BlockSpec((D, E), lambda i: (0, 0)),
        ],
        out_specs=[
            pl.BlockSpec((TB, E * R), lambda i: (i, 0)),
            pl.BlockSpec((E, TB), lambda i: (0, i)),
        ],
        out_shape=[
            jax.ShapeDtypeStruct((T, E * R), jnp.float32),
            jax.ShapeDtypeStruct((E, T), jnp.float32),
        ],
        compiler_params=pltpu.CompilerParams(
            dimension_semantics=("parallel",)),
    )(x, a_all, Wg)

    wrow_t = _make_route(T, E)(gt)

    out = pl.pallas_call(
        _up_body,
        grid=(T // TB,),
        in_specs=[
            pl.BlockSpec((TB, E * R), lambda i: (i, 0)),
            pl.BlockSpec((E, TB), lambda i: (0, i)),
            pl.BlockSpec((E, E * R), lambda i: (0, 0)),
            pl.BlockSpec((E * R, D), lambda i: (0, 0)),
        ],
        out_specs=pl.BlockSpec((TB, D), lambda i: (i, 0)),
        out_shape=jax.ShapeDtypeStruct((T, D), jnp.float32),
        compiler_params=pltpu.CompilerParams(
            dimension_semantics=("parallel",)),
    )(p, wrow_t, e8, b_all)
    return out.reshape(Bsz, S, D)

# --- scband reference (transcript-rebuilt; emitter-appended) ---
"""Pipeline reference for scband-mo-lora-layer-19061064860146 (READ-ONLY COPY).

The authoritative reference and input builder live on the scoring server;
editing this copy changes nothing except your own understanding.
"""

import jax, jax.numpy as jnp
import numpy as np

E = 8          # num experts
K = 2          # num_experts_per_tok
D = 2048       # d_model
R = 64         # lora rank
B = 2
S = 4096


def setup_inputs(seed: int = 0) -> dict:
    key = jax.random.key(seed)
    k1, k2, k3, k4 = jax.random.split(key, 4)
    inputs = jax.random.normal(k1, (B, S, D), dtype=jnp.float32)
    # gate: nn.Linear(d_model, num_experts, bias=False) -> weight [D, E] (already transposed for x @ Wg)
    Wg = jax.random.normal(k2, (D, E), dtype=jnp.float32) * 0.02
    # each expert is a LoRA adapter: expert_i(x) = (x @ A_i) @ B_i
    A = jax.random.normal(k3, (E, D, R), dtype=jnp.float32) * 0.02
    Bm = jax.random.normal(k4, (E, R, D), dtype=jnp.float32) * 0.02
    return {"inputs": inputs, "Wg": Wg, "A": A, "Bm": Bm}


def reference(inputs, Wg, A, Bm):
    # inputs_squashed = inputs.view(-1, d)
    x = inputs.reshape(-1, inputs.shape[-1])                      # [T, D]
    # gate_logits = self.gate(inputs_squashed)
    gate_logits = x @ Wg                                          # [T, E]
    # expert_weights, selected_experts = torch.topk(gate_logits, k)
    expert_weights, selected_experts = jax.lax.top_k(gate_logits, K)  # [T, K]
    # softmax over the top-k slots in float32, cast back
    expert_weights = jax.nn.softmax(expert_weights.astype(jnp.float32), axis=1).astype(inputs.dtype)
    # results = zeros_like; loop experts, accumulate weighted expert outputs
    results = jnp.zeros_like(x)
    for i in range(E):
        # torch.where(selected_experts == i): tokens that routed to expert i (in any slot)
        mask = (selected_experts == i).astype(expert_weights.dtype)  # [T, K]
        w_i = jnp.sum(expert_weights * mask, axis=1)                 # [T]; 0 for unrouted tokens
        expert_out = (x @ A[i]) @ Bm[i]                              # [T, D]
        results = results + w_i[:, None] * expert_out
    return results.reshape(inputs.shape)

if __name__ == "__main__":
    import jax
    _d = setup_inputs()
    print(jax.jit(kernel)(*tuple(_d.values())))

</pallas_src>

<mosaic_0001>
#map = affine_map<(d0, d1) -> (0, 0)>
module attributes {stable_mosaic.version = 14 : i64} {
  func.func @route(%arg0: i32, %arg1: i32, %arg2: memref<8x8192xf32, #tpu.memory_space<hbm>>, %arg3: memref<8x8192xf32, #tpu.memory_space<hbm>>, %arg4: memref<8x256xf32, #tpu.memory_space<vmem>>, %arg5: memref<8x256xf32, #tpu.memory_space<vmem>>) attributes {dimension_semantics = [#tpu.dimension_semantics<core_parallel>, #tpu.dimension_semantics<subcore_parallel>], iteration_bounds = array<i64: 2, 16>, scalar_prefetch = 0 : i64, scratch_operands = 2 : i64, tpu.core_type = #tpu.core_type<sc_vector_subcore>, window_params = [{transform_indices = #map}, {transform_indices = #map}]} {
    %mul3A = arith.constant 2 : i32
    %mul3A_0 = arith.muli %arg1, %mul3A : i32
    %add3A = arith.addi %mul3A_0, %arg0 : i32
    %mul3A_1 = arith.constant 256 : i32
    %mul3A_2 = arith.muli %add3A, %mul3A_1 : i32
    "tpu.region"() ({
      %run_scoped3A = tpu.sem_alloc : memref<!tpu.dma_semaphore, #tpu.memory_space<semaphore_mem>>
      %dma_start3A = arith.constant 0 : i32
      %dma_start3A_3353 = tpu.memref_slice %arg2[%dma_start3A, %mul3A_2] : memref<8x8192xf32, #tpu.memory_space<hbm>> -> memref<8x256xf32, #tpu.memory_space<hbm>>
      %dma_start3A_3354 = arith.constant 0 : i32
      %dma_start3A_3355 = tpu.memref_slice %arg2[%dma_start3A_3354, %mul3A_2] : memref<8x8192xf32, #tpu.memory_space<hbm>> -> memref<8x256xf32, #tpu.memory_space<hbm>>
      tpu.enqueue_dma source(%dma_start3A_3355 : memref<8x256xf32, #tpu.memory_space<hbm>>) target(%arg4 : memref<8x256xf32, #tpu.memory_space<vmem>>) target_semaphore(%run_scoped3A : memref<!tpu.dma_semaphore, #tpu.memory_space<semaphore_mem>>)
      %dma_wait3A = arith.constant 0 : i32
      %dma_wait3A_3356 = tpu.memref_slice %arg2[%dma_wait3A, %mul3A_2] : memref<8x8192xf32, #tpu.memory_space<hbm>> -> memref<8x256xf32, #tpu.memory_space<hbm>>
      %dma_wait3A_3357 = arith.constant 0 : i32
      %dma_wait3A_3358 = tpu.memref_slice %arg2[%dma_wait3A_3357, %mul3A_2] : memref<8x8192xf32, #tpu.memory_space<hbm>> -> memref<8x256xf32, #tpu.memory_space<hbm>>
      tpu.wait_dma2 semaphore(%run_scoped3A : memref<!tpu.dma_semaphore, #tpu.memory_space<semaphore_mem>>) src(%dma_wait3A_3358 : memref<8x256xf32, #tpu.memory_space<hbm>>) dst(%arg4 : memref<8x256xf32, #tpu.memory_space<vmem>>)
      tpu.yield
    }) : () -> ()
    %get3A = arith.constant 0 : i32
    %get3A_3 = arith.index_cast %get3A : i32 to index
    %get3A_4 = arith.constant 0 : index
    %get3A_5 = tpu.vector_load %arg4[%get3A_3, %get3A_4] {strides = array<i32>} : memref<8x256xf32, #tpu.memory_space<vmem>>, vector<1x16xf32>,
    %get3A_6 = vector.shape_cast %get3A_5 : vector<1x16xf32> to vector<16xf32>
    %get3A_7 = arith.constant 1 : i32
    %get3A_8 = arith.index_cast %get3A_7 : i32 to index
    %get3A_9 = arith.constant 0 : index
    %get3A_10 = tpu.vector_load %arg4[%get3A_8, %get3A_9] {strides = array<i32>} : memref<8x256xf32, #tpu.memory_space<vmem>>, vector<1x16xf32>,
    %get3A_11 = vector.shape_cast %get3A_10 : vector<1x16xf32> to vector<16xf32>
    %get3A_12 = arith.constant 2 : i32
    %get3A_13 = arith.index_cast %get3A_12 : i32 to index
    %get3A_14 = arith.constant 0 : index
    %get3A_15 = tpu.vector_load %arg4[%get3A_13, %get3A_14] {strides = array<i32>} : memref<8x256xf32, #tpu.memory_space<vmem>>, vector<1x16xf32>,
    %get3A_16 = vector.shape_cast %get3A_15 : vector<1x16xf32> to vector<16xf32>
    %get3A_17 = arith.constant 3 : i32
    %get3A_18 = arith.index_cast %get3A_17 : i32 to index
    %get3A_19 = arith.constant 0 : index
    %get3A_20 = tpu.vector_load %arg4[%get3A_18, %get3A_19] {strides = array<i32>} : memref<8x256xf32, #tpu.memory_space<vmem>>, vector<1x16xf32>,
    %get3A_21 = vector.shape_cast %get3A_20 : vector<1x16xf32> to vector<16xf32>
    %get3A_22 = arith.constant 4 : i32
    %get3A_23 = arith.index_cast %get3A_22 : i32 to index
    %get3A_24 = arith.constant 0 : index
    %get3A_25 = tpu.vector_load %arg4[%get3A_23, %get3A_24] {strides = array<i32>} : memref<8x256xf32, #tpu.memory_space<vmem>>, vector<1x16xf32>,
    %get3A_26 = vector.shape_cast %get3A_25 : vector<1x16xf32> to vector<16xf32>
    %get3A_27 = arith.constant 5 : i32
    %get3A_28 = arith.index_cast %get3A_27 : i32 to index
    %get3A_29 = arith.constant 0 : index
    %get3A_30 = tpu.vector_load %arg4[%get3A_28, %get3A_29] {strides = array<i32>} : memref<8x256xf32, #tpu.memory_space<vmem>>, vector<1x16xf32>,
    %get3A_31 = vector.shape_cast %get3A_30 : vector<1x16xf32> to vector<16xf32>
    %get3A_32 = arith.constant 6 : i32
    %get3A_33 = arith.index_cast %get3A_32 : i32 to index
    %get3A_34 = arith.constant 0 : index
    %get3A_35 = tpu.vector_load %arg4[%get3A_33, %get3A_34] {strides = array<i32>} : memref<8x256xf32, #tpu.memory_space<vmem>>, vector<1x16xf32>,
    %get3A_36 = vector.shape_cast %get3A_35 : vector<1x16xf32> to vector<16xf32>
    %get3A_37 = arith.constant 7 : i32
    %get3A_38 = arith.index_cast %get3A_37 : i32 to index
    %get3A_39 = arith.constant 0 : index
    %get3A_40 = tpu.vector_load %arg4[%get3A_38, %get3A_39] {strides = array<i32>} : memref<8x256xf32, #tpu.memory_space<vmem>>, vector<1x16xf32>,
    %get3A_41 = vector.shape_cast %get3A_40 : vector<1x16xf32> to vector<16xf32>
    %max3A = arith.maximumf %get3A_6, %get3A_11 : vector<16xf32>
    %max3A_42 = arith.maximumf %max3A, %get3A_16 : vector<16xf32>
    %max3A_43 = arith.maximumf %max3A_42, %get3A_21 : vector<16xf32>
    %max3A_44 = arith.maximumf %max3A_43, %get3A_26 : vector<16xf32>
    %max3A_45 = arith.maximumf %max3A_44, %get3A_31 : vector<16xf32>
    %max3A_46 = arith.maximumf %max3A_45, %get3A_36 : vector<16xf32>
    %max3A_47 = arith.maximumf %max3A_46, %get3A_41 : vector<16xf32>
    %eq3A = arith.cmpf oeq, %get3A_6, %max3A_47 : vector<16xf32>
    %eq3A_48 = arith.cmpf oeq, %get3A_11, %max3A_47 : vector<16xf32>
    %eq3A_49 = arith.cmpf oeq, %get3A_16, %max3A_47 : vector<16xf32>
    %eq3A_50 = arith.cmpf oeq, %get3A_21, %max3A_47 : vector<16xf32>
    %eq3A_51 = arith.cmpf oeq, %get3A_26, %max3A_47 : vector<16xf32>
    %eq3A_52 = arith.cmpf oeq, %get3A_31, %max3A_47 : vector<16xf32>
    %eq3A_53 = arith.cmpf oeq, %get3A_36, %max3A_47 : vector<16xf32>
    %eq3A_54 = arith.cmpf oeq, %get3A_41, %max3A_47 : vector<16xf32>
    %jit3A = arith.constant -1.000000e+30 : f32
    %broadcast_in_dim3A = vector.broadcast %jit3A : f32 to vector<16xf32>
    %select_n3A = arith.select %eq3A, %broadcast_in_dim3A, %get3A_6 : vector<16xi1>, vector<16xf32>
    %jit3A_55 = arith.constant -1.000000e+30 : f32
    %broadcast_in_dim3A_56 = vector.broadcast %jit3A_55 : f32 to vector<16xf32>
    %select_n3A_57 = arith.select %eq3A_48, %broadcast_in_dim3A_56, %get3A_11 : vector<16xi1>, vector<16xf32>
    %jit3A_58 = arith.constant -1.000000e+30 : f32
    %broadcast_in_dim3A_59 = vector.broadcast %jit3A_58 : f32 to vector<16xf32>
    %select_n3A_60 = arith.select %eq3A_49, %broadcast_in_dim3A_59, %get3A_16 : vector<16xi1>, vector<16xf32>
    %jit3A_61 = arith.constant -1.000000e+30 : f32
    %broadcast_in_dim3A_62 = vector.broadcast %jit3A_61 : f32 to vector<16xf32>
    %select_n3A_63 = arith.select %eq3A_50, %broadcast_in_dim3A_62, %get3A_21 : vector<16xi1>, vector<16xf32>
    %jit3A_64 = arith.constant -1.000000e+30 : f32
    %broadcast_in_dim3A_65 = vector.broadcast %jit3A_64 : f32 to vector<16xf32>
    %select_n3A_66 = arith.select %eq3A_51, %broadcast_in_dim3A_65, %get3A_26 : vector<16xi1>, vector<16xf32>
    %jit3A_67 = arith.constant -1.000000e+30 : f32
    %broadcast_in_dim3A_68 = vector.broadcast %jit3A_67 : f32 to vector<16xf32>
    %select_n3A_69 = arith.select %eq3A_52, %broadcast_in_dim3A_68, %get3A_31 : vector<16xi1>, vector<16xf32>
    %jit3A_70 = arith.constant -1.000000e+30 : f32
    %broadcast_in_dim3A_71 = vector.broadcast %jit3A_70 : f32 to vector<16xf32>
    %select_n3A_72 = arith.select %eq3A_53, %broadcast_in_dim3A_71, %get3A_36 : vector<16xi1>, vector<16xf32>
    %jit3A_73 = arith.constant -1.000000e+30 : f32
    %broadcast_in_dim3A_74 = vector.broadcast %jit3A_73 : f32 to vector<16xf32>
    %select_n3A_75 = arith.select %eq3A_54, %broadcast_in_dim3A_74, %get3A_41 : vector<16xi1>, vector<16xf32>
    %max3A_76 = arith.maximumf %select_n3A, %select_n3A_57 : vector<16xf32>
    %max3A_77 = arith.maximumf %max3A_76, %select_n3A_60 : vector<16xf32>
    %max3A_78 = arith.maximumf %max3A_77, %select_n3A_63 : vector<16xf32>
    %max3A_79 = arith.maximumf %max3A_78, %select_n3A_66 : vector<16xf32>
    %max3A_80 = arith.maximumf %max3A_79, %select_n3A_69 : vector<16xf32>
    %max3A_81 = arith.maximumf %max3A_80, %select_n3A_72 : vector<16xf32>
    %max3A_82 = arith.maximumf %max3A_81, %select_n3A_75 : vector<16xf32>
    %sub3A = arith.subf %max3A_82, %max3A_47 : vector<16xf32>
    %exp3A = math.exp %sub3A : vector<16xf32>
    %add3A_83 = arith.constant 1.000000e+00 : f32
    %add3A_84 = vector.broadcast %add3A_83 : f32 to vector<16xf32>
    %add3A_85 = arith.addf %add3A_84, %exp3A : vector<16xf32>
    %div3A = arith.constant 1.000000e+00 : f32
    %div3A_86 = vector.broadcast %div3A : f32 to vector<16xf32>
    %div3A_87 = arith.divf %div3A_86, %add3A_85 : vector<16xf32>
    %add3A_88 = arith.constant 1.000000e+00 : f32
    %add3A_89 = vector.broadcast %add3A_88 : f32 to vector<16xf32>
    %add3A_90 = arith.addf %add3A_89, %exp3A : vector<16xf32>
    %div3A_91 = arith.divf %exp3A, %add3A_90 : vector<16xf32>
    %jit3A_92 = arith.constant 0.000000e+00 : f32
    %broadcast_in_dim3A_93 = vector.broadcast %jit3A_92 : f32 to vector<16xf32>
    %select_n3A_94 = arith.select %eq3A, %div3A_87, %broadcast_in_dim3A_93 : vector<16xi1>, vector<16xf32>
    %eq3A_95 = arith.cmpf oeq, %select_n3A, %max3A_82 : vector<16xf32>
    %jit3A_96 = arith.constant 0.000000e+00 : f32
    %broadcast_in_dim3A_97 = vector.broadcast %jit3A_96 : f32 to vector<16xf32>
    %select_n3A_98 = arith.select %eq3A_95, %div3A_91, %broadcast_in_dim3A_97 : vector<16xi1>, vector<16xf32>
    %add3A_99 = arith.addf %select_n3A_94, %select_n3A_98 : vector<16xf32>
    %swap3A = arith.constant 0 : i32
    %swap3A_100 = arith.index_cast %swap3A : i32 to index
    %swap3A_101 = arith.constant 0 : index
    %swap3A_102 = tpu.vector_load %arg5[%swap3A_100, %swap3A_101] {strides = array<i32>} : memref<8x256xf32, #tpu.memory_space<vmem>>, vector<1x16xf32>,
    %swap3A_103 = vector.shape_cast %swap3A_102 : vector<1x16xf32> to vector<16xf32>
    %swap3A_104 = vector.shape_cast %add3A_99 : vector<16xf32> to vector<1x16xf32>
    tpu.vector_store %arg5[%swap3A_100, %swap3A_101], %swap3A_104 {strides = array<i32>} : memref<8x256xf32, #tpu.memory_space<vmem>>, vector<1x16xf32>,
    %jit3A_105 = arith.constant 0.000000e+00 : f32
    %broadcast_in_dim3A_106 = vector.broadcast %jit3A_105 : f32 to vector<16xf32>
    %select_n3A_107 = arith.select %eq3A_48, %div3A_87, %broadcast_in_dim3A_106 : vector<16xi1>, vector<16xf32>
    %eq3A_108 = arith.cmpf oeq, %select_n3A_57, %max3A_82 : vector<16xf32>
    %jit3A_109 = arith.constant 0.000000e+00 : f32
    %broadcast_in_dim3A_110 = vector.broadcast %jit3A_109 : f32 to vector<16xf32>
    %select_n3A_111 = arith.select %eq3A_108, %div3A_91, %broadcast_in_dim3A_110 : vector<16xi1>, vector<16xf32>
    %add3A_112 = arith.addf %select_n3A_107, %select_n3A_111 : vector<16xf32>
    %swap3A_113 = arith.constant 1 : i32
    %swap3A_114 = arith.index_cast %swap3A_113 : i32 to index
    %swap3A_115 = arith.constant 0 : index
    %swap3A_116 = tpu.vector_load %arg5[%swap3A_114, %swap3A_115] {strides = array<i32>} : memref<8x256xf32, #tpu.memory_space<vmem>>, vector<1x16xf32>,
    %swap3A_117 = vector.shape_cast %swap3A_116 : vector<1x16xf32> to vector<16xf32>
    %swap3A_118 = vector.shape_cast %add3A_112 : vector<16xf32> to vector<1x16xf32>
    tpu.vector_store %arg5[%swap3A_114, %swap3A_115], %swap3A_118 {strides = array<i32>} : memref<8x256xf32, #tpu.memory_space<vmem>>, vector<1x16xf32>,
    %jit3A_119 = arith.constant 0.000000e+00 : f32
    %broadcast_in_dim3A_120 = vector.broadcast %jit3A_119 : f32 to vector<16xf32>
    %select_n3A_121 = arith.select %eq3A_49, %div3A_87, %broadcast_in_dim3A_120 : vector<16xi1>, vector<16xf32>
    %eq3A_122 = arith.cmpf oeq, %select_n3A_60, %max3A_82 : vector<16xf32>
    %jit3A_123 = arith.constant 0.000000e+00 : f32
    %broadcast_in_dim3A_124 = vector.broadcast %jit3A_123 : f32 to vector<16xf32>
    %select_n3A_125 = arith.select %eq3A_122, %div3A_91, %broadcast_in_dim3A_124 : vector<16xi1>, vector<16xf32>
    %add3A_126 = arith.addf %select_n3A_121, %select_n3A_125 : vector<16xf32>
    %swap3A_127 = arith.constant 2 : i32
    %swap3A_128 = arith.index_cast %swap3A_127 : i32 to index
    %swap3A_129 = arith.constant 0 : index
    %swap3A_130 = tpu.vector_load %arg5[%swap3A_128, %swap3A_129] {strides = array<i32>} : memref<8x256xf32, #tpu.memory_space<vmem>>, vector<1x16xf32>,
    %swap3A_131 = vector.shape_cast %swap3A_130 : vector<1x16xf32> to vector<16xf32>
    %swap3A_132 = vector.shape_cast %add3A_126 : vector<16xf32> to vector<1x16xf32>
    tpu.vector_store %arg5[%swap3A_128, %swap3A_129], %swap3A_132 {strides = array<i32>} : memref<8x256xf32, #tpu.memory_space<vmem>>, vector<1x16xf32>,
    %jit3A_133 = arith.constant 0.000000e+00 : f32
    %broadcast_in_dim3A_134 = vector.broadcast %jit3A_133 : f32 to vector<16xf32>
    %select_n3A_135 = arith.select %eq3A_50, %div3A_87, %broadcast_in_dim3A_134 : vector<16xi1>, vector<16xf32>
    %eq3A_136 = arith.cmpf oeq, %select_n3A_63, %max3A_82 : vector<16xf32>
    %jit3A_137 = arith.constant 0.000000e+00 : f32
    %broadcast_in_dim3A_138 = vector.broadcast %jit3A_137 : f32 to vector<16xf32>
    %select_n3A_139 = arith.select %eq3A_136, %div3A_91, %broadcast_in_dim3A_138 : vector<16xi1>, vector<16xf32>
    %add3A_140 = arith.addf %select_n3A_135, %select_n3A_139 : vector<16xf32>
    %swap3A_141 = arith.constant 3 : i32
    %swap3A_142 = arith.index_cast %swap3A_141 : i32 to index
    %swap3A_143 = arith.constant 0 : index
    %swap3A_144 = tpu.vector_load %arg5[%swap3A_142, %swap3A_143] {strides = array<i32>} : memref<8x256xf32, #tpu.memory_space<vmem>>, vector<1x16xf32>,
    %swap3A_145 = vector.shape_cast %swap3A_144 : vector<1x16xf32> to vector<16xf32>
    %swap3A_146 = vector.shape_cast %add3A_140 : vector<16xf32> to vector<1x16xf32>
    tpu.vector_store %arg5[%swap3A_142, %swap3A_143], %swap3A_146 {strides = array<i32>} : memref<8x256xf32, #tpu.memory_space<vmem>>, vector<1x16xf32>,
    %jit3A_147 = arith.constant 0.000000e+00 : f32
    %broadcast_in_dim3A_148 = vector.broadcast %jit3A_147 : f32 to vector<16xf32>
    %select_n3A_149 = arith.select %eq3A_51, %div3A_87, %broadcast_in_dim3A_148 : vector<16xi1>, vector<16xf32>
    %eq3A_150 = arith.cmpf oeq, %select_n3A_66, %max3A_82 : vector<16xf32>
    %jit3A_151 = arith.constant 0.000000e+00 : f32
    %broadcast_in_dim3A_152 = vector.broadcast %jit3A_151 : f32 to vector<16xf32>
    %select_n3A_153 = arith.select %eq3A_150, %div3A_91, %broadcast_in_dim3A_152 : vector<16xi1>, vector<16xf32>
    %add3A_154 = arith.addf %select_n3A_149, %select_n3A_153 : vector<16xf32>
    %swap3A_155 = arith.constant 4 : i32
    %swap3A_156 = arith.index_cast %swap3A_155 : i32 to index
    %swap3A_157 = arith.constant 0 : index
    %swap3A_158 = tpu.vector_load %arg5[%swap3A_156, %swap3A_157] {strides = array<i32>} : memref<8x256xf32, #tpu.memory_space<vmem>>, vector<1x16xf32>,
    %swap3A_159 = vector.shape_cast %swap3A_158 : vector<1x16xf32> to vector<16xf32>
    %swap3A_160 = vector.shape_cast %add3A_154 : vector<16xf32> to vector<1x16xf32>
    tpu.vector_store %arg5[%swap3A_156, %swap3A_157], %swap3A_160 {strides = array<i32>} : memref<8x256xf32, #tpu.memory_space<vmem>>, vector<1x16xf32>,
    %jit3A_161 = arith.constant 0.000000e+00 : f32
    %broadcast_in_dim3A_162 = vector.broadcast %jit3A_161 : f32 to vector<16xf32>
    %select_n3A_163 = arith.select %eq3A_52, %div3A_87, %broadcast_in_dim3A_162 : vector<16xi1>, vector<16xf32>
    %eq3A_164 = arith.cmpf oeq, %select_n3A_69, %max3A_82 : vector<16xf32>
    %jit3A_165 = arith.constant 0.000000e+00 : f32
    %broadcast_in_dim3A_166 = vector.broadcast %jit3A_165 : f32 to vector<16xf32>
    %select_n3A_167 = arith.select %eq3A_164, %div3A_91, %broadcast_in_dim3A_166 : vector<16xi1>, vector<16xf32>
    %add3A_168 = arith.addf %select_n3A_163, %select_n3A_167 : vector<16xf32>
    %swap3A_169 = arith.constant 5 : i32
    %swap3A_170 = arith.index_cast %swap3A_169 : i32 to index
    %swap3A_171 = arith.constant 0 : index
    %swap3A_172 = tpu.vector_load %arg5[%swap3A_170, %swap3A_171] {strides = array<i32>} : memref<8x256xf32, #tpu.memory_space<vmem>>, vector<1x16xf32>,
    %swap3A_173 = vector.shape_cast %swap3A_172 : vector<1x16xf32> to vector<16xf32>
    %swap3A_174 = vector.shape_cast %add3A_168 : vector<16xf32> to vector<1x16xf32>
    tpu.vector_store %arg5[%swap3A_170, %swap3A_171], %swap3A_174 {strides = array<i32>} : memref<8x256xf32, #tpu.memory_space<vmem>>, vector<1x16xf32>,
    %jit3A_175 = arith.constant 0.000000e+00 : f32
    %broadcast_in_dim3A_176 = vector.broadcast %jit3A_175 : f32 to vector<16xf32>
    %select_n3A_177 = arith.select %eq3A_53, %div3A_87, %broadcast_in_dim3A_176 : vector<16xi1>, vector<16xf32>
    %eq3A_178 = arith.cmpf oeq, %select_n3A_72, %max3A_82 : vector<16xf32>
    %jit3A_179 = arith.constant 0.000000e+00 : f32
    %broadcast_in_dim3A_180 = vector.broadcast %jit3A_179 : f32 to vector<16xf32>
    %select_n3A_181 = arith.select %eq3A_178, %div3A_91, %broadcast_in_dim3A_180 : vector<16xi1>, vector<16xf32>
    %add3A_182 = arith.addf %select_n3A_177, %select_n3A_181 : vector<16xf32>
    %swap3A_183 = arith.constant 6 : i32
    %swap3A_184 = arith.index_cast %swap3A_183 : i32 to index
    %swap3A_185 = arith.constant 0 : index
    %swap3A_186 = tpu.vector_load %arg5[%swap3A_184, %swap3A_185] {strides = array<i32>} : memref<8x256xf32, #tpu.memory_space<vmem>>, vector<1x16xf32>,
    %swap3A_187 = vector.shape_cast %swap3A_186 : vector<1x16xf32> to vector<16xf32>
    %swap3A_188 = vector.shape_cast %add3A_182 : vector<16xf32> to vector<1x16xf32>
    tpu.vector_store %arg5[%swap3A_184, %swap3A_185], %swap3A_188 {strides = array<i32>} : memref<8x256xf32, #tpu.memory_space<vmem>>, vector<1x16xf32>,
    %jit3A_189 = arith.constant 0.000000e+00 : f32
    %broadcast_in_dim3A_190 = vector.broadcast %jit3A_189 : f32 to vector<16xf32>
    %select_n3A_191 = arith.select %eq3A_54, %div3A_87, %broadcast_in_dim3A_190 : vector<16xi1>, vector<16xf32>
    %eq3A_192 = arith.cmpf oeq, %select_n3A_75, %max3A_82 : vector<16xf32>
    %jit3A_193 = arith.constant 0.000000e+00 : f32
    %broadcast_in_dim3A_194 = vector.broadcast %jit3A_193 : f32 to vector<16xf32>
    %select_n3A_195 = arith.select %eq3A_192, %div3A_91, %broadcast_in_dim3A_194 : vector<16xi1>, vector<16xf32>
    %add3A_196 = arith.addf %select_n3A_191, %select_n3A_195 : vector<16xf32>
    %swap3A_197 = arith.constant 7 : i32
    %swap3A_198 = arith.index_cast %swap3A_197 : i32 to index
    %swap3A_199 = arith.constant 0 : index
    %swap3A_200 = tpu.vector_load %arg5[%swap3A_198, %swap3A_199] {strides = array<i32>} : memref<8x256xf32, #tpu.memory_space<vmem>>, vector<1x16xf32>,
    %swap3A_201 = vector.shape_cast %swap3A_200 : vector<1x16xf32> to vector<16xf32>
    %swap3A_202 = vector.shape_cast %add3A_196 : vector<16xf32> to vector<1x16xf32>
    tpu.vector_store %arg5[%swap3A_198, %swap3A_199], %swap3A_202 {strides = array<i32>} : memref<8x256xf32, #tpu.memory_space<vmem>>, vector<1x16xf32>,
    %get3A_203 = arith.constant 0 : i32
    %get3A_204 = arith.index_cast %get3A_203 : i32 to index
    %get3A_205 = arith.constant 16 : index
    %get3A_206 = tpu.vector_load %arg4[%get3A_204, %get3A_205] {strides = array<i32>} : memref<8x256xf32, #tpu.memory_space<vmem>>, vector<1x16xf32>,
    %get3A_207 = vector.shape_cast %get3A_206 : vector<1x16xf32> to vector<16xf32>
    %get3A_208 = arith.constant 1 : i32
    %get3A_209 = arith.index_cast %get3A_208 : i32 to index
    %get3A_210 = arith.constant 16 : index
    %get3A_211 = tpu.vector_load %arg4[%get3A_209, %get3A_210] {strides = array<i32>} : memref<8x256xf32, #tpu.memory_space<vmem>>, vector<1x16xf32>,
    %get3A_212 = vector.shape_cast %get3A_211 : vector<1x16xf32> to vector<16xf32>
    %get3A_213 = arith.constant 2 : i32
    %get3A_214 = arith.index_cast %get3A_213 : i32 to index
    %get3A_215 = arith.constant 16 : index
    %get3A_216 = tpu.vector_load %arg4[%get3A_214, %get3A_215] {strides = array<i32>} : memref<8x256xf32, #tpu.memory_space<vmem>>, vector<1x16xf32>,
    %get3A_217 = vector.shape_cast %get3A_216 : vector<1x16xf32> to vector<16xf32>
    %get3A_218 = arith.constant 3 : i32
    %get3A_219 = arith.index_cast %get3A_218 : i32 to index
    %get3A_220 = arith.constant 16 : index
    %get3A_221 = tpu.vector_load %arg4[%get3A_219, %get3A_220] {strides = array<i32>} : memref<8x256xf32, #tpu.memory_space<vmem>>, vector<1x16xf32>,
    %get3A_222 = vector.shape_cast %get3A_221 : vector<1x16xf32> to vector<16xf32>
    %get3A_223 = arith.constant 4 : i32
    %get3A_224 = arith.index_cast %get3A_223 : i32 to index
    %get3A_225 = arith.constant 16 : index
    %get3A_226 = tpu.vector_load %arg4[%get3A_224, %get3A_225] {strides = array<i32>} : memref<8x256xf32, #tpu.memory_space<vmem>>, vector<1x16xf32>,
    %get3A_227 = vector.shape_cast %get3A_226 : vector<1x16xf32> to vector<16xf32>
    %get3A_228 = arith.constant 5 : i32
    %get3A_229 = arith.index_cast %get3A_228 : i32 to index
    %get3A_230 = arith.constant 16 : index
    %get3A_231 = tpu.vector_load %arg4[%get3A_229, %get3A_230] {strides = array<i32>} : memref<8x256xf32, #tpu.memory_space<vmem>>, vector<1x16xf32>,
    %get3A_232 = vector.shape_cast %get3A_231 : vector<1x16xf32> to vector<16xf32>
    %get3A_233 = arith.constant 6 : i32
    %get3A_234 = arith.index_cast %get3A_233 : i32 to index
    %get3A_235 = arith.constant 16 : index
    %get3A_236 = tpu.vector_load %arg4[%get3A_234, %get3A_235] {strides = array<i32>} : memref<8x256xf32, #tpu.memory_space<vmem>>, vector<1x16xf32>,
    %get3A_237 = vector.shape_cast %get3A_236 : vector<1x16xf32> to vector<16xf32>
    %get3A_238 = arith.constant 7 : i32
    %get3A_239 = arith.index_cast %get3A_238 : i32 to index
    %get3A_240 = arith.constant 16 : index
    %get3A_241 = tpu.vector_load %arg4[%get3A_239, %get3A_240] {strides = array<i32>} : memref<8x256xf32, #tpu.memory_space<vmem>>, vector<1x16xf32>,
    %get3A_242 = vector.shape_cast %get3A_241 : vector<1x16xf32> to vector<16xf32>
    %max3A_243 = arith.maximumf %get3A_207, %get3A_212 : vector<16xf32>
    %max3A_244 = arith.maximumf %max3A_243, %get3A_217 : vector<16xf32>
    %max3A_245 = arith.maximumf %max3A_244, %get3A_222 : vector<16xf32>
    %max3A_246 = arith.maximumf %max3A_245, %get3A_227 : vector<16xf32>
    %max3A_247 = arith.maximumf %max3A_246, %get3A_232 : vector<16xf32>
    %max3A_248 = arith.maximumf %max3A_247, %get3A_237 : vector<16xf32>
    %max3A_249 = arith.maximumf %max3A_248, %get3A_242 : vector<16xf32>
    %eq3A_250 = arith.cmpf oeq, %get3A_207, %max3A_249 : vector<16xf32>
    %eq3A_251 = arith.cmpf oeq, %get3A_212, %max3A_249 : vector<16xf32>
    %eq3A_252 = arith.cmpf oeq, %get3A_217, %max3A_249 : vector<16xf32>
    %eq3A_253 = arith.cmpf oeq, %get3A_222, %max3A_249 : vector<16xf32>
    %eq3A_254 = arith.cmpf oeq, %get3A_227, %max3A_249 : vector<16xf32>
    %eq3A_255 = arith.cmpf oeq, %get3A_232, %max3A_249 : vector<16xf32>
    %eq3A_256 = arith.cmpf oeq, %get3A_237, %max3A_249 : vector<16xf32>
    %eq3A_257 = arith.cmpf oeq, %get3A_242, %max3A_249 : vector<16xf32>
    %jit3A_258 = arith.constant -1.000000e+30 : f32
    %broadcast_in_dim3A_259 = vector.broadcast %jit3A_258 : f32 to vector<16xf32>
    %select_n3A_260 = arith.select %eq3A_250, %broadcast_in_dim3A_259, %get3A_207 : vector<16xi1>, vector<16xf32>
    %jit3A_261 = arith.constant -1.000000e+30 : f32
    %broadcast_in_dim3A_262 = vector.broadcast %jit3A_261 : f32 to vector<16xf32>
    %select_n3A_263 = arith.select %eq3A_251, %broadcast_in_dim3A_262, %get3A_212 : vector<16xi1>, vector<16xf32>
    %jit3A_264 = arith.constant -1.000000e+30 : f32
    %broadcast_in_dim3A_265 = vector.broadcast %jit3A_264 : f32 to vector<16xf32>
    %select_n3A_266 = arith.select %eq3A_252, %broadcast_in_dim3A_265, %get3A_217 : vector<16xi1>, vector<16xf32>
    %jit3A_267 = arith.constant -1.000000e+30 : f32
    %broadcast_in_dim3A_268 = vector.broadcast %jit3A_267 : f32 to vector<16xf32>
    %select_n3A_269 = arith.select %eq3A_253, %broadcast_in_dim3A_268, %get3A_222 : vector<16xi1>, vector<16xf32>
    %jit3A_270 = arith.constant -1.000000e+30 : f32
    %broadcast_in_dim3A_271 = vector.broadcast %jit3A_270 : f32 to vector<16xf32>
    %select_n3A_272 = arith.select %eq3A_254, %broadcast_in_dim3A_271, %get3A_227 : vector<16xi1>, vector<16xf32>
    %jit3A_273 = arith.constant -1.000000e+30 : f32
    %broadcast_in_dim3A_274 = vector.broadcast %jit3A_273 : f32 to vector<16xf32>
    %select_n3A_275 = arith.select %eq3A_255, %broadcast_in_dim3A_274, %get3A_232 : vector<16xi1>, vector<16xf32>
    %jit3A_276 = arith.constant -1.000000e+30 : f32
    %broadcast_in_dim3A_277 = vector.broadcast %jit3A_276 : f32 to vector<16xf32>
    %select_n3A_278 = arith.select %eq3A_256, %broadcast_in_dim3A_277, %get3A_237 : vector<16xi1>, vector<16xf32>
    %jit3A_279 = arith.constant -1.000000e+30 : f32
    %broadcast_in_dim3A_280 = vector.broadcast %jit3A_279 : f32 to vector<16xf32>
    %select_n3A_281 = arith.select %eq3A_257, %broadcast_in_dim3A_280, %get3A_242 : vector<16xi1>, vector<16xf32>
    %max3A_282 = arith.maximumf %select_n3A_260, %select_n3A_263 : vector<16xf32>
    %max3A_283 = arith.maximumf %max3A_282, %select_n3A_266 : vector<16xf32>
    %max3A_284 = arith.maximumf %max3A_283, %select_n3A_269 : vector<16xf32>
    %max3A_285 = arith.maximumf %max3A_284, %select_n3A_272 : vector<16xf32>
    %max3A_286 = arith.maximumf %max3A_285, %select_n3A_275 : vector<16xf32>
    %max3A_287 = arith.maximumf %max3A_286, %select_n3A_278 : vector<16xf32>
    %max3A_288 = arith.maximumf %max3A_287, %select_n3A_281 : vector<16xf32>
    %sub3A_289 = arith.subf %max3A_288, %max3A_249 : vector<16xf32>
    %exp3A_290 = math.exp %sub3A_289 : vector<16xf32>
    %add3A_291 = arith.constant 1.000000e+00 : f32
    %add3A_292 = vector.broadcast %add3A_291 : f32 to vector<16xf32>
    %add3A_293 = arith.addf %add3A_292, %exp3A_290 : vector<16xf32>
    %div3A_294 = arith.constant 1.000000e+00 : f32
    %div3A_295 = vector.broadcast %div3A_294 : f32 to vector<16xf32>
    %div3A_296 = arith.divf %div3A_295, %add3A_293 : vector<16xf32>
    %add3A_297 = arith.constant 1.000000e+00 : f32
    %add3A_298 = vector.broadcast %add3A_297 : f32 to vector<16xf32>
    %add3A_299 = arith.addf %add3A_298, %exp3A_290 : vector<16xf32>
    %div3A_300 = arith.divf %exp3A_290, %add3A_299 : vector<16xf32>
    %jit3A_301 = arith.constant 0.000000e+00 : f32
    %broadcast_in_dim3A_302 = vector.broadcast %jit3A_301 : f32 to vector<16xf32>
    %select_n3A_303 = arith.select %eq3A_250, %div3A_296, %broadcast_in_dim3A_302 : vector<16xi1>, vector<16xf32>
    %eq3A_304 = arith.cmpf oeq, %select_n3A_260, %max3A_288 : vector<16xf32>
    %jit3A_305 = arith.constant 0.000000e+00 : f32
    %broadcast_in_dim3A_306 = vector.broadcast %jit3A_305 : f32 to vector<16xf32>
    %select_n3A_307 = arith.select %eq3A_304, %div3A_300, %broadcast_in_dim3A_306 : vector<16xi1>, vector<16xf32>
    %add3A_308 = arith.addf %select_n3A_303, %select_n3A_307 : vector<16xf32>
    %swap3A_309 = arith.constant 0 : i32
    %swap3A_310 = arith.index_cast %swap3A_309 : i32 to index
    %swap3A_311 = arith.constant 16 : index
    %swap3A_312 = tpu.vector_load %arg5[%swap3A_310, %swap3A_311] {strides = array<i32>} : memref<8x256xf32, #tpu.memory_space<vmem>>, vector<1x16xf32>,
    %swap3A_313 = vector.shape_cast %swap3A_312 : vector<1x16xf32> to vector<16xf32>
    %swap3A_314 = vector.shape_cast %add3A_308 : vector<16xf32> to vector<1x16xf32>
    tpu.vector_store %arg5[%swap3A_310, %swap3A_311], %swap3A_314 {strides = array<i32>} : memref<8x256xf32, #tpu.memory_space<vmem>>, vector<1x16xf32>,
    %jit3A_315 = arith.constant 0.000000e+00 : f32
    %broadcast_in_dim3A_316 = vector.broadcast %jit3A_315 : f32 to vector<16xf32>
    %select_n3A_317 = arith.select %eq3A_251, %div3A_296, %broadcast_in_dim3A_316 : vector<16xi1>, vector<16xf32>
    %eq3A_318 = arith.cmpf oeq, %select_n3A_263, %max3A_288 : vector<16xf32>
    %jit3A_319 = arith.constant 0.000000e+00 : f32
    %broadcast_in_dim3A_320 = vector.broadcast %jit3A_319 : f32 to vector<16xf32>
    %select_n3A_321 = arith.select %eq3A_318, %div3A_300, %broadcast_in_dim3A_320 : vector<16xi1>, vector<16xf32>
    %add3A_322 = arith.addf %select_n3A_317, %select_n3A_321 : vector<16xf32>
    %swap3A_323 = arith.constant 1 : i32
    %swap3A_324 = arith.index_cast %swap3A_323 : i32 to index
    %swap3A_325 = arith.constant 16 : index
    %swap3A_326 = tpu.vector_load %arg5[%swap3A_324, %swap3A_325] {strides = array<i32>} : memref<8x256xf32, #tpu.memory_space<vmem>>, vector<1x16xf32>,
    %swap3A_327 = vector.shape_cast %swap3A_326 : vector<1x16xf32> to vector<16xf32>
    %swap3A_328 = vector.shape_cast %add3A_322 : vector<16xf32> to vector<1x16xf32>
    tpu.vector_store %arg5[%swap3A_324, %swap3A_325], %swap3A_328 {strides = array<i32>} : memref<8x256xf32, #tpu.memory_space<vmem>>, vector<1x16xf32>,
    %jit3A_329 = arith.constant 0.000000e+00 : f32
    %broadcast_in_dim3A_330 = vector.broadcast %jit3A_329 : f32 to vector<16xf32>
    %select_n3A_331 = arith.select %eq3A_252, %div3A_296, %broadcast_in_dim3A_330 : vector<16xi1>, vector<16xf32>
    %eq3A_332 = arith.cmpf oeq, %select_n3A_266, %max3A_288 : vector<16xf32>
    %jit3A_333 = arith.constant 0.000000e+00 : f32
    %broadcast_in_dim3A_334 = vector.broadcast %jit3A_333 : f32 to vector<16xf32>
    %select_n3A_335 = arith.select %eq3A_332, %div3A_300, %broadcast_in_dim3A_334 : vector<16xi1>, vector<16xf32>
    %add3A_336 = arith.addf %select_n3A_331, %select_n3A_335 : vector<16xf32>
    %swap3A_337 = arith.constant 2 : i32
    %swap3A_338 = arith.index_cast %swap3A_337 : i32 to index
    %swap3A_339 = arith.constant 16 : index
    %swap3A_340 = tpu.vector_load %arg5[%swap3A_338, %swap3A_339] {strides = array<i32>} : memref<8x256xf32, #tpu.memory_space<vmem>>, vector<1x16xf32>,
    %swap3A_341 = vector.shape_cast %swap3A_340 : vector<1x16xf32> to vector<16xf32>
    %swap3A_342 = vector.shape_cast %add3A_336 : vector<16xf32> to vector<1x16xf32>
    tpu.vector_store %arg5[%swap3A_338, %swap3A_339], %swap3A_342 {strides = array<i32>} : memref<8x256xf32, #tpu.memory_space<vmem>>, vector<1x16xf32>,
    %jit3A_343 = arith.constant 0.000000e+00 : f32
    %broadcast_in_dim3A_344 = vector.broadcast %jit3A_343 : f32 to vector<16xf32>
    %select_n3A_345 = arith.select %eq3A_253, %div3A_296, %broadcast_in_dim3A_344 : vector<16xi1>, vector<16xf32>
    %eq3A_346 = arith.cmpf oeq, %select_n3A_269, %max3A_288 : vector<16xf32>
    %jit3A_347 = arith.constant 0.000000e+00 : f32
    %broadcast_in_dim3A_348 = vector.broadcast %jit3A_347 : f32 to vector<16xf32>
    %select_n3A_349 = arith.select %eq3A_346, %div3A_300, %broadcast_in_dim3A_348 : vector<16xi1>, vector<16xf32>
    %add3A_350 = arith.addf %select_n3A_345, %select_n3A_349 : vector<16xf32>
    %swap3A_351 = arith.constant 3 : i32
    %swap3A_352 = arith.index_cast %swap3A_351 : i32 to index
    %swap3A_353 = arith.constant 16 : index
    %swap3A_354 = tpu.vector_load %arg5[%swap3A_352, %swap3A_353] {strides = array<i32>} : memref<8x256xf32, #tpu.memory_space<vmem>>, vector<1x16xf32>,
    %swap3A_355 = vector.shape_cast %swap3A_354 : vector<1x16xf32> to vector<16xf32>
    %swap3A_356 = vector.shape_cast %add3A_350 : vector<16xf32> to vector<1x16xf32>
    tpu.vector_store %arg5[%swap3A_352, %swap3A_353], %swap3A_356 {strides = array<i32>} : memref<8x256xf32, #tpu.memory_space<vmem>>, vector<1x16xf32>,
    %jit3A_357 = arith.constant 0.000000e+00 : f32
    %broadcast_in_dim3A_358 = vector.broadcast %jit3A_357 : f32 to vector<16xf32>
    %select_n3A_359 = arith.select %eq3A_254, %div3A_296, %broadcast_in_dim3A_358 : vector<16xi1>, vector<16xf32>
    %eq3A_360 = arith.cmpf oeq, %select_n3A_272, %max3A_288 : vector<16xf32>
    %jit3A_361 = arith.constant 0.000000e+00 : f32
    %broadcast_in_dim3A_362 = vector.broadcast %jit3A_361 : f32 to vector<16xf32>
    %select_n3A_363 = arith.select %eq3A_360, %div3A_300, %broadcast_in_dim3A_362 : vector<16xi1>, vector<16xf32>
    %add3A_364 = arith.addf %select_n3A_359, %select_n3A_363 : vector<16xf32>
    %swap3A_365 = arith.constant 4 : i32
    %swap3A_366 = arith.index_cast %swap3A_365 : i32 to index
    %swap3A_367 = arith.constant 16 : index
    %swap3A_368 = tpu.vector_load %arg5[%swap3A_366, %swap3A_367] {strides = array<i32>} : memref<8x256xf32, #tpu.memory_space<vmem>>, vector<1x16xf32>,
    %swap3A_369 = vector.shape_cast %swap3A_368 : vector<1x16xf32> to vector<16xf32>
    %swap3A_370 = vector.shape_cast %add3A_364 : vector<16xf32> to vector<1x16xf32>
    tpu.vector_store %arg5[%swap3A_366, %swap3A_367], %swap3A_370 {strides = array<i32>} : memref<8x256xf32, #tpu.memory_space<vmem>>, vector<1x16xf32>,
    %jit3A_371 = arith.constant 0.000000e+00 : f32
    %broadcast_in_dim3A_372 = vector.broadcast %jit3A_371 : f32 to vector<16xf32>
    %select_n3A_373 = arith.select %eq3A_255, %div3A_296, %broadcast_in_dim3A_372 : vector<16xi1>, vector<16xf32>
    %eq3A_374 = arith.cmpf oeq, %select_n3A_275, %max3A_288 : vector<16xf32>
    %jit3A_375 = arith.constant 0.000000e+00 : f32
    %broadcast_in_dim3A_376 = vector.broadcast %jit3A_375 : f32 to vector<16xf32>
    %select_n3A_377 = arith.select %eq3A_374, %div3A_300, %broadcast_in_dim3A_376 : vector<16xi1>, vector<16xf32>
    %add3A_378 = arith.addf %select_n3A_373, %select_n3A_377 : vector<16xf32>
    %swap3A_379 = arith.constant 5 : i32
    %swap3A_380 = arith.index_cast %swap3A_379 : i32 to index
    %swap3A_381 = arith.constant 16 : index
    %swap3A_382 = tpu.vector_load %arg5[%swap3A_380, %swap3A_381] {strides = array<i32>} : memref<8x256xf32, #tpu.memory_space<vmem>>, vector<1x16xf32>,
    %swap3A_383 = vector.shape_cast %swap3A_382 : vector<1x16xf32> to vector<16xf32>
    %swap3A_384 = vector.shape_cast %add3A_378 : vector<16xf32> to vector<1x16xf32>
    tpu.vector_store %arg5[%swap3A_380, %swap3A_381], %swap3A_384 {strides = array<i32>} : memref<8x256xf32, #tpu.memory_space<vmem>>, vector<1x16xf32>,
    %jit3A_385 = arith.constant 0.000000e+00 : f32
    %broadcast_in_dim3A_386 = vector.broadcast %jit3A_385 : f32 to vector<16xf32>
    %select_n3A_387 = arith.select %eq3A_256, %div3A_296, %broadcast_in_dim3A_386 : vector<16xi1>, vector<16xf32>
    %eq3A_388 = arith.cmpf oeq, %select_n3A_278, %max3A_288 : vector<16xf32>
    %jit3A_389 = arith.constant 0.000000e+00 : f32
    %broadcast_in_dim3A_390 = vector.broadcast %jit3A_389 : f32 to vector<16xf32>
    %select_n3A_391 = arith.select %eq3A_388, %div3A_300, %broadcast_in_dim3A_390 : vector<16xi1>, vector<16xf32>
    %add3A_392 = arith.addf %select_n3A_387, %select_n3A_391 : vector<16xf32>
    %swap3A_393 = arith.constant 6 : i32
    %swap3A_394 = arith.index_cast %swap3A_393 : i32 to index
    %swap3A_395 = arith.constant 16 : index
    %swap3A_396 = tpu.vector_load %arg5[%swap3A_394, %swap3A_395] {strides = array<i32>} : memref<8x256xf32, #tpu.memory_space<vmem>>, vector<1x16xf32>,
    %swap3A_397 = vector.shape_cast %swap3A_396 : vector<1x16xf32> to vector<16xf32>
    %swap3A_398 = vector.shape_cast %add3A_392 : vector<16xf32> to vector<1x16xf32>
    tpu.vector_store %arg5[%swap3A_394, %swap3A_395], %swap3A_398 {strides = array<i32>} : memref<8x256xf32, #tpu.memory_space<vmem>>, vector<1x16xf32>,
    %jit3A_399 = arith.constant 0.000000e+00 : f32
    %broadcast_in_dim3A_400 = vector.broadcast %jit3A_399 : f32 to vector<16xf32>
    %select_n3A_401 = arith.select %eq3A_257, %div3A_296, %broadcast_in_dim3A_400 : vector<16xi1>, vector<16xf32>
    %eq3A_402 = arith.cmpf oeq, %select_n3A_281, %max3A_288 : vector<16xf32>
    %jit3A_403 = arith.constant 0.000000e+00 : f32
    %broadcast_in_dim3A_404 = vector.broadcast %jit3A_403 : f32 to vector<16xf32>
    %select_n3A_405 = arith.select %eq3A_402, %div3A_300, %broadcast_in_dim3A_404 : vector<16xi1>, vector<16xf32>
    %add3A_406 = arith.addf %select_n3A_401, %select_n3A_405 : vector<16xf32>
    %swap3A_407 = arith.constant 7 : i32
    %swap3A_408 = arith.index_cast %swap3A_407 : i32 to index
    %swap3A_409 = arith.constant 16 : index
    %swap3A_410 = tpu.vector_load %arg5[%swap3A_408, %swap3A_409] {strides = array<i32>} : memref<8x256xf32, #tpu.memory_space<vmem>>, vector<1x16xf32>,
    %swap3A_411 = vector.shape_cast %swap3A_410 : vector<1x16xf32> to vector<16xf32>
    %swap3A_412 = vector.shape_cast %add3A_406 : vector<16xf32> to vector<1x16xf32>
    tpu.vector_store %arg5[%swap3A_408, %swap3A_409], %swap3A_412 {strides = array<i32>} : memref<8x256xf32, #tpu.memory_space<vmem>>, vector<1x16xf32>,
    %get3A_413 = arith.constant 0 : i32
    %get3A_414 = arith.index_cast %get3A_413 : i32 to index
    %get3A_415 = arith.constant 32 : index
    %get3A_416 = tpu.vector_load %arg4[%get3A_414, %get3A_415] {strides = array<i32>} : memref<8x256xf32, #tpu.memory_space<vmem>>, vector<1x16xf32>,
    %get3A_417 = vector.shape_cast %get3A_416 : vector<1x16xf32> to vector<16xf32>
    %get3A_418 = arith.constant 1 : i32
    %get3A_419 = arith.index_cast %get3A_418 : i32 to index
    %get3A_420 = arith.constant 32 : index
    %get3A_421 = tpu.vector_load %arg4[%get3A_419, %get3A_420] {strides = array<i32>} : memref<8x256xf32, #tpu.memory_space<vmem>>, vector<1x16xf32>,
    %get3A_422 = vector.shape_cast %get3A_421 : vector<1x16xf32> to vector<16xf32>
    %get3A_423 = arith.constant 2 : i32
    %get3A_424 = arith.index_cast %get3A_423 : i32 to index
    %get3A_425 = arith.constant 32 : index
    %get3A_426 = tpu.vector_load %arg4[%get3A_424, %get3A_425] {strides = array<i32>} : memref<8x256xf32, #tpu.memory_space<vmem>>, vector<1x16xf32>,
    %get3A_427 = vector.shape_cast %get3A_426 : vector<1x16xf32> to vector<16xf32>
    %get3A_428 = arith.constant 3 : i32
    %get3A_429 = arith.index_cast %get3A_428 : i32 to index
    %get3A_430 = arith.constant 32 : index
    %get3A_431 = tpu.vector_load %arg4[%get3A_429, %get3A_430] {strides = array<i32>} : memref<8x256xf32, #tpu.memory_space<vmem>>, vector<1x16xf32>,
    %get3A_432 = vector.shape_cast %get3A_431 : vector<1x16xf32> to vector<16xf32>
    %get3A_433 = arith.constant 4 : i32
    %get3A_434 = arith.index_cast %get3A_433 : i32 to index
    %get3A_435 = arith.constant 32 : index
    %get3A_436 = tpu.vector_load %arg4[%get3A_434, %get3A_435] {strides = array<i32>} : memref<8x256xf32, #tpu.memory_space<vmem>>, vector<1x16xf32>,
    %get3A_437 = vector.shape_cast %get3A_436 : vector<1x16xf32> to vector<16xf32>
    %get3A_438 = arith.constant 5 : i32
    %get3A_439 = arith.index_cast %get3A_438 : i32 to index
    %get3A_440 = arith.constant 32 : index
    %get3A_441 = tpu.vector_load %arg4[%get3A_439, %get3A_440] {strides = array<i32>} : memref<8x256xf32, #tpu.memory_space<vmem>>, vector<1x16xf32>,
    %get3A_442 = vector.shape_cast %get3A_441 : vector<1x16xf32> to vector<16xf32>
    %get3A_443 = arith.constant 6 : i32
    %get3A_444 = arith.index_cast %get3A_443 : i32 to index
    %get3A_445 = arith.constant 32 : index
    %get3A_446 = tpu.vector_load %arg4[%get3A_444, %get3A_445] {strides = array<i32>} : memref<8x256xf32, #tpu.memory_space<vmem>>, vector<1x16xf32>,
    %get3A_447 = vector.shape_cast %get3A_446 : vector<1x16xf32> to vector<16xf32>
    %get3A_448 = arith.constant 7 : i32
    %get3A_449 = arith.index_cast %get3A_448 : i32 to index
    %get3A_450 = arith.constant 32 : index
    %get3A_451 = tpu.vector_load %arg4[%get3A_449, %get3A_450] {strides = array<i32>} : memref<8x256xf32, #tpu.memory_space<vmem>>, vector<1x16xf32>,
    %get3A_452 = vector.shape_cast %get3A_451 : vector<1x16xf32> to vector<16xf32>
    %max3A_453 = arith.maximumf %get3A_417, %get3A_422 : vector<16xf32>
    %max3A_454 = arith.maximumf %max3A_453, %get3A_427 : vector<16xf32>
    %max3A_455 = arith.maximumf %max3A_454, %get3A_432 : vector<16xf32>
    %max3A_456 = arith.maximumf %max3A_455, %get3A_437 : vector<16xf32>
    %max3A_457 = arith.maximumf %max3A_456, %get3A_442 : vector<16xf32>
    %max3A_458 = arith.maximumf %max3A_457, %get3A_447 : vector<16xf32>
    %max3A_459 = arith.maximumf %max3A_458, %get3A_452 : vector<16xf32>
    %eq3A_460 = arith.cmpf oeq, %get3A_417, %max3A_459 : vector<16xf32>
    %eq3A_461 = arith.cmpf oeq, %get3A_422, %max3A_459 : vector<16xf32>
    %eq3A_462 = arith.cmpf oeq, %get3A_427, %max3A_459 : vector<16xf32>
    %eq3A_463 = arith.cmpf oeq, %get3A_432, %max3A_459 : vector<16xf32>
    %eq3A_464 = arith.cmpf oeq, %get3A_437, %max3A_459 : vector<16xf32>
    %eq3A_465 = arith.cmpf oeq, %get3A_442, %max3A_459 : vector<16xf32>
    %eq3A_466 = arith.cmpf oeq, %get3A_447, %max3A_459 : vector<16xf32>
    %eq3A_467 = arith.cmpf oeq, %get3A_452, %max3A_459 : vector<16xf32>
    %jit3A_468 = arith.constant -1.000000e+30 : f32
    %broadcast_in_dim3A_469 = vector.broadcast %jit3A_468 : f32 to vector<16xf32>
    %select_n3A_470 = arith.select %eq3A_460, %broadcast_in_dim3A_469, %get3A_417 : vector<16xi1>, vector<16xf32>
    %jit3A_471 = arith.constant -1.000000e+30 : f32
    %broadcast_in_dim3A_472 = vector.broadcast %jit3A_471 : f32 to vector<16xf32>
    %select_n3A_473 = arith.select %eq3A_461, %broadcast_in_dim3A_472, %get3A_422 : vector<16xi1>, vector<16xf32>
    %jit3A_474 = arith.constant -1.000000e+30 : f32
    %broadcast_in_dim3A_475 = vector.broadcast %jit3A_474 : f32 to vector<16xf32>
    %select_n3A_476 = arith.select %eq3A_462, %broadcast_in_dim3A_475, %get3A_427 : vector<16xi1>, vector<16xf32>
    %jit3A_477 = arith.constant -1.000000e+30 : f32
    %broadcast_in_dim3A_478 = vector.broadcast %jit3A_477 : f32 to vector<16xf32>
    %select_n3A_479 = arith.select %eq3A_463, %broadcast_in_dim3A_478, %get3A_432 : vector<16xi1>, vector<16xf32>
    %jit3A_480 = arith.constant -1.000000e+30 : f32
    %broadcast_in_dim3A_481 = vector.broadcast %jit3A_480 : f32 to vector<16xf32>
    %select_n3A_482 = arith.select %eq3A_464, %broadcast_in_dim3A_481, %get3A_437 : vector<16xi1>, vector<16xf32>
    %jit3A_483 = arith.constant -1.000000e+30 : f32
    %broadcast_in_dim3A_484 = vector.broadcast %jit3A_483 : f32 to vector<16xf32>
    %select_n3A_485 = arith.select %eq3A_465, %broadcast_in_dim3A_484, %get3A_442 : vector<16xi1>, vector<16xf32>
    %jit3A_486 = arith.constant -1.000000e+30 : f32
    %broadcast_in_dim3A_487 = vector.broadcast %jit3A_486 : f32 to vector<16xf32>
    %select_n3A_488 = arith.select %eq3A_466, %broadcast_in_dim3A_487, %get3A_447 : vector<16xi1>, vector<16xf32>
    %jit3A_489 = arith.constant -1.000000e+30 : f32
    %broadcast_in_dim3A_490 = vector.broadcast %jit3A_489 : f32 to vector<16xf32>
    %select_n3A_491 = arith.select %eq3A_467, %broadcast_in_dim3A_490, %get3A_452 : vector<16xi1>, vector<16xf32>
    %max3A_492 = arith.maximumf %select_n3A_470, %select_n3A_473 : vector<16xf32>
    %max3A_493 = arith.maximumf %max3A_492, %select_n3A_476 : vector<16xf32>
    %max3A_494 = arith.maximumf %max3A_493, %select_n3A_479 : vector<16xf32>
    %max3A_495 = arith.maximumf %max3A_494, %select_n3A_482 : vector<16xf32>
    %max3A_496 = arith.maximumf %max3A_495, %select_n3A_485 : vector<16xf32>
    %max3A_497 = arith.maximumf %max3A_496, %select_n3A_488 : vector<16xf32>
    %max3A_498 = arith.maximumf %max3A_497, %select_n3A_491 : vector<16xf32>
    %sub3A_499 = arith.subf %max3A_498, %max3A_459 : vector<16xf32>
    %exp3A_500 = math.exp %sub3A_499 : vector<16xf32>
    %add3A_501 = arith.constant 1.000000e+00 : f32
    %add3A_502 = vector.broadcast %add3A_501 : f32 to vector<16xf32>
    %add3A_503 = arith.addf %add3A_502, %exp3A_500 : vector<16xf32>
    %div3A_504 = arith.constant 1.000000e+00 : f32
    %div3A_505 = vector.broadcast %div3A_504 : f32 to vector<16xf32>
    %div3A_506 = arith.divf %div3A_505, %add3A_503 : vector<16xf32>
    %add3A_507 = arith.constant 1.000000e+00 : f32
    %add3A_508 = vector.broadcast %add3A_507 : f32 to vector<16xf32>
    %add3A_509 = arith.addf %add3A_508, %exp3A_500 : vector<16xf32>
    %div3A_510 = arith.divf %exp3A_500, %add3A_509 : vector<16xf32>
    %jit3A_511 = arith.constant 0.000000e+00 : f32
    %broadcast_in_dim3A_512 = vector.broadcast %jit3A_511 : f32 to vector<16xf32>
    %select_n3A_513 = arith.select %eq3A_460, %div3A_506, %broadcast_in_dim3A_512 : vector<16xi1>, vector<16xf32>
    %eq3A_514 = arith.cmpf oeq, %select_n3A_470, %max3A_498 : vector<16xf32>
    %jit3A_515 = arith.constant 0.000000e+00 : f32
    %broadcast_in_dim3A_516 = vector.broadcast %jit3A_515 : f32 to vector<16xf32>
    %select_n3A_517 = arith.select %eq3A_514, %div3A_510, %broadcast_in_dim3A_516 : vector<16xi1>, vector<16xf32>
    %add3A_518 = arith.addf %select_n3A_513, %select_n3A_517 : vector<16xf32>
    %swap3A_519 = arith.constant 0 : i32
    %swap3A_520 = arith.index_cast %swap3A_519 : i32 to index
    %swap3A_521 = arith.constant 32 : index
    %swap3A_522 = tpu.vector_load %arg5[%swap3A_520, %swap3A_521] {strides = array<i32>} : memref<8x256xf32, #tpu.memory_space<vmem>>, vector<1x16xf32>,
    %swap3A_523 = vector.shape_cast %swap3A_522 : vector<1x16xf32> to vector<16xf32>
    %swap3A_524 = vector.shape_cast %add3A_518 : vector<16xf32> to vector<1x16xf32>
    tpu.vector_store %arg5[%swap3A_520, %swap3A_521], %swap3A_524 {strides = array<i32>} : memref<8x256xf32, #tpu.memory_space<vmem>>, vector<1x16xf32>,
    %jit3A_525 = arith.constant 0.000000e+00 : f32
    %broadcast_in_dim3A_526 = vector.broadcast %jit3A_525 : f32 to vector<16xf32>
    %select_n3A_527 = arith.select %eq3A_461, %div3A_506, %broadcast_in_dim3A_526 : vector<16xi1>, vector<16xf32>
    %eq3A_528 = arith.cmpf oeq, %select_n3A_473, %max3A_498 : vector<16xf32>
    %jit3A_529 = arith.constant 0.000000e+00 : f32
    %broadcast_in_dim3A_530 = vector.broadcast %jit3A_529 : f32 to vector<16xf32>
    %select_n3A_531 = arith.select %eq3A_528, %div3A_510, %broadcast_in_dim3A_530 : vector<16xi1>, vector<16xf32>
    %add3A_532 = arith.addf %select_n3A_527, %select_n3A_531 : vector<16xf32>
    %swap3A_533 = arith.constant 1 : i32
    %swap3A_534 = arith.index_cast %swap3A_533 : i32 to index
    %swap3A_535 = arith.constant 32 : index
    %swap3A_536 = tpu.vector_load %arg5[%swap3A_534, %swap3A_535] {strides = array<i32>} : memref<8x256xf32, #tpu.memory_space<vmem>>, vector<1x16xf32>,
    %swap3A_537 = vector.shape_cast %swap3A_536 : vector<1x16xf32> to vector<16xf32>
    %swap3A_538 = vector.shape_cast %add3A_532 : vector<16xf32> to vector<1x16xf32>
    tpu.vector_store %arg5[%swap3A_534, %swap3A_535], %swap3A_538 {strides = array<i32>} : memref<8x256xf32, #tpu.memory_space<vmem>>, vector<1x16xf32>,
    %jit3A_539 = arith.constant 0.000000e+00 : f32
    %broadcast_in_dim3A_540 = vector.broadcast %jit3A_539 : f32 to vector<16xf32>
    %select_n3A_541 = arith.select %eq3A_462, %div3A_506, %broadcast_in_dim3A_540 : vector<16xi1>, vector<16xf32>
    %eq3A_542 = arith.cmpf oeq, %select_n3A_476, %max3A_498 : vector<16xf32>
    %jit3A_543 = arith.constant 0.000000e+00 : f32
    %broadcast_in_dim3A_544 = vector.broadcast %jit3A_543 : f32 to vector<16xf32>
    %select_n3A_545 = arith.select %eq3A_542, %div3A_510, %broadcast_in_dim3A_544 : vector<16xi1>, vector<16xf32>
    %add3A_546 = arith.addf %select_n3A_541, %select_n3A_545 : vector<16xf32>
    %swap3A_547 = arith.constant 2 : i32
    %swap3A_548 = arith.index_cast %swap3A_547 : i32 to index
    %swap3A_549 = arith.constant 32 : index
    %swap3A_550 = tpu.vector_load %arg5[%swap3A_548, %swap3A_549] {strides = array<i32>} : memref<8x256xf32, #tpu.memory_space<vmem>>, vector<1x16xf32>,
    %swap3A_551 = vector.shape_cast %swap3A_550 : vector<1x16xf32> to vector<16xf32>
    %swap3A_552 = vector.shape_cast %add3A_546 : vector<16xf32> to vector<1x16xf32>
    tpu.vector_store %arg5[%swap3A_548, %swap3A_549], %swap3A_552 {strides = array<i32>} : memref<8x256xf32, #tpu.memory_space<vmem>>, vector<1x16xf32>,
    %jit3A_553 = arith.constant 0.000000e+00 : f32
    %broadcast_in_dim3A_554 = vector.broadcast %jit3A_553 : f32 to vector<16xf32>
    %select_n3A_555 = arith.select %eq3A_463, %div3A_506, %broadcast_in_dim3A_554 : vector<16xi1>, vector<16xf32>
    %eq3A_556 = arith.cmpf oeq, %select_n3A_479, %max3A_498 : vector<16xf32>
    %jit3A_557 = arith.constant 0.000000e+00 : f32
    %broadcast_in_dim3A_558 = vector.broadcast %jit3A_557 : f32 to vector<16xf32>
    %select_n3A_559 = arith.select %eq3A_556, %div3A_510, %broadcast_in_dim3A_558 : vector<16xi1>, vector<16xf32>
    %add3A_560 = arith.addf %select_n3A_555, %select_n3A_559 : vector<16xf32>
    %swap3A_561 = arith.constant 3 : i32
    %swap3A_562 = arith.index_cast %swap3A_561 : i32 to index
    %swap3A_563 = arith.constant 32 : index
    %swap3A_564 = tpu.vector_load %arg5[%swap3A_562, %swap3A_563] {strides = array<i32>} : memref<8x256xf32, #tpu.memory_space<vmem>>, vector<1x16xf32>,
    %swap3A_565 = vector.shape_cast %swap3A_564 : vector<1x16xf32> to vector<16xf32>
    %swap3A_566 = vector.shape_cast %add3A_560 : vector<16xf32> to vector<1x16xf32>
    tpu.vector_store %arg5[%swap3A_562, %swap3A_563], %swap3A_566 {strides = array<i32>} : memref<8x256xf32, #tpu.memory_space<vmem>>, vector<1x16xf32>,
    %jit3A_567 = arith.constant 0.000000e+00 : f32
    %broadcast_in_dim3A_568 = vector.broadcast %jit3A_567 : f32 to vector<16xf32>
    %select_n3A_569 = arith.select %eq3A_464, %div3A_506, %broadcast_in_dim3A_568 : vector<16xi1>, vector<16xf32>
    %eq3A_570 = arith.cmpf oeq, %select_n3A_482, %max3A_498 : vector<16xf32>
    %jit3A_571 = arith.constant 0.000000e+00 : f32
    %broadcast_in_dim3A_572 = vector.broadcast %jit3A_571 : f32 to vector<16xf32>
    %select_n3A_573 = arith.select %eq3A_570, %div3A_510, %broadcast_in_dim3A_572 : vector<16xi1>, vector<16xf32>
    %add3A_574 = arith.addf %select_n3A_569, %select_n3A_573 : vector<16xf32>
    %swap3A_575 = arith.constant 4 : i32
    %swap3A_576 = arith.index_cast %swap3A_575 : i32 to index
    %swap3A_577 = arith.constant 32 : index
    %swap3A_578 = tpu.vector_load %arg5[%swap3A_576, %swap3A_577] {strides = array<i32>} : memref<8x256xf32, #tpu.memory_space<vmem>>, vector<1x16xf32>,
    %swap3A_579 = vector.shape_cast %swap3A_578 : vector<1x16xf32> to vector<16xf32>
    %swap3A_580 = vector.shape_cast %add3A_574 : vector<16xf32> to vector<1x16xf32>
    tpu.vector_store %arg5[%swap3A_576, %swap3A_577], %swap3A_580 {strides = array<i32>} : memref<8x256xf32, #tpu.memory_space<vmem>>, vector<1x16xf32>,
    %jit3A_581 = arith.constant 0.000000e+00 : f32
    %broadcast_in_dim3A_582 = vector.broadcast %jit3A_581 : f32 to vector<16xf32>
    %select_n3A_583 = arith.select %eq3A_465, %div3A_506, %broadcast_in_dim3A_582 : vector<16xi1>, vector<16xf32>
    %eq3A_584 = arith.cmpf oeq, %select_n3A_485, %max3A_498 : vector<16xf32>
    %jit3A_585 = arith.constant 0.000000e+00 : f32
    %broadcast_in_dim3A_586 = vector.broadcast %jit3A_585 : f32 to vector<16xf32>
    %select_n3A_587 = arith.select %eq3A_584, %div3A_510, %broadcast_in_dim3A_586 : vector<16xi1>, vector<16xf32>
    %add3A_588 = arith.addf %select_n3A_583, %select_n3A_587 : vector<16xf32>
    %swap3A_589 = arith.constant 5 : i32
    %swap3A_590 = arith.index_cast %swap3A_589 : i32 to index
    %swap3A_591 = arith.constant 32 : index
    %swap3A_592 = tpu.vector_load %arg5[%swap3A_590, %swap3A_591] {strides = array<i32>} : memref<8x256xf32, #tpu.memory_space<vmem>>, vector<1x16xf32>,
    %swap3A_593 = vector.shape_cast %swap3A_592 : vector<1x16xf32> to vector<16xf32>
    %swap3A_594 = vector.shape_cast %add3A_588 : vector<16xf32> to vector<1x16xf32>
    tpu.vector_store %arg5[%swap3A_590, %swap3A_591], %swap3A_594 {strides = array<i32>} : memref<8x256xf32, #tpu.memory_space<vmem>>, vector<1x16xf32>,
    %jit3A_595 = arith.constant 0.000000e+00 : f32
    %broadcast_in_dim3A_596 = vector.broadcast %jit3A_595 : f32 to vector<16xf32>
    %select_n3A_597 = arith.select %eq3A_466, %div3A_506, %broadcast_in_dim3A_596 : vector<16xi1>, vector<16xf32>
    %eq3A_598 = arith.cmpf oeq, %select_n3A_488, %max3A_498 : vector<16xf32>
    %jit3A_599 = arith.constant 0.000000e+00 : f32
    %broadcast_in_dim3A_600 = vector.broadcast %jit3A_599 : f32 to vector<16xf32>
    %select_n3A_601 = arith.select %eq3A_598, %div3A_510, %broadcast_in_dim3A_600 : vector<16xi1>, vector<16xf32>
    %add3A_602 = arith.addf %select_n3A_597, %select_n3A_601 : vector<16xf32>
    %swap3A_603 = arith.constant 6 : i32
    %swap3A_604 = arith.index_cast %swap3A_603 : i32 to index
    %swap3A_605 = arith.constant 32 : index
    %swap3A_606 = tpu.vector_load %arg5[%swap3A_604, %swap3A_605] {strides = array<i32>} : memref<8x256xf32, #tpu.memory_space<vmem>>, vector<1x16xf32>,
    %swap3A_607 = vector.shape_cast %swap3A_606 : vector<1x16xf32> to vector<16xf32>
    %swap3A_608 = vector.shape_cast %add3A_602 : vector<16xf32> to vector<1x16xf32>
    tpu.vector_store %arg5[%swap3A_604, %swap3A_605], %swap3A_608 {strides = array<i32>} : memref<8x256xf32, #tpu.memory_space<vmem>>, vector<1x16xf32>,
    %jit3A_609 = arith.constant 0.000000e+00 : f32
    %broadcast_in_dim3A_610 = vector.broadcast %jit3A_609 : f32 to vector<16xf32>
    %select_n3A_611 = arith.select %eq3A_467, %div3A_506, %broadcast_in_dim3A_610 : vector<16xi1>, vector<16xf32>
    %eq3A_612 = arith.cmpf oeq, %select_n3A_491, %max3A_498 : vector<16xf32>
    %jit3A_613 = arith.constant 0.000000e+00 : f32
    %broadcast_in_dim3A_614 = vector.broadcast %jit3A_613 : f32 to vector<16xf32>
    %select_n3A_615 = arith.select %eq3A_612, %div3A_510, %broadcast_in_dim3A_614 : vector<16xi1>, vector<16xf32>
    %add3A_616 = arith.addf %select_n3A_611, %select_n3A_615 : vector<16xf32>
    %swap3A_617 = arith.constant 7 : i32
    %swap3A_618 = arith.index_cast %swap3A_617 : i32 to index
    %swap3A_619 = arith.constant 32 : index
    %swap3A_620 = tpu.vector_load %arg5[%swap3A_618, %swap3A_619] {strides = array<i32>} : memref<8x256xf32, #tpu.memory_space<vmem>>, vector<1x16xf32>,
    %swap3A_621 = vector.shape_cast %swap3A_620 : vector<1x16xf32> to vector<16xf32>
    %swap3A_622 = vector.shape_cast %add3A_616 : vector<16xf32> to vector<1x16xf32>
    tpu.vector_store %arg5[%swap3A_618, %swap3A_619], %swap3A_622 {strides = array<i32>} : memref<8x256xf32, #tpu.memory_space<vmem>>, vector<1x16xf32>,
    %get3A_623 = arith.constant 0 : i32
    %get3A_624 = arith.index_cast %get3A_623 : i32 to index
    %get3A_625 = arith.constant 48 : index
    %get3A_626 = tpu.vector_load %arg4[%get3A_624, %get3A_625] {strides = array<i32>} : memref<8x256xf32, #tpu.memory_space<vmem>>, vector<1x16xf32>,
    %get3A_627 = vector.shape_cast %get3A_626 : vector<1x16xf32> to vector<16xf32>
    %get3A_628 = arith.constant 1 : i32
    %get3A_629 = arith.index_cast %get3A_628 : i32 to index
    %get3A_630 = arith.constant 48 : index
    %get3A_631 = tpu.vector_load %arg4[%get3A_629, %get3A_630] {strides = array<i32>} : memref<8x256xf32, #tpu.memory_space<vmem>>, vector<1x16xf32>,
    %get3A_632 = vector.shape_cast %get3A_631 : vector<1x16xf32> to vector<16xf32>
    %get3A_633 = arith.constant 2 : i32
    %get3A_634 = arith.index_cast %get3A_633 : i32 to index
    %get3A_635 = arith.constant 48 : index
    %get3A_636 = tpu.vector_load %arg4[%get3A_634, %get3A_635] {strides = array<i32>} : memref<8x256xf32, #tpu.memory_space<vmem>>, vector<1x16xf32>,
    %get3A_637 = vector.shape_cast %get3A_636 : vector<1x16xf32> to vector<16xf32>
    %get3A_638 = arith.constant 3 : i32
    %get3A_639 = arith.index_cast %get3A_638 : i32 to index
    %get3A_640 = arith.constant 48 : index
    %get3A_641 = tpu.vector_load %arg4[%get3A_639, %get3A_640] {strides = array<i32>} : memref<8x256xf32, #tpu.memory_space<vmem>>, vector<1x16xf32>,
    %get3A_642 = vector.shape_cast %get3A_641 : vector<1x16xf32> to vector<16xf32>
    %get3A_643 = arith.constant 4 : i32
    %get3A_644 = arith.index_cast %get3A_643 : i32 to index
    %get3A_645 = arith.constant 48 : index
    %get3A_646 = tpu.vector_load %arg4[%get3A_644, %get3A_645] {strides = array<i32>} : memref<8x256xf32, #tpu.memory_space<vmem>>, vector<1x16xf32>,
    %get3A_647 = vector.shape_cast %get3A_646 : vector<1x16xf32> to vector<16xf32>
    %get3A_648 = arith.constant 5 : i32
    %get3A_649 = arith.index_cast %get3A_648 : i32 to index
    %get3A_650 = arith.constant 48 : index
    %get3A_651 = tpu.vector_load %arg4[%get3A_649, %get3A_650] {strides = array<i32>} : memref<8x256xf32, #tpu.memory_space<vmem>>, vector<1x16xf32>,
    %get3A_652 = vector.shape_cast %get3A_651 : vector<1x16xf32> to vector<16xf32>
    %get3A_653 = arith.constant 6 : i32
    %get3A_654 = arith.index_cast %get3A_653 : i32 to index
    %get3A_655 = arith.constant 48 : index
    %get3A_656 = tpu.vector_load %arg4[%get3A_654, %get3A_655] {strides = array<i32>} : memref<8x256xf32, #tpu.memory_space<vmem>>, vector<1x16xf32>,
    %get3A_657 = vector.shape_cast %get3A_656 : vector<1x16xf32> to vector<16xf32>
    %get3A_658 = arith.constant 7 : i32
    %get3A_659 = arith.index_cast %get3A_658 : i32 to index
    %get3A_660 = arith.constant 48 : index
    %get3A_661 = tpu.vector_load %arg4[%get3A_659, %get3A_660] {strides = array<i32>} : memref<8x256xf32, #tpu.memory_space<vmem>>, vector<1x16xf32>,
    %get3A_662 = vector.shape_cast %get3A_661 : vector<1x16xf32> to vector<16xf32>
    %max3A_663 = arith.maximumf %get3A_627, %get3A_632 : vector<16xf32>
    %max3A_664 = arith.maximumf %max3A_663, %get3A_637 : vector<16xf32>
    %max3A_665 = arith.maximumf %max3A_664, %get3A_642 : vector<16xf32>
    %max3A_666 = arith.maximumf %max3A_665, %get3A_647 : vector<16xf32>
    %max3A_667 = arith.maximumf %max3A_666, %get3A_652 : vector<16xf32>
    %max3A_668 = arith.maximumf %max3A_667, %get3A_657 : vector<16xf32>
    %max3A_669 = arith.maximumf %max3A_668, %get3A_662 : vector<16xf32>
    %eq3A_670 = arith.cmpf oeq, %get3A_627, %max3A_669 : vector<16xf32>
    %eq3A_671 = arith.cmpf oeq, %get3A_632, %max3A_669 : vector<16xf32>
    %eq3A_672 = arith.cmpf oeq, %get3A_637, %max3A_669 : vector<16xf32>
    %eq3A_673 = arith.cmpf oeq, %get3A_642, %max3A_669 : vector<16xf32>
    %eq3A_674 = arith.cmpf oeq, %get3A_647, %max3A_669 : vector<16xf32>
    %eq3A_675 = arith.cmpf oeq, %get3A_652, %max3A_669 : vector<16xf32>
    %eq3A_676 = arith.cmpf oeq, %get3A_657, %max3A_669 : vector<16xf32>
    %eq3A_677 = arith.cmpf oeq, %get3A_662, %max3A_669 : vector<16xf32>
    %jit3A_678 = arith.constant -1.000000e+30 : f32
    %broadcast_in_dim3A_679 = vector.broadcast %jit3A_678 : f32 to vector<16xf32>
    %select_n3A_680 = arith.select %eq3A_670, %broadcast_in_dim3A_679, %get3A_627 : vector<16xi1>, vector<16xf32>
    %jit3A_681 = arith.constant -1.000000e+30 : f32
    %broadcast_in_dim3A_682 = vector.broadcast %jit3A_681 : f32 to vector<16xf32>
    %select_n3A_683 = arith.select %eq3A_671, %broadcast_in_dim3A_682, %get3A_632 : vector<16xi1>, vector<16xf32>
    %jit3A_684 = arith.constant -1.000000e+30 : f32
    %broadcast_in_dim3A_685 = vector.broadcast %jit3A_684 : f32 to vector<16xf32>
    %select_n3A_686 = arith.select %eq3A_672, %broadcast_in_dim3A_685, %get3A_637 : vector<16xi1>, vector<16xf32>
    %jit3A_687 = arith.constant -1.000000e+30 : f32
    %broadcast_in_dim3A_688 = vector.broadcast %jit3A_687 : f32 to vector<16xf32>
    %select_n3A_689 = arith.select %eq3A_673, %broadcast_in_dim3A_688, %get3A_642 : vector<16xi1>, vector<16xf32>
    %jit3A_690 = arith.constant -1.000000e+30 : f32
    %broadcast_in_dim3A_691 = vector.broadcast %jit3A_690 : f32 to vector<16xf32>
    %select_n3A_692 = arith.select %eq3A_674, %broadcast_in_dim3A_691, %get3A_647 : vector<16xi1>, vector<16xf32>
    %jit3A_693 = arith.constant -1.000000e+30 : f32
    %broadcast_in_dim3A_694 = vector.broadcast %jit3A_693 : f32 to vector<16xf32>
    %select_n3A_695 = arith.select %eq3A_675, %broadcast_in_dim3A_694, %get3A_652 : vector<16xi1>, vector<16xf32>
    %jit3A_696 = arith.constant -1.000000e+30 : f32
    %broadcast_in_dim3A_697 = vector.broadcast %jit3A_696 : f32 to vector<16xf32>
    %select_n3A_698 = arith.select %eq3A_676, %broadcast_in_dim3A_697, %get3A_657 : vector<16xi1>, vector<16xf32>
    %jit3A_699 = arith.constant -1.000000e+30 : f32
    %broadcast_in_dim3A_700 = vector.broadcast %jit3A_699 : f32 to vector<16xf32>
    %select_n3A_701 = arith.select %eq3A_677, %broadcast_in_dim3A_700, %get3A_662 : vector<16xi1>, vector<16xf32>
    %max3A_702 = arith.maximumf %select_n3A_680, %select_n3A_683 : vector<16xf32>
    %max3A_703 = arith.maximumf %max3A_702, %select_n3A_686 : vector<16xf32>
    %max3A_704 = arith.maximumf %max3A_703, %select_n3A_689 : vector<16xf32>
    %max3A_705 = arith.maximumf %max3A_704, %select_n3A_692 : vector<16xf32>
    %max3A_706 = arith.maximumf %max3A_705, %select_n3A_695 : vector<16xf32>
    %max3A_707 = arith.maximumf %max3A_706, %select_n3A_698 : vector<16xf32>
    %max3A_708 = arith.maximumf %max3A_707, %select_n3A_701 : vector<16xf32>
    %sub3A_709 = arith.subf %max3A_708, %max3A_669 : vector<16xf32>
    %exp3A_710 = math.exp %sub3A_709 : vector<16xf32>
    %add3A_711 = arith.constant 1.000000e+00 : f32
    %add3A_712 = vector.broadcast %add3A_711 : f32 to vector<16xf32>
    %add3A_713 = arith.addf %add3A_712, %exp3A_710 : vector<16xf32>
    %div3A_714 = arith.constant 1.000000e+00 : f32
    %div3A_715 = vector.broadcast %div3A_714 : f32 to vector<16xf32>
    %div3A_716 = arith.divf %div3A_715, %add3A_713 : vector<16xf32>
    %add3A_717 = arith.constant 1.000000e+00 : f32
    %add3A_718 = vector.broadcast %add3A_717 : f32 to vector<16xf32>
    %add3A_719 = arith.addf %add3A_718, %exp3A_710 : vector<16xf32>
    %div3A_720 = arith.divf %exp3A_710, %add3A_719 : vector<16xf32>
    %jit3A_721 = arith.constant 0.000000e+00 : f32
    %broadcast_in_dim3A_722 = vector.broadcast %jit3A_721 : f32 to vector<16xf32>
    %select_n3A_723 = arith.select %eq3A_670, %div3A_716, %broadcast_in_dim3A_722 : vector<16xi1>, vector<16xf32>
    %eq3A_724 = arith.cmpf oeq, %select_n3A_680, %max3A_708 : vector<16xf32>
    %jit3A_725 = arith.constant 0.000000e+00 : f32
    %broadcast_in_dim3A_726 = vector.broadcast %jit3A_725 : f32 to vector<16xf32>
    %select_n3A_727 = arith.select %eq3A_724, %div3A_720, %broadcast_in_dim3A_726 : vector<16xi1>, vector<16xf32>
    %add3A_728 = arith.addf %select_n3A_723, %select_n3A_727 : vector<16xf32>
    %swap3A_729 = arith.constant 0 : i32
    %swap3A_730 = arith.index_cast %swap3A_729 : i32 to index
    %swap3A_731 = arith.constant 48 : index
    %swap3A_732 = tpu.vector_load %arg5[%swap3A_730, %swap3A_731] {strides = array<i32>} : memref<8x256xf32, #tpu.memory_space<vmem>>, vector<1x16xf32>,
    %swap3A_733 = vector.shape_cast %swap3A_732 : vector<1x16xf32> to vector<16xf32>
    %swap3A_734 = vector.shape_cast %add3A_728 : vector<16xf32> to vector<1x16xf32>
    tpu.vector_store %arg5[%swap3A_730, %swap3A_731], %swap3A_734 {strides = array<i32>} : memref<8x256xf32, #tpu.memory_space<vmem>>, vector<1x16xf32>,
    %jit3A_735 = arith.constant 0.000000e+00 : f32
    %broadcast_in_dim3A_736 = vector.broadcast %jit3A_735 : f32 to vector<16xf32>
    %select_n3A_737 = arith.select %eq3A_671, %div3A_716, %broadcast_in_dim3A_736 : vector<16xi1>, vector<16xf32>
    %eq3A_738 = arith.cmpf oeq, %select_n3A_683, %max3A_708 : vector<16xf32>
    %jit3A_739 = arith.constant 0.000000e+00 : f32
    %broadcast_in_dim3A_740 = vector.broadcast %jit3A_739 : f32 to vector<16xf32>
    %select_n3A_741 = arith.select %eq3A_738, %div3A_720, %broadcast_in_dim3A_740 : vector<16xi1>, vector<16xf32>
    %add3A_742 = arith.addf %select_n3A_737, %select_n3A_741 : vector<16xf32>
    %swap3A_743 = arith.constant 1 : i32
    %swap3A_744 = arith.index_cast %swap3A_743 : i32 to index
    %swap3A_745 = arith.constant 48 : index
    %swap3A_746 = tpu.vector_load %arg5[%swap3A_744, %swap3A_745] {strides = array<i32>} : memref<8x256xf32, #tpu.memory_space<vmem>>, vector<1x16xf32>,
    %swap3A_747 = vector.shape_cast %swap3A_746 : vector<1x16xf32> to vector<16xf32>
    %swap3A_748 = vector.shape_cast %add3A_742 : vector<16xf32> to vector<1x16xf32>
    tpu.vector_store %arg5[%swap3A_744, %swap3A_745], %swap3A_748 {strides = array<i32>} : memref<8x256xf32, #tpu.memory_space<vmem>>, vector<1x16xf32>,
    %jit3A_749 = arith.constant 0.000000e+00 : f32
    %broadcast_in_dim3A_750 = vector.broadcast %jit3A_749 : f32 to vector<16xf32>
    %select_n3A_751 = arith.select %eq3A_672, %div3A_716, %broadcast_in_dim3A_750 : vector<16xi1>, vector<16xf32>
    %eq3A_752 = arith.cmpf oeq, %select_n3A_686, %max3A_708 : vector<16xf32>
    %jit3A_753 = arith.constant 0.000000e+00 : f32
    %broadcast_in_dim3A_754 = vector.broadcast %jit3A_753 : f32 to vector<16xf32>
    %select_n3A_755 = arith.select %eq3A_752, %div3A_720, %broadcast_in_dim3A_754 : vector<16xi1>, vector<16xf32>
    %add3A_756 = arith.addf %select_n3A_751, %select_n3A_755 : vector<16xf32>
    %swap3A_757 = arith.constant 2 : i32
    %swap3A_758 = arith.index_cast %swap3A_757 : i32 to index
    %swap3A_759 = arith.constant 48 : index
    %swap3A_760 = tpu.vector_load %arg5[%swap3A_758, %swap3A_759] {strides = array<i32>} : memref<8x256xf32, #tpu.memory_space<vmem>>, vector<1x16xf32>,
    %swap3A_761 = vector.shape_cast %swap3A_760 : vector<1x16xf32> to vector<16xf32>
    %swap3A_762 = vector.shape_cast %add3A_756 : vector<16xf32> to vector<1x16xf32>
    tpu.vector_store %arg5[%swap3A_758, %swap3A_759], %swap3A_762 {strides = array<i32>} : memref<8x256xf32, #tpu.memory_space<vmem>>, vector<1x16xf32>,
    %jit3A_763 = arith.constant 0.000000e+00 : f32
    %broadcast_in_dim3A_764 = vector.broadcast %jit3A_763 : f32 to vector<16xf32>
    %select_n3A_765 = arith.select %eq3A_673, %div3A_716, %broadcast_in_dim3A_764 : vector<16xi1>, vector<16xf32>
    %eq3A_766 = arith.cmpf oeq, %select_n3A_689, %max3A_708 : vector<16xf32>
    %jit3A_767 = arith.constant 0.000000e+00 : f32
    %broadcast_in_dim3A_768 = vector.broadcast %jit3A_767 : f32 to vector<16xf32>
    %select_n3A_769 = arith.select %eq3A_766, %div3A_720, %broadcast_in_dim3A_768 : vector<16xi1>, vector<16xf32>
    %add3A_770 = arith.addf %select_n3A_765, %select_n3A_769 : vector<16xf32>
    %swap3A_771 = arith.constant 3 : i32
    %swap3A_772 = arith.index_cast %swap3A_771 : i32 to index
    %swap3A_773 = arith.constant 48 : index
    %swap3A_774 = tpu.vector_load %arg5[%swap3A_772, %swap3A_773] {strides = array<i32>} : memref<8x256xf32, #tpu.memory_space<vmem>>, vector<1x16xf32>,
    %swap3A_775 = vector.shape_cast %swap3A_774 : vector<1x16xf32> to vector<16xf32>
    %swap3A_776 = vector.shape_cast %add3A_770 : vector<16xf32> to vector<1x16xf32>
    tpu.vector_store %arg5[%swap3A_772, %swap3A_773], %swap3A_776 {strides = array<i32>} : memref<8x256xf32, #tpu.memory_space<vmem>>, vector<1x16xf32>,
    %jit3A_777 = arith.constant 0.000000e+00 : f32
    %broadcast_in_dim3A_778 = vector.broadcast %jit3A_777 : f32 to vector<16xf32>
    %select_n3A_779 = arith.select %eq3A_674, %div3A_716, %broadcast_in_dim3A_778 : vector<16xi1>, vector<16xf32>
    %eq3A_780 = arith.cmpf oeq, %select_n3A_692, %max3A_708 : vector<16xf32>
    %jit3A_781 = arith.constant 0.000000e+00 : f32
    %broadcast_in_dim3A_782 = vector.broadcast %jit3A_781 : f32 to vector<16xf32>
    %select_n3A_783 = arith.select %eq3A_780, %div3A_720, %broadcast_in_dim3A_782 : vector<16xi1>, vector<16xf32>
    %add3A_784 = arith.addf %select_n3A_779, %select_n3A_783 : vector<16xf32>
    %swap3A_785 = arith.constant 4 : i32
    %swap3A_786 = arith.index_cast %swap3A_785 : i32 to index
    %swap3A_787 = arith.constant 48 : index
    %swap3A_788 = tpu.vector_load %arg5[%swap3A_786, %swap3A_787] {strides = array<i32>} : memref<8x256xf32, #tpu.memory_space<vmem>>, vector<1x16xf32>,
    %swap3A_789 = vector.shape_cast %swap3A_788 : vector<1x16xf32> to vector<16xf32>
    %swap3A_790 = vector.shape_cast %add3A_784 : vector<16xf32> to vector<1x16xf32>
    tpu.vector_store %arg5[%swap3A_786, %swap3A_787], %swap3A_790 {strides = array<i32>} : memref<8x256xf32, #tpu.memory_space<vmem>>, vector<1x16xf32>,
    %jit3A_791 = arith.constant 0.000000e+00 : f32
    %broadcast_in_dim3A_792 = vector.broadcast %jit3A_791 : f32 to vector<16xf32>
    %select_n3A_793 = arith.select %eq3A_675, %div3A_716, %broadcast_in_dim3A_792 : vector<16xi1>, vector<16xf32>
    %eq3A_794 = arith.cmpf oeq, %select_n3A_695, %max3A_708 : vector<16xf32>
    %jit3A_795 = arith.constant 0.000000e+00 : f32
    %broadcast_in_dim3A_796 = vector.broadcast %jit3A_795 : f32 to vector<16xf32>
    %select_n3A_797 = arith.select %eq3A_794, %div3A_720, %broadcast_in_dim3A_796 : vector<16xi1>, vector<16xf32>
    %add3A_798 = arith.addf %select_n3A_793, %select_n3A_797 : vector<16xf32>
    %swap3A_799 = arith.constant 5 : i32
    %swap3A_800 = arith.index_cast %swap3A_799 : i32 to index
    %swap3A_801 = arith.constant 48 : index
    %swap3A_802 = tpu.vector_load %arg5[%swap3A_800, %swap3A_801] {strides = array<i32>} : memref<8x256xf32, #tpu.memory_space<vmem>>, vector<1x16xf32>,
    %swap3A_803 = vector.shape_cast %swap3A_802 : vector<1x16xf32> to vector<16xf32>
    %swap3A_804 = vector.shape_cast %add3A_798 : vector<16xf32> to vector<1x16xf32>
    tpu.vector_store %arg5[%swap3A_800, %swap3A_801], %swap3A_804 {strides = array<i32>} : memref<8x256xf32, #tpu.memory_space<vmem>>, vector<1x16xf32>,
    %jit3A_805 = arith.constant 0.000000e+00 : f32
    %broadcast_in_dim3A_806 = vector.broadcast %jit3A_805 : f32 to vector<16xf32>
    %select_n3A_807 = arith.select %eq3A_676, %div3A_716, %broadcast_in_dim3A_806 : vector<16xi1>, vector<16xf32>
    %eq3A_808 = arith.cmpf oeq, %select_n3A_698, %max3A_708 : vector<16xf32>
    %jit3A_809 = arith.constant 0.000000e+00 : f32
    %broadcast_in_dim3A_810 = vector.broadcast %jit3A_809 : f32 to vector<16xf32>
    %select_n3A_811 = arith.select %eq3A_808, %div3A_720, %broadcast_in_dim3A_810 : vector<16xi1>, vector<16xf32>
    %add3A_812 = arith.addf %select_n3A_807, %select_n3A_811 : vector<16xf32>
    %swap3A_813 = arith.constant 6 : i32
    %swap3A_814 = arith.index_cast %swap3A_813 : i32 to index
    %swap3A_815 = arith.constant 48 : index
    %swap3A_816 = tpu.vector_load %arg5[%swap3A_814, %swap3A_815] {strides = array<i32>} : memref<8x256xf32, #tpu.memory_space<vmem>>, vector<1x16xf32>,
    %swap3A_817 = vector.shape_cast %swap3A_816 : vector<1x16xf32> to vector<16xf32>
    %swap3A_818 = vector.shape_cast %add3A_812 : vector<16xf32> to vector<1x16xf32>
    tpu.vector_store %arg5[%swap3A_814, %swap3A_815], %swap3A_818 {strides = array<i32>} : memref<8x256xf32, #tpu.memory_space<vmem>>, vector<1x16xf32>,
    %jit3A_819 = arith.constant 0.000000e+00 : f32
    %broadcast_in_dim3A_820 = vector.broadcast %jit3A_819 : f32 to vector<16xf32>
    %select_n3A_821 = arith.select %eq3A_677, %div3A_716, %broadcast_in_dim3A_820 : vector<16xi1>, vector<16xf32>
    %eq3A_822 = arith.cmpf oeq, %select_n3A_701, %max3A_708 : vector<16xf32>
    %jit3A_823 = arith.constant 0.000000e+00 : f32
    %broadcast_in_dim3A_824 = vector.broadcast %jit3A_823 : f32 to vector<16xf32>
    %select_n3A_825 = arith.select %eq3A_822, %div3A_720, %broadcast_in_dim3A_824 : vector<16xi1>, vector<16xf32>
    %add3A_826 = arith.addf %select_n3A_821, %select_n3A_825 : vector<16xf32>
    %swap3A_827 = arith.constant 7 : i32
    %swap3A_828 = arith.index_cast %swap3A_827 : i32 to index
    %swap3A_829 = arith.constant 48 : index
    %swap3A_830 = tpu.vector_load %arg5[%swap3A_828, %swap3A_829] {strides = array<i32>} : memref<8x256xf32, #tpu.memory_space<vmem>>, vector<1x16xf32>,
    %swap3A_831 = vector.shape_cast %swap3A_830 : vector<1x16xf32> to vector<16xf32>
    %swap3A_832 = vector.shape_cast %add3A_826 : vector<16xf32> to vector<1x16xf32>
    tpu.vector_store %arg5[%swap3A_828, %swap3A_829], %swap3A_832 {strides = array<i32>} : memref<8x256xf32, #tpu.memory_space<vmem>>, vector<1x16xf32>,
    %get3A_833 = arith.constant 0 : i32
    %get3A_834 = arith.index_cast %get3A_833 : i32 to index
    %get3A_835 = arith.constant 64 : index
    %get3A_836 = tpu.vector_load %arg4[%get3A_834, %get3A_835] {strides = array<i32>} : memref<8x256xf32, #tpu.memory_space<vmem>>, vector<1x16xf32>,
    %get3A_837 = vector.shape_cast %get3A_836 : vector<1x16xf32> to vector<16xf32>
    %get3A_838 = arith.constant 1 : i32
    %get3A_839 = arith.index_cast %get3A_838 : i32 to index
    %get3A_840 = arith.constant 64 : index
    %get3A_841 = tpu.vector_load %arg4[%get3A_839, %get3A_840] {strides = array<i32>} : memref<8x256xf32, #tpu.memory_space<vmem>>, vector<1x16xf32>,
    %get3A_842 = vector.shape_cast %get3A_841 : vector<1x16xf32> to vector<16xf32>
    %get3A_843 = arith.constant 2 : i32
    %get3A_844 = arith.index_cast %get3A_843 : i32 to index
    %get3A_845 = arith.constant 64 : index
    %get3A_846 = tpu.vector_load %arg4[%get3A_844, %get3A_845] {strides = array<i32>} : memref<8x256xf32, #tpu.memory_space<vmem>>, vector<1x16xf32>,
    %get3A_847 = vector.shape_cast %get3A_846 : vector<1x16xf32> to vector<16xf32>
    %get3A_848 = arith.constant 3 : i32
    %get3A_849 = arith.index_cast %get3A_848 : i32 to index
    %get3A_850 = arith.constant 64 : index
    %get3A_851 = tpu.vector_load %arg4[%get3A_849, %get3A_850] {strides = array<i32>} : memref<8x256xf32, #tpu.memory_space<vmem>>, vector<1x16xf32>,
    %get3A_852 = vector.shape_cast %get3A_851 : vector<1x16xf32> to vector<16xf32>
    %get3A_853 = arith.constant 4 : i32
    %get3A_854 = arith.index_cast %get3A_853 : i32 to index
    %get3A_855 = arith.constant 64 : index
    %get3A_856 = tpu.vector_load %arg4[%get3A_854, %get3A_855] {strides = array<i32>} : memref<8x256xf32, #tpu.memory_space<vmem>>, vector<1x16xf32>,
    %get3A_857 = vector.shape_cast %get3A_856 : vector<1x16xf32> to vector<16xf32>
    %get3A_858 = arith.constant 5 : i32
    %get3A_859 = arith.index_cast %get3A_858 : i32 to index
    %get3A_860 = arith.constant 64 : index
    %get3A_861 = tpu.vector_load %arg4[%get3A_859, %get3A_860] {strides = array<i32>} : memref<8x256xf32, #tpu.memory_space<vmem>>, vector<1x16xf32>,
    %get3A_862 = vector.shape_cast %get3A_861 : vector<1x16xf32> to vector<16xf32>
    %get3A_863 = arith.constant 6 : i32
    %get3A_864 = arith.index_cast %get3A_863 : i32 to index
    %get3A_865 = arith.constant 64 : index
    %get3A_866 = tpu.vector_load %arg4[%get3A_864, %get3A_865] {strides = array<i32>} : memref<8x256xf32, #tpu.memory_space<vmem>>, vector<1x16xf32>,
    %get3A_867 = vector.shape_cast %get3A_866 : vector<1x16xf32> to vector<16xf32>
    %get3A_868 = arith.constant 7 : i32
    %get3A_869 = arith.index_cast %get3A_868 : i32 to index
    %get3A_870 = arith.constant 64 : index
    %get3A_871 = tpu.vector_load %arg4[%get3A_869, %get3A_870] {strides = array<i32>} : memref<8x256xf32, #tpu.memory_space<vmem>>, vector<1x16xf32>,
    %get3A_872 = vector.shape_cast %get3A_871 : vector<1x16xf32> to vector<16xf32>
    %max3A_873 = arith.maximumf %get3A_837, %get3A_842 : vector<16xf32>
    %max3A_874 = arith.maximumf %max3A_873, %get3A_847 : vector<16xf32>
    %max3A_875 = arith.maximumf %max3A_874, %get3A_852 : vector<16xf32>
    %max3A_876 = arith.maximumf %max3A_875, %get3A_857 : vector<16xf32>
    %max3A_877 = arith.maximumf %max3A_876, %get3A_862 : vector<16xf32>
    %max3A_878 = arith.maximumf %max3A_877, %get3A_867 : vector<16xf32>
    %max3A_879 = arith.maximumf %max3A_878, %get3A_872 : vector<16xf32>
    %eq3A_880 = arith.cmpf oeq, %get3A_837, %max3A_879 : vector<16xf32>
    %eq3A_881 = arith.cmpf oeq, %get3A_842, %max3A_879 : vector<16xf32>
    %eq3A_882 = arith.cmpf oeq, %get3A_847, %max3A_879 : vector<16xf32>
    %eq3A_883 = arith.cmpf oeq, %get3A_852, %max3A_879 : vector<16xf32>
    %eq3A_884 = arith.cmpf oeq, %get3A_857, %max3A_879 : vector<16xf32>
    %eq3A_885 = arith.cmpf oeq, %get3A_862, %max3A_879 : vector<16xf32>
    %eq3A_886 = arith.cmpf oeq, %get3A_867, %max3A_879 : vector<16xf32>
    %eq3A_887 = arith.cmpf oeq, %get3A_872, %max3A_879 : vector<16xf32>
    %jit3A_888 = arith.constant -1.000000e+30 : f32
    %broadcast_in_dim3A_889 = vector.broadcast %jit3A_888 : f32 to vector<16xf32>
    %select_n3A_890 = arith.select %eq3A_880, %broadcast_in_dim3A_889, %get3A_837 : vector<16xi1>, vector<16xf32>
    %jit3A_891 = arith.constant -1.000000e+30 : f32
    %broadcast_in_dim3A_892 = vector.broadcast %jit3A_891 : f32 to vector<16xf32>
    %select_n3A_893 = arith.select %eq3A_881, %broadcast_in_dim3A_892, %get3A_842 : vector<16xi1>, vector<16xf32>
    %jit3A_894 = arith.constant -1.000000e+30 : f32
    %broadcast_in_dim3A_895 = vector.broadcast %jit3A_894 : f32 to vector<16xf32>
    %select_n3A_896 = arith.select %eq3A_882, %broadcast_in_dim3A_895, %get3A_847 : vector<16xi1>, vector<16xf32>
    %jit3A_897 = arith.constant -1.000000e+30 : f32
    %broadcast_in_dim3A_898 = vector.broadcast %jit3A_897 : f32 to vector<16xf32>
    %select_n3A_899 = arith.select %eq3A_883, %broadcast_in_dim3A_898, %get3A_852 : vector<16xi1>, vector<16xf32>
    %jit3A_900 = arith.constant -1.000000e+30 : f32
    %broadcast_in_dim3A_901 = vector.broadcast %jit3A_900 : f32 to vector<16xf32>
    %select_n3A_902 = arith.select %eq3A_884, %broadcast_in_dim3A_901, %get3A_857 : vector<16xi1>, vector<16xf32>
    %jit3A_903 = arith.constant -1.000000e+30 : f32
    %broadcast_in_dim3A_904 = vector.broadcast %jit3A_903 : f32 to vector<16xf32>
    %select_n3A_905 = arith.select %eq3A_885, %broadcast_in_dim3A_904, %get3A_862 : vector<16xi1>, vector<16xf32>
    %jit3A_906 = arith.constant -1.000000e+30 : f32
    %broadcast_in_dim3A_907 = vector.broadcast %jit3A_906 : f32 to vector<16xf32>
    %select_n3A_908 = arith.select %eq3A_886, %broadcast_in_dim3A_907, %get3A_867 : vector<16xi1>, vector<16xf32>
    %jit3A_909 = arith.constant -1.000000e+30 : f32
    %broadcast_in_dim3A_910 = vector.broadcast %jit3A_909 : f32 to vector<16xf32>
    %select_n3A_911 = arith.select %eq3A_887, %broadcast_in_dim3A_910, %get3A_872 : vector<16xi1>, vector<16xf32>
    %max3A_912 = arith.maximumf %select_n3A_890, %select_n3A_893 : vector<16xf32>
    %max3A_913 = arith.maximumf %max3A_912, %select_n3A_896 : vector<16xf32>
    %max3A_914 = arith.maximumf %max3A_913, %select_n3A_899 : vector<16xf32>
    %max3A_915 = arith.maximumf %max3A_914, %select_n3A_902 : vector<16xf32>
    %max3A_916 = arith.maximumf %max3A_915, %select_n3A_905 : vector<16xf32>
    %max3A_917 = arith.maximumf %max3A_916, %select_n3A_908 : vector<16xf32>
    %max3A_918 = arith.maximumf %max3A_917, %select_n3A_911 : vector<16xf32>
    %sub3A_919 = arith.subf %max3A_918, %max3A_879 : vector<16xf32>
    %exp3A_920 = math.exp %sub3A_919 : vector<16xf32>
    %add3A_921 = arith.constant 1.000000e+00 : f32
    %add3A_922 = vector.broadcast %add3A_921 : f32 to vector<16xf32>
    %add3A_923 = arith.addf %add3A_922, %exp3A_920 : vector<16xf32>
    %div3A_924 = arith.constant 1.000000e+00 : f32
    %div3A_925 = vector.broadcast %div3A_924 : f32 to vector<16xf32>
    %div3A_926 = arith.divf %div3A_925, %add3A_923 : vector<16xf32>
    %add3A_927 = arith.constant 1.000000e+00 : f32
    %add3A_928 = vector.broadcast %add3A_927 : f32 to vector<16xf32>
    %add3A_929 = arith.addf %add3A_928, %exp3A_920 : vector<16xf32>
    %div3A_930 = arith.divf %exp3A_920, %add3A_929 : vector<16xf32>
    %jit3A_931 = arith.constant 0.000000e+00 : f32
    %broadcast_in_dim3A_932 = vector.broadcast %jit3A_931 : f32 to vector<16xf32>
    %select_n3A_933 = arith.select %eq3A_880, %div3A_926, %broadcast_in_dim3A_932 : vector<16xi1>, vector<16xf32>
    %eq3A_934 = arith.cmpf oeq, %select_n3A_890, %max3A_918 : vector<16xf32>
    %jit3A_935 = arith.constant 0.000000e+00 : f32
    %broadcast_in_dim3A_936 = vector.broadcast %jit3A_935 : f32 to vector<16xf32>
    %select_n3A_937 = arith.select %eq3A_934, %div3A_930, %broadcast_in_dim3A_936 : vector<16xi1>, vector<16xf32>
    %add3A_938 = arith.addf %select_n3A_933, %select_n3A_937 : vector<16xf32>
    %swap3A_939 = arith.constant 0 : i32
    %swap3A_940 = arith.index_cast %swap3A_939 : i32 to index
    %swap3A_941 = arith.constant 64 : index
    %swap3A_942 = tpu.vector_load %arg5[%swap3A_940, %swap3A_941] {strides = array<i32>} : memref<8x256xf32, #tpu.memory_space<vmem>>, vector<1x16xf32>,
    %swap3A_943 = vector.shape_cast %swap3A_942 : vector<1x16xf32> to vector<16xf32>
    %swap3A_944 = vector.shape_cast %add3A_938 : vector<16xf32> to vector<1x16xf32>
    tpu.vector_store %arg5[%swap3A_940, %swap3A_941], %swap3A_944 {strides = array<i32>} : memref<8x256xf32, #tpu.memory_space<vmem>>, vector<1x16xf32>,
    %jit3A_945 = arith.constant 0.000000e+00 : f32
    %broadcast_in_dim3A_946 = vector.broadcast %jit3A_945 : f32 to vector<16xf32>
    %select_n3A_947 = arith.select %eq3A_881, %div3A_926, %broadcast_in_dim3A_946 : vector<16xi1>, vector<16xf32>
    %eq3A_948 = arith.cmpf oeq, %select_n3A_893, %max3A_918 : vector<16xf32>
    %jit3A_949 = arith.constant 0.000000e+00 : f32
    %broadcast_in_dim3A_950 = vector.broadcast %jit3A_949 : f32 to vector<16xf32>
    %select_n3A_951 = arith.select %eq3A_948, %div3A_930, %broadcast_in_dim3A_950 : vector<16xi1>, vector<16xf32>
    %add3A_952 = arith.addf %select_n3A_947, %select_n3A_951 : vector<16xf32>
    %swap3A_953 = arith.constant 1 : i32
    %swap3A_954 = arith.index_cast %swap3A_953 : i32 to index
    %swap3A_955 = arith.constant 64 : index
    %swap3A_956 = tpu.vector_load %arg5[%swap3A_954, %swap3A_955] {strides = array<i32>} : memref<8x256xf32, #tpu.memory_space<vmem>>, vector<1x16xf32>,
    %swap3A_957 = vector.shape_cast %swap3A_956 : vector<1x16xf32> to vector<16xf32>
    %swap3A_958 = vector.shape_cast %add3A_952 : vector<16xf32> to vector<1x16xf32>
    tpu.vector_store %arg5[%swap3A_954, %swap3A_955], %swap3A_958 {strides = array<i32>} : memref<8x256xf32, #tpu.memory_space<vmem>>, vector<1x16xf32>,
    %jit3A_959 = arith.constant 0.000000e+00 : f32
    %broadcast_in_dim3A_960 = vector.broadcast %jit3A_959 : f32 to vector<16xf32>
    %select_n3A_961 = arith.select %eq3A_882, %div3A_926, %broadcast_in_dim3A_960 : vector<16xi1>, vector<16xf32>
    %eq3A_962 = arith.cmpf oeq, %select_n3A_896, %max3A_918 : vector<16xf32>
    %jit3A_963 = arith.constant 0.000000e+00 : f32
    %broadcast_in_dim3A_964 = vector.broadcast %jit3A_963 : f32 to vector<16xf32>
    %select_n3A_965 = arith.select %eq3A_962, %div3A_930, %broadcast_in_dim3A_964 : vector<16xi1>, vector<16xf32>
    %add3A_966 = arith.addf %select_n3A_961, %select_n3A_965 : vector<16xf32>
    %swap3A_967 = arith.constant 2 : i32
    %swap3A_968 = arith.index_cast %swap3A_967 : i32 to index
    %swap3A_969 = arith.constant 64 : index
    %swap3A_970 = tpu.vector_load %arg5[%swap3A_968, %swap3A_969] {strides = array<i32>} : memref<8x256xf32, #tpu.memory_space<vmem>>, vector<1x16xf32>,
    %swap3A_971 = vector.shape_cast %swap3A_970 : vector<1x16xf32> to vector<16xf32>
    %swap3A_972 = vector.shape_cast %add3A_966 : vector<16xf32> to vector<1x16xf32>
    tpu.vector_store %arg5[%swap3A_968, %swap3A_969], %swap3A_972 {strides = array<i32>} : memref<8x256xf32, #tpu.memory_space<vmem>>, vector<1x16xf32>,
    %jit3A_973 = arith.constant 0.000000e+00 : f32
    %broadcast_in_dim3A_974 = vector.broadcast %jit3A_973 : f32 to vector<16xf32>
    %select_n3A_975 = arith.select %eq3A_883, %div3A_926, %broadcast_in_dim3A_974 : vector<16xi1>, vector<16xf32>
    %eq3A_976 = arith.cmpf oeq, %select_n3A_899, %max3A_918 : vector<16xf32>
    %jit3A_977 = arith.constant 0.000000e+00 : f32
    %broadcast_in_dim3A_978 = vector.broadcast %jit3A_977 : f32 to vector<16xf32>
    %select_n3A_979 = arith.select %eq3A_976, %div3A_930, %broadcast_in_dim3A_978 : vector<16xi1>, vector<16xf32>
    %add3A_980 = arith.addf %select_n3A_975, %select_n3A_979 : vector<16xf32>
    %swap3A_981 = arith.constant 3 : i32
    %swap3A_982 = arith.index_cast %swap3A_981 : i32 to index
    %swap3A_983 = arith.constant 64 : index
    %swap3A_984 = tpu.vector_load %arg5[%swap3A_982, %swap3A_983] {strides = array<i32>} : memref<8x256xf32, #tpu.memory_space<vmem>>, vector<1x16xf32>,
    %swap3A_985 = vector.shape_cast %swap3A_984 : vector<1x16xf32> to vector<16xf32>
    %swap3A_986 = vector.shape_cast %add3A_980 : vector<16xf32> to vector<1x16xf32>
    tpu.vector_store %arg5[%swap3A_982, %swap3A_983], %swap3A_986 {strides = array<i32>} : memref<8x256xf32, #tpu.memory_space<vmem>>, vector<1x16xf32>,
    %jit3A_987 = arith.constant 0.000000e+00 : f32
    %broadcast_in_dim3A_988 = vector.broadcast %jit3A_987 : f32 to vector<16xf32>
    %select_n3A_989 = arith.select %eq3A_884, %div3A_926, %broadcast_in_dim3A_988 : vector<16xi1>, vector<16xf32>
    %eq3A_990 = arith.cmpf oeq, %select_n3A_902, %max3A_918 : vector<16xf32>
    %jit3A_991 = arith.constant 0.000000e+00 : f32
    %broadcast_in_dim3A_992 = vector.broadcast %jit3A_991 : f32 to vector<16xf32>
    %select_n3A_993 = arith.select %eq3A_990, %div3A_930, %broadcast_in_dim3A_992 : vector<16xi1>, vector<16xf32>
    %add3A_994 = arith.addf %select_n3A_989, %select_n3A_993 : vector<16xf32>
    %swap3A_995 = arith.constant 4 : i32
    %swap3A_996 = arith.index_cast %swap3A_995 : i32 to index
    %swap3A_997 = arith.constant 64 : index
    %swap3A_998 = tpu.vector_load %arg5[%swap3A_996, %swap3A_997] {strides = array<i32>} : memref<8x256xf32, #tpu.memory_space<vmem>>, vector<1x16xf32>,
    %swap3A_999 = vector.shape_cast %swap3A_998 : vector<1x16xf32> to vector<16xf32>
    %swap3A_1000 = vector.shape_cast %add3A_994 : vector<16xf32> to vector<1x16xf32>
    tpu.vector_store %arg5[%swap3A_996, %swap3A_997], %swap3A_1000 {strides = array<i32>} : memref<8x256xf32, #tpu.memory_space<vmem>>, vector<1x16xf32>,
    %jit3A_1001 = arith.constant 0.000000e+00 : f32
    %broadcast_in_dim3A_1002 = vector.broadcast %jit3A_1001 : f32 to vector<16xf32>
    %select_n3A_1003 = arith.select %eq3A_885, %div3A_926, %broadcast_in_dim3A_1002 : vector<16xi1>, vector<16xf32>
    %eq3A_1004 = arith.cmpf oeq, %select_n3A_905, %max3A_918 : vector<16xf32>
    %jit3A_1005 = arith.constant 0.000000e+00 : f32
    %broadcast_in_dim3A_1006 = vector.broadcast %jit3A_1005 : f32 to vector<16xf32>
    %select_n3A_1007 = arith.select %eq3A_1004, %div3A_930, %broadcast_in_dim3A_1006 : vector<16xi1>, vector<16xf32>
    %add3A_1008 = arith.addf %select_n3A_1003, %select_n3A_1007 : vector<16xf32>
    %swap3A_1009 = arith.constant 5 : i32
    %swap3A_1010 = arith.index_cast %swap3A_1009 : i32 to index
    %swap3A_1011 = arith.constant 64 : index
    %swap3A_1012 = tpu.vector_load %arg5[%swap3A_1010, %swap3A_1011] {strides = array<i32>} : memref<8x256xf32, #tpu.memory_space<vmem>>, vector<1x16xf32>,
    %swap3A_1013 = vector.shape_cast %swap3A_1012 : vector<1x16xf32> to vector<16xf32>
    %swap3A_1014 = vector.shape_cast %add3A_1008 : vector<16xf32> to vector<1x16xf32>
    tpu.vector_store %arg5[%swap3A_1010, %swap3A_1011], %swap3A_1014 {strides = array<i32>} : memref<8x256xf32, #tpu.memory_space<vmem>>, vector<1x16xf32>,
    %jit3A_1015 = arith.constant 0.000000e+00 : f32
    %broadcast_in_dim3A_1016 = vector.broadcast %jit3A_1015 : f32 to vector<16xf32>
    %select_n3A_1017 = arith.select %eq3A_886, %div3A_926, %broadcast_in_dim3A_1016 : vector<16xi1>, vector<16xf32>
    %eq3A_1018 = arith.cmpf oeq, %select_n3A_908, %max3A_918 : vector<16xf32>
    %jit3A_1019 = arith.constant 0.000000e+00 : f32
    %broadcast_in_dim3A_1020 = vector.broadcast %jit3A_1019 : f32 to vector<16xf32>
    %select_n3A_1021 = arith.select %eq3A_1018, %div3A_930, %broadcast_in_dim3A_1020 : vector<16xi1>, vector<16xf32>
    %add3A_1022 = arith.addf %select_n3A_1017, %select_n3A_1021 : vector<16xf32>
    %swap3A_1023 = arith.constant 6 : i32
    %swap3A_1024 = arith.index_cast %swap3A_1023 : i32 to index
    %swap3A_1025 = arith.constant 64 : index
    %swap3A_1026 = tpu.vector_load %arg5[%swap3A_1024, %swap3A_1025] {strides = array<i32>} : memref<8x256xf32, #tpu.memory_space<vmem>>, vector<1x16xf32>,
    %swap3A_1027 = vector.shape_cast %swap3A_1026 : vector<1x16xf32> to vector<16xf32>
    %swap3A_1028 = vector.shape_cast %add3A_1022 : vector<16xf32> to vector<1x16xf32>
    tpu.vector_store %arg5[%swap3A_1024, %swap3A_1025], %swap3A_1028 {strides = array<i32>} : memref<8x256xf32, #tpu.memory_space<vmem>>, vector<1x16xf32>,
    %jit3A_1029 = arith.constant 0.000000e+00 : f32
    %broadcast_in_dim3A_1030 = vector.broadcast %jit3A_1029 : f32 to vector<16xf32>
    %select_n3A_1031 = arith.select %eq3A_887, %div3A_926, %broadcast_in_dim3A_1030 : vector<16xi1>, vector<16xf32>
    %eq3A_1032 = arith.cmpf oeq, %select_n3A_911, %max3A_918 : vector<16xf32>
    %jit3A_1033 = arith.constant 0.000000e+00 : f32
    %broadcast_in_dim3A_1034 = vector.broadcast %jit3A_1033 : f32 to vector<16xf32>
    %select_n3A_1035 = arith.select %eq3A_1032, %div3A_930, %broadcast_in_dim3A_1034 : vector<16xi1>, vector<16xf32>
    %add3A_1036 = arith.addf %select_n3A_1031, %select_n3A_1035 : vector<16xf32>
    %swap3A_1037 = arith.constant 7 : i32
    %swap3A_1038 = arith.index_cast %swap3A_1037 : i32 to index
    %swap3A_1039 = arith.constant 64 : index
    %swap3A_1040 = tpu.vector_load %arg5[%swap3A_1038, %swap3A_1039] {strides = array<i32>} : memref<8x256xf32, #tpu.memory_space<vmem>>, vector<1x16xf32>,
    %swap3A_1041 = vector.shape_cast %swap3A_1040 : vector<1x16xf32> to vector<16xf32>
    %swap3A_1042 = vector.shape_cast %add3A_1036 : vector<16xf32> to vector<1x16xf32>
    tpu.vector_store %arg5[%swap3A_1038, %swap3A_1039], %swap3A_1042 {strides = array<i32>} : memref<8x256xf32, #tpu.memory_space<vmem>>, vector<1x16xf32>,
    %get3A_1043 = arith.constant 0 : i32
    %get3A_1044 = arith.index_cast %get3A_1043 : i32 to index
    %get3A_1045 = arith.constant 80 : index
    %get3A_1046 = tpu.vector_load %arg4[%get3A_1044, %get3A_1045] {strides = array<i32>} : memref<8x256xf32, #tpu.memory_space<vmem>>, vector<1x16xf32>,
    %get3A_1047 = vector.shape_cast %get3A_1046 : vector<1x16xf32> to vector<16xf32>
    %get3A_1048 = arith.constant 1 : i32
    %get3A_1049 = arith.index_cast %get3A_1048 : i32 to index
    %get3A_1050 = arith.constant 80 : index
    %get3A_1051 = tpu.vector_load %arg4[%get3A_1049, %get3A_1050] {strides = array<i32>} : memref<8x256xf32, #tpu.memory_space<vmem>>, vector<1x16xf32>,
    %get3A_1052 = vector.shape_cast %get3A_1051 : vector<1x16xf32> to vector<16xf32>
    %get3A_1053 = arith.constant 2 : i32
    %get3A_1054 = arith.index_cast %get3A_1053 : i32 to index
    %get3A_1055 = arith.constant 80 : index
    %get3A_1056 = tpu.vector_load %arg4[%get3A_1054, %get3A_1055] {strides = array<i32>} : memref<8x256xf32, #tpu.memory_space<vmem>>, vector<1x16xf32>,
    %get3A_1057 = vector.shape_cast %get3A_1056 : vector<1x16xf32> to vector<16xf32>
    %get3A_1058 = arith.constant 3 : i32
    %get3A_1059 = arith.index_cast %get3A_1058 : i32 to index
    %get3A_1060 = arith.constant 80 : index
    %get3A_1061 = tpu.vector_load %arg4[%get3A_1059, %get3A_1060] {strides = array<i32>} : memref<8x256xf32, #tpu.memory_space<vmem>>, vector<1x16xf32>,
    %get3A_1062 = vector.shape_cast %get3A_1061 : vector<1x16xf32> to vector<16xf32>
    %get3A_1063 = arith.constant 4 : i32
    %get3A_1064 = arith.index_cast %get3A_1063 : i32 to index
    %get3A_1065 = arith.constant 80 : index
    %get3A_1066 = tpu.vector_load %arg4[%get3A_1064, %get3A_1065] {strides = array<i32>} : memref<8x256xf32, #tpu.memory_space<vmem>>, vector<1x16xf32>,
    %get3A_1067 = vector.shape_cast %get3A_1066 : vector<1x16xf32> to vector<16xf32>
    %get3A_1068 = arith.constant 5 : i32
    %get3A_1069 = arith.index_cast %get3A_1068 : i32 to index
    %get3A_1070 = arith.constant 80 : index
    %get3A_1071 = tpu.vector_load %arg4[%get3A_1069, %get3A_1070] {strides = array<i32>} : memref<8x256xf32, #tpu.memory_space<vmem>>, vector<1x16xf32>,
    %get3A_1072 = vector.shape_cast %get3A_1071 : vector<1x16xf32> to vector<16xf32>
    %get3A_1073 = arith.constant 6 : i32
    %get3A_1074 = arith.index_cast %get3A_1073 : i32 to index
    %get3A_1075 = arith.constant 80 : index
    %get3A_1076 = tpu.vector_load %arg4[%get3A_1074, %get3A_1075] {strides = array<i32>} : memref<8x256xf32, #tpu.memory_space<vmem>>, vector<1x16xf32>,
    %get3A_1077 = vector.shape_cast %get3A_1076 : vector<1x16xf32> to vector<16xf32>
    %get3A_1078 = arith.constant 7 : i32
    %get3A_1079 = arith.index_cast %get3A_1078 : i32 to index
    %get3A_1080 = arith.constant 80 : index
    %get3A_1081 = tpu.vector_load %arg4[%get3A_1079, %get3A_1080] {strides = array<i32>} : memref<8x256xf32, #tpu.memory_space<vmem>>, vector<1x16xf32>,
    %get3A_1082 = vector.shape_cast %get3A_1081 : vector<1x16xf32> to vector<16xf32>
    %max3A_1083 = arith.maximumf %get3A_1047, %get3A_1052 : vector<16xf32>
    %max3A_1084 = arith.maximumf %max3A_1083, %get3A_1057 : vector<16xf32>
    %max3A_1085 = arith.maximumf %max3A_1084, %get3A_1062 : vector<16xf32>
    %max3A_1086 = arith.maximumf %max3A_1085, %get3A_1067 : vector<16xf32>
    %max3A_1087 = arith.maximumf %max3A_1086, %get3A_1072 : vector<16xf32>
    %max3A_1088 = arith.maximumf %max3A_1087, %get3A_1077 : vector<16xf32>
    %max3A_1089 = arith.maximumf %max3A_1088, %get3A_1082 : vector<16xf32>
    %eq3A_1090 = arith.cmpf oeq, %get3A_1047, %max3A_1089 : vector<16xf32>
    %eq3A_1091 = arith.cmpf oeq, %get3A_1052, %max3A_1089 : vector<16xf32>
    %eq3A_1092 = arith.cmpf oeq, %get3A_1057, %max3A_1089 : vector<16xf32>
    %eq3A_1093 = arith.cmpf oeq, %get3A_1062, %max3A_1089 : vector<16xf32>
    %eq3A_1094 = arith.cmpf oeq, %get3A_1067, %max3A_1089 : vector<16xf32>
    %eq3A_1095 = arith.cmpf oeq, %get3A_1072, %max3A_1089 : vector<16xf32>
    %eq3A_1096 = arith.cmpf oeq, %get3A_1077, %max3A_1089 : vector<16xf32>
    %eq3A_1097 = arith.cmpf oeq, %get3A_1082, %max3A_1089 : vector<16xf32>
    %jit3A_1098 = arith.constant -1.000000e+30 : f32
    %broadcast_in_dim3A_1099 = vector.broadcast %jit3A_1098 : f32 to vector<16xf32>
    %select_n3A_1100 = arith.select %eq3A_1090, %broadcast_in_dim3A_1099, %get3A_1047 : vector<16xi1>, vector<16xf32>
    %jit3A_1101 = arith.constant -1.000000e+30 : f32
    %broadcast_in_dim3A_1102 = vector.broadcast %jit3A_1101 : f32 to vector<16xf32>
    %select_n3A_1103 = arith.select %eq3A_1091, %broadcast_in_dim3A_1102, %get3A_1052 : vector<16xi1>, vector<16xf32>
    %jit3A_1104 = arith.constant -1.000000e+30 : f32
    %broadcast_in_dim3A_1105 = vector.broadcast %jit3A_1104 : f32 to vector<16xf32>
    %select_n3A_1106 = arith.select %eq3A_1092, %broadcast_in_dim3A_1105, %get3A_1057 : vector<16xi1>, vector<16xf32>
    %jit3A_1107 = arith.constant -1.000000e+30 : f32
    %broadcast_in_dim3A_1108 = vector.broadcast %jit3A_1107 : f32 to vector<16xf32>
    %select_n3A_1109 = arith.select %eq3A_1093, %broadcast_in_dim3A_1108, %get3A_1062 : vector<16xi1>, vector<16xf32>
    %jit3A_1110 = arith.constant -1.000000e+30 : f32
    %broadcast_in_dim3A_1111 = vector.broadcast %jit3A_1110 : f32 to vector<16xf32>
    %select_n3A_1112 = arith.select %eq3A_1094, %broadcast_in_dim3A_1111, %get3A_1067 : vector<16xi1>, vector<16xf32>
    %jit3A_1113 = arith.constant -1.000000e+30 : f32
    %broadcast_in_dim3A_1114 = vector.broadcast %jit3A_1113 : f32 to vector<16xf32>
    %select_n3A_1115 = arith.select %eq3A_1095, %broadcast_in_dim3A_1114, %get3A_1072 : vector<16xi1>, vector<16xf32>
    %jit3A_1116 = arith.constant -1.000000e+30 : f32
    %broadcast_in_dim3A_1117 = vector.broadcast %jit3A_1116 : f32 to vector<16xf32>
    %select_n3A_1118 = arith.select %eq3A_1096, %broadcast_in_dim3A_1117, %get3A_1077 : vector<16xi1>, vector<16xf32>
    %jit3A_1119 = arith.constant -1.000000e+30 : f32
    %broadcast_in_dim3A_1120 = vector.broadcast %jit3A_1119 : f32 to vector<16xf32>
    %select_n3A_1121 = arith.select %eq3A_1097, %broadcast_in_dim3A_1120, %get3A_1082 : vector<16xi1>, vector<16xf32>
    %max3A_1122 = arith.maximumf %select_n3A_1100, %select_n3A_1103 : vector<16xf32>
    %max3A_1123 = arith.maximumf %max3A_1122, %select_n3A_1106 : vector<16xf32>
    %max3A_1124 = arith.maximumf %max3A_1123, %select_n3A_1109 : vector<16xf32>
    %max3A_1125 = arith.maximumf %max3A_1124, %select_n3A_1112 : vector<16xf32>
    %max3A_1126 = arith.maximumf %max3A_1125, %select_n3A_1115 : vector<16xf32>
    %max3A_1127 = arith.maximumf %max3A_1126, %select_n3A_1118 : vector<16xf32>
    %max3A_1128 = arith.maximumf %max3A_1127, %select_n3A_1121 : vector<16xf32>
    %sub3A_1129 = arith.subf %max3A_1128, %max3A_1089 : vector<16xf32>
    %exp3A_1130 = math.exp %sub3A_1129 : vector<16xf32>
    %add3A_1131 = arith.constant 1.000000e+00 : f32
    %add3A_1132 = vector.broadcast %add3A_1131 : f32 to vector<16xf32>
    %add3A_1133 = arith.addf %add3A_1132, %exp3A_1130 : vector<16xf32>
    %div3A_1134 = arith.constant 1.000000e+00 : f32
    %div3A_1135 = vector.broadcast %div3A_1134 : f32 to vector<16xf32>
    %div3A_1136 = arith.divf %div3A_1135, %add3A_1133 : vector<16xf32>
    %add3A_1137 = arith.constant 1.000000e+00 : f32
    %add3A_1138 = vector.broadcast %add3A_1137 : f32 to vector<16xf32>
    %add3A_1139 = arith.addf %add3A_1138, %exp3A_1130 : vector<16xf32>
    %div3A_1140 = arith.divf %exp3A_1130, %add3A_1139 : vector<16xf32>
    %jit3A_1141 = arith.constant 0.000000e+00 : f32
    %broadcast_in_dim3A_1142 = vector.broadcast %jit3A_1141 : f32 to vector<16xf32>
    %select_n3A_1143 = arith.select %eq3A_1090, %div3A_1136, %broadcast_in_dim3A_1142 : vector<16xi1>, vector<16xf32>
    %eq3A_1144 = arith.cmpf oeq, %select_n3A_1100, %max3A_1128 : vector<16xf32>
    %jit3A_1145 = arith.constant 0.000000e+00 : f32
    %broadcast_in_dim3A_1146 = vector.broadcast %jit3A_1145 : f32 to vector<16xf32>
    %select_n3A_1147 = arith.select %eq3A_1144, %div3A_1140, %broadcast_in_dim3A_1146 : vector<16xi1>, vector<16xf32>
    %add3A_1148 = arith.addf %select_n3A_1143, %select_n3A_1147 : vector<16xf32>
    %swap3A_1149 = arith.constant 0 : i32
    %swap3A_1150 = arith.index_cast %swap3A_1149 : i32 to index
    %swap3A_1151 = arith.constant 80 : index
    %swap3A_1152 = tpu.vector_load %arg5[%swap3A_1150, %swap3A_1151] {strides = array<i32>} : memref<8x256xf32, #tpu.memory_space<vmem>>, vector<1x16xf32>,
    %swap3A_1153 = vector.shape_cast %swap3A_1152 : vector<1x16xf32> to vector<16xf32>
    %swap3A_1154 = vector.shape_cast %add3A_1148 : vector<16xf32> to vector<1x16xf32>
    tpu.vector_store %arg5[%swap3A_1150, %swap3A_1151], %swap3A_1154 {strides = array<i32>} : memref<8x256xf32, #tpu.memory_space<vmem>>, vector<1x16xf32>,
    %jit3A_1155 = arith.constant 0.000000e+00 : f32
    %broadcast_in_dim3A_1156 = vector.broadcast %jit3A_1155 : f32 to vector<16xf32>
    %select_n3A_1157 = arith.select %eq3A_1091, %div3A_1136, %broadcast_in_dim3A_1156 : vector<16xi1>, vector<16xf32>
    %eq3A_1158 = arith.cmpf oeq, %select_n3A_1103, %max3A_1128 : vector<16xf32>
    %jit3A_1159 = arith.constant 0.000000e+00 : f32
    %broadcast_in_dim3A_1160 = vector.broadcast %jit3A_1159 : f32 to vector<16xf32>
    %select_n3A_1161 = arith.select %eq3A_1158, %div3A_1140, %broadcast_in_dim3A_1160 : vector<16xi1>, vector<16xf32>
    %add3A_1162 = arith.addf %select_n3A_1157, %select_n3A_1161 : vector<16xf32>
    %swap3A_1163 = arith.constant 1 : i32
    %swap3A_1164 = arith.index_cast %swap3A_1163 : i32 to index
    %swap3A_1165 = arith.constant 80 : index
    %swap3A_1166 = tpu.vector_load %arg5[%swap3A_1164, %swap3A_1165] {strides = array<i32>} : memref<8x256xf32, #tpu.memory_space<vmem>>, vector<1x16xf32>,
    %swap3A_1167 = vector.shape_cast %swap3A_1166 : vector<1x16xf32> to vector<16xf32>
    %swap3A_1168 = vector.shape_cast %add3A_1162 : vector<16xf32> to vector<1x16xf32>
    tpu.vector_store %arg5[%swap3A_1164, %swap3A_1165], %swap3A_1168 {strides = array<i32>} : memref<8x256xf32, #tpu.memory_space<vmem>>, vector<1x16xf32>,
    %jit3A_1169 = arith.constant 0.000000e+00 : f32
    %broadcast_in_dim3A_1170 = vector.broadcast %jit3A_1169 : f32 to vector<16xf32>
    %select_n3A_1171 = arith.select %eq3A_1092, %div3A_1136, %broadcast_in_dim3A_1170 : vector<16xi1>, vector<16xf32>
    %eq3A_1172 = arith.cmpf oeq, %select_n3A_1106, %max3A_1128 : vector<16xf32>
    %jit3A_1173 = arith.constant 0.000000e+00 : f32
    %broadcast_in_dim3A_1174 = vector.broadcast %jit3A_1173 : f32 to vector<16xf32>
    %select_n3A_1175 = arith.select %eq3A_1172, %div3A_1140, %broadcast_in_dim3A_1174 : vector<16xi1>, vector<16xf32>
    %add3A_1176 = arith.addf %select_n3A_1171, %select_n3A_1175 : vector<16xf32>
    %swap3A_1177 = arith.constant 2 : i32
    %swap3A_1178 = arith.index_cast %swap3A_1177 : i32 to index
    %swap3A_1179 = arith.constant 80 : index
    %swap3A_1180 = tpu.vector_load %arg5[%swap3A_1178, %swap3A_1179] {strides = array<i32>} : memref<8x256xf32, #tpu.memory_space<vmem>>, vector<1x16xf32>,
    %swap3A_1181 = vector.shape_cast %swap3A_1180 : vector<1x16xf32> to vector<16xf32>
    %swap3A_1182 = vector.shape_cast %add3A_1176 : vector<16xf32> to vector<1x16xf32>
    tpu.vector_store %arg5[%swap3A_1178, %swap3A_1179], %swap3A_1182 {strides = array<i32>} : memref<8x256xf32, #tpu.memory_space<vmem>>, vector<1x16xf32>,
    %jit3A_1183 = arith.constant 0.000000e+00 : f32
    %broadcast_in_dim3A_1184 = vector.broadcast %jit3A_1183 : f32 to vector<16xf32>
    %select_n3A_1185 = arith.select %eq3A_1093, %div3A_1136, %broadcast_in_dim3A_1184 : vector<16xi1>, vector<16xf32>
    %eq3A_1186 = arith.cmpf oeq, %select_n3A_1109, %max3A_1128 : vector<16xf32>
    %jit3A_1187 = arith.constant 0.000000e+00 : f32
    %broadcast_in_dim3A_1188 = vector.broadcast %jit3A_1187 : f32 to vector<16xf32>
    %select_n3A_1189 = arith.select %eq3A_1186, %div3A_1140, %broadcast_in_dim3A_1188 : vector<16xi1>, vector<16xf32>
    %add3A_1190 = arith.addf %select_n3A_1185, %select_n3A_1189 : vector<16xf32>
    %swap3A_1191 = arith.constant 3 : i32
    %swap3A_1192 = arith.index_cast %swap3A_1191 : i32 to index
    %swap3A_1193 = arith.constant 80 : index
    %swap3A_1194 = tpu.vector_load %arg5[%swap3A_1192, %swap3A_1193] {strides = array<i32>} : memref<8x256xf32, #tpu.memory_space<vmem>>, vector<1x16xf32>,
    %swap3A_1195 = vector.shape_cast %swap3A_1194 : vector<1x16xf32> to vector<16xf32>
    %swap3A_1196 = vector.shape_cast %add3A_1190 : vector<16xf32> to vector<1x16xf32>
    tpu.vector_store %arg5[%swap3A_1192, %swap3A_1193], %swap3A_1196 {strides = array<i32>} : memref<8x256xf32, #tpu.memory_space<vmem>>, vector<1x16xf32>,
    %jit3A_1197 = arith.constant 0.000000e+00 : f32
    %broadcast_in_dim3A_1198 = vector.broadcast %jit3A_1197 : f32 to vector<16xf32>
    %select_n3A_1199 = arith.select %eq3A_1094, %div3A_1136, %broadcast_in_dim3A_1198 : vector<16xi1>, vector<16xf32>
    %eq3A_1200 = arith.cmpf oeq, %select_n3A_1112, %max3A_1128 : vector<16xf32>
    %jit3A_1201 = arith.constant 0.000000e+00 : f32
    %broadcast_in_dim3A_1202 = vector.broadcast %jit3A_1201 : f32 to vector<16xf32>
    %select_n3A_1203 = arith.select %eq3A_1200, %div3A_1140, %broadcast_in_dim3A_1202 : vector<16xi1>, vector<16xf32>
    %add3A_1204 = arith.addf %select_n3A_1199, %select_n3A_1203 : vector<16xf32>
    %swap3A_1205 = arith.constant 4 : i32
    %swap3A_1206 = arith.index_cast %swap3A_1205 : i32 to index
    %swap3A_1207 = arith.constant 80 : index
    %swap3A_1208 = tpu.vector_load %arg5[%swap3A_1206, %swap3A_1207] {strides = array<i32>} : memref<8x256xf32, #tpu.memory_space<vmem>>, vector<1x16xf32>,
    %swap3A_1209 = vector.shape_cast %swap3A_1208 : vector<1x16xf32> to vector<16xf32>
    %swap3A_1210 = vector.shape_cast %add3A_1204 : vector<16xf32> to vector<1x16xf32>
    tpu.vector_store %arg5[%swap3A_1206, %swap3A_1207], %swap3A_1210 {strides = array<i32>} : memref<8x256xf32, #tpu.memory_space<vmem>>, vector<1x16xf32>,
    %jit3A_1211 = arith.constant 0.000000e+00 : f32
    %broadcast_in_dim3A_1212 = vector.broadcast %jit3A_1211 : f32 to vector<16xf32>
    %select_n3A_1213 = arith.select %eq3A_1095, %div3A_1136, %broadcast_in_dim3A_1212 : vector<16xi1>, vector<16xf32>
    %eq3A_1214 = arith.cmpf oeq, %select_n3A_1115, %max3A_1128 : vector<16xf32>
    %jit3A_1215 = arith.constant 0.000000e+00 : f32
    %broadcast_in_dim3A_1216 = vector.broadcast %jit3A_1215 : f32 to vector<16xf32>
    %select_n3A_1217 = arith.select %eq3A_1214, %div3A_1140, %broadcast_in_dim3A_1216 : vector<16xi1>, vector<16xf32>
    %add3A_1218 = arith.addf %select_n3A_1213, %select_n3A_1217 : vector<16xf32>
    %swap3A_1219 = arith.constant 5 : i32
    %swap3A_1220 = arith.index_cast %swap3A_1219 : i32 to index
    %swap3A_1221 = arith.constant 80 : index
    %swap3A_1222 = tpu.vector_load %arg5[%swap3A_1220, %swap3A_1221] {strides = array<i32>} : memref<8x256xf32, #tpu.memory_space<vmem>>, vector<1x16xf32>,
    %swap3A_1223 = vector.shape_cast %swap3A_1222 : vector<1x16xf32> to vector<16xf32>
    %swap3A_1224 = vector.shape_cast %add3A_1218 : vector<16xf32> to vector<1x16xf32>
    tpu.vector_store %arg5[%swap3A_1220, %swap3A_1221], %swap3A_1224 {strides = array<i32>} : memref<8x256xf32, #tpu.memory_space<vmem>>, vector<1x16xf32>,
    %jit3A_1225 = arith.constant 0.000000e+00 : f32
    %broadcast_in_dim3A_1226 = vector.broadcast %jit3A_1225 : f32 to vector<16xf32>
    %select_n3A_1227 = arith.select %eq3A_1096, %div3A_1136, %broadcast_in_dim3A_1226 : vector<16xi1>, vector<16xf32>
    %eq3A_1228 = arith.cmpf oeq, %select_n3A_1118, %max3A_1128 : vector<16xf32>
    %jit3A_1229 = arith.constant 0.000000e+00 : f32
    %broadcast_in_dim3A_1230 = vector.broadcast %jit3A_1229 : f32 to vector<16xf32>
    %select_n3A_1231 = arith.select %eq3A_1228, %div3A_1140, %broadcast_in_dim3A_1230 : vector<16xi1>, vector<16xf32>
    %add3A_1232 = arith.addf %select_n3A_1227, %select_n3A_1231 : vector<16xf32>
    %swap3A_1233 = arith.constant 6 : i32
    %swap3A_1234 = arith.index_cast %swap3A_1233 : i32 to index
    %swap3A_1235 = arith.constant 80 : index
    %swap3A_1236 = tpu.vector_load %arg5[%swap3A_1234, %swap3A_1235] {strides = array<i32>} : memref<8x256xf32, #tpu.memory_space<vmem>>, vector<1x16xf32>,
    %swap3A_1237 = vector.shape_cast %swap3A_1236 : vector<1x16xf32> to vector<16xf32>
    %swap3A_1238 = vector.shape_cast %add3A_1232 : vector<16xf32> to vector<1x16xf32>
    tpu.vector_store %arg5[%swap3A_1234, %swap3A_1235], %swap3A_1238 {strides = array<i32>} : memref<8x256xf32, #tpu.memory_space<vmem>>, vector<1x16xf32>,
    %jit3A_1239 = arith.constant 0.000000e+00 : f32
    %broadcast_in_dim3A_1240 = vector.broadcast %jit3A_1239 : f32 to vector<16xf32>
    %select_n3A_1241 = arith.select %eq3A_1097, %div3A_1136, %broadcast_in_dim3A_1240 : vector<16xi1>, vector<16xf32>
    %eq3A_1242 = arith.cmpf oeq, %select_n3A_1121, %max3A_1128 : vector<16xf32>
    %jit3A_1243 = arith.constant 0.000000e+00 : f32
    %broadcast_in_dim3A_1244 = vector.broadcast %jit3A_1243 : f32 to vector<16xf32>
    %select_n3A_1245 = arith.select %eq3A_1242, %div3A_1140, %broadcast_in_dim3A_1244 : vector<16xi1>, vector<16xf32>
    %add3A_1246 = arith.addf %select_n3A_1241, %select_n3A_1245 : vector<16xf32>
    %swap3A_1247 = arith.constant 7 : i32
    %swap3A_1248 = arith.index_cast %swap3A_1247 : i32 to index
    %swap3A_1249 = arith.constant 80 : index
    %swap3A_1250 = tpu.vector_load %arg5[%swap3A_1248, %swap3A_1249] {strides = array<i32>} : memref<8x256xf32, #tpu.memory_space<vmem>>, vector<1x16xf32>,
    %swap3A_1251 = vector.shape_cast %swap3A_1250 : vector<1x16xf32> to vector<16xf32>
    %swap3A_1252 = vector.shape_cast %add3A_1246 : vector<16xf32> to vector<1x16xf32>
    tpu.vector_store %arg5[%swap3A_1248, %swap3A_1249], %swap3A_1252 {strides = array<i32>} : memref<8x256xf32, #tpu.memory_space<vmem>>, vector<1x16xf32>,
    %get3A_1253 = arith.constant 0 : i32
    %get3A_1254 = arith.index_cast %get3A_1253 : i32 to index
    %get3A_1255 = arith.constant 96 : index
    %get3A_1256 = tpu.vector_load %arg4[%get3A_1254, %get3A_1255] {strides = array<i32>} : memref<8x256xf32, #tpu.memory_space<vmem>>, vector<1x16xf32>,
    %get3A_1257 = vector.shape_cast %get3A_1256 : vector<1x16xf32> to vector<16xf32>
    %get3A_1258 = arith.constant 1 : i32
    %get3A_1259 = arith.index_cast %get3A_1258 : i32 to index
    %get3A_1260 = arith.constant 96 : index
    %get3A_1261 = tpu.vector_load %arg4[%get3A_1259, %get3A_1260] {strides = array<i32>} : memref<8x256xf32, #tpu.memory_space<vmem>>, vector<1x16xf32>,
    %get3A_1262 = vector.shape_cast %get3A_1261 : vector<1x16xf32> to vector<16xf32>
    %get3A_1263 = arith.constant 2 : i32
    %get3A_1264 = arith.index_cast %get3A_1263 : i32 to index
    %get3A_1265 = arith.constant 96 : index
    %get3A_1266 = tpu.vector_load %arg4[%get3A_1264, %get3A_1265] {strides = array<i32>} : memref<8x256xf32, #tpu.memory_space<vmem>>, vector<1x16xf32>,
    %get3A_1267 = vector.shape_cast %get3A_1266 : vector<1x16xf32> to vector<16xf32>
    %get3A_1268 = arith.constant 3 : i32
    %get3A_1269 = arith.index_cast %get3A_1268 : i32 to index
    %get3A_1270 = arith.constant 96 : index
    %get3A_1271 = tpu.vector_load %arg4[%get3A_1269, %get3A_1270] {strides = array<i32>} : memref<8x256xf32, #tpu.memory_space<vmem>>, vector<1x16xf32>,
    %get3A_1272 = vector.shape_cast %get3A_1271 : vector<1x16xf32> to vector<16xf32>
    %get3A_1273 = arith.constant 4 : i32
    %get3A_1274 = arith.index_cast %get3A_1273 : i32 to index
    %get3A_1275 = arith.constant 96 : index
    %get3A_1276 = tpu.vector_load %arg4[%get3A_1274, %get3A_1275] {strides = array<i32>} : memref<8x256xf32, #tpu.memory_space<vmem>>, vector<1x16xf32>,
    %get3A_1277 = vector.shape_cast %get3A_1276 : vector<1x16xf32> to vector<16xf32>
    %get3A_1278 = arith.constant 5 : i32
    %get3A_1279 = arith.index_cast %get3A_1278 : i32 to index
    %get3A_1280 = arith.constant 96 : index
    %get3A_1281 = tpu.vector_load %arg4[%get3A_1279, %get3A_1280] {strides = array<i32>} : memref<8x256xf32, #tpu.memory_space<vmem>>, vector<1x16xf32>,
    %get3A_1282 = vector.shape_cast %get3A_1281 : vector<1x16xf32> to vector<16xf32>
    %get3A_1283 = arith.constant 6 : i32
    %get3A_1284 = arith.index_cast %get3A_1283 : i32 to index
    %get3A_1285 = arith.constant 96 : index
    %get3A_1286 = tpu.vector_load %arg4[%get3A_1284, %get3A_1285] {strides = array<i32>} : memref<8x256xf32, #tpu.memory_space<vmem>>, vector<1x16xf32>,
    %get3A_1287 = vector.shape_cast %get3A_1286 : vector<1x16xf32> to vector<16xf32>
    %get3A_1288 = arith.constant 7 : i32
    %get3A_1289 = arith.index_cast %get3A_1288 : i32 to index
    %get3A_1290 = arith.constant 96 : index
    %get3A_1291 = tpu.vector_load %arg4[%get3A_1289, %get3A_1290] {strides = array<i32>} : memref<8x256xf32, #tpu.memory_space<vmem>>, vector<1x16xf32>,
    %get3A_1292 = vector.shape_cast %get3A_1291 : vector<1x16xf32> to vector<16xf32>
    %max3A_1293 = arith.maximumf %get3A_1257, %get3A_1262 : vector<16xf32>
    %max3A_1294 = arith.maximumf %max3A_1293, %get3A_1267 : vector<16xf32>
    %max3A_1295 = arith.maximumf %max3A_1294, %get3A_1272 : vector<16xf32>
    %max3A_1296 = arith.maximumf %max3A_1295, %get3A_1277 : vector<16xf32>
    %max3A_1297 = arith.maximumf %max3A_1296, %get3A_1282 : vector<16xf32>
    %max3A_1298 = arith.maximumf %max3A_1297, %get3A_1287 : vector<16xf32>
    %max3A_1299 = arith.maximumf %max3A_1298, %get3A_1292 : vector<16xf32>
    %eq3A_1300 = arith.cmpf oeq, %get3A_1257, %max3A_1299 : vector<16xf32>
    %eq3A_1301 = arith.cmpf oeq, %get3A_1262, %max3A_1299 : vector<16xf32>
    %eq3A_1302 = arith.cmpf oeq, %get3A_1267, %max3A_1299 : vector<16xf32>
    %eq3A_1303 = arith.cmpf oeq, %get3A_1272, %max3A_1299 : vector<16xf32>
    %eq3A_1304 = arith.cmpf oeq, %get3A_1277, %max3A_1299 : vector<16xf32>
    %eq3A_1305 = arith.cmpf oeq, %get3A_1282, %max3A_1299 : vector<16xf32>
    %eq3A_1306 = arith.cmpf oeq, %get3A_1287, %max3A_1299 : vector<16xf32>
    %eq3A_1307 = arith.cmpf oeq, %get3A_1292, %max3A_1299 : vector<16xf32>
    %jit3A_1308 = arith.constant -1.000000e+30 : f32
    %broadcast_in_dim3A_1309 = vector.broadcast %jit3A_1308 : f32 to vector<16xf32>
    %select_n3A_1310 = arith.select %eq3A_1300, %broadcast_in_dim3A_1309, %get3A_1257 : vector<16xi1>, vector<16xf32>
    %jit3A_1311 = arith.constant -1.000000e+30 : f32
    %broadcast_in_dim3A_1312 = vector.broadcast %jit3A_1311 : f32 to vector<16xf32>
    %select_n3A_1313 = arith.select %eq3A_1301, %broadcast_in_dim3A_1312, %get3A_1262 : vector<16xi1>, vector<16xf32>
    %jit3A_1314 = arith.constant -1.000000e+30 : f32
    %broadcast_in_dim3A_1315 = vector.broadcast %jit3A_1314 : f32 to vector<16xf32>
    %select_n3A_1316 = arith.select %eq3A_1302, %broadcast_in_dim3A_1315, %get3A_1267 : vector<16xi1>, vector<16xf32>
    %jit3A_1317 = arith.constant -1.000000e+30 : f32
    %broadcast_in_dim3A_1318 = vector.broadcast %jit3A_1317 : f32 to vector<16xf32>
    %select_n3A_1319 = arith.select %eq3A_1303, %broadcast_in_dim3A_1318, %get3A_1272 : vector<16xi1>, vector<16xf32>
    %jit3A_1320 = arith.constant -1.000000e+30 : f32
    %broadcast_in_dim3A_1321 = vector.broadcast %jit3A_1320 : f32 to vector<16xf32>
    %select_n3A_1322 = arith.select %eq3A_1304, %broadcast_in_dim3A_1321, %get3A_1277 : vector<16xi1>, vector<16xf32>
    %jit3A_1323 = arith.constant -1.000000e+30 : f32
    %broadcast_in_dim3A_1324 = vector.broadcast %jit3A_1323 : f32 to vector<16xf32>
    %select_n3A_1325 = arith.select %eq3A_1305, %broadcast_in_dim3A_1324, %get3A_1282 : vector<16xi1>, vector<16xf32>
    %jit3A_1326 = arith.constant -1.000000e+30 : f32
    %broadcast_in_dim3A_1327 = vector.broadcast %jit3A_1326 : f32 to vector<16xf32>
    %select_n3A_1328 = arith.select %eq3A_1306, %broadcast_in_dim3A_1327, %get3A_1287 : vector<16xi1>, vector<16xf32>
    %jit3A_1329 = arith.constant -1.000000e+30 : f32
    %broadcast_in_dim3A_1330 = vector.broadcast %jit3A_1329 : f32 to vector<16xf32>
    %select_n3A_1331 = arith.select %eq3A_1307, %broadcast_in_dim3A_1330, %get3A_1292 : vector<16xi1>, vector<16xf32>
    %max3A_1332 = arith.maximumf %select_n3A_1310, %select_n3A_1313 : vector<16xf32>
    %max3A_1333 = arith.maximumf %max3A_1332, %select_n3A_1316 : vector<16xf32>
    %max3A_1334 = arith.maximumf %max3A_1333, %select_n3A_1319 : vector<16xf32>
    %max3A_1335 = arith.maximumf %max3A_1334, %select_n3A_1322 : vector<16xf32>
    %max3A_1336 = arith.maximumf %max3A_1335, %select_n3A_1325 : vector<16xf32>
    %max3A_1337 = arith.maximumf %max3A_1336, %select_n3A_1328 : vector<16xf32>
    %max3A_1338 = arith.maximumf %max3A_1337, %select_n3A_1331 : vector<16xf32>
    %sub3A_1339 = arith.subf %max3A_1338, %max3A_1299 : vector<16xf32>
    %exp3A_1340 = math.exp %sub3A_1339 : vector<16xf32>
    %add3A_1341 = arith.constant 1.000000e+00 : f32
    %add3A_1342 = vector.broadcast %add3A_1341 : f32 to vector<16xf32>
    %add3A_1343 = arith.addf %add3A_1342, %exp3A_1340 : vector<16xf32>
    %div3A_1344 = arith.constant 1.000000e+00 : f32
    %div3A_1345 = vector.broadcast %div3A_1344 : f32 to vector<16xf32>
    %div3A_1346 = arith.divf %div3A_1345, %add3A_1343 : vector<16xf32>
    %add3A_1347 = arith.constant 1.000000e+00 : f32
    %add3A_1348 = vector.broadcast %add3A_1347 : f32 to vector<16xf32>
    %add3A_1349 = arith.addf %add3A_1348, %exp3A_1340 : vector<16xf32>
    %div3A_1350 = arith.divf %exp3A_1340, %add3A_1349 : vector<16xf32>
    %jit3A_1351 = arith.constant 0.000000e+00 : f32
    %broadcast_in_dim3A_1352 = vector.broadcast %jit3A_1351 : f32 to vector<16xf32>
    %select_n3A_1353 = arith.select %eq3A_1300, %div3A_1346, %broadcast_in_dim3A_1352 : vector<16xi1>, vector<16xf32>
    %eq3A_1354 = arith.cmpf oeq, %select_n3A_1310, %max3A_1338 : vector<16xf32>
    %jit3A_1355 = arith.constant 0.000000e+00 : f32
    %broadcast_in_dim3A_1356 = vector.broadcast %jit3A_1355 : f32 to vector<16xf32>
    %select_n3A_1357 = arith.select %eq3A_1354, %div3A_1350, %broadcast_in_dim3A_1356 : vector<16xi1>, vector<16xf32>
    %add3A_1358 = arith.addf %select_n3A_1353, %select_n3A_1357 : vector<16xf32>
    %swap3A_1359 = arith.constant 0 : i32
    %swap3A_1360 = arith.index_cast %swap3A_1359 : i32 to index
    %swap3A_1361 = arith.constant 96 : index
    %swap3A_1362 = tpu.vector_load %arg5[%swap3A_1360, %swap3A_1361] {strides = array<i32>} : memref<8x256xf32, #tpu.memory_space<vmem>>, vector<1x16xf32>,
    %swap3A_1363 = vector.shape_cast %swap3A_1362 : vector<1x16xf32> to vector<16xf32>
    %swap3A_1364 = vector.shape_cast %add3A_1358 : vector<16xf32> to vector<1x16xf32>
    tpu.vector_store %arg5[%swap3A_1360, %swap3A_1361], %swap3A_1364 {strides = array<i32>} : memref<8x256xf32, #tpu.memory_space<vmem>>, vector<1x16xf32>,
    %jit3A_1365 = arith.constant 0.000000e+00 : f32
    %broadcast_in_dim3A_1366 = vector.broadcast %jit3A_1365 : f32 to vector<16xf32>
    %select_n3A_1367 = arith.select %eq3A_1301, %div3A_1346, %broadcast_in_dim3A_1366 : vector<16xi1>, vector<16xf32>
    %eq3A_1368 = arith.cmpf oeq, %select_n3A_1313, %max3A_1338 : vector<16xf32>
    %jit3A_1369 = arith.constant 0.000000e+00 : f32
    %broadcast_in_dim3A_1370 = vector.broadcast %jit3A_1369 : f32 to vector<16xf32>
    %select_n3A_1371 = arith.select %eq3A_1368, %div3A_1350, %broadcast_in_dim3A_1370 : vector<16xi1>, vector<16xf32>
    %add3A_1372 = arith.addf %select_n3A_1367, %select_n3A_1371 : vector<16xf32>
    %swap3A_1373 = arith.constant 1 : i32
    %swap3A_1374 = arith.index_cast %swap3A_1373 : i32 to index
    %swap3A_1375 = arith.constant 96 : index
    %swap3A_1376 = tpu.vector_load %arg5[%swap3A_1374, %swap3A_1375] {strides = array<i32>} : memref<8x256xf32, #tpu.memory_space<vmem>>, vector<1x16xf32>,
    %swap3A_1377 = vector.shape_cast %swap3A_1376 : vector<1x16xf32> to vector<16xf32>
    %swap3A_1378 = vector.shape_cast %add3A_1372 : vector<16xf32> to vector<1x16xf32>
    tpu.vector_store %arg5[%swap3A_1374, %swap3A_1375], %swap3A_1378 {strides = array<i32>} : memref<8x256xf32, #tpu.memory_space<vmem>>, vector<1x16xf32>,
    %jit3A_1379 = arith.constant 0.000000e+00 : f32
    %broadcast_in_dim3A_1380 = vector.broadcast %jit3A_1379 : f32 to vector<16xf32>
    %select_n3A_1381 = arith.select %eq3A_1302, %div3A_1346, %broadcast_in_dim3A_1380 : vector<16xi1>, vector<16xf32>
    %eq3A_1382 = arith.cmpf oeq, %select_n3A_1316, %max3A_1338 : vector<16xf32>
    %jit3A_1383 = arith.constant 0.000000e+00 : f32
    %broadcast_in_dim3A_1384 = vector.broadcast %jit3A_1383 : f32 to vector<16xf32>
    %select_n3A_1385 = arith.select %eq3A_1382, %div3A_1350, %broadcast_in_dim3A_1384 : vector<16xi1>, vector<16xf32>
    %add3A_1386 = arith.addf %select_n3A_1381, %select_n3A_1385 : vector<16xf32>
    %swap3A_1387 = arith.constant 2 : i32
    %swap3A_1388 = arith.index_cast %swap3A_1387 : i32 to index
    %swap3A_1389 = arith.constant 96 : index
    %swap3A_1390 = tpu.vector_load %arg5[%swap3A_1388, %swap3A_1389] {strides = array<i32>} : memref<8x256xf32, #tpu.memory_space<vmem>>, vector<1x16xf32>,
    %swap3A_1391 = vector.shape_cast %swap3A_1390 : vector<1x16xf32> to vector<16xf32>
    %swap3A_1392 = vector.shape_cast %add3A_1386 : vector<16xf32> to vector<1x16xf32>
    tpu.vector_store %arg5[%swap3A_1388, %swap3A_1389], %swap3A_1392 {strides = array<i32>} : memref<8x256xf32, #tpu.memory_space<vmem>>, vector<1x16xf32>,
    %jit3A_1393 = arith.constant 0.000000e+00 : f32
    %broadcast_in_dim3A_1394 = vector.broadcast %jit3A_1393 : f32 to vector<16xf32>
    %select_n3A_1395 = arith.select %eq3A_1303, %div3A_1346, %broadcast_in_dim3A_1394 : vector<16xi1>, vector<16xf32>
    %eq3A_1396 = arith.cmpf oeq, %select_n3A_1319, %max3A_1338 : vector<16xf32>
    %jit3A_1397 = arith.constant 0.000000e+00 : f32
    %broadcast_in_dim3A_1398 = vector.broadcast %jit3A_1397 : f32 to vector<16xf32>
    %select_n3A_1399 = arith.select %eq3A_1396, %div3A_1350, %broadcast_in_dim3A_1398 : vector<16xi1>, vector<16xf32>
    %add3A_1400 = arith.addf %select_n3A_1395, %select_n3A_1399 : vector<16xf32>
    %swap3A_1401 = arith.constant 3 : i32
    %swap3A_1402 = arith.index_cast %swap3A_1401 : i32 to index
    %swap3A_1403 = arith.constant 96 : index
    %swap3A_1404 = tpu.vector_load %arg5[%swap3A_1402, %swap3A_1403] {strides = array<i32>} : memref<8x256xf32, #tpu.memory_space<vmem>>, vector<1x16xf32>,
    %swap3A_1405 = vector.shape_cast %swap3A_1404 : vector<1x16xf32> to vector<16xf32>
    %swap3A_1406 = vector.shape_cast %add3A_1400 : vector<16xf32> to vector<1x16xf32>
    tpu.vector_store %arg5[%swap3A_1402, %swap3A_1403], %swap3A_1406 {strides = array<i32>} : memref<8x256xf32, #tpu.memory_space<vmem>>, vector<1x16xf32>,
    %jit3A_1407 = arith.constant 0.000000e+00 : f32
    %broadcast_in_dim3A_1408 = vector.broadcast %jit3A_1407 : f32 to vector<16xf32>
    %select_n3A_1409 = arith.select %eq3A_1304, %div3A_1346, %broadcast_in_dim3A_1408 : vector<16xi1>, vector<16xf32>
    %eq3A_1410 = arith.cmpf oeq, %select_n3A_1322, %max3A_1338 : vector<16xf32>
    %jit3A_1411 = arith.constant 0.000000e+00 : f32
    %broadcast_in_dim3A_1412 = vector.broadcast %jit3A_1411 : f32 to vector<16xf32>
    %select_n3A_1413 = arith.select %eq3A_1410, %div3A_1350, %broadcast_in_dim3A_1412 : vector<16xi1>, vector<16xf32>
    %add3A_1414 = arith.addf %select_n3A_1409, %select_n3A_1413 : vector<16xf32>
    %swap3A_1415 = arith.constant 4 : i32
    %swap3A_1416 = arith.index_cast %swap3A_1415 : i32 to index
    %swap3A_1417 = arith.constant 96 : index
    %swap3A_1418 = tpu.vector_load %arg5[%swap3A_1416, %swap3A_1417] {strides = array<i32>} : memref<8x256xf32, #tpu.memory_space<vmem>>, vector<1x16xf32>,
    %swap3A_1419 = vector.shape_cast %swap3A_1418 : vector<1x16xf32> to vector<16xf32>
    %swap3A_1420 = vector.shape_cast %add3A_1414 : vector<16xf32> to vector<1x16xf32>
    tpu.vector_store %arg5[%swap3A_1416, %swap3A_1417], %swap3A_1420 {strides = array<i32>} : memref<8x256xf32, #tpu.memory_space<vmem>>, vector<1x16xf32>,
    %jit3A_1421 = arith.constant 0.000000e+00 : f32
    %broadcast_in_dim3A_1422 = vector.broadcast %jit3A_1421 : f32 to vector<16xf32>
    %select_n3A_1423 = arith.select %eq3A_1305, %div3A_1346, %broadcast_in_dim3A_1422 : vector<16xi1>, vector<16xf32>
    %eq3A_1424 = arith.cmpf oeq, %select_n3A_1325, %max3A_1338 : vector<16xf32>
    %jit3A_1425 = arith.constant 0.000000e+00 : f32
    %broadcast_in_dim3A_1426 = vector.broadcast %jit3A_1425 : f32 to vector<16xf32>
    %select_n3A_1427 = arith.select %eq3A_1424, %div3A_1350, %broadcast_in_dim3A_1426 : vector<16xi1>, vector<16xf32>
    %add3A_1428 = arith.addf %select_n3A_1423, %select_n3A_1427 : vector<16xf32>
    %swap3A_1429 = arith.constant 5 : i32
    %swap3A_1430 = arith.index_cast %swap3A_1429 : i32 to index
    %swap3A_1431 = arith.constant 96 : index
    %swap3A_1432 = tpu.vector_load %arg5[%swap3A_1430, %swap3A_1431] {strides = array<i32>} : memref<8x256xf32, #tpu.memory_space<vmem>>, vector<1x16xf32>,
    %swap3A_1433 = vector.shape_cast %swap3A_1432 : vector<1x16xf32> to vector<16xf32>
    %swap3A_1434 = vector.shape_cast %add3A_1428 : vector<16xf32> to vector<1x16xf32>
    tpu.vector_store %arg5[%swap3A_1430, %swap3A_1431], %swap3A_1434 {strides = array<i32>} : memref<8x256xf32, #tpu.memory_space<vmem>>, vector<1x16xf32>,
    %jit3A_1435 = arith.constant 0.000000e+00 : f32
    %broadcast_in_dim3A_1436 = vector.broadcast %jit3A_1435 : f32 to vector<16xf32>
    %select_n3A_1437 = arith.select %eq3A_1306, %div3A_1346, %broadcast_in_dim3A_1436 : vector<16xi1>, vector<16xf32>
    %eq3A_1438 = arith.cmpf oeq, %select_n3A_1328, %max3A_1338 : vector<16xf32>
    %jit3A_1439 = arith.constant 0.000000e+00 : f32
    %broadcast_in_dim3A_1440 = vector.broadcast %jit3A_1439 : f32 to vector<16xf32>
    %select_n3A_1441 = arith.select %eq3A_1438, %div3A_1350, %broadcast_in_dim3A_1440 : vector<16xi1>, vector<16xf32>
    %add3A_1442 = arith.addf %select_n3A_1437, %select_n3A_1441 : vector<16xf32>
    %swap3A_1443 = arith.constant 6 : i32
    %swap3A_1444 = arith.index_cast %swap3A_1443 : i32 to index
    %swap3A_1445 = arith.constant 96 : index
    %swap3A_1446 = tpu.vector_load %arg5[%swap3A_1444, %swap3A_1445] {strides = array<i32>} : memref<8x256xf32, #tpu.memory_space<vmem>>, vector<1x16xf32>,
    %swap3A_1447 = vector.shape_cast %swap3A_1446 : vector<1x16xf32> to vector<16xf32>
    %swap3A_1448 = vector.shape_cast %add3A_1442 : vector<16xf32> to vector<1x16xf32>
    tpu.vector_store %arg5[%swap3A_1444, %swap3A_1445], %swap3A_1448 {strides = array<i32>} : memref<8x256xf32, #tpu.memory_space<vmem>>, vector<1x16xf32>,
    %jit3A_1449 = arith.constant 0.000000e+00 : f32
    %broadcast_in_dim3A_1450 = vector.broadcast %jit3A_1449 : f32 to vector<16xf32>
    %select_n3A_1451 = arith.select %eq3A_1307, %div3A_1346, %broadcast_in_dim3A_1450 : vector<16xi1>, vector<16xf32>
    %eq3A_1452 = arith.cmpf oeq, %select_n3A_1331, %max3A_1338 : vector<16xf32>
    %jit3A_1453 = arith.constant 0.000000e+00 : f32
    %broadcast_in_dim3A_1454 = vector.broadcast %jit3A_1453 : f32 to vector<16xf32>
    %select_n3A_1455 = arith.select %eq3A_1452, %div3A_1350, %broadcast_in_dim3A_1454 : vector<16xi1>, vector<16xf32>
    %add3A_1456 = arith.addf %select_n3A_1451, %select_n3A_1455 : vector<16xf32>
    %swap3A_1457 = arith.constant 7 : i32
    %swap3A_1458 = arith.index_cast %swap3A_1457 : i32 to index
    %swap3A_1459 = arith.constant 96 : index
    %swap3A_1460 = tpu.vector_load %arg5[%swap3A_1458, %swap3A_1459] {strides = array<i32>} : memref<8x256xf32, #tpu.memory_space<vmem>>, vector<1x16xf32>,
    %swap3A_1461 = vector.shape_cast %swap3A_1460 : vector<1x16xf32> to vector<16xf32>
    %swap3A_1462 = vector.shape_cast %add3A_1456 : vector<16xf32> to vector<1x16xf32>
    tpu.vector_store %arg5[%swap3A_1458, %swap3A_1459], %swap3A_1462 {strides = array<i32>} : memref<8x256xf32, #tpu.memory_space<vmem>>, vector<1x16xf32>,
    %get3A_1463 = arith.constant 0 : i32
    %get3A_1464 = arith.index_cast %get3A_1463 : i32 to index
    %get3A_1465 = arith.constant 112 : index
    %get3A_1466 = tpu.vector_load %arg4[%get3A_1464, %get3A_1465] {strides = array<i32>} : memref<8x256xf32, #tpu.memory_space<vmem>>, vector<1x16xf32>,
    %get3A_1467 = vector.shape_cast %get3A_1466 : vector<1x16xf32> to vector<16xf32>
    %get3A_1468 = arith.constant 1 : i32
    %get3A_1469 = arith.index_cast %get3A_1468 : i32 to index
    %get3A_1470 = arith.constant 112 : index
    %get3A_1471 = tpu.vector_load %arg4[%get3A_1469, %get3A_1470] {strides = array<i32>} : memref<8x256xf32, #tpu.memory_space<vmem>>, vector<1x16xf32>,
    %get3A_1472 = vector.shape_cast %get3A_1471 : vector<1x16xf32> to vector<16xf32>
    %get3A_1473 = arith.constant 2 : i32
    %get3A_1474 = arith.index_cast %get3A_1473 : i32 to index
    %get3A_1475 = arith.constant 112 : index
    %get3A_1476 = tpu.vector_load %arg4[%get3A_1474, %get3A_1475] {strides = array<i32>} : memref<8x256xf32, #tpu.memory_space<vmem>>, vector<1x16xf32>,
    %get3A_1477 = vector.shape_cast %get3A_1476 : vector<1x16xf32> to vector<16xf32>
    %get3A_1478 = arith.constant 3 : i32
    %get3A_1479 = arith.index_cast %get3A_1478 : i32 to index
    %get3A_1480 = arith.constant 112 : index
    %get3A_1481 = tpu.vector_load %arg4[%get3A_1479, %get3A_1480] {strides = array<i32>} : memref<8x256xf32, #tpu.memory_space<vmem>>, vector<1x16xf32>,
    %get3A_1482 = vector.shape_cast %get3A_1481 : vector<1x16xf32> to vector<16xf32>
    %get3A_1483 = arith.constant 4 : i32
    %get3A_1484 = arith.index_cast %get3A_1483 : i32 to index
    %get3A_1485 = arith.constant 112 : index
    %get3A_1486 = tpu.vector_load %arg4[%get3A_1484, %get3A_1485] {strides = array<i32>} : memref<8x256xf32, #tpu.memory_space<vmem>>, vector<1x16xf32>,
    %get3A_1487 = vector.shape_cast %get3A_1486 : vector<1x16xf32> to vector<16xf32>
    %get3A_1488 = arith.constant 5 : i32
    %get3A_1489 = arith.index_cast %get3A_1488 : i32 to index
    %get3A_1490 = arith.constant 112 : index
    %get3A_1491 = tpu.vector_load %arg4[%get3A_1489, %get3A_1490] {strides = array<i32>} : memref<8x256xf32, #tpu.memory_space<vmem>>, vector<1x16xf32>,
    %get3A_1492 = vector.shape_cast %get3A_1491 : vector<1x16xf32> to vector<16xf32>
    %get3A_1493 = arith.constant 6 : i32
    %get3A_1494 = arith.index_cast %get3A_1493 : i32 to index
    %get3A_1495 = arith.constant 112 : index
    %get3A_1496 = tpu.vector_load %arg4[%get3A_1494, %get3A_1495] {strides = array<i32>} : memref<8x256xf32, #tpu.memory_space<vmem>>, vector<1x16xf32>,
    %get3A_1497 = vector.shape_cast %get3A_1496 : vector<1x16xf32> to vector<16xf32>
    %get3A_1498 = arith.constant 7 : i32
    %get3A_1499 = arith.index_cast %get3A_1498 : i32 to index
    %get3A_1500 = arith.constant 112 : index
    %get3A_1501 = tpu.vector_load %arg4[%get3A_1499, %get3A_1500] {strides = array<i32>} : memref<8x256xf32, #tpu.memory_space<vmem>>, vector<1x16xf32>,
    %get3A_1502 = vector.shape_cast %get3A_1501 : vector<1x16xf32> to vector<16xf32>
    %max3A_1503 = arith.maximumf %get3A_1467, %get3A_1472 : vector<16xf32>
    %max3A_1504 = arith.maximumf %max3A_1503, %get3A_1477 : vector<16xf32>
    %max3A_1505 = arith.maximumf %max3A_1504, %get3A_1482 : vector<16xf32>
    %max3A_1506 = arith.maximumf %max3A_1505, %get3A_1487 : vector<16xf32>
    %max3A_1507 = arith.maximumf %max3A_1506, %get3A_1492 : vector<16xf32>
    %max3A_1508 = arith.maximumf %max3A_1507, %get3A_1497 : vector<16xf32>
    %max3A_1509 = arith.maximumf %max3A_1508, %get3A_1502 : vector<16xf32>
    %eq3A_1510 = arith.cmpf oeq, %get3A_1467, %max3A_1509 : vector<16xf32>
    %eq3A_1511 = arith.cmpf oeq, %get3A_1472, %max3A_1509 : vector<16xf32>
    %eq3A_1512 = arith.cmpf oeq, %get3A_1477, %max3A_1509 : vector<16xf32>
    %eq3A_1513 = arith.cmpf oeq, %get3A_1482, %max3A_1509 : vector<16xf32>
    %eq3A_1514 = arith.cmpf oeq, %get3A_1487, %max3A_1509 : vector<16xf32>
    %eq3A_1515 = arith.cmpf oeq, %get3A_1492, %max3A_1509 : vector<16xf32>
    %eq3A_1516 = arith.cmpf oeq, %get3A_1497, %max3A_1509 : vector<16xf32>
    %eq3A_1517 = arith.cmpf oeq, %get3A_1502, %max3A_1509 : vector<16xf32>
    %jit3A_1518 = arith.constant -1.000000e+30 : f32
    %broadcast_in_dim3A_1519 = vector.broadcast %jit3A_1518 : f32 to vector<16xf32>
    %select_n3A_1520 = arith.select %eq3A_1510, %broadcast_in_dim3A_1519, %get3A_1467 : vector<16xi1>, vector<16xf32>
    %jit3A_1521 = arith.constant -1.000000e+30 : f32
    %broadcast_in_dim3A_1522 = vector.broadcast %jit3A_1521 : f32 to vector<16xf32>
    %select_n3A_1523 = arith.select %eq3A_1511, %broadcast_in_dim3A_1522, %get3A_1472 : vector<16xi1>, vector<16xf32>
    %jit3A_1524 = arith.constant -1.000000e+30 : f32
    %broadcast_in_dim3A_1525 = vector.broadcast %jit3A_1524 : f32 to vector<16xf32>
    %select_n3A_1526 = arith.select %eq3A_1512, %broadcast_in_dim3A_1525, %get3A_1477 : vector<16xi1>, vector<16xf32>
    %jit3A_1527 = arith.constant -1.000000e+30 : f32
    %broadcast_in_dim3A_1528 = vector.broadcast %jit3A_1527 : f32 to vector<16xf32>
    %select_n3A_1529 = arith.select %eq3A_1513, %broadcast_in_dim3A_1528, %get3A_1482 : vector<16xi1>, vector<16xf32>
    %jit3A_1530 = arith.constant -1.000000e+30 : f32
    %broadcast_in_dim3A_1531 = vector.broadcast %jit3A_1530 : f32 to vector<16xf32>
    %select_n3A_1532 = arith.select %eq3A_1514, %broadcast_in_dim3A_1531, %get3A_1487 : vector<16xi1>, vector<16xf32>
    %jit3A_1533 = arith.constant -1.000000e+30 : f32
    %broadcast_in_dim3A_1534 = vector.broadcast %jit3A_1533 : f32 to vector<16xf32>
    %select_n3A_1535 = arith.select %eq3A_1515, %broadcast_in_dim3A_1534, %get3A_1492 : vector<16xi1>, vector<16xf32>
    %jit3A_1536 = arith.constant -1.000000e+30 : f32
    %broadcast_in_dim3A_1537 = vector.broadcast %jit3A_1536 : f32 to vector<16xf32>
    %select_n3A_1538 = arith.select %eq3A_1516, %broadcast_in_dim3A_1537, %get3A_1497 : vector<16xi1>, vector<16xf32>
    %jit3A_1539 = arith.constant -1.000000e+30 : f32
    %broadcast_in_dim3A_1540 = vector.broadcast %jit3A_1539 : f32 to vector<16xf32>
    %select_n3A_1541 = arith.select %eq3A_1517, %broadcast_in_dim3A_1540, %get3A_1502 : vector<16xi1>, vector<16xf32>
    %max3A_1542 = arith.maximumf %select_n3A_1520, %select_n3A_1523 : vector<16xf32>
    %max3A_1543 = arith.maximumf %max3A_1542, %select_n3A_1526 : vector<16xf32>
    %max3A_1544 = arith.maximumf %max3A_1543, %select_n3A_1529 : vector<16xf32>
    %max3A_1545 = arith.maximumf %max3A_1544, %select_n3A_1532 : vector<16xf32>
    %max3A_1546 = arith.maximumf %max3A_1545, %select_n3A_1535 : vector<16xf32>
    %max3A_1547 = arith.maximumf %max3A_1546, %select_n3A_1538 : vector<16xf32>
    %max3A_1548 = arith.maximumf %max3A_1547, %select_n3A_1541 : vector<16xf32>
    %sub3A_1549 = arith.subf %max3A_1548, %max3A_1509 : vector<16xf32>
    %exp3A_1550 = math.exp %sub3A_1549 : vector<16xf32>
    %add3A_1551 = arith.constant 1.000000e+00 : f32
    %add3A_1552 = vector.broadcast %add3A_1551 : f32 to vector<16xf32>
    %add3A_1553 = arith.addf %add3A_1552, %exp3A_1550 : vector<16xf32>
    %div3A_1554 = arith.constant 1.000000e+00 : f32
    %div3A_1555 = vector.broadcast %div3A_1554 : f32 to vector<16xf32>
    %div3A_1556 = arith.divf %div3A_1555, %add3A_1553 : vector<16xf32>
    %add3A_1557 = arith.constant 1.000000e+00 : f32
    %add3A_1558 = vector.broadcast %add3A_1557 : f32 to vector<16xf32>
    %add3A_1559 = arith.addf %add3A_1558, %exp3A_1550 : vector<16xf32>
    %div3A_1560 = arith.divf %exp3A_1550, %add3A_1559 : vector<16xf32>
    %jit3A_1561 = arith.constant 0.000000e+00 : f32
    %broadcast_in_dim3A_1562 = vector.broadcast %jit3A_1561 : f32 to vector<16xf32>
    %select_n3A_1563 = arith.select %eq3A_1510, %div3A_1556, %broadcast_in_dim3A_1562 : vector<16xi1>, vector<16xf32>
    %eq3A_1564 = arith.cmpf oeq, %select_n3A_1520, %max3A_1548 : vector<16xf32>
    %jit3A_1565 = arith.constant 0.000000e+00 : f32
    %broadcast_in_dim3A_1566 = vector.broadcast %jit3A_1565 : f32 to vector<16xf32>
    %select_n3A_1567 = arith.select %eq3A_1564, %div3A_1560, %broadcast_in_dim3A_1566 : vector<16xi1>, vector<16xf32>
    %add3A_1568 = arith.addf %select_n3A_1563, %select_n3A_1567 : vector<16xf32>
    %swap3A_1569 = arith.constant 0 : i32
    %swap3A_1570 = arith.index_cast %swap3A_1569 : i32 to index
    %swap3A_1571 = arith.constant 112 : index
    %swap3A_1572 = tpu.vector_load %arg5[%swap3A_1570, %swap3A_1571] {strides = array<i32>} : memref<8x256xf32, #tpu.memory_space<vmem>>, vector<1x16xf32>,
    %swap3A_1573 = vector.shape_cast %swap3A_1572 : vector<1x16xf32> to vector<16xf32>
    %swap3A_1574 = vector.shape_cast %add3A_1568 : vector<16xf32> to vector<1x16xf32>
    tpu.vector_store %arg5[%swap3A_1570, %swap3A_1571], %swap3A_1574 {strides = array<i32>} : memref<8x256xf32, #tpu.memory_space<vmem>>, vector<1x16xf32>,
    %jit3A_1575 = arith.constant 0.000000e+00 : f32
    %broadcast_in_dim3A_1576 = vector.broadcast %jit3A_1575 : f32 to vector<16xf32>
    %select_n3A_1577 = arith.select %eq3A_1511, %div3A_1556, %broadcast_in_dim3A_1576 : vector<16xi1>, vector<16xf32>
    %eq3A_1578 = arith.cmpf oeq, %select_n3A_1523, %max3A_1548 : vector<16xf32>
    %jit3A_1579 = arith.constant 0.000000e+00 : f32
    %broadcast_in_dim3A_1580 = vector.broadcast %jit3A_1579 : f32 to vector<16xf32>
    %select_n3A_1581 = arith.select %eq3A_1578, %div3A_1560, %broadcast_in_dim3A_1580 : vector<16xi1>, vector<16xf32>
    %add3A_1582 = arith.addf %select_n3A_1577, %select_n3A_1581 : vector<16xf32>
    %swap3A_1583 = arith.constant 1 : i32
    %swap3A_1584 = arith.index_cast %swap3A_1583 : i32 to index
    %swap3A_1585 = arith.constant 112 : index
    %swap3A_1586 = tpu.vector_load %arg5[%swap3A_1584, %swap3A_1585] {strides = array<i32>} : memref<8x256xf32, #tpu.memory_space<vmem>>, vector<1x16xf32>,
    %swap3A_1587 = vector.shape_cast %swap3A_1586 : vector<1x16xf32> to vector<16xf32>
    %swap3A_1588 = vector.shape_cast %add3A_1582 : vector<16xf32> to vector<1x16xf32>
    tpu.vector_store %arg5[%swap3A_1584, %swap3A_1585], %swap3A_1588 {strides = array<i32>} : memref<8x256xf32, #tpu.memory_space<vmem>>, vector<1x16xf32>,
    %jit3A_1589 = arith.constant 0.000000e+00 : f32
    %broadcast_in_dim3A_1590 = vector.broadcast %jit3A_1589 : f32 to vector<16xf32>
    %select_n3A_1591 = arith.select %eq3A_1512, %div3A_1556, %broadcast_in_dim3A_1590 : vector<16xi1>, vector<16xf32>
    %eq3A_1592 = arith.cmpf oeq, %select_n3A_1526, %max3A_1548 : vector<16xf32>
    %jit3A_1593 = arith.constant 0.000000e+00 : f32
    %broadcast_in_dim3A_1594 = vector.broadcast %jit3A_1593 : f32 to vector<16xf32>
    %select_n3A_1595 = arith.select %eq3A_1592, %div3A_1560, %broadcast_in_dim3A_1594 : vector<16xi1>, vector<16xf32>
    %add3A_1596 = arith.addf %select_n3A_1591, %select_n3A_1595 : vector<16xf32>
    %swap3A_1597 = arith.constant 2 : i32
    %swap3A_1598 = arith.index_cast %swap3A_1597 : i32 to index
    %swap3A_1599 = arith.constant 112 : index
    %swap3A_1600 = tpu.vector_load %arg5[%swap3A_1598, %swap3A_1599] {strides = array<i32>} : memref<8x256xf32, #tpu.memory_space<vmem>>, vector<1x16xf32>,
    %swap3A_1601 = vector.shape_cast %swap3A_1600 : vector<1x16xf32> to vector<16xf32>
    %swap3A_1602 = vector.shape_cast %add3A_1596 : vector<16xf32> to vector<1x16xf32>
    tpu.vector_store %arg5[%swap3A_1598, %swap3A_1599], %swap3A_1602 {strides = array<i32>} : memref<8x256xf32, #tpu.memory_space<vmem>>, vector<1x16xf32>,
    %jit3A_1603 = arith.constant 0.000000e+00 : f32
    %broadcast_in_dim3A_1604 = vector.broadcast %jit3A_1603 : f32 to vector<16xf32>
    %select_n3A_1605 = arith.select %eq3A_1513, %div3A_1556, %broadcast_in_dim3A_1604 : vector<16xi1>, vector<16xf32>
    %eq3A_1606 = arith.cmpf oeq, %select_n3A_1529, %max3A_1548 : vector<16xf32>
    %jit3A_1607 = arith.constant 0.000000e+00 : f32
    %broadcast_in_dim3A_1608 = vector.broadcast %jit3A_1607 : f32 to vector<16xf32>
    %select_n3A_1609 = arith.select %eq3A_1606, %div3A_1560, %broadcast_in_dim3A_1608 : vector<16xi1>, vector<16xf32>
    %add3A_1610 = arith.addf %select_n3A_1605, %select_n3A_1609 : vector<16xf32>
    %swap3A_1611 = arith.constant 3 : i32
    %swap3A_1612 = arith.index_cast %swap3A_1611 : i32 to index
    %swap3A_1613 = arith.constant 112 : index
    %swap3A_1614 = tpu.vector_load %arg5[%swap3A_1612, %swap3A_1613] {strides = array<i32>} : memref<8x256xf32, #tpu.memory_space<vmem>>, vector<1x16xf32>,
    %swap3A_1615 = vector.shape_cast %swap3A_1614 : vector<1x16xf32> to vector<16xf32>
    %swap3A_1616 = vector.shape_cast %add3A_1610 : vector<16xf32> to vector<1x16xf32>
    tpu.vector_store %arg5[%swap3A_1612, %swap3A_1613], %swap3A_1616 {strides = array<i32>} : memref<8x256xf32, #tpu.memory_space<vmem>>, vector<1x16xf32>,
    %jit3A_1617 = arith.constant 0.000000e+00 : f32
    %broadcast_in_dim3A_1618 = vector.broadcast %jit3A_1617 : f32 to vector<16xf32>
    %select_n3A_1619 = arith.select %eq3A_1514, %div3A_1556, %broadcast_in_dim3A_1618 : vector<16xi1>, vector<16xf32>
    %eq3A_1620 = arith.cmpf oeq, %select_n3A_1532, %max3A_1548 : vector<16xf32>
    %jit3A_1621 = arith.constant 0.000000e+00 : f32
    %broadcast_in_dim3A_1622 = vector.broadcast %jit3A_1621 : f32 to vector<16xf32>
    %select_n3A_1623 = arith.select %eq3A_1620, %div3A_1560, %broadcast_in_dim3A_1622 : vector<16xi1>, vector<16xf32>
    %add3A_1624 = arith.addf %select_n3A_1619, %select_n3A_1623 : vector<16xf32>
    %swap3A_1625 = arith.constant 4 : i32
    %swap3A_1626 = arith.index_cast %swap3A_1625 : i32 to index
    %swap3A_1627 = arith.constant 112 : index
    %swap3A_1628 = tpu.vector_load %arg5[%swap3A_1626, %swap3A_1627] {strides = array<i32>} : memref<8x256xf32, #tpu.memory_space<vmem>>, vector<1x16xf32>,
    %swap3A_1629 = vector.shape_cast %swap3A_1628 : vector<1x16xf32> to vector<16xf32>
    %swap3A_1630 = vector.shape_cast %add3A_1624 : vector<16xf32> to vector<1x16xf32>
    tpu.vector_store %arg5[%swap3A_1626, %swap3A_1627], %swap3A_1630 {strides = array<i32>} : memref<8x256xf32, #tpu.memory_space<vmem>>, vector<1x16xf32>,
    %jit3A_1631 = arith.constant 0.000000e+00 : f32
    %broadcast_in_dim3A_1632 = vector.broadcast %jit3A_1631 : f32 to vector<16xf32>
    %select_n3A_1633 = arith.select %eq3A_1515, %div3A_1556, %broadcast_in_dim3A_1632 : vector<16xi1>, vector<16xf32>
    %eq3A_1634 = arith.cmpf oeq, %select_n3A_1535, %max3A_1548 : vector<16xf32>
    %jit3A_1635 = arith.constant 0.000000e+00 : f32
    %broadcast_in_dim3A_1636 = vector.broadcast %jit3A_1635 : f32 to vector<16xf32>
    %select_n3A_1637 = arith.select %eq3A_1634, %div3A_1560, %broadcast_in_dim3A_1636 : vector<16xi1>, vector<16xf32>
    %add3A_1638 = arith.addf %select_n3A_1633, %select_n3A_1637 : vector<16xf32>
    %swap3A_1639 = arith.constant 5 : i32
    %swap3A_1640 = arith.index_cast %swap3A_1639 : i32 to index
    %swap3A_1641 = arith.constant 112 : index
    %swap3A_1642 = tpu.vector_load %arg5[%swap3A_1640, %swap3A_1641] {strides = array<i32>} : memref<8x256xf32, #tpu.memory_space<vmem>>, vector<1x16xf32>,
    %swap3A_1643 = vector.shape_cast %swap3A_1642 : vector<1x16xf32> to vector<16xf32>
    %swap3A_1644 = vector.shape_cast %add3A_1638 : vector<16xf32> to vector<1x16xf32>
    tpu.vector_store %arg5[%swap3A_1640, %swap3A_1641], %swap3A_1644 {strides = array<i32>} : memref<8x256xf32, #tpu.memory_space<vmem>>, vector<1x16xf32>,
    %jit3A_1645 = arith.constant 0.000000e+00 : f32
    %broadcast_in_dim3A_1646 = vector.broadcast %jit3A_1645 : f32 to vector<16xf32>
    %select_n3A_1647 = arith.select %eq3A_1516, %div3A_1556, %broadcast_in_dim3A_1646 : vector<16xi1>, vector<16xf32>
    %eq3A_1648 = arith.cmpf oeq, %select_n3A_1538, %max3A_1548 : vector<16xf32>
    %jit3A_1649 = arith.constant 0.000000e+00 : f32
    %broadcast_in_dim3A_1650 = vector.broadcast %jit3A_1649 : f32 to vector<16xf32>
    %select_n3A_1651 = arith.select %eq3A_1648, %div3A_1560, %broadcast_in_dim3A_1650 : vector<16xi1>, vector<16xf32>
    %add3A_1652 = arith.addf %select_n3A_1647, %select_n3A_1651 : vector<16xf32>
    %swap3A_1653 = arith.constant 6 : i32
    %swap3A_1654 = arith.index_cast %swap3A_1653 : i32 to index
    %swap3A_1655 = arith.constant 112 : index
    %swap3A_1656 = tpu.vector_load %arg5[%swap3A_1654, %swap3A_1655] {strides = array<i32>} : memref<8x256xf32, #tpu.memory_space<vmem>>, vector<1x16xf32>,
    %swap3A_1657 = vector.shape_cast %swap3A_1656 : vector<1x16xf32> to vector<16xf32>
    %swap3A_1658 = vector.shape_cast %add3A_1652 : vector<16xf32> to vector<1x16xf32>
    tpu.vector_store %arg5[%swap3A_1654, %swap3A_1655], %swap3A_1658 {strides = array<i32>} : memref<8x256xf32, #tpu.memory_space<vmem>>, vector<1x16xf32>,
    %jit3A_1659 = arith.constant 0.000000e+00 : f32
    %broadcast_in_dim3A_1660 = vector.broadcast %jit3A_1659 : f32 to vector<16xf32>
    %select_n3A_1661 = arith.select %eq3A_1517, %div3A_1556, %broadcast_in_dim3A_1660 : vector<16xi1>, vector<16xf32>
    %eq3A_1662 = arith.cmpf oeq, %select_n3A_1541, %max3A_1548 : vector<16xf32>
    %jit3A_1663 = arith.constant 0.000000e+00 : f32
    %broadcast_in_dim3A_1664 = vector.broadcast %jit3A_1663 : f32 to vector<16xf32>
    %select_n3A_1665 = arith.select %eq3A_1662, %div3A_1560, %broadcast_in_dim3A_1664 : vector<16xi1>, vector<16xf32>
    %add3A_1666 = arith.addf %select_n3A_1661, %select_n3A_1665 : vector<16xf32>
    %swap3A_1667 = arith.constant 7 : i32
    %swap3A_1668 = arith.index_cast %swap3A_1667 : i32 to index
    %swap3A_1669 = arith.constant 112 : index
    %swap3A_1670 = tpu.vector_load %arg5[%swap3A_1668, %swap3A_1669] {strides = array<i32>} : memref<8x256xf32, #tpu.memory_space<vmem>>, vector<1x16xf32>,
    %swap3A_1671 = vector.shape_cast %swap3A_1670 : vector<1x16xf32> to vector<16xf32>
    %swap3A_1672 = vector.shape_cast %add3A_1666 : vector<16xf32> to vector<1x16xf32>
    tpu.vector_store %arg5[%swap3A_1668, %swap3A_1669], %swap3A_1672 {strides = array<i32>} : memref<8x256xf32, #tpu.memory_space<vmem>>, vector<1x16xf32>,
    %get3A_1673 = arith.constant 0 : i32
    %get3A_1674 = arith.index_cast %get3A_1673 : i32 to index
    %get3A_1675 = arith.constant 128 : index
    %get3A_1676 = tpu.vector_load %arg4[%get3A_1674, %get3A_1675] {strides = array<i32>} : memref<8x256xf32, #tpu.memory_space<vmem>>, vector<1x16xf32>,
    %get3A_1677 = vector.shape_cast %get3A_1676 : vector<1x16xf32> to vector<16xf32>
    %get3A_1678 = arith.constant 1 : i32
    %get3A_1679 = arith.index_cast %get3A_1678 : i32 to index
    %get3A_1680 = arith.constant 128 : index
    %get3A_1681 = tpu.vector_load %arg4[%get3A_1679, %get3A_1680] {strides = array<i32>} : memref<8x256xf32, #tpu.memory_space<vmem>>, vector<1x16xf32>,
    %get3A_1682 = vector.shape_cast %get3A_1681 : vector<1x16xf32> to vector<16xf32>
    %get3A_1683 = arith.constant 2 : i32
    %get3A_1684 = arith.index_cast %get3A_1683 : i32 to index
    %get3A_1685 = arith.constant 128 : index
    %get3A_1686 = tpu.vector_load %arg4[%get3A_1684, %get3A_1685] {strides = array<i32>} : memref<8x256xf32, #tpu.memory_space<vmem>>, vector<1x16xf32>,
    %get3A_1687 = vector.shape_cast %get3A_1686 : vector<1x16xf32> to vector<16xf32>
    %get3A_1688 = arith.constant 3 : i32
    %get3A_1689 = arith.index_cast %get3A_1688 : i32 to index
    %get3A_1690 = arith.constant 128 : index
    %get3A_1691 = tpu.vector_load %arg4[%get3A_1689, %get3A_1690] {strides = array<i32>} : memref<8x256xf32, #tpu.memory_space<vmem>>, vector<1x16xf32>,
    %get3A_1692 = vector.shape_cast %get3A_1691 : vector<1x16xf32> to vector<16xf32>
    %get3A_1693 = arith.constant 4 : i32
    %get3A_1694 = arith.index_cast %get3A_1693 : i32 to index
    %get3A_1695 = arith.constant 128 : index
    %get3A_1696 = tpu.vector_load %arg4[%get3A_1694, %get3A_1695] {strides = array<i32>} : memref<8x256xf32, #tpu.memory_space<vmem>>, vector<1x16xf32>,
    %get3A_1697 = vector.shape_cast %get3A_1696 : vector<1x16xf32> to vector<16xf32>
    %get3A_1698 = arith.constant 5 : i32
    %get3A_1699 = arith.index_cast %get3A_1698 : i32 to index
    %get3A_1700 = arith.constant 128 : index
    %get3A_1701 = tpu.vector_load %arg4[%get3A_1699, %get3A_1700] {strides = array<i32>} : memref<8x256xf32, #tpu.memory_space<vmem>>, vector<1x16xf32>,
    %get3A_1702 = vector.shape_cast %get3A_1701 : vector<1x16xf32> to vector<16xf32>
    %get3A_1703 = arith.constant 6 : i32
    %get3A_1704 = arith.index_cast %get3A_1703 : i32 to index
    %get3A_1705 = arith.constant 128 : index
    %get3A_1706 = tpu.vector_load %arg4[%get3A_1704, %get3A_1705] {strides = array<i32>} : memref<8x256xf32, #tpu.memory_space<vmem>>, vector<1x16xf32>,
    %get3A_1707 = vector.shape_cast %get3A_1706 : vector<1x16xf32> to vector<16xf32>
    %get3A_1708 = arith.constant 7 : i32
    %get3A_1709 = arith.index_cast %get3A_1708 : i32 to index
    %get3A_1710 = arith.constant 128 : index
    %get3A_1711 = tpu.vector_load %arg4[%get3A_1709, %get3A_1710] {strides = array<i32>} : memref<8x256xf32, #tpu.memory_space<vmem>>, vector<1x16xf32>,
    %get3A_1712 = vector.shape_cast %get3A_1711 : vector<1x16xf32> to vector<16xf32>
    %max3A_1713 = arith.maximumf %get3A_1677, %get3A_1682 : vector<16xf32>
    %max3A_1714 = arith.maximumf %max3A_1713, %get3A_1687 : vector<16xf32>
    %max3A_1715 = arith.maximumf %max3A_1714, %get3A_1692 : vector<16xf32>
    %max3A_1716 = arith.maximumf %max3A_1715, %get3A_1697 : vector<16xf32>
    %max3A_1717 = arith.maximumf %max3A_1716, %get3A_1702 : vector<16xf32>
    %max3A_1718 = arith.maximumf %max3A_1717, %get3A_1707 : vector<16xf32>
    %max3A_1719 = arith.maximumf %max3A_1718, %get3A_1712 : vector<16xf32>
    %eq3A_1720 = arith.cmpf oeq, %get3A_1677, %max3A_1719 : vector<16xf32>
    %eq3A_1721 = arith.cmpf oeq, %get3A_1682, %max3A_1719 : vector<16xf32>
    %eq3A_1722 = arith.cmpf oeq, %get3A_1687, %max3A_1719 : vector<16xf32>
    %eq3A_1723 = arith.cmpf oeq, %get3A_1692, %max3A_1719 : vector<16xf32>
    %eq3A_1724 = arith.cmpf oeq, %get3A_1697, %max3A_1719 : vector<16xf32>
    %eq3A_1725 = arith.cmpf oeq, %get3A_1702, %max3A_1719 : vector<16xf32>
    %eq3A_1726 = arith.cmpf oeq, %get3A_1707, %max3A_1719 : vector<16xf32>
    %eq3A_1727 = arith.cmpf oeq, %get3A_1712, %max3A_1719 : vector<16xf32>
    %jit3A_1728 = arith.constant -1.000000e+30 : f32
    %broadcast_in_dim3A_1729 = vector.broadcast %jit3A_1728 : f32 to vector<16xf32>
    %select_n3A_1730 = arith.select %eq3A_1720, %broadcast_in_dim3A_1729, %get3A_1677 : vector<16xi1>, vector<16xf32>
    %jit3A_1731 = arith.constant -1.000000e+30 : f32
    %broadcast_in_dim3A_1732 = vector.broadcast %jit3A_1731 : f32 to vector<16xf32>
    %select_n3A_1733 = arith.select %eq3A_1721, %broadcast_in_dim3A_1732, %get3A_1682 : vector<16xi1>, vector<16xf32>
    %jit3A_1734 = arith.constant -1.000000e+30 : f32
    %broadcast_in_dim3A_1735 = vector.broadcast %jit3A_1734 : f32 to vector<16xf32>
    %select_n3A_1736 = arith.select %eq3A_1722, %broadcast_in_dim3A_1735, %get3A_1687 : vector<16xi1>, vector<16xf32>
    %jit3A_1737 = arith.constant -1.000000e+30 : f32
    %broadcast_in_dim3A_1738 = vector.broadcast %jit3A_1737 : f32 to vector<16xf32>
    %select_n3A_1739 = arith.select %eq3A_1723, %broadcast_in_dim3A_1738, %get3A_1692 : vector<16xi1>, vector<16xf32>
    %jit3A_1740 = arith.constant -1.000000e+30 : f32
    %broadcast_in_dim3A_1741 = vector.broadcast %jit3A_1740 : f32 to vector<16xf32>
    %select_n3A_1742 = arith.select %eq3A_1724, %broadcast_in_dim3A_1741, %get3A_1697 : vector<16xi1>, vector<16xf32>
    %jit3A_1743 = arith.constant -1.000000e+30 : f32
    %broadcast_in_dim3A_1744 = vector.broadcast %jit3A_1743 : f32 to vector<16xf32>
    %select_n3A_1745 = arith.select %eq3A_1725, %broadcast_in_dim3A_1744, %get3A_1702 : vector<16xi1>, vector<16xf32>
    %jit3A_1746 = arith.constant -1.000000e+30 : f32
    %broadcast_in_dim3A_1747 = vector.broadcast %jit3A_1746 : f32 to vector<16xf32>
    %select_n3A_1748 = arith.select %eq3A_1726, %broadcast_in_dim3A_1747, %get3A_1707 : vector<16xi1>, vector<16xf32>
    %jit3A_1749 = arith.constant -1.000000e+30 : f32
    %broadcast_in_dim3A_1750 = vector.broadcast %jit3A_1749 : f32 to vector<16xf32>
    %select_n3A_1751 = arith.select %eq3A_1727, %broadcast_in_dim3A_1750, %get3A_1712 : vector<16xi1>, vector<16xf32>
    %max3A_1752 = arith.maximumf %select_n3A_1730, %select_n3A_1733 : vector<16xf32>
    %max3A_1753 = arith.maximumf %max3A_1752, %select_n3A_1736 : vector<16xf32>
    %max3A_1754 = arith.maximumf %max3A_1753, %select_n3A_1739 : vector<16xf32>
    %max3A_1755 = arith.maximumf %max3A_1754, %select_n3A_1742 : vector<16xf32>
    %max3A_1756 = arith.maximumf %max3A_1755, %select_n3A_1745 : vector<16xf32>
    %max3A_1757 = arith.maximumf %max3A_1756, %select_n3A_1748 : vector<16xf32>
    %max3A_1758 = arith.maximumf %max3A_1757, %select_n3A_1751 : vector<16xf32>
    %sub3A_1759 = arith.subf %max3A_1758, %max3A_1719 : vector<16xf32>
    %exp3A_1760 = math.exp %sub3A_1759 : vector<16xf32>
    %add3A_1761 = arith.constant 1.000000e+00 : f32
    %add3A_1762 = vector.broadcast %add3A_1761 : f32 to vector<16xf32>
    %add3A_1763 = arith.addf %add3A_1762, %exp3A_1760 : vector<16xf32>
    %div3A_1764 = arith.constant 1.000000e+00 : f32
    %div3A_1765 = vector.broadcast %div3A_1764 : f32 to vector<16xf32>
    %div3A_1766 = arith.divf %div3A_1765, %add3A_1763 : vector<16xf32>
    %add3A_1767 = arith.constant 1.000000e+00 : f32
    %add3A_1768 = vector.broadcast %add3A_1767 : f32 to vector<16xf32>
    %add3A_1769 = arith.addf %add3A_1768, %exp3A_1760 : vector<16xf32>
    %div3A_1770 = arith.divf %exp3A_1760, %add3A_1769 : vector<16xf32>
    %jit3A_1771 = arith.constant 0.000000e+00 : f32
    %broadcast_in_dim3A_1772 = vector.broadcast %jit3A_1771 : f32 to vector<16xf32>
    %select_n3A_1773 = arith.select %eq3A_1720, %div3A_1766, %broadcast_in_dim3A_1772 : vector<16xi1>, vector<16xf32>
    %eq3A_1774 = arith.cmpf oeq, %select_n3A_1730, %max3A_1758 : vector<16xf32>
    %jit3A_1775 = arith.constant 0.000000e+00 : f32
    %broadcast_in_dim3A_1776 = vector.broadcast %jit3A_1775 : f32 to vector<16xf32>
    %select_n3A_1777 = arith.select %eq3A_1774, %div3A_1770, %broadcast_in_dim3A_1776 : vector<16xi1>, vector<16xf32>
    %add3A_1778 = arith.addf %select_n3A_1773, %select_n3A_1777 : vector<16xf32>
    %swap3A_1779 = arith.constant 0 : i32
    %swap3A_1780 = arith.index_cast %swap3A_1779 : i32 to index
    %swap3A_1781 = arith.constant 128 : index
    %swap3A_1782 = tpu.vector_load %arg5[%swap3A_1780, %swap3A_1781] {strides = array<i32>} : memref<8x256xf32, #tpu.memory_space<vmem>>, vector<1x16xf32>,
    %swap3A_1783 = vector.shape_cast %swap3A_1782 : vector<1x16xf32> to vector<16xf32>
    %swap3A_1784 = vector.shape_cast %add3A_1778 : vector<16xf32> to vector<1x16xf32>
    tpu.vector_store %arg5[%swap3A_1780, %swap3A_1781], %swap3A_1784 {strides = array<i32>} : memref<8x256xf32, #tpu.memory_space<vmem>>, vector<1x16xf32>,
    %jit3A_1785 = arith.constant 0.000000e+00 : f32
    %broadcast_in_dim3A_1786 = vector.broadcast %jit3A_1785 : f32 to vector<16xf32>
    %select_n3A_1787 = arith.select %eq3A_1721, %div3A_1766, %broadcast_in_dim3A_1786 : vector<16xi1>, vector<16xf32>
    %eq3A_1788 = arith.cmpf oeq, %select_n3A_1733, %max3A_1758 : vector<16xf32>
    %jit3A_1789 = arith.constant 0.000000e+00 : f32
    %broadcast_in_dim3A_1790 = vector.broadcast %jit3A_1789 : f32 to vector<16xf32>
    %select_n3A_1791 = arith.select %eq3A_1788, %div3A_1770, %broadcast_in_dim3A_1790 : vector<16xi1>, vector<16xf32>
    %add3A_1792 = arith.addf %select_n3A_1787, %select_n3A_1791 : vector<16xf32>
    %swap3A_1793 = arith.constant 1 : i32
    %swap3A_1794 = arith.index_cast %swap3A_1793 : i32 to index
    %swap3A_1795 = arith.constant 128 : index
    %swap3A_1796 = tpu.vector_load %arg5[%swap3A_1794, %swap3A_1795] {strides = array<i32>} : memref<8x256xf32, #tpu.memory_space<vmem>>, vector<1x16xf32>,
    %swap3A_1797 = vector.shape_cast %swap3A_1796 : vector<1x16xf32> to vector<16xf32>
    %swap3A_1798 = vector.shape_cast %add3A_1792 : vector<16xf32> to vector<1x16xf32>
    tpu.vector_store %arg5[%swap3A_1794, %swap3A_1795], %swap3A_1798 {strides = array<i32>} : memref<8x256xf32, #tpu.memory_space<vmem>>, vector<1x16xf32>,
    %jit3A_1799 = arith.constant 0.000000e+00 : f32
    %broadcast_in_dim3A_1800 = vector.broadcast %jit3A_1799 : f32 to vector<16xf32>
    %select_n3A_1801 = arith.select %eq3A_1722, %div3A_1766, %broadcast_in_dim3A_1800 : vector<16xi1>, vector<16xf32>
    %eq3A_1802 = arith.cmpf oeq, %select_n3A_1736, %max3A_1758 : vector<16xf32>
    %jit3A_1803 = arith.constant 0.000000e+00 : f32
    %broadcast_in_dim3A_1804 = vector.broadcast %jit3A_1803 : f32 to vector<16xf32>
    %select_n3A_1805 = arith.select %eq3A_1802, %div3A_1770, %broadcast_in_dim3A_1804 : vector<16xi1>, vector<16xf32>
    %add3A_1806 = arith.addf %select_n3A_1801, %select_n3A_1805 : vector<16xf32>
    %swap3A_1807 = arith.constant 2 : i32
    %swap3A_1808 = arith.index_cast %swap3A_1807 : i32 to index
    %swap3A_1809 = arith.constant 128 : index
    %swap3A_1810 = tpu.vector_load %arg5[%swap3A_1808, %swap3A_1809] {strides = array<i32>} : memref<8x256xf32, #tpu.memory_space<vmem>>, vector<1x16xf32>,
    %swap3A_1811 = vector.shape_cast %swap3A_1810 : vector<1x16xf32> to vector<16xf32>
    %swap3A_1812 = vector.shape_cast %add3A_1806 : vector<16xf32> to vector<1x16xf32>
    tpu.vector_store %arg5[%swap3A_1808, %swap3A_1809], %swap3A_1812 {strides = array<i32>} : memref<8x256xf32, #tpu.memory_space<vmem>>, vector<1x16xf32>,
    %jit3A_1813 = arith.constant 0.000000e+00 : f32
    %broadcast_in_dim3A_1814 = vector.broadcast %jit3A_1813 : f32 to vector<16xf32>
    %select_n3A_1815 = arith.select %eq3A_1723, %div3A_1766, %broadcast_in_dim3A_1814 : vector<16xi1>, vector<16xf32>
    %eq3A_1816 = arith.cmpf oeq, %select_n3A_1739, %max3A_1758 : vector<16xf32>
    %jit3A_1817 = arith.constant 0.000000e+00 : f32
    %broadcast_in_dim3A_1818 = vector.broadcast %jit3A_1817 : f32 to vector<16xf32>
    %select_n3A_1819 = arith.select %eq3A_1816, %div3A_1770, %broadcast_in_dim3A_1818 : vector<16xi1>, vector<16xf32>
    %add3A_1820 = arith.addf %select_n3A_1815, %select_n3A_1819 : vector<16xf32>
    %swap3A_1821 = arith.constant 3 : i32
    %swap3A_1822 = arith.index_cast %swap3A_1821 : i32 to index
    %swap3A_1823 = arith.constant 128 : index
    %swap3A_1824 = tpu.vector_load %arg5[%swap3A_1822, %swap3A_1823] {strides = array<i32>} : memref<8x256xf32, #tpu.memory_space<vmem>>, vector<1x16xf32>,
    %swap3A_1825 = vector.shape_cast %swap3A_1824 : vector<1x16xf32> to vector<16xf32>
    %swap3A_1826 = vector.shape_cast %add3A_1820 : vector<16xf32> to vector<1x16xf32>
    tpu.vector_store %arg5[%swap3A_1822, %swap3A_1823], %swap3A_1826 {strides = array<i32>} : memref<8x256xf32, #tpu.memory_space<vmem>>, vector<1x16xf32>,
    %jit3A_1827 = arith.constant 0.000000e+00 : f32
    %broadcast_in_dim3A_1828 = vector.broadcast %jit3A_1827 : f32 to vector<16xf32>
    %select_n3A_1829 = arith.select %eq3A_1724, %div3A_1766, %broadcast_in_dim3A_1828 : vector<16xi1>, vector<16xf32>
    %eq3A_1830 = arith.cmpf oeq, %select_n3A_1742, %max3A_1758 : vector<16xf32>
    %jit3A_1831 = arith.constant 0.000000e+00 : f32
    %broadcast_in_dim3A_1832 = vector.broadcast %jit3A_1831 : f32 to vector<16xf32>
    %select_n3A_1833 = arith.select %eq3A_1830, %div3A_1770, %broadcast_in_dim3A_1832 : vector<16xi1>, vector<16xf32>
    %add3A_1834 = arith.addf %select_n3A_1829, %select_n3A_1833 : vector<16xf32>
    %swap3A_1835 = arith.constant 4 : i32
    %swap3A_1836 = arith.index_cast %swap3A_1835 : i32 to index
    %swap3A_1837 = arith.constant 128 : index
    %swap3A_1838 = tpu.vector_load %arg5[%swap3A_1836, %swap3A_1837] {strides = array<i32>} : memref<8x256xf32, #tpu.memory_space<vmem>>, vector<1x16xf32>,
    %swap3A_1839 = vector.shape_cast %swap3A_1838 : vector<1x16xf32> to vector<16xf32>
    %swap3A_1840 = vector.shape_cast %add3A_1834 : vector<16xf32> to vector<1x16xf32>
    tpu.vector_store %arg5[%swap3A_1836, %swap3A_1837], %swap3A_1840 {strides = array<i32>} : memref<8x256xf32, #tpu.memory_space<vmem>>, vector<1x16xf32>,
    %jit3A_1841 = arith.constant 0.000000e+00 : f32
    %broadcast_in_dim3A_1842 = vector.broadcast %jit3A_1841 : f32 to vector<16xf32>
    %select_n3A_1843 = arith.select %eq3A_1725, %div3A_1766, %broadcast_in_dim3A_1842 : vector<16xi1>, vector<16xf32>
    %eq3A_1844 = arith.cmpf oeq, %select_n3A_1745, %max3A_1758 : vector<16xf32>
    %jit3A_1845 = arith.constant 0.000000e+00 : f32
    %broadcast_in_dim3A_1846 = vector.broadcast %jit3A_1845 : f32 to vector<16xf32>
    %select_n3A_1847 = arith.select %eq3A_1844, %div3A_1770, %broadcast_in_dim3A_1846 : vector<16xi1>, vector<16xf32>
    %add3A_1848 = arith.addf %select_n3A_1843, %select_n3A_1847 : vector<16xf32>
    %swap3A_1849 = arith.constant 5 : i32
    %swap3A_1850 = arith.index_cast %swap3A_1849 : i32 to index
    %swap3A_1851 = arith.constant 128 : index
    %swap3A_1852 = tpu.vector_load %arg5[%swap3A_1850, %swap3A_1851] {strides = array<i32>} : memref<8x256xf32, #tpu.memory_space<vmem>>, vector<1x16xf32>,
    %swap3A_1853 = vector.shape_cast %swap3A_1852 : vector<1x16xf32> to vector<16xf32>
    %swap3A_1854 = vector.shape_cast %add3A_1848 : vector<16xf32> to vector<1x16xf32>
    tpu.vector_store %arg5[%swap3A_1850, %swap3A_1851], %swap3A_1854 {strides = array<i32>} : memref<8x256xf32, #tpu.memory_space<vmem>>, vector<1x16xf32>,
    %jit3A_1855 = arith.constant 0.000000e+00 : f32
    %broadcast_in_dim3A_1856 = vector.broadcast %jit3A_1855 : f32 to vector<16xf32>
    %select_n3A_1857 = arith.select %eq3A_1726, %div3A_1766, %broadcast_in_dim3A_1856 : vector<16xi1>, vector<16xf32>
    %eq3A_1858 = arith.cmpf oeq, %select_n3A_1748, %max3A_1758 : vector<16xf32>
    %jit3A_1859 = arith.constant 0.000000e+00 : f32
    %broadcast_in_dim3A_1860 = vector.broadcast %jit3A_1859 : f32 to vector<16xf32>
    %select_n3A_1861 = arith.select %eq3A_1858, %div3A_1770, %broadcast_in_dim3A_1860 : vector<16xi1>, vector<16xf32>
    %add3A_1862 = arith.addf %select_n3A_1857, %select_n3A_1861 : vector<16xf32>
    %swap3A_1863 = arith.constant 6 : i32
    %swap3A_1864 = arith.index_cast %swap3A_1863 : i32 to index
    %swap3A_1865 = arith.constant 128 : index
    %swap3A_1866 = tpu.vector_load %arg5[%swap3A_1864, %swap3A_1865] {strides = array<i32>} : memref<8x256xf32, #tpu.memory_space<vmem>>, vector<1x16xf32>,
    %swap3A_1867 = vector.shape_cast %swap3A_1866 : vector<1x16xf32> to vector<16xf32>
    %swap3A_1868 = vector.shape_cast %add3A_1862 : vector<16xf32> to vector<1x16xf32>
    tpu.vector_store %arg5[%swap3A_1864, %swap3A_1865], %swap3A_1868 {strides = array<i32>} : memref<8x256xf32, #tpu.memory_space<vmem>>, vector<1x16xf32>,
    %jit3A_1869 = arith.constant 0.000000e+00 : f32
    %broadcast_in_dim3A_1870 = vector.broadcast %jit3A_1869 : f32 to vector<16xf32>
    %select_n3A_1871 = arith.select %eq3A_1727, %div3A_1766, %broadcast_in_dim3A_1870 : vector<16xi1>, vector<16xf32>
    %eq3A_1872 = arith.cmpf oeq, %select_n3A_1751, %max3A_1758 : vector<16xf32>
    %jit3A_1873 = arith.constant 0.000000e+00 : f32
    %broadcast_in_dim3A_1874 = vector.broadcast %jit3A_1873 : f32 to vector<16xf32>
    %select_n3A_1875 = arith.select %eq3A_1872, %div3A_1770, %broadcast_in_dim3A_1874 : vector<16xi1>, vector<16xf32>
    %add3A_1876 = arith.addf %select_n3A_1871, %select_n3A_1875 : vector<16xf32>
    %swap3A_1877 = arith.constant 7 : i32
    %swap3A_1878 = arith.index_cast %swap3A_1877 : i32 to index
    %swap3A_1879 = arith.constant 128 : index
    %swap3A_1880 = tpu.vector_load %arg5[%swap3A_1878, %swap3A_1879] {strides = array<i32>} : memref<8x256xf32, #tpu.memory_space<vmem>>, vector<1x16xf32>,
    %swap3A_1881 = vector.shape_cast %swap3A_1880 : vector<1x16xf32> to vector<16xf32>
    %swap3A_1882 = vector.shape_cast %add3A_1876 : vector<16xf32> to vector<1x16xf32>
    tpu.vector_store %arg5[%swap3A_1878, %swap3A_1879], %swap3A_1882 {strides = array<i32>} : memref<8x256xf32, #tpu.memory_space<vmem>>, vector<1x16xf32>,
    %get3A_1883 = arith.constant 0 : i32
    %get3A_1884 = arith.index_cast %get3A_1883 : i32 to index
    %get3A_1885 = arith.constant 144 : index
    %get3A_1886 = tpu.vector_load %arg4[%get3A_1884, %get3A_1885] {strides = array<i32>} : memref<8x256xf32, #tpu.memory_space<vmem>>, vector<1x16xf32>,
    %get3A_1887 = vector.shape_cast %get3A_1886 : vector<1x16xf32> to vector<16xf32>
    %get3A_1888 = arith.constant 1 : i32
    %get3A_1889 = arith.index_cast %get3A_1888 : i32 to index
    %get3A_1890 = arith.constant 144 : index
    %get3A_1891 = tpu.vector_load %arg4[%get3A_1889, %get3A_1890] {strides = array<i32>} : memref<8x256xf32, #tpu.memory_space<vmem>>, vector<1x16xf32>,
    %get3A_1892 = vector.shape_cast %get3A_1891 : vector<1x16xf32> to vector<16xf32>
    %get3A_1893 = arith.constant 2 : i32
    %get3A_1894 = arith.index_cast %get3A_1893 : i32 to index
    %get3A_1895 = arith.constant 144 : index
    %get3A_1896 = tpu.vector_load %arg4[%get3A_1894, %get3A_1895] {strides = array<i32>} : memref<8x256xf32, #tpu.memory_space<vmem>>, vector<1x16xf32>,
    %get3A_1897 = vector.shape_cast %get3A_1896 : vector<1x16xf32> to vector<16xf32>
    %get3A_1898 = arith.constant 3 : i32
    %get3A_1899 = arith.index_cast %get3A_1898 : i32 to index
    %get3A_1900 = arith.constant 144 : index
    %get3A_1901 = tpu.vector_load %arg4[%get3A_1899, %get3A_1900] {strides = array<i32>} : memref<8x256xf32, #tpu.memory_space<vmem>>, vector<1x16xf32>,
    %get3A_1902 = vector.shape_cast %get3A_1901 : vector<1x16xf32> to vector<16xf32>
    %get3A_1903 = arith.constant 4 : i32
    %get3A_1904 = arith.index_cast %get3A_1903 : i32 to index
    %get3A_1905 = arith.constant 144 : index
    %get3A_1906 = tpu.vector_load %arg4[%get3A_1904, %get3A_1905] {strides = array<i32>} : memref<8x256xf32, #tpu.memory_space<vmem>>, vector<1x16xf32>,
    %get3A_1907 = vector.shape_cast %get3A_1906 : vector<1x16xf32> to vector<16xf32>
    %get3A_1908 = arith.constant 5 : i32
    %get3A_1909 = arith.index_cast %get3A_1908 : i32 to index
    %get3A_1910 = arith.constant 144 : index
    %get3A_1911 = tpu.vector_load %arg4[%get3A_1909, %get3A_1910] {strides = array<i32>} : memref<8x256xf32, #tpu.memory_space<vmem>>, vector<1x16xf32>,
    %get3A_1912 = vector.shape_cast %get3A_1911 : vector<1x16xf32> to vector<16xf32>
    %get3A_1913 = arith.constant 6 : i32
    %get3A_1914 = arith.index_cast %get3A_1913 : i32 to index
    %get3A_1915 = arith.constant 144 : index
    %get3A_1916 = tpu.vector_load %arg4[%get3A_1914, %get3A_1915] {strides = array<i32>} : memref<8x256xf32, #tpu.memory_space<vmem>>, vector<1x16xf32>,
    %get3A_1917 = vector.shape_cast %get3A_1916 : vector<1x16xf32> to vector<16xf32>
    %get3A_1918 = arith.constant 7 : i32
    %get3A_1919 = arith.index_cast %get3A_1918 : i32 to index
    %get3A_1920 = arith.constant 144 : index
    %get3A_1921 = tpu.vector_load %arg4[%get3A_1919, %get3A_1920] {strides = array<i32>} : memref<8x256xf32, #tpu.memory_space<vmem>>, vector<1x16xf32>,
    %get3A_1922 = vector.shape_cast %get3A_1921 : vector<1x16xf32> to vector<16xf32>
    %max3A_1923 = arith.maximumf %get3A_1887, %get3A_1892 : vector<16xf32>
    %max3A_1924 = arith.maximumf %max3A_1923, %get3A_1897 : vector<16xf32>
    %max3A_1925 = arith.maximumf %max3A_1924, %get3A_1902 : vector<16xf32>
    %max3A_1926 = arith.maximumf %max3A_1925, %get3A_1907 : vector<16xf32>
    %max3A_1927 = arith.maximumf %max3A_1926, %get3A_1912 : vector<16xf32>
    %max3A_1928 = arith.maximumf %max3A_1927, %get3A_1917 : vector<16xf32>
    %max3A_1929 = arith.maximumf %max3A_1928, %get3A_1922 : vector<16xf32>
    %eq3A_1930 = arith.cmpf oeq, %get3A_1887, %max3A_1929 : vector<16xf32>
    %eq3A_1931 = arith.cmpf oeq, %get3A_1892, %max3A_1929 : vector<16xf32>
    %eq3A_1932 = arith.cmpf oeq, %get3A_1897, %max3A_1929 : vector<16xf32>
    %eq3A_1933 = arith.cmpf oeq, %get3A_1902, %max3A_1929 : vector<16xf32>
    %eq3A_1934 = arith.cmpf oeq, %get3A_1907, %max3A_1929 : vector<16xf32>
    %eq3A_1935 = arith.cmpf oeq, %get3A_1912, %max3A_1929 : vector<16xf32>
    %eq3A_1936 = arith.cmpf oeq, %get3A_1917, %max3A_1929 : vector<16xf32>
    %eq3A_1937 = arith.cmpf oeq, %get3A_1922, %max3A_1929 : vector<16xf32>
    %jit3A_1938 = arith.constant -1.000000e+30 : f32
    %broadcast_in_dim3A_1939 = vector.broadcast %jit3A_1938 : f32 to vector<16xf32>
    %select_n3A_1940 = arith.select %eq3A_1930, %broadcast_in_dim3A_1939, %get3A_1887 : vector<16xi1>, vector<16xf32>
    %jit3A_1941 = arith.constant -1.000000e+30 : f32
    %broadcast_in_dim3A_1942 = vector.broadcast %jit3A_1941 : f32 to vector<16xf32>
    %select_n3A_1943 = arith.select %eq3A_1931, %broadcast_in_dim3A_1942, %get3A_1892 : vector<16xi1>, vector<16xf32>
    %jit3A_1944 = arith.constant -1.000000e+30 : f32
    %broadcast_in_dim3A_1945 = vector.broadcast %jit3A_1944 : f32 to vector<16xf32>
    %select_n3A_1946 = arith.select %eq3A_1932, %broadcast_in_dim3A_1945, %get3A_1897 : vector<16xi1>, vector<16xf32>
    %jit3A_1947 = arith.constant -1.000000e+30 : f32
    %broadcast_in_dim3A_1948 = vector.broadcast %jit3A_1947 : f32 to vector<16xf32>
    %select_n3A_1949 = arith.select %eq3A_1933, %broadcast_in_dim3A_1948, %get3A_1902 : vector<16xi1>, vector<16xf32>
    %jit3A_1950 = arith.constant -1.000000e+30 : f32
    %broadcast_in_dim3A_1951 = vector.broadcast %jit3A_1950 : f32 to vector<16xf32>
    %select_n3A_1952 = arith.select %eq3A_1934, %broadcast_in_dim3A_1951, %get3A_1907 : vector<16xi1>, vector<16xf32>
    %jit3A_1953 = arith.constant -1.000000e+30 : f32
    %broadcast_in_dim3A_1954 = vector.broadcast %jit3A_1953 : f32 to vector<16xf32>
    %select_n3A_1955 = arith.select %eq3A_1935, %broadcast_in_dim3A_1954, %get3A_1912 : vector<16xi1>, vector<16xf32>
    %jit3A_1956 = arith.constant -1.000000e+30 : f32
    %broadcast_in_dim3A_1957 = vector.broadcast %jit3A_1956 : f32 to vector<16xf32>
    %select_n3A_1958 = arith.select %eq3A_1936, %broadcast_in_dim3A_1957, %get3A_1917 : vector<16xi1>, vector<16xf32>
    %jit3A_1959 = arith.constant -1.000000e+30 : f32
    %broadcast_in_dim3A_1960 = vector.broadcast %jit3A_1959 : f32 to vector<16xf32>
    %select_n3A_1961 = arith.select %eq3A_1937, %broadcast_in_dim3A_1960, %get3A_1922 : vector<16xi1>, vector<16xf32>
    %max3A_1962 = arith.maximumf %select_n3A_1940, %select_n3A_1943 : vector<16xf32>
    %max3A_1963 = arith.maximumf %max3A_1962, %select_n3A_1946 : vector<16xf32>
    %max3A_1964 = arith.maximumf %max3A_1963, %select_n3A_1949 : vector<16xf32>
    %max3A_1965 = arith.maximumf %max3A_1964, %select_n3A_1952 : vector<16xf32>
    %max3A_1966 = arith.maximumf %max3A_1965, %select_n3A_1955 : vector<16xf32>
    %max3A_1967 = arith.maximumf %max3A_1966, %select_n3A_1958 : vector<16xf32>
    %max3A_1968 = arith.maximumf %max3A_1967, %select_n3A_1961 : vector<16xf32>
    %sub3A_1969 = arith.subf %max3A_1968, %max3A_1929 : vector<16xf32>
    %exp3A_1970 = math.exp %sub3A_1969 : vector<16xf32>
    %add3A_1971 = arith.constant 1.000000e+00 : f32
    %add3A_1972 = vector.broadcast %add3A_1971 : f32 to vector<16xf32>
    %add3A_1973 = arith.addf %add3A_1972, %exp3A_1970 : vector<16xf32>
    %div3A_1974 = arith.constant 1.000000e+00 : f32
    %div3A_1975 = vector.broadcast %div3A_1974 : f32 to vector<16xf32>
    %div3A_1976 = arith.divf %div3A_1975, %add3A_1973 : vector<16xf32>
    %add3A_1977 = arith.constant 1.000000e+00 : f32
    %add3A_1978 = vector.broadcast %add3A_1977 : f32 to vector<16xf32>
    %add3A_1979 = arith.addf %add3A_1978, %exp3A_1970 : vector<16xf32>
    %div3A_1980 = arith.divf %exp3A_1970, %add3A_1979 : vector<16xf32>
    %jit3A_1981 = arith.constant 0.000000e+00 : f32
    %broadcast_in_dim3A_1982 = vector.broadcast %jit3A_1981 : f32 to vector<16xf32>
    %select_n3A_1983 = arith.select %eq3A_1930, %div3A_1976, %broadcast_in_dim3A_1982 : vector<16xi1>, vector<16xf32>
    %eq3A_1984 = arith.cmpf oeq, %select_n3A_1940, %max3A_1968 : vector<16xf32>
    %jit3A_1985 = arith.constant 0.000000e+00 : f32
    %broadcast_in_dim3A_1986 = vector.broadcast %jit3A_1985 : f32 to vector<16xf32>
    %select_n3A_1987 = arith.select %eq3A_1984, %div3A_1980, %broadcast_in_dim3A_1986 : vector<16xi1>, vector<16xf32>
    %add3A_1988 = arith.addf %select_n3A_1983, %select_n3A_1987 : vector<16xf32>
    %swap3A_1989 = arith.constant 0 : i32
    %swap3A_1990 = arith.index_cast %swap3A_1989 : i32 to index
    %swap3A_1991 = arith.constant 144 : index
    %swap3A_1992 = tpu.vector_load %arg5[%swap3A_1990, %swap3A_1991] {strides = array<i32>} : memref<8x256xf32, #tpu.memory_space<vmem>>, vector<1x16xf32>,
    %swap3A_1993 = vector.shape_cast %swap3A_1992 : vector<1x16xf32> to vector<16xf32>
    %swap3A_1994 = vector.shape_cast %add3A_1988 : vector<16xf32> to vector<1x16xf32>
    tpu.vector_store %arg5[%swap3A_1990, %swap3A_1991], %swap3A_1994 {strides = array<i32>} : memref<8x256xf32, #tpu.memory_space<vmem>>, vector<1x16xf32>,
    %jit3A_1995 = arith.constant 0.000000e+00 : f32
    %broadcast_in_dim3A_1996 = vector.broadcast %jit3A_1995 : f32 to vector<16xf32>
    %select_n3A_1997 = arith.select %eq3A_1931, %div3A_1976, %broadcast_in_dim3A_1996 : vector<16xi1>, vector<16xf32>
    %eq3A_1998 = arith.cmpf oeq, %select_n3A_1943, %max3A_1968 : vector<16xf32>
    %jit3A_1999 = arith.constant 0.000000e+00 : f32
    %broadcast_in_dim3A_2000 = vector.broadcast %jit3A_1999 : f32 to vector<16xf32>
    %select_n3A_2001 = arith.select %eq3A_1998, %div3A_1980, %broadcast_in_dim3A_2000 : vector<16xi1>, vector<16xf32>
    %add3A_2002 = arith.addf %select_n3A_1997, %select_n3A_2001 : vector<16xf32>
    %swap3A_2003 = arith.constant 1 : i32
    %swap3A_2004 = arith.index_cast %swap3A_2003 : i32 to index
    %swap3A_2005 = arith.constant 144 : index
    %swap3A_2006 = tpu.vector_load %arg5[%swap3A_2004, %swap3A_2005] {strides = array<i32>} : memref<8x256xf32, #tpu.memory_space<vmem>>, vector<1x16xf32>,
    %swap3A_2007 = vector.shape_cast %swap3A_2006 : vector<1x16xf32> to vector<16xf32>
    %swap3A_2008 = vector.shape_cast %add3A_2002 : vector<16xf32> to vector<1x16xf32>
    tpu.vector_store %arg5[%swap3A_2004, %swap3A_2005], %swap3A_2008 {strides = array<i32>} : memref<8x256xf32, #tpu.memory_space<vmem>>, vector<1x16xf32>,
    %jit3A_2009 = arith.constant 0.000000e+00 : f32
    %broadcast_in_dim3A_2010 = vector.broadcast %jit3A_2009 : f32 to vector<16xf32>
    %select_n3A_2011 = arith.select %eq3A_1932, %div3A_1976, %broadcast_in_dim3A_2010 : vector<16xi1>, vector<16xf32>
    %eq3A_2012 = arith.cmpf oeq, %select_n3A_1946, %max3A_1968 : vector<16xf32>
    %jit3A_2013 = arith.constant 0.000000e+00 : f32
    %broadcast_in_dim3A_2014 = vector.broadcast %jit3A_2013 : f32 to vector<16xf32>
    %select_n3A_2015 = arith.select %eq3A_2012, %div3A_1980, %broadcast_in_dim3A_2014 : vector<16xi1>, vector<16xf32>
    %add3A_2016 = arith.addf %select_n3A_2011, %select_n3A_2015 : vector<16xf32>
    %swap3A_2017 = arith.constant 2 : i32
    %swap3A_2018 = arith.index_cast %swap3A_2017 : i32 to index
    %swap3A_2019 = arith.constant 144 : index
    %swap3A_2020 = tpu.vector_load %arg5[%swap3A_2018, %swap3A_2019] {strides = array<i32>} : memref<8x256xf32, #tpu.memory_space<vmem>>, vector<1x16xf32>,
    %swap3A_2021 = vector.shape_cast %swap3A_2020 : vector<1x16xf32> to vector<16xf32>
    %swap3A_2022 = vector.shape_cast %add3A_2016 : vector<16xf32> to vector<1x16xf32>
    tpu.vector_store %arg5[%swap3A_2018, %swap3A_2019], %swap3A_2022 {strides = array<i32>} : memref<8x256xf32, #tpu.memory_space<vmem>>, vector<1x16xf32>,
    %jit3A_2023 = arith.constant 0.000000e+00 : f32
    %broadcast_in_dim3A_2024 = vector.broadcast %jit3A_2023 : f32 to vector<16xf32>
    %select_n3A_2025 = arith.select %eq3A_1933, %div3A_1976, %broadcast_in_dim3A_2024 : vector<16xi1>, vector<16xf32>
    %eq3A_2026 = arith.cmpf oeq, %select_n3A_1949, %max3A_1968 : vector<16xf32>
    %jit3A_2027 = arith.constant 0.000000e+00 : f32
    %broadcast_in_dim3A_2028 = vector.broadcast %jit3A_2027 : f32 to vector<16xf32>
    %select_n3A_2029 = arith.select %eq3A_2026, %div3A_1980, %broadcast_in_dim3A_2028 : vector<16xi1>, vector<16xf32>
    %add3A_2030 = arith.addf %select_n3A_2025, %select_n3A_2029 : vector<16xf32>
    %swap3A_2031 = arith.constant 3 : i32
    %swap3A_2032 = arith.index_cast %swap3A_2031 : i32 to index
    %swap3A_2033 = arith.constant 144 : index
    %swap3A_2034 = tpu.vector_load %arg5[%swap3A_2032, %swap3A_2033] {strides = array<i32>} : memref<8x256xf32, #tpu.memory_space<vmem>>, vector<1x16xf32>,
    %swap3A_2035 = vector.shape_cast %swap3A_2034 : vector<1x16xf32> to vector<16xf32>
    %swap3A_2036 = vector.shape_cast %add3A_2030 : vector<16xf32> to vector<1x16xf32>
    tpu.vector_store %arg5[%swap3A_2032, %swap3A_2033], %swap3A_2036 {strides = array<i32>} : memref<8x256xf32, #tpu.memory_space<vmem>>, vector<1x16xf32>,
    %jit3A_2037 = arith.constant 0.000000e+00 : f32
    %broadcast_in_dim3A_2038 = vector.broadcast %jit3A_2037 : f32 to vector<16xf32>
    %select_n3A_2039 = arith.select %eq3A_1934, %div3A_1976, %broadcast_in_dim3A_2038 : vector<16xi1>, vector<16xf32>
    %eq3A_2040 = arith.cmpf oeq, %select_n3A_1952, %max3A_1968 : vector<16xf32>
    %jit3A_2041 = arith.constant 0.000000e+00 : f32
    %broadcast_in_dim3A_2042 = vector.broadcast %jit3A_2041 : f32 to vector<16xf32>
    %select_n3A_2043 = arith.select %eq3A_2040, %div3A_1980, %broadcast_in_dim3A_2042 : vector<16xi1>, vector<16xf32>
    %add3A_2044 = arith.addf %select_n3A_2039, %select_n3A_2043 : vector<16xf32>
    %swap3A_2045 = arith.constant 4 : i32
    %swap3A_2046 = arith.index_cast %swap3A_2045 : i32 to index
    %swap3A_2047 = arith.constant 144 : index
    %swap3A_2048 = tpu.vector_load %arg5[%swap3A_2046, %swap3A_2047] {strides = array<i32>} : memref<8x256xf32, #tpu.memory_space<vmem>>, vector<1x16xf32>,
    %swap3A_2049 = vector.shape_cast %swap3A_2048 : vector<1x16xf32> to vector<16xf32>
    %swap3A_2050 = vector.shape_cast %add3A_2044 : vector<16xf32> to vector<1x16xf32>
    tpu.vector_store %arg5[%swap3A_2046, %swap3A_2047], %swap3A_2050 {strides = array<i32>} : memref<8x256xf32, #tpu.memory_space<vmem>>, vector<1x16xf32>,
    %jit3A_2051 = arith.constant 0.000000e+00 : f32
    %broadcast_in_dim3A_2052 = vector.broadcast %jit3A_2051 : f32 to vector<16xf32>
    %select_n3A_2053 = arith.select %eq3A_1935, %div3A_1976, %broadcast_in_dim3A_2052 : vector<16xi1>, vector<16xf32>
    %eq3A_2054 = arith.cmpf oeq, %select_n3A_1955, %max3A_1968 : vector<16xf32>
    %jit3A_2055 = arith.constant 0.000000e+00 : f32
    %broadcast_in_dim3A_2056 = vector.broadcast %jit3A_2055 : f32 to vector<16xf32>
    %select_n3A_2057 = arith.select %eq3A_2054, %div3A_1980, %broadcast_in_dim3A_2056 : vector<16xi1>, vector<16xf32>
    %add3A_2058 = arith.addf %select_n3A_2053, %select_n3A_2057 : vector<16xf32>
    %swap3A_2059 = arith.constant 5 : i32
    %swap3A_2060 = arith.index_cast %swap3A_2059 : i32 to index
    %swap3A_2061 = arith.constant 144 : index
    %swap3A_2062 = tpu.vector_load %arg5[%swap3A_2060, %swap3A_2061] {strides = array<i32>} : memref<8x256xf32, #tpu.memory_space<vmem>>, vector<1x16xf32>,
    %swap3A_2063 = vector.shape_cast %swap3A_2062 : vector<1x16xf32> to vector<16xf32>
    %swap3A_2064 = vector.shape_cast %add3A_2058 : vector<16xf32> to vector<1x16xf32>
    tpu.vector_store %arg5[%swap3A_2060, %swap3A_2061], %swap3A_2064 {strides = array<i32>} : memref<8x256xf32, #tpu.memory_space<vmem>>, vector<1x16xf32>,
    %jit3A_2065 = arith.constant 0.000000e+00 : f32
    %broadcast_in_dim3A_2066 = vector.broadcast %jit3A_2065 : f32 to vector<16xf32>
    %select_n3A_2067 = arith.select %eq3A_1936, %div3A_1976, %broadcast_in_dim3A_2066 : vector<16xi1>, vector<16xf32>
    %eq3A_2068 = arith.cmpf oeq, %select_n3A_1958, %max3A_1968 : vector<16xf32>
    %jit3A_2069 = arith.constant 0.000000e+00 : f32
    %broadcast_in_dim3A_2070 = vector.broadcast %jit3A_2069 : f32 to vector<16xf32>
    %select_n3A_2071 = arith.select %eq3A_2068, %div3A_1980, %broadcast_in_dim3A_2070 : vector<16xi1>, vector<16xf32>
    %add3A_2072 = arith.addf %select_n3A_2067, %select_n3A_2071 : vector<16xf32>
    %swap3A_2073 = arith.constant 6 : i32
    %swap3A_2074 = arith.index_cast %swap3A_2073 : i32 to index
    %swap3A_2075 = arith.constant 144 : index
    %swap3A_2076 = tpu.vector_load %arg5[%swap3A_2074, %swap3A_2075] {strides = array<i32>} : memref<8x256xf32, #tpu.memory_space<vmem>>, vector<1x16xf32>,
    %swap3A_2077 = vector.shape_cast %swap3A_2076 : vector<1x16xf32> to vector<16xf32>
    %swap3A_2078 = vector.shape_cast %add3A_2072 : vector<16xf32> to vector<1x16xf32>
    tpu.vector_store %arg5[%swap3A_2074, %swap3A_2075], %swap3A_2078 {strides = array<i32>} : memref<8x256xf32, #tpu.memory_space<vmem>>, vector<1x16xf32>,
    %jit3A_2079 = arith.constant 0.000000e+00 : f32
    %broadcast_in_dim3A_2080 = vector.broadcast %jit3A_2079 : f32 to vector<16xf32>
    %select_n3A_2081 = arith.select %eq3A_1937, %div3A_1976, %broadcast_in_dim3A_2080 : vector<16xi1>, vector<16xf32>
    %eq3A_2082 = arith.cmpf oeq, %select_n3A_1961, %max3A_1968 : vector<16xf32>
    %jit3A_2083 = arith.constant 0.000000e+00 : f32
    %broadcast_in_dim3A_2084 = vector.broadcast %jit3A_2083 : f32 to vector<16xf32>
    %select_n3A_2085 = arith.select %eq3A_2082, %div3A_1980, %broadcast_in_dim3A_2084 : vector<16xi1>, vector<16xf32>
    %add3A_2086 = arith.addf %select_n3A_2081, %select_n3A_2085 : vector<16xf32>
    %swap3A_2087 = arith.constant 7 : i32
    %swap3A_2088 = arith.index_cast %swap3A_2087 : i32 to index
    %swap3A_2089 = arith.constant 144 : index
    %swap3A_2090 = tpu.vector_load %arg5[%swap3A_2088, %swap3A_2089] {strides = array<i32>} : memref<8x256xf32, #tpu.memory_space<vmem>>, vector<1x16xf32>,
    %swap3A_2091 = vector.shape_cast %swap3A_2090 : vector<1x16xf32> to vector<16xf32>
    %swap3A_2092 = vector.shape_cast %add3A_2086 : vector<16xf32> to vector<1x16xf32>
    tpu.vector_store %arg5[%swap3A_2088, %swap3A_2089], %swap3A_2092 {strides = array<i32>} : memref<8x256xf32, #tpu.memory_space<vmem>>, vector<1x16xf32>,
    %get3A_2093 = arith.constant 0 : i32
    %get3A_2094 = arith.index_cast %get3A_2093 : i32 to index
    %get3A_2095 = arith.constant 160 : index
    %get3A_2096 = tpu.vector_load %arg4[%get3A_2094, %get3A_2095] {strides = array<i32>} : memref<8x256xf32, #tpu.memory_space<vmem>>, vector<1x16xf32>,
    %get3A_2097 = vector.shape_cast %get3A_2096 : vector<1x16xf32> to vector<16xf32>
    %get3A_2098 = arith.constant 1 : i32
    %get3A_2099 = arith.index_cast %get3A_2098 : i32 to index
    %get3A_2100 = arith.constant 160 : index
    %get3A_2101 = tpu.vector_load %arg4[%get3A_2099, %get3A_2100] {strides = array<i32>} : memref<8x256xf32, #tpu.memory_space<vmem>>, vector<1x16xf32>,
    %get3A_2102 = vector.shape_cast %get3A_2101 : vector<1x16xf32> to vector<16xf32>
    %get3A_2103 = arith.constant 2 : i32
    %get3A_2104 = arith.index_cast %get3A_2103 : i32 to index
    %get3A_2105 = arith.constant 160 : index
    %get3A_2106 = tpu.vector_load %arg4[%get3A_2104, %get3A_2105] {strides = array<i32>} : memref<8x256xf32, #tpu.memory_space<vmem>>, vector<1x16xf32>,
    %get3A_2107 = vector.shape_cast %get3A_2106 : vector<1x16xf32> to vector<16xf32>
    %get3A_2108 = arith.constant 3 : i32
    %get3A_2109 = arith.index_cast %get3A_2108 : i32 to index
    %get3A_2110 = arith.constant 160 : index
    %get3A_2111 = tpu.vector_load %arg4[%get3A_2109, %get3A_2110] {strides = array<i32>} : memref<8x256xf32, #tpu.memory_space<vmem>>, vector<1x16xf32>,
    %get3A_2112 = vector.shape_cast %get3A_2111 : vector<1x16xf32> to vector<16xf32>
    %get3A_2113 = arith.constant 4 : i32
    %get3A_2114 = arith.index_cast %get3A_2113 : i32 to index
    %get3A_2115 = arith.constant 160 : index
    %get3A_2116 = tpu.vector_load %arg4[%get3A_2114, %get3A_2115] {strides = array<i32>} : memref<8x256xf32, #tpu.memory_space<vmem>>, vector<1x16xf32>,
    %get3A_2117 = vector.shape_cast %get3A_2116 : vector<1x16xf32> to vector<16xf32>
    %get3A_2118 = arith.constant 5 : i32
    %get3A_2119 = arith.index_cast %get3A_2118 : i32 to index
    %get3A_2120 = arith.constant 160 : index
    %get3A_2121 = tpu.vector_load %arg4[%get3A_2119, %get3A_2120] {strides = array<i32>} : memref<8x256xf32, #tpu.memory_space<vmem>>, vector<1x16xf32>,
    %get3A_2122 = vector.shape_cast %get3A_2121 : vector<1x16xf32> to vector<16xf32>
    %get3A_2123 = arith.constant 6 : i32
    %get3A_2124 = arith.index_cast %get3A_2123 : i32 to index
    %get3A_2125 = arith.constant 160 : index
    %get3A_2126 = tpu.vector_load %arg4[%get3A_2124, %get3A_2125] {strides = array<i32>} : memref<8x256xf32, #tpu.memory_space<vmem>>, vector<1x16xf32>,
    %get3A_2127 = vector.shape_cast %get3A_2126 : vector<1x16xf32> to vector<16xf32>
    %get3A_2128 = arith.constant 7 : i32
    %get3A_2129 = arith.index_cast %get3A_2128 : i32 to index
    %get3A_2130 = arith.constant 160 : index
    %get3A_2131 = tpu.vector_load %arg4[%get3A_2129, %get3A_2130] {strides = array<i32>} : memref<8x256xf32, #tpu.memory_space<vmem>>, vector<1x16xf32>,
    %get3A_2132 = vector.shape_cast %get3A_2131 : vector<1x16xf32> to vector<16xf32>
    %max3A_2133 = arith.maximumf %get3A_2097, %get3A_2102 : vector<16xf32>
    %max3A_2134 = arith.maximumf %max3A_2133, %get3A_2107 : vector<16xf32>
    %max3A_2135 = arith.maximumf %max3A_2134, %get3A_2112 : vector<16xf32>
    %max3A_2136 = arith.maximumf %max3A_2135, %get3A_2117 : vector<16xf32>
    %max3A_2137 = arith.maximumf %max3A_2136, %get3A_2122 : vector<16xf32>
    %max3A_2138 = arith.maximumf %max3A_2137, %get3A_2127 : vector<16xf32>
    %max3A_2139 = arith.maximumf %max3A_2138, %get3A_2132 : vector<16xf32>
    %eq3A_2140 = arith.cmpf oeq, %get3A_2097, %max3A_2139 : vector<16xf32>
    %eq3A_2141 = arith.cmpf oeq, %get3A_2102, %max3A_2139 : vector<16xf32>
    %eq3A_2142 = arith.cmpf oeq, %get3A_2107, %max3A_2139 : vector<16xf32>
    %eq3A_2143 = arith.cmpf oeq, %get3A_2112, %max3A_2139 : vector<16xf32>
    %eq3A_2144 = arith.cmpf oeq, %get3A_2117, %max3A_2139 : vector<16xf32>
    %eq3A_2145 = arith.cmpf oeq, %get3A_2122, %max3A_2139 : vector<16xf32>
    %eq3A_2146 = arith.cmpf oeq, %get3A_2127, %max3A_2139 : vector<16xf32>
    %eq3A_2147 = arith.cmpf oeq, %get3A_2132, %max3A_2139 : vector<16xf32>
    %jit3A_2148 = arith.constant -1.000000e+30 : f32
    %broadcast_in_dim3A_2149 = vector.broadcast %jit3A_2148 : f32 to vector<16xf32>
    %select_n3A_2150 = arith.select %eq3A_2140, %broadcast_in_dim3A_2149, %get3A_2097 : vector<16xi1>, vector<16xf32>
    %jit3A_2151 = arith.constant -1.000000e+30 : f32
    %broadcast_in_dim3A_2152 = vector.broadcast %jit3A_2151 : f32 to vector<16xf32>
    %select_n3A_2153 = arith.select %eq3A_2141, %broadcast_in_dim3A_2152, %get3A_2102 : vector<16xi1>, vector<16xf32>
    %jit3A_2154 = arith.constant -1.000000e+30 : f32
    %broadcast_in_dim3A_2155 = vector.broadcast %jit3A_2154 : f32 to vector<16xf32>
    %select_n3A_2156 = arith.select %eq3A_2142, %broadcast_in_dim3A_2155, %get3A_2107 : vector<16xi1>, vector<16xf32>
    %jit3A_2157 = arith.constant -1.000000e+30 : f32
    %broadcast_in_dim3A_2158 = vector.broadcast %jit3A_2157 : f32 to vector<16xf32>
    %select_n3A_2159 = arith.select %eq3A_2143, %broadcast_in_dim3A_2158, %get3A_2112 : vector<16xi1>, vector<16xf32>
    %jit3A_2160 = arith.constant -1.000000e+30 : f32
    %broadcast_in_dim3A_2161 = vector.broadcast %jit3A_2160 : f32 to vector<16xf32>
    %select_n3A_2162 = arith.select %eq3A_2144, %broadcast_in_dim3A_2161, %get3A_2117 : vector<16xi1>, vector<16xf32>
    %jit3A_2163 = arith.constant -1.000000e+30 : f32
    %broadcast_in_dim3A_2164 = vector.broadcast %jit3A_2163 : f32 to vector<16xf32>
    %select_n3A_2165 = arith.select %eq3A_2145, %broadcast_in_dim3A_2164, %get3A_2122 : vector<16xi1>, vector<16xf32>
    %jit3A_2166 = arith.constant -1.000000e+30 : f32
    %broadcast_in_dim3A_2167 = vector.broadcast %jit3A_2166 : f32 to vector<16xf32>
    %select_n3A_2168 = arith.select %eq3A_2146, %broadcast_in_dim3A_2167, %get3A_2127 : vector<16xi1>, vector<16xf32>
    %jit3A_2169 = arith.constant -1.000000e+30 : f32
    %broadcast_in_dim3A_2170 = vector.broadcast %jit3A_2169 : f32 to vector<16xf32>
    %select_n3A_2171 = arith.select %eq3A_2147, %broadcast_in_dim3A_2170, %get3A_2132 : vector<16xi1>, vector<16xf32>
    %max3A_2172 = arith.maximumf %select_n3A_2150, %select_n3A_2153 : vector<16xf32>
    %max3A_2173 = arith.maximumf %max3A_2172, %select_n3A_2156 : vector<16xf32>
    %max3A_2174 = arith.maximumf %max3A_2173, %select_n3A_2159 : vector<16xf32>
    %max3A_2175 = arith.maximumf %max3A_2174, %select_n3A_2162 : vector<16xf32>
    %max3A_2176 = arith.maximumf %max3A_2175, %select_n3A_2165 : vector<16xf32>
    %max3A_2177 = arith.maximumf %max3A_2176, %select_n3A_2168 : vector<16xf32>
    %max3A_2178 = arith.maximumf %max3A_2177, %select_n3A_2171 : vector<16xf32>
    %sub3A_2179 = arith.subf %max3A_2178, %max3A_2139 : vector<16xf32>
    %exp3A_2180 = math.exp %sub3A_2179 : vector<16xf32>
    %add3A_2181 = arith.constant 1.000000e+00 : f32
    %add3A_2182 = vector.broadcast %add3A_2181 : f32 to vector<16xf32>
    %add3A_2183 = arith.addf %add3A_2182, %exp3A_2180 : vector<16xf32>
    %div3A_2184 = arith.constant 1.000000e+00 : f32
    %div3A_2185 = vector.broadcast %div3A_2184 : f32 to vector<16xf32>
    %div3A_2186 = arith.divf %div3A_2185, %add3A_2183 : vector<16xf32>
    %add3A_2187 = arith.constant 1.000000e+00 : f32
    %add3A_2188 = vector.broadcast %add3A_2187 : f32 to vector<16xf32>
    %add3A_2189 = arith.addf %add3A_2188, %exp3A_2180 : vector<16xf32>
    %div3A_2190 = arith.divf %exp3A_2180, %add3A_2189 : vector<16xf32>
    %jit3A_2191 = arith.constant 0.000000e+00 : f32
    %broadcast_in_dim3A_2192 = vector.broadcast %jit3A_2191 : f32 to vector<16xf32>
    %select_n3A_2193 = arith.select %eq3A_2140, %div3A_2186, %broadcast_in_dim3A_2192 : vector<16xi1>, vector<16xf32>
    %eq3A_2194 = arith.cmpf oeq, %select_n3A_2150, %max3A_2178 : vector<16xf32>
    %jit3A_2195 = arith.constant 0.000000e+00 : f32
    %broadcast_in_dim3A_2196 = vector.broadcast %jit3A_2195 : f32 to vector<16xf32>
    %select_n3A_2197 = arith.select %eq3A_2194, %div3A_2190, %broadcast_in_dim3A_2196 : vector<16xi1>, vector<16xf32>
    %add3A_2198 = arith.addf %select_n3A_2193, %select_n3A_2197 : vector<16xf32>
    %swap3A_2199 = arith.constant 0 : i32
    %swap3A_2200 = arith.index_cast %swap3A_2199 : i32 to index
    %swap3A_2201 = arith.constant 160 : index
    %swap3A_2202 = tpu.vector_load %arg5[%swap3A_2200, %swap3A_2201] {strides = array<i32>} : memref<8x256xf32, #tpu.memory_space<vmem>>, vector<1x16xf32>,
    %swap3A_2203 = vector.shape_cast %swap3A_2202 : vector<1x16xf32> to vector<16xf32>
    %swap3A_2204 = vector.shape_cast %add3A_2198 : vector<16xf32> to vector<1x16xf32>
    tpu.vector_store %arg5[%swap3A_2200, %swap3A_2201], %swap3A_2204 {strides = array<i32>} : memref<8x256xf32, #tpu.memory_space<vmem>>, vector<1x16xf32>,
    %jit3A_2205 = arith.constant 0.000000e+00 : f32
    %broadcast_in_dim3A_2206 = vector.broadcast %jit3A_2205 : f32 to vector<16xf32>
    %select_n3A_2207 = arith.select %eq3A_2141, %div3A_2186, %broadcast_in_dim3A_2206 : vector<16xi1>, vector<16xf32>
    %eq3A_2208 = arith.cmpf oeq, %select_n3A_2153, %max3A_2178 : vector<16xf32>
    %jit3A_2209 = arith.constant 0.000000e+00 : f32
    %broadcast_in_dim3A_2210 = vector.broadcast %jit3A_2209 : f32 to vector<16xf32>
    %select_n3A_2211 = arith.select %eq3A_2208, %div3A_2190, %broadcast_in_dim3A_2210 : vector<16xi1>, vector<16xf32>
    %add3A_2212 = arith.addf %select_n3A_2207, %select_n3A_2211 : vector<16xf32>
    %swap3A_2213 = arith.constant 1 : i32
    %swap3A_2214 = arith.index_cast %swap3A_2213 : i32 to index
    %swap3A_2215 = arith.constant 160 : index
    %swap3A_2216 = tpu.vector_load %arg5[%swap3A_2214, %swap3A_2215] {strides = array<i32>} : memref<8x256xf32, #tpu.memory_space<vmem>>, vector<1x16xf32>,
    %swap3A_2217 = vector.shape_cast %swap3A_2216 : vector<1x16xf32> to vector<16xf32>
    %swap3A_2218 = vector.shape_cast %add3A_2212 : vector<16xf32> to vector<1x16xf32>
    tpu.vector_store %arg5[%swap3A_2214, %swap3A_2215], %swap3A_2218 {strides = array<i32>} : memref<8x256xf32, #tpu.memory_space<vmem>>, vector<1x16xf32>,
    %jit3A_2219 = arith.constant 0.000000e+00 : f32
    %broadcast_in_dim3A_2220 = vector.broadcast %jit3A_2219 : f32 to vector<16xf32>
    %select_n3A_2221 = arith.select %eq3A_2142, %div3A_2186, %broadcast_in_dim3A_2220 : vector<16xi1>, vector<16xf32>
    %eq3A_2222 = arith.cmpf oeq, %select_n3A_2156, %max3A_2178 : vector<16xf32>
    %jit3A_2223 = arith.constant 0.000000e+00 : f32
    %broadcast_in_dim3A_2224 = vector.broadcast %jit3A_2223 : f32 to vector<16xf32>
    %select_n3A_2225 = arith.select %eq3A_2222, %div3A_2190, %broadcast_in_dim3A_2224 : vector<16xi1>, vector<16xf32>
    %add3A_2226 = arith.addf %select_n3A_2221, %select_n3A_2225 : vector<16xf32>
    %swap3A_2227 = arith.constant 2 : i32
    %swap3A_2228 = arith.index_cast %swap3A_2227 : i32 to index
    %swap3A_2229 = arith.constant 160 : index
    %swap3A_2230 = tpu.vector_load %arg5[%swap3A_2228, %swap3A_2229] {strides = array<i32>} : memref<8x256xf32, #tpu.memory_space<vmem>>, vector<1x16xf32>,
    %swap3A_2231 = vector.shape_cast %swap3A_2230 : vector<1x16xf32> to vector<16xf32>
    %swap3A_2232 = vector.shape_cast %add3A_2226 : vector<16xf32> to vector<1x16xf32>
    tpu.vector_store %arg5[%swap3A_2228, %swap3A_2229], %swap3A_2232 {strides = array<i32>} : memref<8x256xf32, #tpu.memory_space<vmem>>, vector<1x16xf32>,
    %jit3A_2233 = arith.constant 0.000000e+00 : f32
    %broadcast_in_dim3A_2234 = vector.broadcast %jit3A_2233 : f32 to vector<16xf32>
    %select_n3A_2235 = arith.select %eq3A_2143, %div3A_2186, %broadcast_in_dim3A_2234 : vector<16xi1>, vector<16xf32>
    %eq3A_2236 = arith.cmpf oeq, %select_n3A_2159, %max3A_2178 : vector<16xf32>
    %jit3A_2237 = arith.constant 0.000000e+00 : f32
    %broadcast_in_dim3A_2238 = vector.broadcast %jit3A_2237 : f32 to vector<16xf32>
    %select_n3A_2239 = arith.select %eq3A_2236, %div3A_2190, %broadcast_in_dim3A_2238 : vector<16xi1>, vector<16xf32>
    %add3A_2240 = arith.addf %select_n3A_2235, %select_n3A_2239 : vector<16xf32>
    %swap3A_2241 = arith.constant 3 : i32
    %swap3A_2242 = arith.index_cast %swap3A_2241 : i32 to index
    %swap3A_2243 = arith.constant 160 : index
    %swap3A_2244 = tpu.vector_load %arg5[%swap3A_2242, %swap3A_2243] {strides = array<i32>} : memref<8x256xf32, #tpu.memory_space<vmem>>, vector<1x16xf32>,
    %swap3A_2245 = vector.shape_cast %swap3A_2244 : vector<1x16xf32> to vector<16xf32>
    %swap3A_2246 = vector.shape_cast %add3A_2240 : vector<16xf32> to vector<1x16xf32>
    tpu.vector_store %arg5[%swap3A_2242, %swap3A_2243], %swap3A_2246 {strides = array<i32>} : memref<8x256xf32, #tpu.memory_space<vmem>>, vector<1x16xf32>,
    %jit3A_2247 = arith.constant 0.000000e+00 : f32
    %broadcast_in_dim3A_2248 = vector.broadcast %jit3A_2247 : f32 to vector<16xf32>
    %select_n3A_2249 = arith.select %eq3A_2144, %div3A_2186, %broadcast_in_dim3A_2248 : vector<16xi1>, vector<16xf32>
    %eq3A_2250 = arith.cmpf oeq, %select_n3A_2162, %max3A_2178 : vector<16xf32>
    %jit3A_2251 = arith.constant 0.000000e+00 : f32
    %broadcast_in_dim3A_2252 = vector.broadcast %jit3A_2251 : f32 to vector<16xf32>
    %select_n3A_2253 = arith.select %eq3A_2250, %div3A_2190, %broadcast_in_dim3A_2252 : vector<16xi1>, vector<16xf32>
    %add3A_2254 = arith.addf %select_n3A_2249, %select_n3A_2253 : vector<16xf32>
    %swap3A_2255 = arith.constant 4 : i32
    %swap3A_2256 = arith.index_cast %swap3A_2255 : i32 to index
    %swap3A_2257 = arith.constant 160 : index
    %swap3A_2258 = tpu.vector_load %arg5[%swap3A_2256, %swap3A_2257] {strides = array<i32>} : memref<8x256xf32, #tpu.memory_space<vmem>>, vector<1x16xf32>,
    %swap3A_2259 = vector.shape_cast %swap3A_2258 : vector<1x16xf32> to vector<16xf32>
    %swap3A_2260 = vector.shape_cast %add3A_2254 : vector<16xf32> to vector<1x16xf32>
    tpu.vector_store %arg5[%swap3A_2256, %swap3A_2257], %swap3A_2260 {strides = array<i32>} : memref<8x256xf32, #tpu.memory_space<vmem>>, vector<1x16xf32>,
    %jit3A_2261 = arith.constant 0.000000e+00 : f32
    %broadcast_in_dim3A_2262 = vector.broadcast %jit3A_2261 : f32 to vector<16xf32>
    %select_n3A_2263 = arith.select %eq3A_2145, %div3A_2186, %broadcast_in_dim3A_2262 : vector<16xi1>, vector<16xf32>
    %eq3A_2264 = arith.cmpf oeq, %select_n3A_2165, %max3A_2178 : vector<16xf32>
    %jit3A_2265 = arith.constant 0.000000e+00 : f32
    %broadcast_in_dim3A_2266 = vector.broadcast %jit3A_2265 : f32 to vector<16xf32>
    %select_n3A_2267 = arith.select %eq3A_2264, %div3A_2190, %broadcast_in_dim3A_2266 : vector<16xi1>, vector<16xf32>
    %add3A_2268 = arith.addf %select_n3A_2263, %select_n3A_2267 : vector<16xf32>
    %swap3A_2269 = arith.constant 5 : i32
    %swap3A_2270 = arith.index_cast %swap3A_2269 : i32 to index
    %swap3A_2271 = arith.constant 160 : index
    %swap3A_2272 = tpu.vector_load %arg5[%swap3A_2270, %swap3A_2271] {strides = array<i32>} : memref<8x256xf32, #tpu.memory_space<vmem>>, vector<1x16xf32>,
    %swap3A_2273 = vector.shape_cast %swap3A_2272 : vector<1x16xf32> to vector<16xf32>
    %swap3A_2274 = vector.shape_cast %add3A_2268 : vector<16xf32> to vector<1x16xf32>
    tpu.vector_store %arg5[%swap3A_2270, %swap3A_2271], %swap3A_2274 {strides = array<i32>} : memref<8x256xf32, #tpu.memory_space<vmem>>, vector<1x16xf32>,
    %jit3A_2275 = arith.constant 0.000000e+00 : f32
    %broadcast_in_dim3A_2276 = vector.broadcast %jit3A_2275 : f32 to vector<16xf32>
    %select_n3A_2277 = arith.select %eq3A_2146, %div3A_2186, %broadcast_in_dim3A_2276 : vector<16xi1>, vector<16xf32>
    %eq3A_2278 = arith.cmpf oeq, %select_n3A_2168, %max3A_2178 : vector<16xf32>
    %jit3A_2279 = arith.constant 0.000000e+00 : f32
    %broadcast_in_dim3A_2280 = vector.broadcast %jit3A_2279 : f32 to vector<16xf32>
    %select_n3A_2281 = arith.select %eq3A_2278, %div3A_2190, %broadcast_in_dim3A_2280 : vector<16xi1>, vector<16xf32>
    %add3A_2282 = arith.addf %select_n3A_2277, %select_n3A_2281 : vector<16xf32>
    %swap3A_2283 = arith.constant 6 : i32
    %swap3A_2284 = arith.index_cast %swap3A_2283 : i32 to index
    %swap3A_2285 = arith.constant 160 : index
    %swap3A_2286 = tpu.vector_load %arg5[%swap3A_2284, %swap3A_2285] {strides = array<i32>} : memref<8x256xf32, #tpu.memory_space<vmem>>, vector<1x16xf32>,
    %swap3A_2287 = vector.shape_cast %swap3A_2286 : vector<1x16xf32> to vector<16xf32>
    %swap3A_2288 = vector.shape_cast %add3A_2282 : vector<16xf32> to vector<1x16xf32>
    tpu.vector_store %arg5[%swap3A_2284, %swap3A_2285], %swap3A_2288 {strides = array<i32>} : memref<8x256xf32, #tpu.memory_space<vmem>>, vector<1x16xf32>,
    %jit3A_2289 = arith.constant 0.000000e+00 : f32
    %broadcast_in_dim3A_2290 = vector.broadcast %jit3A_2289 : f32 to vector<16xf32>
    %select_n3A_2291 = arith.select %eq3A_2147, %div3A_2186, %broadcast_in_dim3A_2290 : vector<16xi1>, vector<16xf32>
    %eq3A_2292 = arith.cmpf oeq, %select_n3A_2171, %max3A_2178 : vector<16xf32>
    %jit3A_2293 = arith.constant 0.000000e+00 : f32
    %broadcast_in_dim3A_2294 = vector.broadcast %jit3A_2293 : f32 to vector<16xf32>
    %select_n3A_2295 = arith.select %eq3A_2292, %div3A_2190, %broadcast_in_dim3A_2294 : vector<16xi1>, vector<16xf32>
    %add3A_2296 = arith.addf %select_n3A_2291, %select_n3A_2295 : vector<16xf32>
    %swap3A_2297 = arith.constant 7 : i32
    %swap3A_2298 = arith.index_cast %swap3A_2297 : i32 to index
    %swap3A_2299 = arith.constant 160 : index
    %swap3A_2300 = tpu.vector_load %arg5[%swap3A_2298, %swap3A_2299] {strides = array<i32>} : memref<8x256xf32, #tpu.memory_space<vmem>>, vector<1x16xf32>,
    %swap3A_2301 = vector.shape_cast %swap3A_2300 : vector<1x16xf32> to vector<16xf32>
    %swap3A_2302 = vector.shape_cast %add3A_2296 : vector<16xf32> to vector<1x16xf32>
    tpu.vector_store %arg5[%swap3A_2298, %swap3A_2299], %swap3A_2302 {strides = array<i32>} : memref<8x256xf32, #tpu.memory_space<vmem>>, vector<1x16xf32>,
    %get3A_2303 = arith.constant 0 : i32
    %get3A_2304 = arith.index_cast %get3A_2303 : i32 to index
    %get3A_2305 = arith.constant 176 : index
    %get3A_2306 = tpu.vector_load %arg4[%get3A_2304, %get3A_2305] {strides = array<i32>} : memref<8x256xf32, #tpu.memory_space<vmem>>, vector<1x16xf32>,
    %get3A_2307 = vector.shape_cast %get3A_2306 : vector<1x16xf32> to vector<16xf32>
    %get3A_2308 = arith.constant 1 : i32
    %get3A_2309 = arith.index_cast %get3A_2308 : i32 to index
    %get3A_2310 = arith.constant 176 : index
    %get3A_2311 = tpu.vector_load %arg4[%get3A_2309, %get3A_2310] {strides = array<i32>} : memref<8x256xf32, #tpu.memory_space<vmem>>, vector<1x16xf32>,
    %get3A_2312 = vector.shape_cast %get3A_2311 : vector<1x16xf32> to vector<16xf32>
    %get3A_2313 = arith.constant 2 : i32
    %get3A_2314 = arith.index_cast %get3A_2313 : i32 to index
    %get3A_2315 = arith.constant 176 : index
    %get3A_2316 = tpu.vector_load %arg4[%get3A_2314, %get3A_2315] {strides = array<i32>} : memref<8x256xf32, #tpu.memory_space<vmem>>, vector<1x16xf32>,
    %get3A_2317 = vector.shape_cast %get3A_2316 : vector<1x16xf32> to vector<16xf32>
    %get3A_2318 = arith.constant 3 : i32
    %get3A_2319 = arith.index_cast %get3A_2318 : i32 to index
    %get3A_2320 = arith.constant 176 : index
    %get3A_2321 = tpu.vector_load %arg4[%get3A_2319, %get3A_2320] {strides = array<i32>} : memref<8x256xf32, #tpu.memory_space<vmem>>, vector<1x16xf32>,
    %get3A_2322 = vector.shape_cast %get3A_2321 : vector<1x16xf32> to vector<16xf32>
    %get3A_2323 = arith.constant 4 : i32
    %get3A_2324 = arith.index_cast %get3A_2323 : i32 to index
    %get3A_2325 = arith.constant 176 : index
    %get3A_2326 = tpu.vector_load %arg4[%get3A_2324, %get3A_2325] {strides = array<i32>} : memref<8x256xf32, #tpu.memory_space<vmem>>, vector<1x16xf32>,
    %get3A_2327 = vector.shape_cast %get3A_2326 : vector<1x16xf32> to vector<16xf32>
    %get3A_2328 = arith.constant 5 : i32
    %get3A_2329 = arith.index_cast %get3A_2328 : i32 to index
    %get3A_2330 = arith.constant 176 : index
    %get3A_2331 = tpu.vector_load %arg4[%get3A_2329, %get3A_2330] {strides = array<i32>} : memref<8x256xf32, #tpu.memory_space<vmem>>, vector<1x16xf32>,
    %get3A_2332 = vector.shape_cast %get3A_2331 : vector<1x16xf32> to vector<16xf32>
    %get3A_2333 = arith.constant 6 : i32
    %get3A_2334 = arith.index_cast %get3A_2333 : i32 to index
    %get3A_2335 = arith.constant 176 : index
    %get3A_2336 = tpu.vector_load %arg4[%get3A_2334, %get3A_2335] {strides = array<i32>} : memref<8x256xf32, #tpu.memory_space<vmem>>, vector<1x16xf32>,
    %get3A_2337 = vector.shape_cast %get3A_2336 : vector<1x16xf32> to vector<16xf32>
    %get3A_2338 = arith.constant 7 : i32
    %get3A_2339 = arith.index_cast %get3A_2338 : i32 to index
    %get3A_2340 = arith.constant 176 : index
    %get3A_2341 = tpu.vector_load %arg4[%get3A_2339, %get3A_2340] {strides = array<i32>} : memref<8x256xf32, #tpu.memory_space<vmem>>, vector<1x16xf32>,
    %get3A_2342 = vector.shape_cast %get3A_2341 : vector<1x16xf32> to vector<16xf32>
    %max3A_2343 = arith.maximumf %get3A_2307, %get3A_2312 : vector<16xf32>
    %max3A_2344 = arith.maximumf %max3A_2343, %get3A_2317 : vector<16xf32>
    %max3A_2345 = arith.maximumf %max3A_2344, %get3A_2322 : vector<16xf32>
    %max3A_2346 = arith.maximumf %max3A_2345, %get3A_2327 : vector<16xf32>
    %max3A_2347 = arith.maximumf %max3A_2346, %get3A_2332 : vector<16xf32>
    %max3A_2348 = arith.maximumf %max3A_2347, %get3A_2337 : vector<16xf32>
    %max3A_2349 = arith.maximumf %max3A_2348, %get3A_2342 : vector<16xf32>
    %eq3A_2350 = arith.cmpf oeq, %get3A_2307, %max3A_2349 : vector<16xf32>
    %eq3A_2351 = arith.cmpf oeq, %get3A_2312, %max3A_2349 : vector<16xf32>
    %eq3A_2352 = arith.cmpf oeq, %get3A_2317, %max3A_2349 : vector<16xf32>
    %eq3A_2353 = arith.cmpf oeq, %get3A_2322, %max3A_2349 : vector<16xf32>
    %eq3A_2354 = arith.cmpf oeq, %get3A_2327, %max3A_2349 : vector<16xf32>
    %eq3A_2355 = arith.cmpf oeq, %get3A_2332, %max3A_2349 : vector<16xf32>
    %eq3A_2356 = arith.cmpf oeq, %get3A_2337, %max3A_2349 : vector<16xf32>
    %eq3A_2357 = arith.cmpf oeq, %get3A_2342, %max3A_2349 : vector<16xf32>
    %jit3A_2358 = arith.constant -1.000000e+30 : f32
    %broadcast_in_dim3A_2359 = vector.broadcast %jit3A_2358 : f32 to vector<16xf32>
    %select_n3A_2360 = arith.select %eq3A_2350, %broadcast_in_dim3A_2359, %get3A_2307 : vector<16xi1>, vector<16xf32>
    %jit3A_2361 = arith.constant -1.000000e+30 : f32
    %broadcast_in_dim3A_2362 = vector.broadcast %jit3A_2361 : f32 to vector<16xf32>
    %select_n3A_2363 = arith.select %eq3A_2351, %broadcast_in_dim3A_2362, %get3A_2312 : vector<16xi1>, vector<16xf32>
    %jit3A_2364 = arith.constant -1.000000e+30 : f32
    %broadcast_in_dim3A_2365 = vector.broadcast %jit3A_2364 : f32 to vector<16xf32>
    %select_n3A_2366 = arith.select %eq3A_2352, %broadcast_in_dim3A_2365, %get3A_2317 : vector<16xi1>, vector<16xf32>
    %jit3A_2367 = arith.constant -1.000000e+30 : f32
    %broadcast_in_dim3A_2368 = vector.broadcast %jit3A_2367 : f32 to vector<16xf32>
    %select_n3A_2369 = arith.select %eq3A_2353, %broadcast_in_dim3A_2368, %get3A_2322 : vector<16xi1>, vector<16xf32>
    %jit3A_2370 = arith.constant -1.000000e+30 : f32
    %broadcast_in_dim3A_2371 = vector.broadcast %jit3A_2370 : f32 to vector<16xf32>
    %select_n3A_2372 = arith.select %eq3A_2354, %broadcast_in_dim3A_2371, %get3A_2327 : vector<16xi1>, vector<16xf32>
    %jit3A_2373 = arith.constant -1.000000e+30 : f32
    %broadcast_in_dim3A_2374 = vector.broadcast %jit3A_2373 : f32 to vector<16xf32>
    %select_n3A_2375 = arith.select %eq3A_2355, %broadcast_in_dim3A_2374, %get3A_2332 : vector<16xi1>, vector<16xf32>
    %jit3A_2376 = arith.constant -1.000000e+30 : f32
    %broadcast_in_dim3A_2377 = vector.broadcast %jit3A_2376 : f32 to vector<16xf32>
    %select_n3A_2378 = arith.select %eq3A_2356, %broadcast_in_dim3A_2377, %get3A_2337 : vector<16xi1>, vector<16xf32>
    %jit3A_2379 = arith.constant -1.000000e+30 : f32
    %broadcast_in_dim3A_2380 = vector.broadcast %jit3A_2379 : f32 to vector<16xf32>
    %select_n3A_2381 = arith.select %eq3A_2357, %broadcast_in_dim3A_2380, %get3A_2342 : vector<16xi1>, vector<16xf32>
    %max3A_2382 = arith.maximumf %select_n3A_2360, %select_n3A_2363 : vector<16xf32>
    %max3A_2383 = arith.maximumf %max3A_2382, %select_n3A_2366 : vector<16xf32>
    %max3A_2384 = arith.maximumf %max3A_2383, %select_n3A_2369 : vector<16xf32>
    %max3A_2385 = arith.maximumf %max3A_2384, %select_n3A_2372 : vector<16xf32>
    %max3A_2386 = arith.maximumf %max3A_2385, %select_n3A_2375 : vector<16xf32>
    %max3A_2387 = arith.maximumf %max3A_2386, %select_n3A_2378 : vector<16xf32>
    %max3A_2388 = arith.maximumf %max3A_2387, %select_n3A_2381 : vector<16xf32>
    %sub3A_2389 = arith.subf %max3A_2388, %max3A_2349 : vector<16xf32>
    %exp3A_2390 = math.exp %sub3A_2389 : vector<16xf32>
    %add3A_2391 = arith.constant 1.000000e+00 : f32
    %add3A_2392 = vector.broadcast %add3A_2391 : f32 to vector<16xf32>
    %add3A_2393 = arith.addf %add3A_2392, %exp3A_2390 : vector<16xf32>
    %div3A_2394 = arith.constant 1.000000e+00 : f32
    %div3A_2395 = vector.broadcast %div3A_2394 : f32 to vector<16xf32>
    %div3A_2396 = arith.divf %div3A_2395, %add3A_2393 : vector<16xf32>
    %add3A_2397 = arith.constant 1.000000e+00 : f32
    %add3A_2398 = vector.broadcast %add3A_2397 : f32 to vector<16xf32>
    %add3A_2399 = arith.addf %add3A_2398, %exp3A_2390 : vector<16xf32>
    %div3A_2400 = arith.divf %exp3A_2390, %add3A_2399 : vector<16xf32>
    %jit3A_2401 = arith.constant 0.000000e+00 : f32
    %broadcast_in_dim3A_2402 = vector.broadcast %jit3A_2401 : f32 to vector<16xf32>
    %select_n3A_2403 = arith.select %eq3A_2350, %div3A_2396, %broadcast_in_dim3A_2402 : vector<16xi1>, vector<16xf32>
    %eq3A_2404 = arith.cmpf oeq, %select_n3A_2360, %max3A_2388 : vector<16xf32>
    %jit3A_2405 = arith.constant 0.000000e+00 : f32
    %broadcast_in_dim3A_2406 = vector.broadcast %jit3A_2405 : f32 to vector<16xf32>
    %select_n3A_2407 = arith.select %eq3A_2404, %div3A_2400, %broadcast_in_dim3A_2406 : vector<16xi1>, vector<16xf32>
    %add3A_2408 = arith.addf %select_n3A_2403, %select_n3A_2407 : vector<16xf32>
    %swap3A_2409 = arith.constant 0 : i32
    %swap3A_2410 = arith.index_cast %swap3A_2409 : i32 to index
    %swap3A_2411 = arith.constant 176 : index
    %swap3A_2412 = tpu.vector_load %arg5[%swap3A_2410, %swap3A_2411] {strides = array<i32>} : memref<8x256xf32, #tpu.memory_space<vmem>>, vector<1x16xf32>,
    %swap3A_2413 = vector.shape_cast %swap3A_2412 : vector<1x16xf32> to vector<16xf32>
    %swap3A_2414 = vector.shape_cast %add3A_2408 : vector<16xf32> to vector<1x16xf32>
    tpu.vector_store %arg5[%swap3A_2410, %swap3A_2411], %swap3A_2414 {strides = array<i32>} : memref<8x256xf32, #tpu.memory_space<vmem>>, vector<1x16xf32>,
    %jit3A_2415 = arith.constant 0.000000e+00 : f32
    %broadcast_in_dim3A_2416 = vector.broadcast %jit3A_2415 : f32 to vector<16xf32>
    %select_n3A_2417 = arith.select %eq3A_2351, %div3A_2396, %broadcast_in_dim3A_2416 : vector<16xi1>, vector<16xf32>
    %eq3A_2418 = arith.cmpf oeq, %select_n3A_2363, %max3A_2388 : vector<16xf32>
    %jit3A_2419 = arith.constant 0.000000e+00 : f32
    %broadcast_in_dim3A_2420 = vector.broadcast %jit3A_2419 : f32 to vector<16xf32>
    %select_n3A_2421 = arith.select %eq3A_2418, %div3A_2400, %broadcast_in_dim3A_2420 : vector<16xi1>, vector<16xf32>
    %add3A_2422 = arith.addf %select_n3A_2417, %select_n3A_2421 : vector<16xf32>
    %swap3A_2423 = arith.constant 1 : i32
    %swap3A_2424 = arith.index_cast %swap3A_2423 : i32 to index
    %swap3A_2425 = arith.constant 176 : index
    %swap3A_2426 = tpu.vector_load %arg5[%swap3A_2424, %swap3A_2425] {strides = array<i32>} : memref<8x256xf32, #tpu.memory_space<vmem>>, vector<1x16xf32>,
    %swap3A_2427 = vector.shape_cast %swap3A_2426 : vector<1x16xf32> to vector<16xf32>
    %swap3A_2428 = vector.shape_cast %add3A_2422 : vector<16xf32> to vector<1x16xf32>
    tpu.vector_store %arg5[%swap3A_2424, %swap3A_2425], %swap3A_2428 {strides = array<i32>} : memref<8x256xf32, #tpu.memory_space<vmem>>, vector<1x16xf32>,
    %jit3A_2429 = arith.constant 0.000000e+00 : f32
    %broadcast_in_dim3A_2430 = vector.broadcast %jit3A_2429 : f32 to vector<16xf32>
    %select_n3A_2431 = arith.select %eq3A_2352, %div3A_2396, %broadcast_in_dim3A_2430 : vector<16xi1>, vector<16xf32>
    %eq3A_2432 = arith.cmpf oeq, %select_n3A_2366, %max3A_2388 : vector<16xf32>
    %jit3A_2433 = arith.constant 0.000000e+00 : f32
    %broadcast_in_dim3A_2434 = vector.broadcast %jit3A_2433 : f32 to vector<16xf32>
    %select_n3A_2435 = arith.select %eq3A_2432, %div3A_2400, %broadcast_in_dim3A_2434 : vector<16xi1>, vector<16xf32>
    %add3A_2436 = arith.addf %select_n3A_2431, %select_n3A_2435 : vector<16xf32>
    %swap3A_2437 = arith.constant 2 : i32
    %swap3A_2438 = arith.index_cast %swap3A_2437 : i32 to index
    %swap3A_2439 = arith.constant 176 : index
    %swap3A_2440 = tpu.vector_load %arg5[%swap3A_2438, %swap3A_2439] {strides = array<i32>} : memref<8x256xf32, #tpu.memory_space<vmem>>, vector<1x16xf32>,
    %swap3A_2441 = vector.shape_cast %swap3A_2440 : vector<1x16xf32> to vector<16xf32>
    %swap3A_2442 = vector.shape_cast %add3A_2436 : vector<16xf32> to vector<1x16xf32>
    tpu.vector_store %arg5[%swap3A_2438, %swap3A_2439], %swap3A_2442 {strides = array<i32>} : memref<8x256xf32, #tpu.memory_space<vmem>>, vector<1x16xf32>,
    %jit3A_2443 = arith.constant 0.000000e+00 : f32
    %broadcast_in_dim3A_2444 = vector.broadcast %jit3A_2443 : f32 to vector<16xf32>
    %select_n3A_2445 = arith.select %eq3A_2353, %div3A_2396, %broadcast_in_dim3A_2444 : vector<16xi1>, vector<16xf32>
    %eq3A_2446 = arith.cmpf oeq, %select_n3A_2369, %max3A_2388 : vector<16xf32>
    %jit3A_2447 = arith.constant 0.000000e+00 : f32
    %broadcast_in_dim3A_2448 = vector.broadcast %jit3A_2447 : f32 to vector<16xf32>
    %select_n3A_2449 = arith.select %eq3A_2446, %div3A_2400, %broadcast_in_dim3A_2448 : vector<16xi1>, vector<16xf32>
    %add3A_2450 = arith.addf %select_n3A_2445, %select_n3A_2449 : vector<16xf32>
    %swap3A_2451 = arith.constant 3 : i32
    %swap3A_2452 = arith.index_cast %swap3A_2451 : i32 to index
    %swap3A_2453 = arith.constant 176 : index
    %swap3A_2454 = tpu.vector_load %arg5[%swap3A_2452, %swap3A_2453] {strides = array<i32>} : memref<8x256xf32, #tpu.memory_space<vmem>>, vector<1x16xf32>,
    %swap3A_2455 = vector.shape_cast %swap3A_2454 : vector<1x16xf32> to vector<16xf32>
    %swap3A_2456 = vector.shape_cast %add3A_2450 : vector<16xf32> to vector<1x16xf32>
    tpu.vector_store %arg5[%swap3A_2452, %swap3A_2453], %swap3A_2456 {strides = array<i32>} : memref<8x256xf32, #tpu.memory_space<vmem>>, vector<1x16xf32>,
    %jit3A_2457 = arith.constant 0.000000e+00 : f32
    %broadcast_in_dim3A_2458 = vector.broadcast %jit3A_2457 : f32 to vector<16xf32>
    %select_n3A_2459 = arith.select %eq3A_2354, %div3A_2396, %broadcast_in_dim3A_2458 : vector<16xi1>, vector<16xf32>
    %eq3A_2460 = arith.cmpf oeq, %select_n3A_2372, %max3A_2388 : vector<16xf32>
    %jit3A_2461 = arith.constant 0.000000e+00 : f32
    %broadcast_in_dim3A_2462 = vector.broadcast %jit3A_2461 : f32 to vector<16xf32>
    %select_n3A_2463 = arith.select %eq3A_2460, %div3A_2400, %broadcast_in_dim3A_2462 : vector<16xi1>, vector<16xf32>
    %add3A_2464 = arith.addf %select_n3A_2459, %select_n3A_2463 : vector<16xf32>
    %swap3A_2465 = arith.constant 4 : i32
    %swap3A_2466 = arith.index_cast %swap3A_2465 : i32 to index
    %swap3A_2467 = arith.constant 176 : index
    %swap3A_2468 = tpu.vector_load %arg5[%swap3A_2466, %swap3A_2467] {strides = array<i32>} : memref<8x256xf32, #tpu.memory_space<vmem>>, vector<1x16xf32>,
    %swap3A_2469 = vector.shape_cast %swap3A_2468 : vector<1x16xf32> to vector<16xf32>
    %swap3A_2470 = vector.shape_cast %add3A_2464 : vector<16xf32> to vector<1x16xf32>
    tpu.vector_store %arg5[%swap3A_2466, %swap3A_2467], %swap3A_2470 {strides = array<i32>} : memref<8x256xf32, #tpu.memory_space<vmem>>, vector<1x16xf32>,
    %jit3A_2471 = arith.constant 0.000000e+00 : f32
    %broadcast_in_dim3A_2472 = vector.broadcast %jit3A_2471 : f32 to vector<16xf32>
    %select_n3A_2473 = arith.select %eq3A_2355, %div3A_2396, %broadcast_in_dim3A_2472 : vector<16xi1>, vector<16xf32>
    %eq3A_2474 = arith.cmpf oeq, %select_n3A_2375, %max3A_2388 : vector<16xf32>
    %jit3A_2475 = arith.constant 0.000000e+00 : f32
    %broadcast_in_dim3A_2476 = vector.broadcast %jit3A_2475 : f32 to vector<16xf32>
    %select_n3A_2477 = arith.select %eq3A_2474, %div3A_2400, %broadcast_in_dim3A_2476 : vector<16xi1>, vector<16xf32>
    %add3A_2478 = arith.addf %select_n3A_2473, %select_n3A_2477 : vector<16xf32>
    %swap3A_2479 = arith.constant 5 : i32
    %swap3A_2480 = arith.index_cast %swap3A_2479 : i32 to index
    %swap3A_2481 = arith.constant 176 : index
    %swap3A_2482 = tpu.vector_load %arg5[%swap3A_2480, %swap3A_2481] {strides = array<i32>} : memref<8x256xf32, #tpu.memory_space<vmem>>, vector<1x16xf32>,
    %swap3A_2483 = vector.shape_cast %swap3A_2482 : vector<1x16xf32> to vector<16xf32>
    %swap3A_2484 = vector.shape_cast %add3A_2478 : vector<16xf32> to vector<1x16xf32>
    tpu.vector_store %arg5[%swap3A_2480, %swap3A_2481], %swap3A_2484 {strides = array<i32>} : memref<8x256xf32, #tpu.memory_space<vmem>>, vector<1x16xf32>,
    %jit3A_2485 = arith.constant 0.000000e+00 : f32
    %broadcast_in_dim3A_2486 = vector.broadcast %jit3A_2485 : f32 to vector<16xf32>
    %select_n3A_2487 = arith.select %eq3A_2356, %div3A_2396, %broadcast_in_dim3A_2486 : vector<16xi1>, vector<16xf32>
    %eq3A_2488 = arith.cmpf oeq, %select_n3A_2378, %max3A_2388 : vector<16xf32>
    %jit3A_2489 = arith.constant 0.000000e+00 : f32
    %broadcast_in_dim3A_2490 = vector.broadcast %jit3A_2489 : f32 to vector<16xf32>
    %select_n3A_2491 = arith.select %eq3A_2488, %div3A_2400, %broadcast_in_dim3A_2490 : vector<16xi1>, vector<16xf32>
    %add3A_2492 = arith.addf %select_n3A_2487, %select_n3A_2491 : vector<16xf32>
    %swap3A_2493 = arith.constant 6 : i32
    %swap3A_2494 = arith.index_cast %swap3A_2493 : i32 to index
    %swap3A_2495 = arith.constant 176 : index
    %swap3A_2496 = tpu.vector_load %arg5[%swap3A_2494, %swap3A_2495] {strides = array<i32>} : memref<8x256xf32, #tpu.memory_space<vmem>>, vector<1x16xf32>,
    %swap3A_2497 = vector.shape_cast %swap3A_2496 : vector<1x16xf32> to vector<16xf32>
    %swap3A_2498 = vector.shape_cast %add3A_2492 : vector<16xf32> to vector<1x16xf32>
    tpu.vector_store %arg5[%swap3A_2494, %swap3A_2495], %swap3A_2498 {strides = array<i32>} : memref<8x256xf32, #tpu.memory_space<vmem>>, vector<1x16xf32>,
    %jit3A_2499 = arith.constant 0.000000e+00 : f32
    %broadcast_in_dim3A_2500 = vector.broadcast %jit3A_2499 : f32 to vector<16xf32>
    %select_n3A_2501 = arith.select %eq3A_2357, %div3A_2396, %broadcast_in_dim3A_2500 : vector<16xi1>, vector<16xf32>
    %eq3A_2502 = arith.cmpf oeq, %select_n3A_2381, %max3A_2388 : vector<16xf32>
    %jit3A_2503 = arith.constant 0.000000e+00 : f32
    %broadcast_in_dim3A_2504 = vector.broadcast %jit3A_2503 : f32 to vector<16xf32>
    %select_n3A_2505 = arith.select %eq3A_2502, %div3A_2400, %broadcast_in_dim3A_2504 : vector<16xi1>, vector<16xf32>
    %add3A_2506 = arith.addf %select_n3A_2501, %select_n3A_2505 : vector<16xf32>
    %swap3A_2507 = arith.constant 7 : i32
    %swap3A_2508 = arith.index_cast %swap3A_2507 : i32 to index
    %swap3A_2509 = arith.constant 176 : index
    %swap3A_2510 = tpu.vector_load %arg5[%swap3A_2508, %swap3A_2509] {strides = array<i32>} : memref<8x256xf32, #tpu.memory_space<vmem>>, vector<1x16xf32>,
    %swap3A_2511 = vector.shape_cast %swap3A_2510 : vector<1x16xf32> to vector<16xf32>
    %swap3A_2512 = vector.shape_cast %add3A_2506 : vector<16xf32> to vector<1x16xf32>
    tpu.vector_store %arg5[%swap3A_2508, %swap3A_2509], %swap3A_2512 {strides = array<i32>} : memref<8x256xf32, #tpu.memory_space<vmem>>, vector<1x16xf32>,
    %get3A_2513 = arith.constant 0 : i32
    %get3A_2514 = arith.index_cast %get3A_2513 : i32 to index
    %get3A_2515 = arith.constant 192 : index
    %get3A_2516 = tpu.vector_load %arg4[%get3A_2514, %get3A_2515] {strides = array<i32>} : memref<8x256xf32, #tpu.memory_space<vmem>>, vector<1x16xf32>,
    %get3A_2517 = vector.shape_cast %get3A_2516 : vector<1x16xf32> to vector<16xf32>
    %get3A_2518 = arith.constant 1 : i32
    %get3A_2519 = arith.index_cast %get3A_2518 : i32 to index
    %get3A_2520 = arith.constant 192 : index
    %get3A_2521 = tpu.vector_load %arg4[%get3A_2519, %get3A_2520] {strides = array<i32>} : memref<8x256xf32, #tpu.memory_space<vmem>>, vector<1x16xf32>,
    %get3A_2522 = vector.shape_cast %get3A_2521 : vector<1x16xf32> to vector<16xf32>
    %get3A_2523 = arith.constant 2 : i32
    %get3A_2524 = arith.index_cast %get3A_2523 : i32 to index
    %get3A_2525 = arith.constant 192 : index
    %get3A_2526 = tpu.vector_load %arg4[%get3A_2524, %get3A_2525] {strides = array<i32>} : memref<8x256xf32, #tpu.memory_space<vmem>>, vector<1x16xf32>,
    %get3A_2527 = vector.shape_cast %get3A_2526 : vector<1x16xf32> to vector<16xf32>
    %get3A_2528 = arith.constant 3 : i32
    %get3A_2529 = arith.index_cast %get3A_2528 : i32 to index
    %get3A_2530 = arith.constant 192 : index
    %get3A_2531 = tpu.vector_load %arg4[%get3A_2529, %get3A_2530] {strides = array<i32>} : memref<8x256xf32, #tpu.memory_space<vmem>>, vector<1x16xf32>,
    %get3A_2532 = vector.shape_cast %get3A_2531 : vector<1x16xf32> to vector<16xf32>
    %get3A_2533 = arith.constant 4 : i32
    %get3A_2534 = arith.index_cast %get3A_2533 : i32 to index
    %get3A_2535 = arith.constant 192 : index
    %get3A_2536 = tpu.vector_load %arg4[%get3A_2534, %get3A_2535] {strides = array<i32>} : memref<8x256xf32, #tpu.memory_space<vmem>>, vector<1x16xf32>,
    %get3A_2537 = vector.shape_cast %get3A_2536 : vector<1x16xf32> to vector<16xf32>
    %get3A_2538 = arith.constant 5 : i32
    %get3A_2539 = arith.index_cast %get3A_2538 : i32 to index
    %get3A_2540 = arith.constant 192 : index
    %get3A_2541 = tpu.vector_load %arg4[%get3A_2539, %get3A_2540] {strides = array<i32>} : memref<8x256xf32, #tpu.memory_space<vmem>>, vector<1x16xf32>,
    %get3A_2542 = vector.shape_cast %get3A_2541 : vector<1x16xf32> to vector<16xf32>
    %get3A_2543 = arith.constant 6 : i32
    %get3A_2544 = arith.index_cast %get3A_2543 : i32 to index
    %get3A_2545 = arith.constant 192 : index
    %get3A_2546 = tpu.vector_load %arg4[%get3A_2544, %get3A_2545] {strides = array<i32>} : memref<8x256xf32, #tpu.memory_space<vmem>>, vector<1x16xf32>,
    %get3A_2547 = vector.shape_cast %get3A_2546 : vector<1x16xf32> to vector<16xf32>
    %get3A_2548 = arith.constant 7 : i32
    %get3A_2549 = arith.index_cast %get3A_2548 : i32 to index
    %get3A_2550 = arith.constant 192 : index
    %get3A_2551 = tpu.vector_load %arg4[%get3A_2549, %get3A_2550] {strides = array<i32>} : memref<8x256xf32, #tpu.memory_space<vmem>>, vector<1x16xf32>,
    %get3A_2552 = vector.shape_cast %get3A_2551 : vector<1x16xf32> to vector<16xf32>
    %max3A_2553 = arith.maximumf %get3A_2517, %get3A_2522 : vector<16xf32>
    %max3A_2554 = arith.maximumf %max3A_2553, %get3A_2527 : vector<16xf32>
    %max3A_2555 = arith.maximumf %max3A_2554, %get3A_2532 : vector<16xf32>
    %max3A_2556 = arith.maximumf %max3A_2555, %get3A_2537 : vector<16xf32>
    %max3A_2557 = arith.maximumf %max3A_2556, %get3A_2542 : vector<16xf32>
    %max3A_2558 = arith.maximumf %max3A_2557, %get3A_2547 : vector<16xf32>
    %max3A_2559 = arith.maximumf %max3A_2558, %get3A_2552 : vector<16xf32>
    %eq3A_2560 = arith.cmpf oeq, %get3A_2517, %max3A_2559 : vector<16xf32>
    %eq3A_2561 = arith.cmpf oeq, %get3A_2522, %max3A_2559 : vector<16xf32>
    %eq3A_2562 = arith.cmpf oeq, %get3A_2527, %max3A_2559 : vector<16xf32>
    %eq3A_2563 = arith.cmpf oeq, %get3A_2532, %max3A_2559 : vector<16xf32>
    %eq3A_2564 = arith.cmpf oeq, %get3A_2537, %max3A_2559 : vector<16xf32>
    %eq3A_2565 = arith.cmpf oeq, %get3A_2542, %max3A_2559 : vector<16xf32>
    %eq3A_2566 = arith.cmpf oeq, %get3A_2547, %max3A_2559 : vector<16xf32>
    %eq3A_2567 = arith.cmpf oeq, %get3A_2552, %max3A_2559 : vector<16xf32>
    %jit3A_2568 = arith.constant -1.000000e+30 : f32
    %broadcast_in_dim3A_2569 = vector.broadcast %jit3A_2568 : f32 to vector<16xf32>
    %select_n3A_2570 = arith.select %eq3A_2560, %broadcast_in_dim3A_2569, %get3A_2517 : vector<16xi1>, vector<16xf32>
    %jit3A_2571 = arith.constant -1.000000e+30 : f32
    %broadcast_in_dim3A_2572 = vector.broadcast %jit3A_2571 : f32 to vector<16xf32>
    %select_n3A_2573 = arith.select %eq3A_2561, %broadcast_in_dim3A_2572, %get3A_2522 : vector<16xi1>, vector<16xf32>
    %jit3A_2574 = arith.constant -1.000000e+30 : f32
    %broadcast_in_dim3A_2575 = vector.broadcast %jit3A_2574 : f32 to vector<16xf32>
    %select_n3A_2576 = arith.select %eq3A_2562, %broadcast_in_dim3A_2575, %get3A_2527 : vector<16xi1>, vector<16xf32>
    %jit3A_2577 = arith.constant -1.000000e+30 : f32
    %broadcast_in_dim3A_2578 = vector.broadcast %jit3A_2577 : f32 to vector<16xf32>
    %select_n3A_2579 = arith.select %eq3A_2563, %broadcast_in_dim3A_2578, %get3A_2532 : vector<16xi1>, vector<16xf32>
    %jit3A_2580 = arith.constant -1.000000e+30 : f32
    %broadcast_in_dim3A_2581 = vector.broadcast %jit3A_2580 : f32 to vector<16xf32>
    %select_n3A_2582 = arith.select %eq3A_2564, %broadcast_in_dim3A_2581, %get3A_2537 : vector<16xi1>, vector<16xf32>
    %jit3A_2583 = arith.constant -1.000000e+30 : f32
    %broadcast_in_dim3A_2584 = vector.broadcast %jit3A_2583 : f32 to vector<16xf32>
    %select_n3A_2585 = arith.select %eq3A_2565, %broadcast_in_dim3A_2584, %get3A_2542 : vector<16xi1>, vector<16xf32>
    %jit3A_2586 = arith.constant -1.000000e+30 : f32
    %broadcast_in_dim3A_2587 = vector.broadcast %jit3A_2586 : f32 to vector<16xf32>
    %select_n3A_2588 = arith.select %eq3A_2566, %broadcast_in_dim3A_2587, %get3A_2547 : vector<16xi1>, vector<16xf32>
    %jit3A_2589 = arith.constant -1.000000e+30 : f32
    %broadcast_in_dim3A_2590 = vector.broadcast %jit3A_2589 : f32 to vector<16xf32>
    %select_n3A_2591 = arith.select %eq3A_2567, %broadcast_in_dim3A_2590, %get3A_2552 : vector<16xi1>, vector<16xf32>
    %max3A_2592 = arith.maximumf %select_n3A_2570, %select_n3A_2573 : vector<16xf32>
    %max3A_2593 = arith.maximumf %max3A_2592, %select_n3A_2576 : vector<16xf32>
    %max3A_2594 = arith.maximumf %max3A_2593, %select_n3A_2579 : vector<16xf32>
    %max3A_2595 = arith.maximumf %max3A_2594, %select_n3A_2582 : vector<16xf32>
    %max3A_2596 = arith.maximumf %max3A_2595, %select_n3A_2585 : vector<16xf32>
    %max3A_2597 = arith.maximumf %max3A_2596, %select_n3A_2588 : vector<16xf32>
    %max3A_2598 = arith.maximumf %max3A_2597, %select_n3A_2591 : vector<16xf32>
    %sub3A_2599 = arith.subf %max3A_2598, %max3A_2559 : vector<16xf32>
    %exp3A_2600 = math.exp %sub3A_2599 : vector<16xf32>
    %add3A_2601 = arith.constant 1.000000e+00 : f32
    %add3A_2602 = vector.broadcast %add3A_2601 : f32 to vector<16xf32>
    %add3A_2603 = arith.addf %add3A_2602, %exp3A_2600 : vector<16xf32>
    %div3A_2604 = arith.constant 1.000000e+00 : f32
    %div3A_2605 = vector.broadcast %div3A_2604 : f32 to vector<16xf32>
    %div3A_2606 = arith.divf %div3A_2605, %add3A_2603 : vector<16xf32>
    %add3A_2607 = arith.constant 1.000000e+00 : f32
    %add3A_2608 = vector.broadcast %add3A_2607 : f32 to vector<16xf32>
    %add3A_2609 = arith.addf %add3A_2608, %exp3A_2600 : vector<16xf32>
    %div3A_2610 = arith.divf %exp3A_2600, %add3A_2609 : vector<16xf32>
    %jit3A_2611 = arith.constant 0.000000e+00 : f32
    %broadcast_in_dim3A_2612 = vector.broadcast %jit3A_2611 : f32 to vector<16xf32>
    %select_n3A_2613 = arith.select %eq3A_2560, %div3A_2606, %broadcast_in_dim3A_2612 : vector<16xi1>, vector<16xf32>
    %eq3A_2614 = arith.cmpf oeq, %select_n3A_2570, %max3A_2598 : vector<16xf32>
    %jit3A_2615 = arith.constant 0.000000e+00 : f32
    %broadcast_in_dim3A_2616 = vector.broadcast %jit3A_2615 : f32 to vector<16xf32>
    %select_n3A_2617 = arith.select %eq3A_2614, %div3A_2610, %broadcast_in_dim3A_2616 : vector<16xi1>, vector<16xf32>
    %add3A_2618 = arith.addf %select_n3A_2613, %select_n3A_2617 : vector<16xf32>
    %swap3A_2619 = arith.constant 0 : i32
    %swap3A_2620 = arith.index_cast %swap3A_2619 : i32 to index
    %swap3A_2621 = arith.constant 192 : index
    %swap3A_2622 = tpu.vector_load %arg5[%swap3A_2620, %swap3A_2621] {strides = array<i32>} : memref<8x256xf32, #tpu.memory_space<vmem>>, vector<1x16xf32>,
    %swap3A_2623 = vector.shape_cast %swap3A_2622 : vector<1x16xf32> to vector<16xf32>
    %swap3A_2624 = vector.shape_cast %add3A_2618 : vector<16xf32> to vector<1x16xf32>
    tpu.vector_store %arg5[%swap3A_2620, %swap3A_2621], %swap3A_2624 {strides = array<i32>} : memref<8x256xf32, #tpu.memory_space<vmem>>, vector<1x16xf32>,
    %jit3A_2625 = arith.constant 0.000000e+00 : f32
    %broadcast_in_dim3A_2626 = vector.broadcast %jit3A_2625 : f32 to vector<16xf32>
    %select_n3A_2627 = arith.select %eq3A_2561, %div3A_2606, %broadcast_in_dim3A_2626 : vector<16xi1>, vector<16xf32>
    %eq3A_2628 = arith.cmpf oeq, %select_n3A_2573, %max3A_2598 : vector<16xf32>
    %jit3A_2629 = arith.constant 0.000000e+00 : f32
    %broadcast_in_dim3A_2630 = vector.broadcast %jit3A_2629 : f32 to vector<16xf32>
    %select_n3A_2631 = arith.select %eq3A_2628, %div3A_2610, %broadcast_in_dim3A_2630 : vector<16xi1>, vector<16xf32>
    %add3A_2632 = arith.addf %select_n3A_2627, %select_n3A_2631 : vector<16xf32>
    %swap3A_2633 = arith.constant 1 : i32
    %swap3A_2634 = arith.index_cast %swap3A_2633 : i32 to index
    %swap3A_2635 = arith.constant 192 : index
    %swap3A_2636 = tpu.vector_load %arg5[%swap3A_2634, %swap3A_2635] {strides = array<i32>} : memref<8x256xf32, #tpu.memory_space<vmem>>, vector<1x16xf32>,
    %swap3A_2637 = vector.shape_cast %swap3A_2636 : vector<1x16xf32> to vector<16xf32>
    %swap3A_2638 = vector.shape_cast %add3A_2632 : vector<16xf32> to vector<1x16xf32>
    tpu.vector_store %arg5[%swap3A_2634, %swap3A_2635], %swap3A_2638 {strides = array<i32>} : memref<8x256xf32, #tpu.memory_space<vmem>>, vector<1x16xf32>,
    %jit3A_2639 = arith.constant 0.000000e+00 : f32
    %broadcast_in_dim3A_2640 = vector.broadcast %jit3A_2639 : f32 to vector<16xf32>
    %select_n3A_2641 = arith.select %eq3A_2562, %div3A_2606, %broadcast_in_dim3A_2640 : vector<16xi1>, vector<16xf32>
    %eq3A_2642 = arith.cmpf oeq, %select_n3A_2576, %max3A_2598 : vector<16xf32>
    %jit3A_2643 = arith.constant 0.000000e+00 : f32
    %broadcast_in_dim3A_2644 = vector.broadcast %jit3A_2643 : f32 to vector<16xf32>
    %select_n3A_2645 = arith.select %eq3A_2642, %div3A_2610, %broadcast_in_dim3A_2644 : vector<16xi1>, vector<16xf32>
    %add3A_2646 = arith.addf %select_n3A_2641, %select_n3A_2645 : vector<16xf32>
    %swap3A_2647 = arith.constant 2 : i32
    %swap3A_2648 = arith.index_cast %swap3A_2647 : i32 to index
    %swap3A_2649 = arith.constant 192 : index
    %swap3A_2650 = tpu.vector_load %arg5[%swap3A_2648, %swap3A_2649] {strides = array<i32>} : memref<8x256xf32, #tpu.memory_space<vmem>>, vector<1x16xf32>,
    %swap3A_2651 = vector.shape_cast %swap3A_2650 : vector<1x16xf32> to vector<16xf32>
    %swap3A_2652 = vector.shape_cast %add3A_2646 : vector<16xf32> to vector<1x16xf32>
    tpu.vector_store %arg5[%swap3A_2648, %swap3A_2649], %swap3A_2652 {strides = array<i32>} : memref<8x256xf32, #tpu.memory_space<vmem>>, vector<1x16xf32>,
    %jit3A_2653 = arith.constant 0.000000e+00 : f32
    %broadcast_in_dim3A_2654 = vector.broadcast %jit3A_2653 : f32 to vector<16xf32>
    %select_n3A_2655 = arith.select %eq3A_2563, %div3A_2606, %broadcast_in_dim3A_2654 : vector<16xi1>, vector<16xf32>
    %eq3A_2656 = arith.cmpf oeq, %select_n3A_2579, %max3A_2598 : vector<16xf32>
    %jit3A_2657 = arith.constant 0.000000e+00 : f32
    %broadcast_in_dim3A_2658 = vector.broadcast %jit3A_2657 : f32 to vector<16xf32>
    %select_n3A_2659 = arith.select %eq3A_2656, %div3A_2610, %broadcast_in_dim3A_2658 : vector<16xi1>, vector<16xf32>
    %add3A_2660 = arith.addf %select_n3A_2655, %select_n3A_2659 : vector<16xf32>
    %swap3A_2661 = arith.constant 3 : i32
    %swap3A_2662 = arith.index_cast %swap3A_2661 : i32 to index
    %swap3A_2663 = arith.constant 192 : index
    %swap3A_2664 = tpu.vector_load %arg5[%swap3A_2662, %swap3A_2663] {strides = array<i32>} : memref<8x256xf32, #tpu.memory_space<vmem>>, vector<1x16xf32>,
    %swap3A_2665 = vector.shape_cast %swap3A_2664 : vector<1x16xf32> to vector<16xf32>
    %swap3A_2666 = vector.shape_cast %add3A_2660 : vector<16xf32> to vector<1x16xf32>
    tpu.vector_store %arg5[%swap3A_2662, %swap3A_2663], %swap3A_2666 {strides = array<i32>} : memref<8x256xf32, #tpu.memory_space<vmem>>, vector<1x16xf32>,
    %jit3A_2667 = arith.constant 0.000000e+00 : f32
    %broadcast_in_dim3A_2668 = vector.broadcast %jit3A_2667 : f32 to vector<16xf32>
    %select_n3A_2669 = arith.select %eq3A_2564, %div3A_2606, %broadcast_in_dim3A_2668 : vector<16xi1>, vector<16xf32>
    %eq3A_2670 = arith.cmpf oeq, %select_n3A_2582, %max3A_2598 : vector<16xf32>
    %jit3A_2671 = arith.constant 0.000000e+00 : f32
    %broadcast_in_dim3A_2672 = vector.broadcast %jit3A_2671 : f32 to vector<16xf32>
    %select_n3A_2673 = arith.select %eq3A_2670, %div3A_2610, %broadcast_in_dim3A_2672 : vector<16xi1>, vector<16xf32>
    %add3A_2674 = arith.addf %select_n3A_2669, %select_n3A_2673 : vector<16xf32>
    %swap3A_2675 = arith.constant 4 : i32
    %swap3A_2676 = arith.index_cast %swap3A_2675 : i32 to index
    %swap3A_2677 = arith.constant 192 : index
    %swap3A_2678 = tpu.vector_load %arg5[%swap3A_2676, %swap3A_2677] {strides = array<i32>} : memref<8x256xf32, #tpu.memory_space<vmem>>, vector<1x16xf32>,
    %swap3A_2679 = vector.shape_cast %swap3A_2678 : vector<1x16xf32> to vector<16xf32>
    %swap3A_2680 = vector.shape_cast %add3A_2674 : vector<16xf32> to vector<1x16xf32>
    tpu.vector_store %arg5[%swap3A_2676, %swap3A_2677], %swap3A_2680 {strides = array<i32>} : memref<8x256xf32, #tpu.memory_space<vmem>>, vector<1x16xf32>,
    %jit3A_2681 = arith.constant 0.000000e+00 : f32
    %broadcast_in_dim3A_2682 = vector.broadcast %jit3A_2681 : f32 to vector<16xf32>
    %select_n3A_2683 = arith.select %eq3A_2565, %div3A_2606, %broadcast_in_dim3A_2682 : vector<16xi1>, vector<16xf32>
    %eq3A_2684 = arith.cmpf oeq, %select_n3A_2585, %max3A_2598 : vector<16xf32>
    %jit3A_2685 = arith.constant 0.000000e+00 : f32
    %broadcast_in_dim3A_2686 = vector.broadcast %jit3A_2685 : f32 to vector<16xf32>
    %select_n3A_2687 = arith.select %eq3A_2684, %div3A_2610, %broadcast_in_dim3A_2686 : vector<16xi1>, vector<16xf32>
    %add3A_2688 = arith.addf %select_n3A_2683, %select_n3A_2687 : vector<16xf32>
    %swap3A_2689 = arith.constant 5 : i32
    %swap3A_2690 = arith.index_cast %swap3A_2689 : i32 to index
    %swap3A_2691 = arith.constant 192 : index
    %swap3A_2692 = tpu.vector_load %arg5[%swap3A_2690, %swap3A_2691] {strides = array<i32>} : memref<8x256xf32, #tpu.memory_space<vmem>>, vector<1x16xf32>,
    %swap3A_2693 = vector.shape_cast %swap3A_2692 : vector<1x16xf32> to vector<16xf32>
    %swap3A_2694 = vector.shape_cast %add3A_2688 : vector<16xf32> to vector<1x16xf32>
    tpu.vector_store %arg5[%swap3A_2690, %swap3A_2691], %swap3A_2694 {strides = array<i32>} : memref<8x256xf32, #tpu.memory_space<vmem>>, vector<1x16xf32>,
    %jit3A_2695 = arith.constant 0.000000e+00 : f32
    %broadcast_in_dim3A_2696 = vector.broadcast %jit3A_2695 : f32 to vector<16xf32>
    %select_n3A_2697 = arith.select %eq3A_2566, %div3A_2606, %broadcast_in_dim3A_2696 : vector<16xi1>, vector<16xf32>
    %eq3A_2698 = arith.cmpf oeq, %select_n3A_2588, %max3A_2598 : vector<16xf32>
    %jit3A_2699 = arith.constant 0.000000e+00 : f32
    %broadcast_in_dim3A_2700 = vector.broadcast %jit3A_2699 : f32 to vector<16xf32>
    %select_n3A_2701 = arith.select %eq3A_2698, %div3A_2610, %broadcast_in_dim3A_2700 : vector<16xi1>, vector<16xf32>
    %add3A_2702 = arith.addf %select_n3A_2697, %select_n3A_2701 : vector<16xf32>
    %swap3A_2703 = arith.constant 6 : i32
    %swap3A_2704 = arith.index_cast %swap3A_2703 : i32 to index
    %swap3A_2705 = arith.constant 192 : index
    %swap3A_2706 = tpu.vector_load %arg5[%swap3A_2704, %swap3A_2705] {strides = array<i32>} : memref<8x256xf32, #tpu.memory_space<vmem>>, vector<1x16xf32>,
    %swap3A_2707 = vector.shape_cast %swap3A_2706 : vector<1x16xf32> to vector<16xf32>
    %swap3A_2708 = vector.shape_cast %add3A_2702 : vector<16xf32> to vector<1x16xf32>
    tpu.vector_store %arg5[%swap3A_2704, %swap3A_2705], %swap3A_2708 {strides = array<i32>} : memref<8x256xf32, #tpu.memory_space<vmem>>, vector<1x16xf32>,
    %jit3A_2709 = arith.constant 0.000000e+00 : f32
    %broadcast_in_dim3A_2710 = vector.broadcast %jit3A_2709 : f32 to vector<16xf32>
    %select_n3A_2711 = arith.select %eq3A_2567, %div3A_2606, %broadcast_in_dim3A_2710 : vector<16xi1>, vector<16xf32>
    %eq3A_2712 = arith.cmpf oeq, %select_n3A_2591, %max3A_2598 : vector<16xf32>
    %jit3A_2713 = arith.constant 0.000000e+00 : f32
    %broadcast_in_dim3A_2714 = vector.broadcast %jit3A_2713 : f32 to vector<16xf32>
    %select_n3A_2715 = arith.select %eq3A_2712, %div3A_2610, %broadcast_in_dim3A_2714 : vector<16xi1>, vector<16xf32>
    %add3A_2716 = arith.addf %select_n3A_2711, %select_n3A_2715 : vector<16xf32>
    %swap3A_2717 = arith.constant 7 : i32
    %swap3A_2718 = arith.index_cast %swap3A_2717 : i32 to index
    %swap3A_2719 = arith.constant 192 : index
    %swap3A_2720 = tpu.vector_load %arg5[%swap3A_2718, %swap3A_2719] {strides = array<i32>} : memref<8x256xf32, #tpu.memory_space<vmem>>, vector<1x16xf32>,
    %swap3A_2721 = vector.shape_cast %swap3A_2720 : vector<1x16xf32> to vector<16xf32>
    %swap3A_2722 = vector.shape_cast %add3A_2716 : vector<16xf32> to vector<1x16xf32>
    tpu.vector_store %arg5[%swap3A_2718, %swap3A_2719], %swap3A_2722 {strides = array<i32>} : memref<8x256xf32, #tpu.memory_space<vmem>>, vector<1x16xf32>,
    %get3A_2723 = arith.constant 0 : i32
    %get3A_2724 = arith.index_cast %get3A_2723 : i32 to index
    %get3A_2725 = arith.constant 208 : index
    %get3A_2726 = tpu.vector_load %arg4[%get3A_2724, %get3A_2725] {strides = array<i32>} : memref<8x256xf32, #tpu.memory_space<vmem>>, vector<1x16xf32>,
    %get3A_2727 = vector.shape_cast %get3A_2726 : vector<1x16xf32> to vector<16xf32>
    %get3A_2728 = arith.constant 1 : i32
    %get3A_2729 = arith.index_cast %get3A_2728 : i32 to index
    %get3A_2730 = arith.constant 208 : index
    %get3A_2731 = tpu.vector_load %arg4[%get3A_2729, %get3A_2730] {strides = array<i32>} : memref<8x256xf32, #tpu.memory_space<vmem>>, vector<1x16xf32>,
    %get3A_2732 = vector.shape_cast %get3A_2731 : vector<1x16xf32> to vector<16xf32>
    %get3A_2733 = arith.constant 2 : i32
    %get3A_2734 = arith.index_cast %get3A_2733 : i32 to index
    %get3A_2735 = arith.constant 208 : index
    %get3A_2736 = tpu.vector_load %arg4[%get3A_2734, %get3A_2735] {strides = array<i32>} : memref<8x256xf32, #tpu.memory_space<vmem>>, vector<1x16xf32>,
    %get3A_2737 = vector.shape_cast %get3A_2736 : vector<1x16xf32> to vector<16xf32>
    %get3A_2738 = arith.constant 3 : i32
    %get3A_2739 = arith.index_cast %get3A_2738 : i32 to index
    %get3A_2740 = arith.constant 208 : index
    %get3A_2741 = tpu.vector_load %arg4[%get3A_2739, %get3A_2740] {strides = array<i32>} : memref<8x256xf32, #tpu.memory_space<vmem>>, vector<1x16xf32>,
    %get3A_2742 = vector.shape_cast %get3A_2741 : vector<1x16xf32> to vector<16xf32>
    %get3A_2743 = arith.constant 4 : i32
    %get3A_2744 = arith.index_cast %get3A_2743 : i32 to index
    %get3A_2745 = arith.constant 208 : index
    %get3A_2746 = tpu.vector_load %arg4[%get3A_2744, %get3A_2745] {strides = array<i32>} : memref<8x256xf32, #tpu.memory_space<vmem>>, vector<1x16xf32>,
    %get3A_2747 = vector.shape_cast %get3A_2746 : vector<1x16xf32> to vector<16xf32>
    %get3A_2748 = arith.constant 5 : i32
    %get3A_2749 = arith.index_cast %get3A_2748 : i32 to index
    %get3A_2750 = arith.constant 208 : index
    %get3A_2751 = tpu.vector_load %arg4[%get3A_2749, %get3A_2750] {strides = array<i32>} : memref<8x256xf32, #tpu.memory_space<vmem>>, vector<1x16xf32>,
    %get3A_2752 = vector.shape_cast %get3A_2751 : vector<1x16xf32> to vector<16xf32>
    %get3A_2753 = arith.constant 6 : i32
    %get3A_2754 = arith.index_cast %get3A_2753 : i32 to index
    %get3A_2755 = arith.constant 208 : index
    %get3A_2756 = tpu.vector_load %arg4[%get3A_2754, %get3A_2755] {strides = array<i32>} : memref<8x256xf32, #tpu.memory_space<vmem>>, vector<1x16xf32>,
    %get3A_2757 = vector.shape_cast %get3A_2756 : vector<1x16xf32> to vector<16xf32>
    %get3A_2758 = arith.constant 7 : i32
    %get3A_2759 = arith.index_cast %get3A_2758 : i32 to index
    %get3A_2760 = arith.constant 208 : index
    %get3A_2761 = tpu.vector_load %arg4[%get3A_2759, %get3A_2760] {strides = array<i32>} : memref<8x256xf32, #tpu.memory_space<vmem>>, vector<1x16xf32>,
    %get3A_2762 = vector.shape_cast %get3A_2761 : vector<1x16xf32> to vector<16xf32>
    %max3A_2763 = arith.maximumf %get3A_2727, %get3A_2732 : vector<16xf32>
    %max3A_2764 = arith.maximumf %max3A_2763, %get3A_2737 : vector<16xf32>
    %max3A_2765 = arith.maximumf %max3A_2764, %get3A_2742 : vector<16xf32>
    %max3A_2766 = arith.maximumf %max3A_2765, %get3A_2747 : vector<16xf32>
    %max3A_2767 = arith.maximumf %max3A_2766, %get3A_2752 : vector<16xf32>
    %max3A_2768 = arith.maximumf %max3A_2767, %get3A_2757 : vector<16xf32>
    %max3A_2769 = arith.maximumf %max3A_2768, %get3A_2762 : vector<16xf32>
    %eq3A_2770 = arith.cmpf oeq, %get3A_2727, %max3A_2769 : vector<16xf32>
    %eq3A_2771 = arith.cmpf oeq, %get3A_2732, %max3A_2769 : vector<16xf32>
    %eq3A_2772 = arith.cmpf oeq, %get3A_2737, %max3A_2769 : vector<16xf32>
    %eq3A_2773 = arith.cmpf oeq, %get3A_2742, %max3A_2769 : vector<16xf32>
    %eq3A_2774 = arith.cmpf oeq, %get3A_2747, %max3A_2769 : vector<16xf32>
    %eq3A_2775 = arith.cmpf oeq, %get3A_2752, %max3A_2769 : vector<16xf32>
    %eq3A_2776 = arith.cmpf oeq, %get3A_2757, %max3A_2769 : vector<16xf32>
    %eq3A_2777 = arith.cmpf oeq, %get3A_2762, %max3A_2769 : vector<16xf32>
    %jit3A_2778 = arith.constant -1.000000e+30 : f32
    %broadcast_in_dim3A_2779 = vector.broadcast %jit3A_2778 : f32 to vector<16xf32>
    %select_n3A_2780 = arith.select %eq3A_2770, %broadcast_in_dim3A_2779, %get3A_2727 : vector<16xi1>, vector<16xf32>
    %jit3A_2781 = arith.constant -1.000000e+30 : f32
    %broadcast_in_dim3A_2782 = vector.broadcast %jit3A_2781 : f32 to vector<16xf32>
    %select_n3A_2783 = arith.select %eq3A_2771, %broadcast_in_dim3A_2782, %get3A_2732 : vector<16xi1>, vector<16xf32>
    %jit3A_2784 = arith.constant -1.000000e+30 : f32
    %broadcast_in_dim3A_2785 = vector.broadcast %jit3A_2784 : f32 to vector<16xf32>
    %select_n3A_2786 = arith.select %eq3A_2772, %broadcast_in_dim3A_2785, %get3A_2737 : vector<16xi1>, vector<16xf32>
    %jit3A_2787 = arith.constant -1.000000e+30 : f32
    %broadcast_in_dim3A_2788 = vector.broadcast %jit3A_2787 : f32 to vector<16xf32>
    %select_n3A_2789 = arith.select %eq3A_2773, %broadcast_in_dim3A_2788, %get3A_2742 : vector<16xi1>, vector<16xf32>
    %jit3A_2790 = arith.constant -1.000000e+30 : f32
    %broadcast_in_dim3A_2791 = vector.broadcast %jit3A_2790 : f32 to vector<16xf32>
    %select_n3A_2792 = arith.select %eq3A_2774, %broadcast_in_dim3A_2791, %get3A_2747 : vector<16xi1>, vector<16xf32>
    %jit3A_2793 = arith.constant -1.000000e+30 : f32
    %broadcast_in_dim3A_2794 = vector.broadcast %jit3A_2793 : f32 to vector<16xf32>
    %select_n3A_2795 = arith.select %eq3A_2775, %broadcast_in_dim3A_2794, %get3A_2752 : vector<16xi1>, vector<16xf32>
    %jit3A_2796 = arith.constant -1.000000e+30 : f32
    %broadcast_in_dim3A_2797 = vector.broadcast %jit3A_2796 : f32 to vector<16xf32>
    %select_n3A_2798 = arith.select %eq3A_2776, %broadcast_in_dim3A_2797, %get3A_2757 : vector<16xi1>, vector<16xf32>
    %jit3A_2799 = arith.constant -1.000000e+30 : f32
    %broadcast_in_dim3A_2800 = vector.broadcast %jit3A_2799 : f32 to vector<16xf32>
    %select_n3A_2801 = arith.select %eq3A_2777, %broadcast_in_dim3A_2800, %get3A_2762 : vector<16xi1>, vector<16xf32>
    %max3A_2802 = arith.maximumf %select_n3A_2780, %select_n3A_2783 : vector<16xf32>
    %max3A_2803 = arith.maximumf %max3A_2802, %select_n3A_2786 : vector<16xf32>
    %max3A_2804 = arith.maximumf %max3A_2803, %select_n3A_2789 : vector<16xf32>
    %max3A_2805 = arith.maximumf %max3A_2804, %select_n3A_2792 : vector<16xf32>
    %max3A_2806 = arith.maximumf %max3A_2805, %select_n3A_2795 : vector<16xf32>
    %max3A_2807 = arith.maximumf %max3A_2806, %select_n3A_2798 : vector<16xf32>
    %max3A_2808 = arith.maximumf %max3A_2807, %select_n3A_2801 : vector<16xf32>
    %sub3A_2809 = arith.subf %max3A_2808, %max3A_2769 : vector<16xf32>
    %exp3A_2810 = math.exp %sub3A_2809 : vector<16xf32>
    %add3A_2811 = arith.constant 1.000000e+00 : f32
    %add3A_2812 = vector.broadcast %add3A_2811 : f32 to vector<16xf32>
    %add3A_2813 = arith.addf %add3A_2812, %exp3A_2810 : vector<16xf32>
    %div3A_2814 = arith.constant 1.000000e+00 : f32
    %div3A_2815 = vector.broadcast %div3A_2814 : f32 to vector<16xf32>
    %div3A_2816 = arith.divf %div3A_2815, %add3A_2813 : vector<16xf32>
    %add3A_2817 = arith.constant 1.000000e+00 : f32
    %add3A_2818 = vector.broadcast %add3A_2817 : f32 to vector<16xf32>
    %add3A_2819 = arith.addf %add3A_2818, %exp3A_2810 : vector<16xf32>
    %div3A_2820 = arith.divf %exp3A_2810, %add3A_2819 : vector<16xf32>
    %jit3A_2821 = arith.constant 0.000000e+00 : f32
    %broadcast_in_dim3A_2822 = vector.broadcast %jit3A_2821 : f32 to vector<16xf32>
    %select_n3A_2823 = arith.select %eq3A_2770, %div3A_2816, %broadcast_in_dim3A_2822 : vector<16xi1>, vector<16xf32>
    %eq3A_2824 = arith.cmpf oeq, %select_n3A_2780, %max3A_2808 : vector<16xf32>
    %jit3A_2825 = arith.constant 0.000000e+00 : f32
    %broadcast_in_dim3A_2826 = vector.broadcast %jit3A_2825 : f32 to vector<16xf32>
    %select_n3A_2827 = arith.select %eq3A_2824, %div3A_2820, %broadcast_in_dim3A_2826 : vector<16xi1>, vector<16xf32>
    %add3A_2828 = arith.addf %select_n3A_2823, %select_n3A_2827 : vector<16xf32>
    %swap3A_2829 = arith.constant 0 : i32
    %swap3A_2830 = arith.index_cast %swap3A_2829 : i32 to index
    %swap3A_2831 = arith.constant 208 : index
    %swap3A_2832 = tpu.vector_load %arg5[%swap3A_2830, %swap3A_2831] {strides = array<i32>} : memref<8x256xf32, #tpu.memory_space<vmem>>, vector<1x16xf32>,
    %swap3A_2833 = vector.shape_cast %swap3A_2832 : vector<1x16xf32> to vector<16xf32>
    %swap3A_2834 = vector.shape_cast %add3A_2828 : vector<16xf32> to vector<1x16xf32>
    tpu.vector_store %arg5[%swap3A_2830, %swap3A_2831], %swap3A_2834 {strides = array<i32>} : memref<8x256xf32, #tpu.memory_space<vmem>>, vector<1x16xf32>,
    %jit3A_2835 = arith.constant 0.000000e+00 : f32
    %broadcast_in_dim3A_2836 = vector.broadcast %jit3A_2835 : f32 to vector<16xf32>
    %select_n3A_2837 = arith.select %eq3A_2771, %div3A_2816, %broadcast_in_dim3A_2836 : vector<16xi1>, vector<16xf32>
    %eq3A_2838 = arith.cmpf oeq, %select_n3A_2783, %max3A_2808 : vector<16xf32>
    %jit3A_2839 = arith.constant 0.000000e+00 : f32
    %broadcast_in_dim3A_2840 = vector.broadcast %jit3A_2839 : f32 to vector<16xf32>
    %select_n3A_2841 = arith.select %eq3A_2838, %div3A_2820, %broadcast_in_dim3A_2840 : vector<16xi1>, vector<16xf32>
    %add3A_2842 = arith.addf %select_n3A_2837, %select_n3A_2841 : vector<16xf32>
    %swap3A_2843 = arith.constant 1 : i32
    %swap3A_2844 = arith.index_cast %swap3A_2843 : i32 to index
    %swap3A_2845 = arith.constant 208 : index
    %swap3A_2846 = tpu.vector_load %arg5[%swap3A_2844, %swap3A_2845] {strides = array<i32>} : memref<8x256xf32, #tpu.memory_space<vmem>>, vector<1x16xf32>,
    %swap3A_2847 = vector.shape_cast %swap3A_2846 : vector<1x16xf32> to vector<16xf32>
    %swap3A_2848 = vector.shape_cast %add3A_2842 : vector<16xf32> to vector<1x16xf32>
    tpu.vector_store %arg5[%swap3A_2844, %swap3A_2845], %swap3A_2848 {strides = array<i32>} : memref<8x256xf32, #tpu.memory_space<vmem>>, vector<1x16xf32>,
    %jit3A_2849 = arith.constant 0.000000e+00 : f32
    %broadcast_in_dim3A_2850 = vector.broadcast %jit3A_2849 : f32 to vector<16xf32>
    %select_n3A_2851 = arith.select %eq3A_2772, %div3A_2816, %broadcast_in_dim3A_2850 : vector<16xi1>, vector<16xf32>
    %eq3A_2852 = arith.cmpf oeq, %select_n3A_2786, %max3A_2808 : vector<16xf32>
    %jit3A_2853 = arith.constant 0.000000e+00 : f32
    %broadcast_in_dim3A_2854 = vector.broadcast %jit3A_2853 : f32 to vector<16xf32>
    %select_n3A_2855 = arith.select %eq3A_2852, %div3A_2820, %broadcast_in_dim3A_2854 : vector<16xi1>, vector<16xf32>
    %add3A_2856 = arith.addf %select_n3A_2851, %select_n3A_2855 : vector<16xf32>
    %swap3A_2857 = arith.constant 2 : i32
    %swap3A_2858 = arith.index_cast %swap3A_2857 : i32 to index
    %swap3A_2859 = arith.constant 208 : index
    %swap3A_2860 = tpu.vector_load %arg5[%swap3A_2858, %swap3A_2859] {strides = array<i32>} : memref<8x256xf32, #tpu.memory_space<vmem>>, vector<1x16xf32>,
    %swap3A_2861 = vector.shape_cast %swap3A_2860 : vector<1x16xf32> to vector<16xf32>
    %swap3A_2862 = vector.shape_cast %add3A_2856 : vector<16xf32> to vector<1x16xf32>
    tpu.vector_store %arg5[%swap3A_2858, %swap3A_2859], %swap3A_2862 {strides = array<i32>} : memref<8x256xf32, #tpu.memory_space<vmem>>, vector<1x16xf32>,
    %jit3A_2863 = arith.constant 0.000000e+00 : f32
    %broadcast_in_dim3A_2864 = vector.broadcast %jit3A_2863 : f32 to vector<16xf32>
    %select_n3A_2865 = arith.select %eq3A_2773, %div3A_2816, %broadcast_in_dim3A_2864 : vector<16xi1>, vector<16xf32>
    %eq3A_2866 = arith.cmpf oeq, %select_n3A_2789, %max3A_2808 : vector<16xf32>
    %jit3A_2867 = arith.constant 0.000000e+00 : f32
    %broadcast_in_dim3A_2868 = vector.broadcast %jit3A_2867 : f32 to vector<16xf32>
    %select_n3A_2869 = arith.select %eq3A_2866, %div3A_2820, %broadcast_in_dim3A_2868 : vector<16xi1>, vector<16xf32>
    %add3A_2870 = arith.addf %select_n3A_2865, %select_n3A_2869 : vector<16xf32>
    %swap3A_2871 = arith.constant 3 : i32
    %swap3A_2872 = arith.index_cast %swap3A_2871 : i32 to index
    %swap3A_2873 = arith.constant 208 : index
    %swap3A_2874 = tpu.vector_load %arg5[%swap3A_2872, %swap3A_2873] {strides = array<i32>} : memref<8x256xf32, #tpu.memory_space<vmem>>, vector<1x16xf32>,
    %swap3A_2875 = vector.shape_cast %swap3A_2874 : vector<1x16xf32> to vector<16xf32>
    %swap3A_2876 = vector.shape_cast %add3A_2870 : vector<16xf32> to vector<1x16xf32>
    tpu.vector_store %arg5[%swap3A_2872, %swap3A_2873], %swap3A_2876 {strides = array<i32>} : memref<8x256xf32, #tpu.memory_space<vmem>>, vector<1x16xf32>,
    %jit3A_2877 = arith.constant 0.000000e+00 : f32
    %broadcast_in_dim3A_2878 = vector.broadcast %jit3A_2877 : f32 to vector<16xf32>
    %select_n3A_2879 = arith.select %eq3A_2774, %div3A_2816, %broadcast_in_dim3A_2878 : vector<16xi1>, vector<16xf32>
    %eq3A_2880 = arith.cmpf oeq, %select_n3A_2792, %max3A_2808 : vector<16xf32>
    %jit3A_2881 = arith.constant 0.000000e+00 : f32
    %broadcast_in_dim3A_2882 = vector.broadcast %jit3A_2881 : f32 to vector<16xf32>
    %select_n3A_2883 = arith.select %eq3A_2880, %div3A_2820, %broadcast_in_dim3A_2882 : vector<16xi1>, vector<16xf32>
    %add3A_2884 = arith.addf %select_n3A_2879, %select_n3A_2883 : vector<16xf32>
    %swap3A_2885 = arith.constant 4 : i32
    %swap3A_2886 = arith.index_cast %swap3A_2885 : i32 to index
    %swap3A_2887 = arith.constant 208 : index
    %swap3A_2888 = tpu.vector_load %arg5[%swap3A_2886, %swap3A_2887] {strides = array<i32>} : memref<8x256xf32, #tpu.memory_space<vmem>>, vector<1x16xf32>,
    %swap3A_2889 = vector.shape_cast %swap3A_2888 : vector<1x16xf32> to vector<16xf32>
    %swap3A_2890 = vector.shape_cast %add3A_2884 : vector<16xf32> to vector<1x16xf32>
    tpu.vector_store %arg5[%swap3A_2886, %swap3A_2887], %swap3A_2890 {strides = array<i32>} : memref<8x256xf32, #tpu.memory_space<vmem>>, vector<1x16xf32>,
    %jit3A_2891 = arith.constant 0.000000e+00 : f32
    %broadcast_in_dim3A_2892 = vector.broadcast %jit3A_2891 : f32 to vector<16xf32>
    %select_n3A_2893 = arith.select %eq3A_2775, %div3A_2816, %broadcast_in_dim3A_2892 : vector<16xi1>, vector<16xf32>
    %eq3A_2894 = arith.cmpf oeq, %select_n3A_2795, %max3A_2808 : vector<16xf32>
    %jit3A_2895 = arith.constant 0.000000e+00 : f32
    %broadcast_in_dim3A_2896 = vector.broadcast %jit3A_2895 : f32 to vector<16xf32>
    %select_n3A_2897 = arith.select %eq3A_2894, %div3A_2820, %broadcast_in_dim3A_2896 : vector<16xi1>, vector<16xf32>
    %add3A_2898 = arith.addf %select_n3A_2893, %select_n3A_2897 : vector<16xf32>
    %swap3A_2899 = arith.constant 5 : i32
    %swap3A_2900 = arith.index_cast %swap3A_2899 : i32 to index
    %swap3A_2901 = arith.constant 208 : index
    %swap3A_2902 = tpu.vector_load %arg5[%swap3A_2900, %swap3A_2901] {strides = array<i32>} : memref<8x256xf32, #tpu.memory_space<vmem>>, vector<1x16xf32>,
    %swap3A_2903 = vector.shape_cast %swap3A_2902 : vector<1x16xf32> to vector<16xf32>
    %swap3A_2904 = vector.shape_cast %add3A_2898 : vector<16xf32> to vector<1x16xf32>
    tpu.vector_store %arg5[%swap3A_2900, %swap3A_2901], %swap3A_2904 {strides = array<i32>} : memref<8x256xf32, #tpu.memory_space<vmem>>, vector<1x16xf32>,
    %jit3A_2905 = arith.constant 0.000000e+00 : f32
    %broadcast_in_dim3A_2906 = vector.broadcast %jit3A_2905 : f32 to vector<16xf32>
    %select_n3A_2907 = arith.select %eq3A_2776, %div3A_2816, %broadcast_in_dim3A_2906 : vector<16xi1>, vector<16xf32>
    %eq3A_2908 = arith.cmpf oeq, %select_n3A_2798, %max3A_2808 : vector<16xf32>
    %jit3A_2909 = arith.constant 0.000000e+00 : f32
    %broadcast_in_dim3A_2910 = vector.broadcast %jit3A_2909 : f32 to vector<16xf32>
    %select_n3A_2911 = arith.select %eq3A_2908, %div3A_2820, %broadcast_in_dim3A_2910 : vector<16xi1>, vector<16xf32>
    %add3A_2912 = arith.addf %select_n3A_2907, %select_n3A_2911 : vector<16xf32>
    %swap3A_2913 = arith.constant 6 : i32
    %swap3A_2914 = arith.index_cast %swap3A_2913 : i32 to index
    %swap3A_2915 = arith.constant 208 : index
    %swap3A_2916 = tpu.vector_load %arg5[%swap3A_2914, %swap3A_2915] {strides = array<i32>} : memref<8x256xf32, #tpu.memory_space<vmem>>, vector<1x16xf32>,
    %swap3A_2917 = vector.shape_cast %swap3A_2916 : vector<1x16xf32> to vector<16xf32>
    %swap3A_2918 = vector.shape_cast %add3A_2912 : vector<16xf32> to vector<1x16xf32>
    tpu.vector_store %arg5[%swap3A_2914, %swap3A_2915], %swap3A_2918 {strides = array<i32>} : memref<8x256xf32, #tpu.memory_space<vmem>>, vector<1x16xf32>,
    %jit3A_2919 = arith.constant 0.000000e+00 : f32
    %broadcast_in_dim3A_2920 = vector.broadcast %jit3A_2919 : f32 to vector<16xf32>
    %select_n3A_2921 = arith.select %eq3A_2777, %div3A_2816, %broadcast_in_dim3A_2920 : vector<16xi1>, vector<16xf32>
    %eq3A_2922 = arith.cmpf oeq, %select_n3A_2801, %max3A_2808 : vector<16xf32>
    %jit3A_2923 = arith.constant 0.000000e+00 : f32
    %broadcast_in_dim3A_2924 = vector.broadcast %jit3A_2923 : f32 to vector<16xf32>
    %select_n3A_2925 = arith.select %eq3A_2922, %div3A_2820, %broadcast_in_dim3A_2924 : vector<16xi1>, vector<16xf32>
    %add3A_2926 = arith.addf %select_n3A_2921, %select_n3A_2925 : vector<16xf32>
    %swap3A_2927 = arith.constant 7 : i32
    %swap3A_2928 = arith.index_cast %swap3A_2927 : i32 to index
    %swap3A_2929 = arith.constant 208 : index
    %swap3A_2930 = tpu.vector_load %arg5[%swap3A_2928, %swap3A_2929] {strides = array<i32>} : memref<8x256xf32, #tpu.memory_space<vmem>>, vector<1x16xf32>,
    %swap3A_2931 = vector.shape_cast %swap3A_2930 : vector<1x16xf32> to vector<16xf32>
    %swap3A_2932 = vector.shape_cast %add3A_2926 : vector<16xf32> to vector<1x16xf32>
    tpu.vector_store %arg5[%swap3A_2928, %swap3A_2929], %swap3A_2932 {strides = array<i32>} : memref<8x256xf32, #tpu.memory_space<vmem>>, vector<1x16xf32>,
    %get3A_2933 = arith.constant 0 : i32
    %get3A_2934 = arith.index_cast %get3A_2933 : i32 to index
    %get3A_2935 = arith.constant 224 : index
    %get3A_2936 = tpu.vector_load %arg4[%get3A_2934, %get3A_2935] {strides = array<i32>} : memref<8x256xf32, #tpu.memory_space<vmem>>, vector<1x16xf32>,
    %get3A_2937 = vector.shape_cast %get3A_2936 : vector<1x16xf32> to vector<16xf32>
    %get3A_2938 = arith.constant 1 : i32
    %get3A_2939 = arith.index_cast %get3A_2938 : i32 to index
    %get3A_2940 = arith.constant 224 : index
    %get3A_2941 = tpu.vector_load %arg4[%get3A_2939, %get3A_2940] {strides = array<i32>} : memref<8x256xf32, #tpu.memory_space<vmem>>, vector<1x16xf32>,
    %get3A_2942 = vector.shape_cast %get3A_2941 : vector<1x16xf32> to vector<16xf32>
    %get3A_2943 = arith.constant 2 : i32
    %get3A_2944 = arith.index_cast %get3A_2943 : i32 to index
    %get3A_2945 = arith.constant 224 : index
    %get3A_2946 = tpu.vector_load %arg4[%get3A_2944, %get3A_2945] {strides = array<i32>} : memref<8x256xf32, #tpu.memory_space<vmem>>, vector<1x16xf32>,
    %get3A_2947 = vector.shape_cast %get3A_2946 : vector<1x16xf32> to vector<16xf32>
    %get3A_2948 = arith.constant 3 : i32
    %get3A_2949 = arith.index_cast %get3A_2948 : i32 to index
    %get3A_2950 = arith.constant 224 : index
    %get3A_2951 = tpu.vector_load %arg4[%get3A_2949, %get3A_2950] {strides = array<i32>} : memref<8x256xf32, #tpu.memory_space<vmem>>, vector<1x16xf32>,
    %get3A_2952 = vector.shape_cast %get3A_2951 : vector<1x16xf32> to vector<16xf32>
    %get3A_2953 = arith.constant 4 : i32
    %get3A_2954 = arith.index_cast %get3A_2953 : i32 to index
    %get3A_2955 = arith.constant 224 : index
    %get3A_2956 = tpu.vector_load %arg4[%get3A_2954, %get3A_2955] {strides = array<i32>} : memref<8x256xf32, #tpu.memory_space<vmem>>, vector<1x16xf32>,
    %get3A_2957 = vector.shape_cast %get3A_2956 : vector<1x16xf32> to vector<16xf32>
    %get3A_2958 = arith.constant 5 : i32
    %get3A_2959 = arith.index_cast %get3A_2958 : i32 to index
    %get3A_2960 = arith.constant 224 : index
    %get3A_2961 = tpu.vector_load %arg4[%get3A_2959, %get3A_2960] {strides = array<i32>} : memref<8x256xf32, #tpu.memory_space<vmem>>, vector<1x16xf32>,
    %get3A_2962 = vector.shape_cast %get3A_2961 : vector<1x16xf32> to vector<16xf32>
    %get3A_2963 = arith.constant 6 : i32
    %get3A_2964 = arith.index_cast %get3A_2963 : i32 to index
    %get3A_2965 = arith.constant 224 : index
    %get3A_2966 = tpu.vector_load %arg4[%get3A_2964, %get3A_2965] {strides = array<i32>} : memref<8x256xf32, #tpu.memory_space<vmem>>, vector<1x16xf32>,
    %get3A_2967 = vector.shape_cast %get3A_2966 : vector<1x16xf32> to vector<16xf32>
    %get3A_2968 = arith.constant 7 : i32
    %get3A_2969 = arith.index_cast %get3A_2968 : i32 to index
    %get3A_2970 = arith.constant 224 : index
    %get3A_2971 = tpu.vector_load %arg4[%get3A_2969, %get3A_2970] {strides = array<i32>} : memref<8x256xf32, #tpu.memory_space<vmem>>, vector<1x16xf32>,
    %get3A_2972 = vector.shape_cast %get3A_2971 : vector<1x16xf32> to vector<16xf32>
    %max3A_2973 = arith.maximumf %get3A_2937, %get3A_2942 : vector<16xf32>
    %max3A_2974 = arith.maximumf %max3A_2973, %get3A_2947 : vector<16xf32>
    %max3A_2975 = arith.maximumf %max3A_2974, %get3A_2952 : vector<16xf32>
    %max3A_2976 = arith.maximumf %max3A_2975, %get3A_2957 : vector<16xf32>
    %max3A_2977 = arith.maximumf %max3A_2976, %get3A_2962 : vector<16xf32>
    %max3A_2978 = arith.maximumf %max3A_2977, %get3A_2967 : vector<16xf32>
    %max3A_2979 = arith.maximumf %max3A_2978, %get3A_2972 : vector<16xf32>
    %eq3A_2980 = arith.cmpf oeq, %get3A_2937, %max3A_2979 : vector<16xf32>
    %eq3A_2981 = arith.cmpf oeq, %get3A_2942, %max3A_2979 : vector<16xf32>
    %eq3A_2982 = arith.cmpf oeq, %get3A_2947, %max3A_2979 : vector<16xf32>
    %eq3A_2983 = arith.cmpf oeq, %get3A_2952, %max3A_2979 : vector<16xf32>
    %eq3A_2984 = arith.cmpf oeq, %get3A_2957, %max3A_2979 : vector<16xf32>
    %eq3A_2985 = arith.cmpf oeq, %get3A_2962, %max3A_2979 : vector<16xf32>
    %eq3A_2986 = arith.cmpf oeq, %get3A_2967, %max3A_2979 : vector<16xf32>
    %eq3A_2987 = arith.cmpf oeq, %get3A_2972, %max3A_2979 : vector<16xf32>
    %jit3A_2988 = arith.constant -1.000000e+30 : f32
    %broadcast_in_dim3A_2989 = vector.broadcast %jit3A_2988 : f32 to vector<16xf32>
    %select_n3A_2990 = arith.select %eq3A_2980, %broadcast_in_dim3A_2989, %get3A_2937 : vector<16xi1>, vector<16xf32>
    %jit3A_2991 = arith.constant -1.000000e+30 : f32
    %broadcast_in_dim3A_2992 = vector.broadcast %jit3A_2991 : f32 to vector<16xf32>
    %select_n3A_2993 = arith.select %eq3A_2981, %broadcast_in_dim3A_2992, %get3A_2942 : vector<16xi1>, vector<16xf32>
    %jit3A_2994 = arith.constant -1.000000e+30 : f32
    %broadcast_in_dim3A_2995 = vector.broadcast %jit3A_2994 : f32 to vector<16xf32>
    %select_n3A_2996 = arith.select %eq3A_2982, %broadcast_in_dim3A_2995, %get3A_2947 : vector<16xi1>, vector<16xf32>
    %jit3A_2997 = arith.constant -1.000000e+30 : f32
    %broadcast_in_dim3A_2998 = vector.broadcast %jit3A_2997 : f32 to vector<16xf32>
    %select_n3A_2999 = arith.select %eq3A_2983, %broadcast_in_dim3A_2998, %get3A_2952 : vector<16xi1>, vector<16xf32>
    %jit3A_3000 = arith.constant -1.000000e+30 : f32
    %broadcast_in_dim3A_3001 = vector.broadcast %jit3A_3000 : f32 to vector<16xf32>
    %select_n3A_3002 = arith.select %eq3A_2984, %broadcast_in_dim3A_3001, %get3A_2957 : vector<16xi1>, vector<16xf32>
    %jit3A_3003 = arith.constant -1.000000e+30 : f32
    %broadcast_in_dim3A_3004 = vector.broadcast %jit3A_3003 : f32 to vector<16xf32>
    %select_n3A_3005 = arith.select %eq3A_2985, %broadcast_in_dim3A_3004, %get3A_2962 : vector<16xi1>, vector<16xf32>
    %jit3A_3006 = arith.constant -1.000000e+30 : f32
    %broadcast_in_dim3A_3007 = vector.broadcast %jit3A_3006 : f32 to vector<16xf32>
    %select_n3A_3008 = arith.select %eq3A_2986, %broadcast_in_dim3A_3007, %get3A_2967 : vector<16xi1>, vector<16xf32>
    %jit3A_3009 = arith.constant -1.000000e+30 : f32
    %broadcast_in_dim3A_3010 = vector.broadcast %jit3A_3009 : f32 to vector<16xf32>
    %select_n3A_3011 = arith.select %eq3A_2987, %broadcast_in_dim3A_3010, %get3A_2972 : vector<16xi1>, vector<16xf32>
    %max3A_3012 = arith.maximumf %select_n3A_2990, %select_n3A_2993 : vector<16xf32>
    %max3A_3013 = arith.maximumf %max3A_3012, %select_n3A_2996 : vector<16xf32>
    %max3A_3014 = arith.maximumf %max3A_3013, %select_n3A_2999 : vector<16xf32>
    %max3A_3015 = arith.maximumf %max3A_3014, %select_n3A_3002 : vector<16xf32>
    %max3A_3016 = arith.maximumf %max3A_3015, %select_n3A_3005 : vector<16xf32>
    %max3A_3017 = arith.maximumf %max3A_3016, %select_n3A_3008 : vector<16xf32>
    %max3A_3018 = arith.maximumf %max3A_3017, %select_n3A_3011 : vector<16xf32>
    %sub3A_3019 = arith.subf %max3A_3018, %max3A_2979 : vector<16xf32>
    %exp3A_3020 = math.exp %sub3A_3019 : vector<16xf32>
    %add3A_3021 = arith.constant 1.000000e+00 : f32
    %add3A_3022 = vector.broadcast %add3A_3021 : f32 to vector<16xf32>
    %add3A_3023 = arith.addf %add3A_3022, %exp3A_3020 : vector<16xf32>
    %div3A_3024 = arith.constant 1.000000e+00 : f32
    %div3A_3025 = vector.broadcast %div3A_3024 : f32 to vector<16xf32>
    %div3A_3026 = arith.divf %div3A_3025, %add3A_3023 : vector<16xf32>
    %add3A_3027 = arith.constant 1.000000e+00 : f32
    %add3A_3028 = vector.broadcast %add3A_3027 : f32 to vector<16xf32>
    %add3A_3029 = arith.addf %add3A_3028, %exp3A_3020 : vector<16xf32>
    %div3A_3030 = arith.divf %exp3A_3020, %add3A_3029 : vector<16xf32>
    %jit3A_3031 = arith.constant 0.000000e+00 : f32
    %broadcast_in_dim3A_3032 = vector.broadcast %jit3A_3031 : f32 to vector<16xf32>
    %select_n3A_3033 = arith.select %eq3A_2980, %div3A_3026, %broadcast_in_dim3A_3032 : vector<16xi1>, vector<16xf32>
    %eq3A_3034 = arith.cmpf oeq, %select_n3A_2990, %max3A_3018 : vector<16xf32>
    %jit3A_3035 = arith.constant 0.000000e+00 : f32
    %broadcast_in_dim3A_3036 = vector.broadcast %jit3A_3035 : f32 to vector<16xf32>
    %select_n3A_3037 = arith.select %eq3A_3034, %div3A_3030, %broadcast_in_dim3A_3036 : vector<16xi1>, vector<16xf32>
    %add3A_3038 = arith.addf %select_n3A_3033, %select_n3A_3037 : vector<16xf32>
    %swap3A_3039 = arith.constant 0 : i32
    %swap3A_3040 = arith.index_cast %swap3A_3039 : i32 to index
    %swap3A_3041 = arith.constant 224 : index
    %swap3A_3042 = tpu.vector_load %arg5[%swap3A_3040, %swap3A_3041] {strides = array<i32>} : memref<8x256xf32, #tpu.memory_space<vmem>>, vector<1x16xf32>,
    %swap3A_3043 = vector.shape_cast %swap3A_3042 : vector<1x16xf32> to vector<16xf32>
    %swap3A_3044 = vector.shape_cast %add3A_3038 : vector<16xf32> to vector<1x16xf32>
    tpu.vector_store %arg5[%swap3A_3040, %swap3A_3041], %swap3A_3044 {strides = array<i32>} : memref<8x256xf32, #tpu.memory_space<vmem>>, vector<1x16xf32>,
    %jit3A_3045 = arith.constant 0.000000e+00 : f32
    %broadcast_in_dim3A_3046 = vector.broadcast %jit3A_3045 : f32 to vector<16xf32>
    %select_n3A_3047 = arith.select %eq3A_2981, %div3A_3026, %broadcast_in_dim3A_3046 : vector<16xi1>, vector<16xf32>
    %eq3A_3048 = arith.cmpf oeq, %select_n3A_2993, %max3A_3018 : vector<16xf32>
    %jit3A_3049 = arith.constant 0.000000e+00 : f32
    %broadcast_in_dim3A_3050 = vector.broadcast %jit3A_3049 : f32 to vector<16xf32>
    %select_n3A_3051 = arith.select %eq3A_3048, %div3A_3030, %broadcast_in_dim3A_3050 : vector<16xi1>, vector<16xf32>
    %add3A_3052 = arith.addf %select_n3A_3047, %select_n3A_3051 : vector<16xf32>
    %swap3A_3053 = arith.constant 1 : i32
    %swap3A_3054 = arith.index_cast %swap3A_3053 : i32 to index
    %swap3A_3055 = arith.constant 224 : index
    %swap3A_3056 = tpu.vector_load %arg5[%swap3A_3054, %swap3A_3055] {strides = array<i32>} : memref<8x256xf32, #tpu.memory_space<vmem>>, vector<1x16xf32>,
    %swap3A_3057 = vector.shape_cast %swap3A_3056 : vector<1x16xf32> to vector<16xf32>
    %swap3A_3058 = vector.shape_cast %add3A_3052 : vector<16xf32> to vector<1x16xf32>
    tpu.vector_store %arg5[%swap3A_3054, %swap3A_3055], %swap3A_3058 {strides = array<i32>} : memref<8x256xf32, #tpu.memory_space<vmem>>, vector<1x16xf32>,
    %jit3A_3059 = arith.constant 0.000000e+00 : f32
    %broadcast_in_dim3A_3060 = vector.broadcast %jit3A_3059 : f32 to vector<16xf32>
    %select_n3A_3061 = arith.select %eq3A_2982, %div3A_3026, %broadcast_in_dim3A_3060 : vector<16xi1>, vector<16xf32>
    %eq3A_3062 = arith.cmpf oeq, %select_n3A_2996, %max3A_3018 : vector<16xf32>
    %jit3A_3063 = arith.constant 0.000000e+00 : f32
    %broadcast_in_dim3A_3064 = vector.broadcast %jit3A_3063 : f32 to vector<16xf32>
    %select_n3A_3065 = arith.select %eq3A_3062, %div3A_3030, %broadcast_in_dim3A_3064 : vector<16xi1>, vector<16xf32>
    %add3A_3066 = arith.addf %select_n3A_3061, %select_n3A_3065 : vector<16xf32>
    %swap3A_3067 = arith.constant 2 : i32
    %swap3A_3068 = arith.index_cast %swap3A_3067 : i32 to index
    %swap3A_3069 = arith.constant 224 : index
    %swap3A_3070 = tpu.vector_load %arg5[%swap3A_3068, %swap3A_3069] {strides = array<i32>} : memref<8x256xf32, #tpu.memory_space<vmem>>, vector<1x16xf32>,
    %swap3A_3071 = vector.shape_cast %swap3A_3070 : vector<1x16xf32> to vector<16xf32>
    %swap3A_3072 = vector.shape_cast %add3A_3066 : vector<16xf32> to vector<1x16xf32>
    tpu.vector_store %arg5[%swap3A_3068, %swap3A_3069], %swap3A_3072 {strides = array<i32>} : memref<8x256xf32, #tpu.memory_space<vmem>>, vector<1x16xf32>,
    %jit3A_3073 = arith.constant 0.000000e+00 : f32
    %broadcast_in_dim3A_3074 = vector.broadcast %jit3A_3073 : f32 to vector<16xf32>
    %select_n3A_3075 = arith.select %eq3A_2983, %div3A_3026, %broadcast_in_dim3A_3074 : vector<16xi1>, vector<16xf32>
    %eq3A_3076 = arith.cmpf oeq, %select_n3A_2999, %max3A_3018 : vector<16xf32>
    %jit3A_3077 = arith.constant 0.000000e+00 : f32
    %broadcast_in_dim3A_3078 = vector.broadcast %jit3A_3077 : f32 to vector<16xf32>
    %select_n3A_3079 = arith.select %eq3A_3076, %div3A_3030, %broadcast_in_dim3A_3078 : vector<16xi1>, vector<16xf32>
    %add3A_3080 = arith.addf %select_n3A_3075, %select_n3A_3079 : vector<16xf32>
    %swap3A_3081 = arith.constant 3 : i32
    %swap3A_3082 = arith.index_cast %swap3A_3081 : i32 to index
    %swap3A_3083 = arith.constant 224 : index
    %swap3A_3084 = tpu.vector_load %arg5[%swap3A_3082, %swap3A_3083] {strides = array<i32>} : memref<8x256xf32, #tpu.memory_space<vmem>>, vector<1x16xf32>,
    %swap3A_3085 = vector.shape_cast %swap3A_3084 : vector<1x16xf32> to vector<16xf32>
    %swap3A_3086 = vector.shape_cast %add3A_3080 : vector<16xf32> to vector<1x16xf32>
    tpu.vector_store %arg5[%swap3A_3082, %swap3A_3083], %swap3A_3086 {strides = array<i32>} : memref<8x256xf32, #tpu.memory_space<vmem>>, vector<1x16xf32>,
    %jit3A_3087 = arith.constant 0.000000e+00 : f32
    %broadcast_in_dim3A_3088 = vector.broadcast %jit3A_3087 : f32 to vector<16xf32>
    %select_n3A_3089 = arith.select %eq3A_2984, %div3A_3026, %broadcast_in_dim3A_3088 : vector<16xi1>, vector<16xf32>
    %eq3A_3090 = arith.cmpf oeq, %select_n3A_3002, %max3A_3018 : vector<16xf32>
    %jit3A_3091 = arith.constant 0.000000e+00 : f32
    %broadcast_in_dim3A_3092 = vector.broadcast %jit3A_3091 : f32 to vector<16xf32>
    %select_n3A_3093 = arith.select %eq3A_3090, %div3A_3030, %broadcast_in_dim3A_3092 : vector<16xi1>, vector<16xf32>
    %add3A_3094 = arith.addf %select_n3A_3089, %select_n3A_3093 : vector<16xf32>
    %swap3A_3095 = arith.constant 4 : i32
    %swap3A_3096 = arith.index_cast %swap3A_3095 : i32 to index
    %swap3A_3097 = arith.constant 224 : index
    %swap3A_3098 = tpu.vector_load %arg5[%swap3A_3096, %swap3A_3097] {strides = array<i32>} : memref<8x256xf32, #tpu.memory_space<vmem>>, vector<1x16xf32>,
    %swap3A_3099 = vector.shape_cast %swap3A_3098 : vector<1x16xf32> to vector<16xf32>
    %swap3A_3100 = vector.shape_cast %add3A_3094 : vector<16xf32> to vector<1x16xf32>
    tpu.vector_store %arg5[%swap3A_3096, %swap3A_3097], %swap3A_3100 {strides = array<i32>} : memref<8x256xf32, #tpu.memory_space<vmem>>, vector<1x16xf32>,
    %jit3A_3101 = arith.constant 0.000000e+00 : f32
    %broadcast_in_dim3A_3102 = vector.broadcast %jit3A_3101 : f32 to vector<16xf32>
    %select_n3A_3103 = arith.select %eq3A_2985, %div3A_3026, %broadcast_in_dim3A_3102 : vector<16xi1>, vector<16xf32>
    %eq3A_3104 = arith.cmpf oeq, %select_n3A_3005, %max3A_3018 : vector<16xf32>
    %jit3A_3105 = arith.constant 0.000000e+00 : f32
    %broadcast_in_dim3A_3106 = vector.broadcast %jit3A_3105 : f32 to vector<16xf32>
    %select_n3A_3107 = arith.select %eq3A_3104, %div3A_3030, %broadcast_in_dim3A_3106 : vector<16xi1>, vector<16xf32>
    %add3A_3108 = arith.addf %select_n3A_3103, %select_n3A_3107 : vector<16xf32>
    %swap3A_3109 = arith.constant 5 : i32
    %swap3A_3110 = arith.index_cast %swap3A_3109 : i32 to index
    %swap3A_3111 = arith.constant 224 : index
    %swap3A_3112 = tpu.vector_load %arg5[%swap3A_3110, %swap3A_3111] {strides = array<i32>} : memref<8x256xf32, #tpu.memory_space<vmem>>, vector<1x16xf32>,
    %swap3A_3113 = vector.shape_cast %swap3A_3112 : vector<1x16xf32> to vector<16xf32>
    %swap3A_3114 = vector.shape_cast %add3A_3108 : vector<16xf32> to vector<1x16xf32>
    tpu.vector_store %arg5[%swap3A_3110, %swap3A_3111], %swap3A_3114 {strides = array<i32>} : memref<8x256xf32, #tpu.memory_space<vmem>>, vector<1x16xf32>,
    %jit3A_3115 = arith.constant 0.000000e+00 : f32
    %broadcast_in_dim3A_3116 = vector.broadcast %jit3A_3115 : f32 to vector<16xf32>
    %select_n3A_3117 = arith.select %eq3A_2986, %div3A_3026, %broadcast_in_dim3A_3116 : vector<16xi1>, vector<16xf32>
    %eq3A_3118 = arith.cmpf oeq, %select_n3A_3008, %max3A_3018 : vector<16xf32>
    %jit3A_3119 = arith.constant 0.000000e+00 : f32
    %broadcast_in_dim3A_3120 = vector.broadcast %jit3A_3119 : f32 to vector<16xf32>
    %select_n3A_3121 = arith.select %eq3A_3118, %div3A_3030, %broadcast_in_dim3A_3120 : vector<16xi1>, vector<16xf32>
    %add3A_3122 = arith.addf %select_n3A_3117, %select_n3A_3121 : vector<16xf32>
    %swap3A_3123 = arith.constant 6 : i32
    %swap3A_3124 = arith.index_cast %swap3A_3123 : i32 to index
    %swap3A_3125 = arith.constant 224 : index
    %swap3A_3126 = tpu.vector_load %arg5[%swap3A_3124, %swap3A_3125] {strides = array<i32>} : memref<8x256xf32, #tpu.memory_space<vmem>>, vector<1x16xf32>,
    %swap3A_3127 = vector.shape_cast %swap3A_3126 : vector<1x16xf32> to vector<16xf32>
    %swap3A_3128 = vector.shape_cast %add3A_3122 : vector<16xf32> to vector<1x16xf32>
    tpu.vector_store %arg5[%swap3A_3124, %swap3A_3125], %swap3A_3128 {strides = array<i32>} : memref<8x256xf32, #tpu.memory_space<vmem>>, vector<1x16xf32>,
    %jit3A_3129 = arith.constant 0.000000e+00 : f32
    %broadcast_in_dim3A_3130 = vector.broadcast %jit3A_3129 : f32 to vector<16xf32>
    %select_n3A_3131 = arith.select %eq3A_2987, %div3A_3026, %broadcast_in_dim3A_3130 : vector<16xi1>, vector<16xf32>
    %eq3A_3132 = arith.cmpf oeq, %select_n3A_3011, %max3A_3018 : vector<16xf32>
    %jit3A_3133 = arith.constant 0.000000e+00 : f32
    %broadcast_in_dim3A_3134 = vector.broadcast %jit3A_3133 : f32 to vector<16xf32>
    %select_n3A_3135 = arith.select %eq3A_3132, %div3A_3030, %broadcast_in_dim3A_3134 : vector<16xi1>, vector<16xf32>
    %add3A_3136 = arith.addf %select_n3A_3131, %select_n3A_3135 : vector<16xf32>
    %swap3A_3137 = arith.constant 7 : i32
    %swap3A_3138 = arith.index_cast %swap3A_3137 : i32 to index
    %swap3A_3139 = arith.constant 224 : index
    %swap3A_3140 = tpu.vector_load %arg5[%swap3A_3138, %swap3A_3139] {strides = array<i32>} : memref<8x256xf32, #tpu.memory_space<vmem>>, vector<1x16xf32>,
    %swap3A_3141 = vector.shape_cast %swap3A_3140 : vector<1x16xf32> to vector<16xf32>
    %swap3A_3142 = vector.shape_cast %add3A_3136 : vector<16xf32> to vector<1x16xf32>
    tpu.vector_store %arg5[%swap3A_3138, %swap3A_3139], %swap3A_3142 {strides = array<i32>} : memref<8x256xf32, #tpu.memory_space<vmem>>, vector<1x16xf32>,
    %get3A_3143 = arith.constant 0 : i32
    %get3A_3144 = arith.index_cast %get3A_3143 : i32 to index
    %get3A_3145 = arith.constant 240 : index
    %get3A_3146 = tpu.vector_load %arg4[%get3A_3144, %get3A_3145] {strides = array<i32>} : memref<8x256xf32, #tpu.memory_space<vmem>>, vector<1x16xf32>,
    %get3A_3147 = vector.shape_cast %get3A_3146 : vector<1x16xf32> to vector<16xf32>
    %get3A_3148 = arith.constant 1 : i32
    %get3A_3149 = arith.index_cast %get3A_3148 : i32 to index
    %get3A_3150 = arith.constant 240 : index
    %get3A_3151 = tpu.vector_load %arg4[%get3A_3149, %get3A_3150] {strides = array<i32>} : memref<8x256xf32, #tpu.memory_space<vmem>>, vector<1x16xf32>,
    %get3A_3152 = vector.shape_cast %get3A_3151 : vector<1x16xf32> to vector<16xf32>
    %get3A_3153 = arith.constant 2 : i32
    %get3A_3154 = arith.index_cast %get3A_3153 : i32 to index
    %get3A_3155 = arith.constant 240 : index
    %get3A_3156 = tpu.vector_load %arg4[%get3A_3154, %get3A_3155] {strides = array<i32>} : memref<8x256xf32, #tpu.memory_space<vmem>>, vector<1x16xf32>,
    %get3A_3157 = vector.shape_cast %get3A_3156 : vector<1x16xf32> to vector<16xf32>
    %get3A_3158 = arith.constant 3 : i32
    %get3A_3159 = arith.index_cast %get3A_3158 : i32 to index
    %get3A_3160 = arith.constant 240 : index
    %get3A_3161 = tpu.vector_load %arg4[%get3A_3159, %get3A_3160] {strides = array<i32>} : memref<8x256xf32, #tpu.memory_space<vmem>>, vector<1x16xf32>,
    %get3A_3162 = vector.shape_cast %get3A_3161 : vector<1x16xf32> to vector<16xf32>
    %get3A_3163 = arith.constant 4 : i32
    %get3A_3164 = arith.index_cast %get3A_3163 : i32 to index
    %get3A_3165 = arith.constant 240 : index
    %get3A_3166 = tpu.vector_load %arg4[%get3A_3164, %get3A_3165] {strides = array<i32>} : memref<8x256xf32, #tpu.memory_space<vmem>>, vector<1x16xf32>,
    %get3A_3167 = vector.shape_cast %get3A_3166 : vector<1x16xf32> to vector<16xf32>
    %get3A_3168 = arith.constant 5 : i32
    %get3A_3169 = arith.index_cast %get3A_3168 : i32 to index
    %get3A_3170 = arith.constant 240 : index
    %get3A_3171 = tpu.vector_load %arg4[%get3A_3169, %get3A_3170] {strides = array<i32>} : memref<8x256xf32, #tpu.memory_space<vmem>>, vector<1x16xf32>,
    %get3A_3172 = vector.shape_cast %get3A_3171 : vector<1x16xf32> to vector<16xf32>
    %get3A_3173 = arith.constant 6 : i32
    %get3A_3174 = arith.index_cast %get3A_3173 : i32 to index
    %get3A_3175 = arith.constant 240 : index
    %get3A_3176 = tpu.vector_load %arg4[%get3A_3174, %get3A_3175] {strides = array<i32>} : memref<8x256xf32, #tpu.memory_space<vmem>>, vector<1x16xf32>,
    %get3A_3177 = vector.shape_cast %get3A_3176 : vector<1x16xf32> to vector<16xf32>
    %get3A_3178 = arith.constant 7 : i32
    %get3A_3179 = arith.index_cast %get3A_3178 : i32 to index
    %get3A_3180 = arith.constant 240 : index
    %get3A_3181 = tpu.vector_load %arg4[%get3A_3179, %get3A_3180] {strides = array<i32>} : memref<8x256xf32, #tpu.memory_space<vmem>>, vector<1x16xf32>,
    %get3A_3182 = vector.shape_cast %get3A_3181 : vector<1x16xf32> to vector<16xf32>
    %max3A_3183 = arith.maximumf %get3A_3147, %get3A_3152 : vector<16xf32>
    %max3A_3184 = arith.maximumf %max3A_3183, %get3A_3157 : vector<16xf32>
    %max3A_3185 = arith.maximumf %max3A_3184, %get3A_3162 : vector<16xf32>
    %max3A_3186 = arith.maximumf %max3A_3185, %get3A_3167 : vector<16xf32>
    %max3A_3187 = arith.maximumf %max3A_3186, %get3A_3172 : vector<16xf32>
    %max3A_3188 = arith.maximumf %max3A_3187, %get3A_3177 : vector<16xf32>
    %max3A_3189 = arith.maximumf %max3A_3188, %get3A_3182 : vector<16xf32>
    %eq3A_3190 = arith.cmpf oeq, %get3A_3147, %max3A_3189 : vector<16xf32>
    %eq3A_3191 = arith.cmpf oeq, %get3A_3152, %max3A_3189 : vector<16xf32>
    %eq3A_3192 = arith.cmpf oeq, %get3A_3157, %max3A_3189 : vector<16xf32>
    %eq3A_3193 = arith.cmpf oeq, %get3A_3162, %max3A_3189 : vector<16xf32>
    %eq3A_3194 = arith.cmpf oeq, %get3A_3167, %max3A_3189 : vector<16xf32>
    %eq3A_3195 = arith.cmpf oeq, %get3A_3172, %max3A_3189 : vector<16xf32>
    %eq3A_3196 = arith.cmpf oeq, %get3A_3177, %max3A_3189 : vector<16xf32>
    %eq3A_3197 = arith.cmpf oeq, %get3A_3182, %max3A_3189 : vector<16xf32>
    %jit3A_3198 = arith.constant -1.000000e+30 : f32
    %broadcast_in_dim3A_3199 = vector.broadcast %jit3A_3198 : f32 to vector<16xf32>
    %select_n3A_3200 = arith.select %eq3A_3190, %broadcast_in_dim3A_3199, %get3A_3147 : vector<16xi1>, vector<16xf32>
    %jit3A_3201 = arith.constant -1.000000e+30 : f32
    %broadcast_in_dim3A_3202 = vector.broadcast %jit3A_3201 : f32 to vector<16xf32>
    %select_n3A_3203 = arith.select %eq3A_3191, %broadcast_in_dim3A_3202, %get3A_3152 : vector<16xi1>, vector<16xf32>
    %jit3A_3204 = arith.constant -1.000000e+30 : f32
    %broadcast_in_dim3A_3205 = vector.broadcast %jit3A_3204 : f32 to vector<16xf32>
    %select_n3A_3206 = arith.select %eq3A_3192, %broadcast_in_dim3A_3205, %get3A_3157 : vector<16xi1>, vector<16xf32>
    %jit3A_3207 = arith.constant -1.000000e+30 : f32
    %broadcast_in_dim3A_3208 = vector.broadcast %jit3A_3207 : f32 to vector<16xf32>
    %select_n3A_3209 = arith.select %eq3A_3193, %broadcast_in_dim3A_3208, %get3A_3162 : vector<16xi1>, vector<16xf32>
    %jit3A_3210 = arith.constant -1.000000e+30 : f32
    %broadcast_in_dim3A_3211 = vector.broadcast %jit3A_3210 : f32 to vector<16xf32>
    %select_n3A_3212 = arith.select %eq3A_3194, %broadcast_in_dim3A_3211, %get3A_3167 : vector<16xi1>, vector<16xf32>
    %jit3A_3213 = arith.constant -1.000000e+30 : f32
    %broadcast_in_dim3A_3214 = vector.broadcast %jit3A_3213 : f32 to vector<16xf32>
    %select_n3A_3215 = arith.select %eq3A_3195, %broadcast_in_dim3A_3214, %get3A_3172 : vector<16xi1>, vector<16xf32>
    %jit3A_3216 = arith.constant -1.000000e+30 : f32
    %broadcast_in_dim3A_3217 = vector.broadcast %jit3A_3216 : f32 to vector<16xf32>
    %select_n3A_3218 = arith.select %eq3A_3196, %broadcast_in_dim3A_3217, %get3A_3177 : vector<16xi1>, vector<16xf32>
    %jit3A_3219 = arith.constant -1.000000e+30 : f32
    %broadcast_in_dim3A_3220 = vector.broadcast %jit3A_3219 : f32 to vector<16xf32>
    %select_n3A_3221 = arith.select %eq3A_3197, %broadcast_in_dim3A_3220, %get3A_3182 : vector<16xi1>, vector<16xf32>
    %max3A_3222 = arith.maximumf %select_n3A_3200, %select_n3A_3203 : vector<16xf32>
    %max3A_3223 = arith.maximumf %max3A_3222, %select_n3A_3206 : vector<16xf32>
    %max3A_3224 = arith.maximumf %max3A_3223, %select_n3A_3209 : vector<16xf32>
    %max3A_3225 = arith.maximumf %max3A_3224, %select_n3A_3212 : vector<16xf32>
    %max3A_3226 = arith.maximumf %max3A_3225, %select_n3A_3215 : vector<16xf32>
    %max3A_3227 = arith.maximumf %max3A_3226, %select_n3A_3218 : vector<16xf32>
    %max3A_3228 = arith.maximumf %max3A_3227, %select_n3A_3221 : vector<16xf32>
    %sub3A_3229 = arith.subf %max3A_3228, %max3A_3189 : vector<16xf32>
    %exp3A_3230 = math.exp %sub3A_3229 : vector<16xf32>
    %add3A_3231 = arith.constant 1.000000e+00 : f32
    %add3A_3232 = vector.broadcast %add3A_3231 : f32 to vector<16xf32>
    %add3A_3233 = arith.addf %add3A_3232, %exp3A_3230 : vector<16xf32>
    %div3A_3234 = arith.constant 1.000000e+00 : f32
    %div3A_3235 = vector.broadcast %div3A_3234 : f32 to vector<16xf32>
    %div3A_3236 = arith.divf %div3A_3235, %add3A_3233 : vector<16xf32>
    %add3A_3237 = arith.constant 1.000000e+00 : f32
    %add3A_3238 = vector.broadcast %add3A_3237 : f32 to vector<16xf32>
    %add3A_3239 = arith.addf %add3A_3238, %exp3A_3230 : vector<16xf32>
    %div3A_3240 = arith.divf %exp3A_3230, %add3A_3239 : vector<16xf32>
    %jit3A_3241 = arith.constant 0.000000e+00 : f32
    %broadcast_in_dim3A_3242 = vector.broadcast %jit3A_3241 : f32 to vector<16xf32>
    %select_n3A_3243 = arith.select %eq3A_3190, %div3A_3236, %broadcast_in_dim3A_3242 : vector<16xi1>, vector<16xf32>
    %eq3A_3244 = arith.cmpf oeq, %select_n3A_3200, %max3A_3228 : vector<16xf32>
    %jit3A_3245 = arith.constant 0.000000e+00 : f32
    %broadcast_in_dim3A_3246 = vector.broadcast %jit3A_3245 : f32 to vector<16xf32>
    %select_n3A_3247 = arith.select %eq3A_3244, %div3A_3240, %broadcast_in_dim3A_3246 : vector<16xi1>, vector<16xf32>
    %add3A_3248 = arith.addf %select_n3A_3243, %select_n3A_3247 : vector<16xf32>
    %swap3A_3249 = arith.constant 0 : i32
    %swap3A_3250 = arith.index_cast %swap3A_3249 : i32 to index
    %swap3A_3251 = arith.constant 240 : index
    %swap3A_3252 = tpu.vector_load %arg5[%swap3A_3250, %swap3A_3251] {strides = array<i32>} : memref<8x256xf32, #tpu.memory_space<vmem>>, vector<1x16xf32>,
    %swap3A_3253 = vector.shape_cast %swap3A_3252 : vector<1x16xf32> to vector<16xf32>
    %swap3A_3254 = vector.shape_cast %add3A_3248 : vector<16xf32> to vector<1x16xf32>
    tpu.vector_store %arg5[%swap3A_3250, %swap3A_3251], %swap3A_3254 {strides = array<i32>} : memref<8x256xf32, #tpu.memory_space<vmem>>, vector<1x16xf32>,
    %jit3A_3255 = arith.constant 0.000000e+00 : f32
    %broadcast_in_dim3A_3256 = vector.broadcast %jit3A_3255 : f32 to vector<16xf32>
    %select_n3A_3257 = arith.select %eq3A_3191, %div3A_3236, %broadcast_in_dim3A_3256 : vector<16xi1>, vector<16xf32>
    %eq3A_3258 = arith.cmpf oeq, %select_n3A_3203, %max3A_3228 : vector<16xf32>
    %jit3A_3259 = arith.constant 0.000000e+00 : f32
    %broadcast_in_dim3A_3260 = vector.broadcast %jit3A_3259 : f32 to vector<16xf32>
    %select_n3A_3261 = arith.select %eq3A_3258, %div3A_3240, %broadcast_in_dim3A_3260 : vector<16xi1>, vector<16xf32>
    %add3A_3262 = arith.addf %select_n3A_3257, %select_n3A_3261 : vector<16xf32>
    %swap3A_3263 = arith.constant 1 : i32
    %swap3A_3264 = arith.index_cast %swap3A_3263 : i32 to index
    %swap3A_3265 = arith.constant 240 : index
    %swap3A_3266 = tpu.vector_load %arg5[%swap3A_3264, %swap3A_3265] {strides = array<i32>} : memref<8x256xf32, #tpu.memory_space<vmem>>, vector<1x16xf32>,
    %swap3A_3267 = vector.shape_cast %swap3A_3266 : vector<1x16xf32> to vector<16xf32>
    %swap3A_3268 = vector.shape_cast %add3A_3262 : vector<16xf32> to vector<1x16xf32>
    tpu.vector_store %arg5[%swap3A_3264, %swap3A_3265], %swap3A_3268 {strides = array<i32>} : memref<8x256xf32, #tpu.memory_space<vmem>>, vector<1x16xf32>,
    %jit3A_3269 = arith.constant 0.000000e+00 : f32
    %broadcast_in_dim3A_3270 = vector.broadcast %jit3A_3269 : f32 to vector<16xf32>
    %select_n3A_3271 = arith.select %eq3A_3192, %div3A_3236, %broadcast_in_dim3A_3270 : vector<16xi1>, vector<16xf32>
    %eq3A_3272 = arith.cmpf oeq, %select_n3A_3206, %max3A_3228 : vector<16xf32>
    %jit3A_3273 = arith.constant 0.000000e+00 : f32
    %broadcast_in_dim3A_3274 = vector.broadcast %jit3A_3273 : f32 to vector<16xf32>
    %select_n3A_3275 = arith.select %eq3A_3272, %div3A_3240, %broadcast_in_dim3A_3274 : vector<16xi1>, vector<16xf32>
    %add3A_3276 = arith.addf %select_n3A_3271, %select_n3A_3275 : vector<16xf32>
    %swap3A_3277 = arith.constant 2 : i32
    %swap3A_3278 = arith.index_cast %swap3A_3277 : i32 to index
    %swap3A_3279 = arith.constant 240 : index
    %swap3A_3280 = tpu.vector_load %arg5[%swap3A_3278, %swap3A_3279] {strides = array<i32>} : memref<8x256xf32, #tpu.memory_space<vmem>>, vector<1x16xf32>,
    %swap3A_3281 = vector.shape_cast %swap3A_3280 : vector<1x16xf32> to vector<16xf32>
    %swap3A_3282 = vector.shape_cast %add3A_3276 : vector<16xf32> to vector<1x16xf32>
    tpu.vector_store %arg5[%swap3A_3278, %swap3A_3279], %swap3A_3282 {strides = array<i32>} : memref<8x256xf32, #tpu.memory_space<vmem>>, vector<1x16xf32>,
    %jit3A_3283 = arith.constant 0.000000e+00 : f32
    %broadcast_in_dim3A_3284 = vector.broadcast %jit3A_3283 : f32 to vector<16xf32>
    %select_n3A_3285 = arith.select %eq3A_3193, %div3A_3236, %broadcast_in_dim3A_3284 : vector<16xi1>, vector<16xf32>
    %eq3A_3286 = arith.cmpf oeq, %select_n3A_3209, %max3A_3228 : vector<16xf32>
    %jit3A_3287 = arith.constant 0.000000e+00 : f32
    %broadcast_in_dim3A_3288 = vector.broadcast %jit3A_3287 : f32 to vector<16xf32>
    %select_n3A_3289 = arith.select %eq3A_3286, %div3A_3240, %broadcast_in_dim3A_3288 : vector<16xi1>, vector<16xf32>
    %add3A_3290 = arith.addf %select_n3A_3285, %select_n3A_3289 : vector<16xf32>
    %swap3A_3291 = arith.constant 3 : i32
    %swap3A_3292 = arith.index_cast %swap3A_3291 : i32 to index
    %swap3A_3293 = arith.constant 240 : index
    %swap3A_3294 = tpu.vector_load %arg5[%swap3A_3292, %swap3A_3293] {strides = array<i32>} : memref<8x256xf32, #tpu.memory_space<vmem>>, vector<1x16xf32>,
    %swap3A_3295 = vector.shape_cast %swap3A_3294 : vector<1x16xf32> to vector<16xf32>
    %swap3A_3296 = vector.shape_cast %add3A_3290 : vector<16xf32> to vector<1x16xf32>
    tpu.vector_store %arg5[%swap3A_3292, %swap3A_3293], %swap3A_3296 {strides = array<i32>} : memref<8x256xf32, #tpu.memory_space<vmem>>, vector<1x16xf32>,
    %jit3A_3297 = arith.constant 0.000000e+00 : f32
    %broadcast_in_dim3A_3298 = vector.broadcast %jit3A_3297 : f32 to vector<16xf32>
    %select_n3A_3299 = arith.select %eq3A_3194, %div3A_3236, %broadcast_in_dim3A_3298 : vector<16xi1>, vector<16xf32>
    %eq3A_3300 = arith.cmpf oeq, %select_n3A_3212, %max3A_3228 : vector<16xf32>
    %jit3A_3301 = arith.constant 0.000000e+00 : f32
    %broadcast_in_dim3A_3302 = vector.broadcast %jit3A_3301 : f32 to vector<16xf32>
    %select_n3A_3303 = arith.select %eq3A_3300, %div3A_3240, %broadcast_in_dim3A_3302 : vector<16xi1>, vector<16xf32>
    %add3A_3304 = arith.addf %select_n3A_3299, %select_n3A_3303 : vector<16xf32>
    %swap3A_3305 = arith.constant 4 : i32
    %swap3A_3306 = arith.index_cast %swap3A_3305 : i32 to index
    %swap3A_3307 = arith.constant 240 : index
    %swap3A_3308 = tpu.vector_load %arg5[%swap3A_3306, %swap3A_3307] {strides = array<i32>} : memref<8x256xf32, #tpu.memory_space<vmem>>, vector<1x16xf32>,
    %swap3A_3309 = vector.shape_cast %swap3A_3308 : vector<1x16xf32> to vector<16xf32>
    %swap3A_3310 = vector.shape_cast %add3A_3304 : vector<16xf32> to vector<1x16xf32>
    tpu.vector_store %arg5[%swap3A_3306, %swap3A_3307], %swap3A_3310 {strides = array<i32>} : memref<8x256xf32, #tpu.memory_space<vmem>>, vector<1x16xf32>,
    %jit3A_3311 = arith.constant 0.000000e+00 : f32
    %broadcast_in_dim3A_3312 = vector.broadcast %jit3A_3311 : f32 to vector<16xf32>
    %select_n3A_3313 = arith.select %eq3A_3195, %div3A_3236, %broadcast_in_dim3A_3312 : vector<16xi1>, vector<16xf32>
    %eq3A_3314 = arith.cmpf oeq, %select_n3A_3215, %max3A_3228 : vector<16xf32>
    %jit3A_3315 = arith.constant 0.000000e+00 : f32
    %broadcast_in_dim3A_3316 = vector.broadcast %jit3A_3315 : f32 to vector<16xf32>
    %select_n3A_3317 = arith.select %eq3A_3314, %div3A_3240, %broadcast_in_dim3A_3316 : vector<16xi1>, vector<16xf32>
    %add3A_3318 = arith.addf %select_n3A_3313, %select_n3A_3317 : vector<16xf32>
    %swap3A_3319 = arith.constant 5 : i32
    %swap3A_3320 = arith.index_cast %swap3A_3319 : i32 to index
    %swap3A_3321 = arith.constant 240 : index
    %swap3A_3322 = tpu.vector_load %arg5[%swap3A_3320, %swap3A_3321] {strides = array<i32>} : memref<8x256xf32, #tpu.memory_space<vmem>>, vector<1x16xf32>,
    %swap3A_3323 = vector.shape_cast %swap3A_3322 : vector<1x16xf32> to vector<16xf32>
    %swap3A_3324 = vector.shape_cast %add3A_3318 : vector<16xf32> to vector<1x16xf32>
    tpu.vector_store %arg5[%swap3A_3320, %swap3A_3321], %swap3A_3324 {strides = array<i32>} : memref<8x256xf32, #tpu.memory_space<vmem>>, vector<1x16xf32>,
    %jit3A_3325 = arith.constant 0.000000e+00 : f32
    %broadcast_in_dim3A_3326 = vector.broadcast %jit3A_3325 : f32 to vector<16xf32>
    %select_n3A_3327 = arith.select %eq3A_3196, %div3A_3236, %broadcast_in_dim3A_3326 : vector<16xi1>, vector<16xf32>
    %eq3A_3328 = arith.cmpf oeq, %select_n3A_3218, %max3A_3228 : vector<16xf32>
    %jit3A_3329 = arith.constant 0.000000e+00 : f32
    %broadcast_in_dim3A_3330 = vector.broadcast %jit3A_3329 : f32 to vector<16xf32>
    %select_n3A_3331 = arith.select %eq3A_3328, %div3A_3240, %broadcast_in_dim3A_3330 : vector<16xi1>, vector<16xf32>
    %add3A_3332 = arith.addf %select_n3A_3327, %select_n3A_3331 : vector<16xf32>
    %swap3A_3333 = arith.constant 6 : i32
    %swap3A_3334 = arith.index_cast %swap3A_3333 : i32 to index
    %swap3A_3335 = arith.constant 240 : index
    %swap3A_3336 = tpu.vector_load %arg5[%swap3A_3334, %swap3A_3335] {strides = array<i32>} : memref<8x256xf32, #tpu.memory_space<vmem>>, vector<1x16xf32>,
    %swap3A_3337 = vector.shape_cast %swap3A_3336 : vector<1x16xf32> to vector<16xf32>
    %swap3A_3338 = vector.shape_cast %add3A_3332 : vector<16xf32> to vector<1x16xf32>
    tpu.vector_store %arg5[%swap3A_3334, %swap3A_3335], %swap3A_3338 {strides = array<i32>} : memref<8x256xf32, #tpu.memory_space<vmem>>, vector<1x16xf32>,
    %jit3A_3339 = arith.constant 0.000000e+00 : f32
    %broadcast_in_dim3A_3340 = vector.broadcast %jit3A_3339 : f32 to vector<16xf32>
    %select_n3A_3341 = arith.select %eq3A_3197, %div3A_3236, %broadcast_in_dim3A_3340 : vector<16xi1>, vector<16xf32>
    %eq3A_3342 = arith.cmpf oeq, %select_n3A_3221, %max3A_3228 : vector<16xf32>
    %jit3A_3343 = arith.constant 0.000000e+00 : f32
    %broadcast_in_dim3A_3344 = vector.broadcast %jit3A_3343 : f32 to vector<16xf32>
    %select_n3A_3345 = arith.select %eq3A_3342, %div3A_3240, %broadcast_in_dim3A_3344 : vector<16xi1>, vector<16xf32>
    %add3A_3346 = arith.addf %select_n3A_3341, %select_n3A_3345 : vector<16xf32>
    %swap3A_3347 = arith.constant 7 : i32
    %swap3A_3348 = arith.index_cast %swap3A_3347 : i32 to index
    %swap3A_3349 = arith.constant 240 : index
    %swap3A_3350 = tpu.vector_load %arg5[%swap3A_3348, %swap3A_3349] {strides = array<i32>} : memref<8x256xf32, #tpu.memory_space<vmem>>, vector<1x16xf32>,
    %swap3A_3351 = vector.shape_cast %swap3A_3350 : vector<1x16xf32> to vector<16xf32>
    %swap3A_3352 = vector.shape_cast %add3A_3346 : vector<16xf32> to vector<1x16xf32>
    tpu.vector_store %arg5[%swap3A_3348, %swap3A_3349], %swap3A_3352 {strides = array<i32>} : memref<8x256xf32, #tpu.memory_space<vmem>>, vector<1x16xf32>,
    "tpu.region"() ({
      %run_scoped3A = tpu.sem_alloc : memref<!tpu.dma_semaphore, #tpu.memory_space<semaphore_mem>>
      %dma_start3A = arith.constant 0 : i32
      %dma_start3A_3353 = tpu.memref_slice %arg3[%dma_start3A, %mul3A_2] : memref<8x8192xf32, #tpu.memory_space<hbm>> -> memref<8x256xf32, #tpu.memory_space<hbm>>
      %dma_start3A_3354 = arith.constant 0 : i32
      %dma_start3A_3355 = tpu.memref_slice %arg3[%dma_start3A_3354, %mul3A_2] : memref<8x8192xf32, #tpu.memory_space<hbm>> -> memref<8x256xf32, #tpu.memory_space<hbm>>
      tpu.enqueue_dma source(%arg5 : memref<8x256xf32, #tpu.memory_space<vmem>>) target(%dma_start3A_3355 : memref<8x256xf32, #tpu.memory_space<hbm>>) target_semaphore(%run_scoped3A : memref<!tpu.dma_semaphore, #tpu.memory_space<semaphore_mem>>)
      %dma_wait3A = arith.constant 0 : i32
      %dma_wait3A_3356 = tpu.memref_slice %arg3[%dma_wait3A, %mul3A_2] : memref<8x8192xf32, #tpu.memory_space<hbm>> -> memref<8x256xf32, #tpu.memory_space<hbm>>
      %dma_wait3A_3357 = arith.constant 0 : i32
      %dma_wait3A_3358 = tpu.memref_slice %arg3[%dma_wait3A_3357, %mul3A_2] : memref<8x8192xf32, #tpu.memory_space<hbm>> -> memref<8x256xf32, #tpu.memory_space<hbm>>
      tpu.wait_dma2 semaphore(%run_scoped3A : memref<!tpu.dma_semaphore, #tpu.memory_space<semaphore_mem>>) src(%arg5 : memref<8x256xf32, #tpu.memory_space<vmem>>) dst(%dma_wait3A_3358 : memref<8x256xf32, #tpu.memory_space<hbm>>)
      tpu.yield
    }) : () -> ()
    return
  }
}

module attributes {stable_mosaic.version = 14 : i64} {
  func.func @_down_body(%arg0: i32, %arg1: memref<1024x2048xf32, #tpu.memory_space<vmem>>, %arg2: memref<2048x512xf32, #tpu.memory_space<vmem>>, %arg3: memref<2048x8xf32, #tpu.memory_space<vmem>>, %arg4: memref<1024x512xf32, #tpu.memory_space<vmem>>, %arg5: memref<8x1024xf32, #tpu.memory_space<vmem>>) attributes {dimension_semantics = [#tpu.dimension_semantics<parallel>], iteration_bounds = array<i64: 8>, scalar_prefetch = 0 : i64, scratch_operands = 0 : i64, tpu.core_type = #tpu.core_type<tc>, window_params = [{transform_indices = @transform_0, window_bounds = array<i64: 1024, 2048>}, {pipeline_mode = #tpu.pipeline_mode<synchronous>, transform_indices = @transform_1, window_bounds = array<i64: 2048, 512>}, {pipeline_mode = #tpu.pipeline_mode<synchronous>, transform_indices = @transform_2, window_bounds = array<i64: 2048, 8>}, {transform_indices = @transform_3, window_bounds = array<i64: 1024, 512>}, {transform_indices = @transform_4, window_bounds = array<i64: 8, 1024>}]} {
    %get3A = arith.constant 0 : index
    %get3A_0 = arith.constant 0 : index
    %get3A_1 = vector.load %arg1[%get3A, %get3A_0] : memref<1024x2048xf32, #tpu.memory_space<vmem>>, vector<1024x2048xf32>
    %get3A_2 = arith.constant 0 : index
    %get3A_3 = arith.constant 0 : index
    %get3A_4 = vector.load %arg2[%get3A_2, %get3A_3] : memref<2048x512xf32, #tpu.memory_space<vmem>>, vector<2048x512xf32>
    %dot_general3A = arith.constant dense<0.000000e+00> : vector<1024x512xf32>
    %dot_general3A_5 = tpu.matmul %get3A_1, %get3A_4, %dot_general3A {dimension_numbers = #tpu.dot_dimension_numbers<[1], [0], [0], [1], [0, 0, 1, 1], [], []>, transpose_lhs_hint = false} : vector<1024x2048xf32>, vector<2048x512xf32>, vector<1024x512xf32> -> vector<1024x512xf32>
    %swap3A = arith.constant 0 : index
    %swap3A_6 = arith.constant 0 : index
    %swap3A_7 = vector.load %arg4[%swap3A, %swap3A_6] : memref<1024x512xf32, #tpu.memory_space<vmem>>, vector<1024x512xf32>
    tpu.vector_store %arg4[%swap3A, %swap3A_6], %dot_general3A_5 {strides = array<i32>} : memref<1024x512xf32, #tpu.memory_space<vmem>>, vector<1024x512xf32>,
    %get3A_8 = arith.constant 0 : index
    %get3A_9 = arith.constant 0 : index
    %get3A_10 = vector.load %arg3[%get3A_8, %get3A_9] : memref<2048x8xf32, #tpu.memory_space<vmem>>, vector<2048x8xf32>
    %dot_general3A_11 = arith.constant dense<0.000000e+00> : vector<1024x8xf32>
    %dot_general3A_12 = tpu.matmul %get3A_1, %get3A_10, %dot_general3A_11 {dimension_numbers = #tpu.dot_dimension_numbers<[1], [0], [0], [1], [0, 0, 1, 1], [], []>, transpose_lhs_hint = false} : vector<1024x2048xf32>, vector<2048x8xf32>, vector<1024x8xf32> -> vector<1024x8xf32>
    %transpose3A = tpu.transpose %dot_general3A_12, [1, 0] : vector<1024x8xf32> -> vector<8x1024xf32>
    %swap3A_13 = arith.constant 0 : index
    %swap3A_14 = arith.constant 0 : index
    %swap3A_15 = vector.load %arg5[%swap3A_13, %swap3A_14] : memref<8x1024xf32, #tpu.memory_space<vmem>>, vector<8x1024xf32>
    tpu.vector_store %arg5[%swap3A_13, %swap3A_14], %transpose3A {strides = array<i32>} : memref<8x1024xf32, #tpu.memory_space<vmem>>, vector<8x1024xf32>,
    return
  }
  func.func @transform_0(%arg0: i32) -> (i32, i32) {
    %c0_i32 = arith.constant 0 : i32
    %c0_i32_0 = arith.constant 0 : i32
    return %arg0, %c0_i32 : i32, i32
  }
  func.func @transform_1(%arg0: i32) -> (i32, i32) {
    %c0_i32 = arith.constant 0 : i32
    %c0_i32_0 = arith.constant 0 : i32
    %c0_i32_1 = arith.constant 0 : i32
    return %c0_i32, %c0_i32_0 : i32, i32
  }
  func.func @transform_2(%arg0: i32) -> (i32, i32) {
    %c0_i32 = arith.constant 0 : i32
    %c0_i32_0 = arith.constant 0 : i32
    %c0_i32_1 = arith.constant 0 : i32
    return %c0_i32, %c0_i32_0 : i32, i32
  }
  func.func @transform_3(%arg0: i32) -> (i32, i32) {
    %c0_i32 = arith.constant 0 : i32
    %c0_i32_0 = arith.constant 0 : i32
    return %arg0, %c0_i32 : i32, i32
  }
  func.func @transform_4(%arg0: i32) -> (i32, i32) {
    %c0_i32 = arith.constant 0 : i32
    %c0_i32_0 = arith.constant 0 : i32
    return %c0_i32, %arg0 : i32, i32
  }
}

module attributes {stable_mosaic.version = 14 : i64} {
  func.func @_up_body(%arg0: i32, %arg1: memref<1024x512xf32, #tpu.memory_space<vmem>>, %arg2: memref<8x1024xf32, #tpu.memory_space<vmem>>, %arg3: memref<8x512xf32, #tpu.memory_space<vmem>>, %arg4: memref<512x2048xf32, #tpu.memory_space<vmem>>, %arg5: memref<1024x2048xf32, #tpu.memory_space<vmem>>) attributes {dimension_semantics = [#tpu.dimension_semantics<parallel>], iteration_bounds = array<i64: 8>, scalar_prefetch = 0 : i64, scratch_operands = 0 : i64, tpu.core_type = #tpu.core_type<tc>, window_params = [{transform_indices = @transform_0, window_bounds = array<i64: 1024, 512>}, {transform_indices = @transform_1, window_bounds = array<i64: 8, 1024>}, {pipeline_mode = #tpu.pipeline_mode<synchronous>, transform_indices = @transform_2, window_bounds = array<i64: 8, 512>}, {pipeline_mode = #tpu.pipeline_mode<synchronous>, transform_indices = @transform_3, window_bounds = array<i64: 512, 2048>}, {transform_indices = @transform_4, window_bounds = array<i64: 1024, 2048>}]} {
    %get3A = arith.constant 0 : index
    %get3A_0 = arith.constant 0 : index
    %get3A_1 = vector.load %arg2[%get3A, %get3A_0] : memref<8x1024xf32, #tpu.memory_space<vmem>>, vector<8x1024xf32>
    %get3A_2 = arith.constant 0 : index
    %get3A_3 = arith.constant 0 : index
    %get3A_4 = vector.load %arg3[%get3A_2, %get3A_3] : memref<8x512xf32, #tpu.memory_space<vmem>>, vector<8x512xf32>
    %dot_general3A = arith.constant dense<0.000000e+00> : vector<1024x512xf32>
    %dot_general3A_5 = tpu.matmul %get3A_1, %get3A_4, %dot_general3A {dimension_numbers = #tpu.dot_dimension_numbers<[0], [0], [1], [1], [0, 1, 1, 1], [], []>, transpose_lhs_hint = false} : vector<8x1024xf32>, vector<8x512xf32>, vector<1024x512xf32> -> vector<1024x512xf32>
    %get3A_6 = arith.constant 0 : index
    %get3A_7 = arith.constant 0 : index
    %get3A_8 = vector.load %arg1[%get3A_6, %get3A_7] : memref<1024x512xf32, #tpu.memory_space<vmem>>, vector<1024x512xf32>
    %mul3A = arith.mulf %get3A_8, %dot_general3A_5 : vector<1024x512xf32>
    %get3A_9 = arith.constant 0 : index
    %get3A_10 = arith.constant 0 : index
    %get3A_11 = vector.load %arg4[%get3A_9, %get3A_10] : memref<512x2048xf32, #tpu.memory_space<vmem>>, vector<512x2048xf32>
    %dot_general3A_12 = arith.constant dense<0.000000e+00> : vector<1024x2048xf32>
    %dot_general3A_13 = tpu.matmul %mul3A, %get3A_11, %dot_general3A_12 {dimension_numbers = #tpu.dot_dimension_numbers<[1], [0], [0], [1], [0, 0, 1, 1], [], []>, transpose_lhs_hint = false} : vector<1024x512xf32>, vector<512x2048xf32>, vector<1024x2048xf32> -> vector<1024x2048xf32>
    %swap3A = arith.constant 0 : index
    %swap3A_14 = arith.constant 0 : index
    %swap3A_15 = vector.load %arg5[%swap3A, %swap3A_14] : memref<1024x2048xf32, #tpu.memory_space<vmem>>, vector<1024x2048xf32>
    tpu.vector_store %arg5[%swap3A, %swap3A_14], %dot_general3A_13 {strides = array<i32>} : memref<1024x2048xf32, #tpu.memory_space<vmem>>, vector<1024x2048xf32>,
    return
  }
  func.func @transform_0(%arg0: i32) -> (i32, i32) {
    %c0_i32 = arith.constant 0 : i32
    %c0_i32_0 = arith.constant 0 : i32
    return %arg0, %c0_i32 : i32, i32
  }
  func.func @transform_1(%arg0: i32) -> (i32, i32) {
    %c0_i32 = arith.constant 0 : i32
    %c0_i32_0 = arith.constant 0 : i32
    return %c0_i32, %arg0 : i32, i32
  }
  func.func @transform_2(%arg0: i32) -> (i32, i32) {
    %c0_i32 = arith.constant 0 : i32
    %c0_i32_0 = arith.constant 0 : i32
    %c0_i32_1 = arith.constant 0 : i32
    return %c0_i32, %c0_i32_0 : i32, i32
  }
  func.func @transform_3(%arg0: i32) -> (i32, i32) {
    %c0_i32 = arith.constant 0 : i32
    %c0_i32_0 = arith.constant 0 : i32
    %c0_i32_1 = arith.constant 0 : i32
    return %c0_i32, %c0_i32_0 : i32, i32
  }
  func.func @transform_4(%arg0: i32) -> (i32, i32) {
    %c0_i32 = arith.constant 0 : i32
    %c0_i32_0 = arith.constant 0 : i32
    return %arg0, %c0_i32 : i32, i32
  }
}

</mosaic_0001>

<sc_bundles>
// kernel: kernel.5.cloned.1.call-start
scs
__scs_entry_jumppad:
0x0: {  	(pc) =	sbr.rel $0x88, $3  }
0x1: {  	(tag) =	ssettag $0x0;
	lr =	simm.s32 $0x1  }
0x2: {  	[smem:$0x3F9D] =	sst lr;
	_ =	strace $0xD0000000  }
0x3: {  	_ = 	snop  }
0x4: {  	_ = 	snop  }
0x5: {  	_ = 	snop  }
0x6: {  	_ = 	snop  }
0x7: {  	_ = 	snop  }
__scs_overlays_trampoline_lowered:
0x8: {  	[smem:$0x3FAC] =	sst s0  }
0x9: {  	[smem:$0x3FAD] =	sst s1  }
0xa: {  	[smem:$0x3FAE] =	sst s2  }
0xb: {  	[smem:$0x3FAF] =	sst s3  }
0xc: {  	[smem:$0x3FB0] =	sst s4  }
0xd: {  	[smem:$0x3FB1] =	sst s5  }
0xe: {  	[smem:$0x3FB2] =	sst s6  }
0xf: {  	[smem:$0x3FB3] =	sst s7  }
0x10: {  	[smem:$0x3FB4] =	sst s8  }
0x11: {  	[smem:$0x3FB5] =	sst s9;
	s0 =	simm.s32 @!p0 $0x0  }
0x12: {  	s1 =	sld [smem:$0x3F9B];
	s0 =	simm.s32 @p0 $0x1  }
0x13: {  	[smem:$0x3FB6] =	sst s0;
	s0 =	simm.s32 @!p1 $0x0  }
0x14: {  	s2 =	sld [smem:$0x3F9A];
	s0 =	simm.s32 @p1 $0x1  }
0x15: {  	[smem:$0x3FB7] =	sst s0;
	s0 =	simm.s32 @!p2 $0x0  }
0x16: {  	s3 =	sld [smem:$0x3FDB];
	s0 =	simm.s32 @p2 $0x1  }
0x17: {  	s4 =	simm.s32 $0x1BF5;
	[smem:$0x3FB9] =	sst s0  }
0x18: {  	s0 =	sld [smem:$0x3F9C];
	_ =	swait.ge [sflag:s4], $0x0  }
0x19: {  	s7 =	sld [smem:$0x3F9D]  }
0x1a: {  	s8 =	sadd.s32 $0xFFFFE003, lr  }
0x1b: {  	s9 =	sadd.s32 $0xFFFFFEF7, lr;
	s5 =	simm.s32 $0xFFFFFFFF;
	p2 =	slt.u32 s8, $0xFFFFF086  }
0x1c: {  	p1 =	slt.u32 s9, $0xF7A;
	s5 =	simm.s32 @!p2 $0x0  }
0x1d: {  	s5 =	simm.s32 @p1 $0x1;
	p0 =	seq.s32 s7, s2  }
0x1e: {  	s7 =	smul.u32 @!p0 $0xF7A, s2;
	p2 =	seq.s32 @!p0 s5, $0x0  }
0x1f: {  	s9 =	smul.u32 $0xF7A, s1;
	s8 =	simm.s32 @!p0 $0x1BF5;
	p2 =	por !p2, p0  }
0x20: {  	[sflag:s8] =	ssyncset.s32 @!p0 $0xFFFFF086;
	s6 =	sadd.s32 @!p0 s3, s7;
	s7 =	simm.s32 @!p0 $0x108  }
0x21: {  	s3 =	sadd.s32 s3, s9;
	s6 =	sadd.s32 @!p0 $0x88, s6;
	s7 =	simm.s32 @p2 $0x1082  }
0x22: {  	[simem:s7], [sflag:s8] =	dma.local @!p0 [hbm:s6], $0xF7A  }
0x23: {  	s9 =	sor.u32 $0xD0000000, s2;
	s6 =	simm.s32 $0x108;
	_ =	swait.ge @!p0 [sflag:s8], $0x0  }
0x24: {  	s3 =	sadd.s32 $0x88, s3;
	s6 =	simm.s32 @!p1 $0x1082;
	[sflag:s4] =	ssyncset.s32 $0xFFFFF086  }
0x25: {  	[simem:s6], [sflag:s4] =	dma.local [hbm:s3], $0xF7A  }
0x26: {  	[smem:$0x3F9D] =	sst s1;
	(tag) =	ssettag s2;
	_ =	strace s9  }
0x27: {  	s1 =	sld [smem:$0x3FAD]  }
0x28: {  	s2 =	sld [smem:$0x3FAE]  }
0x29: {  	s4 =	sld [smem:$0x3FB0]  }
0x2a: {  	p0 =	seq.s32 s5, $0x0;
	s5 =	sld [smem:$0x3FB1]  }
0x2b: {  	s6 =	sld [smem:$0x3FB2]  }
0x2c: {  	s7 =	sld [smem:$0x3FB3]  }
0x2d: {  	s3 =	simm.s32 $0x108;
	s8 =	sld [smem:$0x3FB4]  }
0x2e: {  	s3 =	simm.s32 @!p0 $0x1082;
	s9 =	sld [smem:$0x3FB5]  }
0x2f: {  	lr =	sadd.s32 s0, s3;
	s0 =	sld [smem:$0x3FAC]  }
0x30: {  	s3 =	sld [smem:$0x3FAF]  }
0x31: {  	[smem:$0x3FB8] =	sst s10  }
0x32: {  	s10 =	sld [smem:$0x3FB6];
	_ =	sdelay $0x3  }
0x33: {  	p0 =	seq.s32 s10, $0x1;
	s10 =	sld [smem:$0x3FB8];
	_ =	sdelay $0x3  }
0x34: {  	[smem:$0x3FB8] =	sst s10  }
0x35: {  	s10 =	sld [smem:$0x3FB7];
	_ =	sdelay $0x3  }
0x36: {  	p1 =	seq.s32 s10, $0x1;
	s10 =	sld [smem:$0x3FB8];
	_ =	sdelay $0x3  }
0x37: {  	[smem:$0x3FB8] =	sst s10  }
0x38: {  	s10 =	sld [smem:$0x3FB9]  }
0x39: {  	_ = 	snop;
	(pc) =	sbr.ind lr, $3  }
0x3a: {  	_ = 	snop  }
0x3b: {  	_ = 	snop  }
0x3c: {  	p2 =	seq.s32 s10, $0x1;
	s10 =	sld [smem:$0x3FB8]  }
0x3d: {  	_ =	shalt  }
0x3e: {  	_ =	shalt  }
0x3f: {  	_ =	shalt  }
0x40: {  	_ =	shalt  }
0x41: {  	_ =	shalt  }
0x42: {  	_ =	shalt  }
0x43: {  	_ =	shalt  }
0x44: {  	_ =	shalt  }
0x45: {  	_ =	shalt  }
0x46: {  	_ =	shalt  }
0x47: {  	_ =	shalt  }
0x48: {  	_ =	shalt  }
0x49: {  	_ =	shalt  }
0x4a: {  	_ =	shalt  }
0x4b: {  	_ =	shalt  }
0x4c: {  	_ =	shalt  }
0x4d: {  	_ =	shalt  }
0x4e: {  	_ =	shalt  }
0x4f: {  	_ =	shalt  }
0x50: {  	_ =	shalt  }
0x51: {  	_ =	shalt  }
0x52: {  	_ =	shalt  }
0x53: {  	_ =	shalt  }
0x54: {  	_ =	shalt  }
0x55: {  	_ =	shalt  }
0x56: {  	_ =	shalt  }
0x57: {  	_ =	shalt  }
0x58: {  	_ =	shalt  }
0x59: {  	_ =	shalt  }
0x5a: {  	_ =	shalt  }
0x5b: {  	_ =	shalt  }
0x5c: {  	_ =	shalt  }
0x5d: {  	_ =	shalt  }
0x5e: {  	_ =	shalt  }
0x5f: {  	_ =	shalt  }
0x60: {  	_ =	shalt  }
0x61: {  	_ =	shalt  }
0x62: {  	_ =	shalt  }
0x63: {  	_ =	shalt  }
0x64: {  	_ =	shalt  }
0x65: {  	_ =	shalt  }
0x66: {  	_ =	shalt  }
0x67: {  	_ =	shalt  }
0x68: {  	_ =	shalt  }
0x69: {  	_ =	shalt  }
0x6a: {  	_ =	shalt  }
0x6b: {  	_ =	shalt  }
0x6c: {  	_ =	shalt  }
0x6d: {  	_ =	shalt  }
0x6e: {  	_ =	shalt  }
0x6f: {  	_ =	shalt  }
0x70: {  	_ =	shalt  }
0x71: {  	_ =	shalt  }
0x72: {  	_ =	shalt  }
0x73: {  	_ =	shalt  }
0x74: {  	_ =	shalt  }
0x75: {  	_ =	shalt  }
0x76: {  	_ =	shalt  }
0x77: {  	_ =	shalt  }
0x78: {  	_ =	shalt  }
0x79: {  	_ =	shalt  }
0x7a: {  	_ =	shalt  }
0x7b: {  	_ =	shalt  }
0x7c: {  	_ =	shalt  }
0x7d: {  	_ =	shalt  }
0x7e: {  	_ =	shalt  }
0x7f: {  	_ =	shalt  }
0x80: {  	_ =	shalt  }
0x81: {  	_ =	shalt  }
0x82: {  	_ =	shalt  }
0x83: {  	_ =	shalt  }
0x84: {  	_ =	shalt  }
0x85: {  	_ =	shalt  }
0x86: {  	_ =	shalt  }
0x87: {  	_ =	shalt  }
.Lfunc_end0:
.L_simem_size_0:
called_computation_lowered:
.L_overlay_start_0:
0x88: {  	s2 =	sld [smem:$0x3FD9]  }
0x89: {  	s3 =	sld [smem:$0x3FFE];
	_ =	sdelay $0x1  }
0x8a: {  	s1 =	srdreg.scid  }
0x8b: {  	s0 =	sand.u32 $0x1, s1  }
0x8c: {  	s16 =	sshll.u32 s0, $0xA;
	s2 =	sadd.s32 s3, s2  }
0x8d: {  	s2 =	sadd.s32 s2, s16  }
0x8e: {  	[smem:$0x3FC4] =	sst s2  }
0x8f: {  	_ = 	snop  }
0x90: {  	(tm) =	ssettm $0x1  }
0x91: {  	s17 =	sld [smem:$0x3FFB];
	_ =	sdelay $0x3  }
0x92: {  	_ =	strace s17  }
0x93: {  	s2 =	sld [smem:$0x3FFC];
	_ =	sdelay $0x3  }
0x94: {  	_ =	strace s2  }
0x95: {  	s2 =	sld [smem:$0x3FFD];
	_ =	sdelay $0x3  }
0x96: {  	_ =	strace s2  }
0x97: {  	_ =	strace $0x8FFFFFFF  }
0x98: {  	s18 =	sld [smem:$0x3FDB];
	_ =	sdelay $0x1  }
0x99: {  	s19 =	simm.s32 $_scs_section_size  }
0x9a: {  	s4 =	simm.s32 $_size__tile_overlayer_lowered;
	s5 =	simm.s32 $_tile_overlayer_lowered  }
0x9b: {  	s22 =	simm.s32 $0x1BFF;
	s21 =	sshll.u32 s5, $0x1;
	s2 =	sadd.s32 s19, s18  }
0x9c: {  	s6 =	simm.s32 $0x0;
	s20 =	sshll.u32 s4, $0x1;
	s4 =	sadd.s32 s21, s2  }
0x9d: {  	[timem:s6], [sflag:s22] =	dma.local [hbm:s4], s20  }
0x9e: {  	_ =	swait.ge [sflag:s22], s20  }
0x9f: {  	s3 =	ssub.s32 $0x0, s20;
	[sflag:s22] =	ssyncset.done $0x0  }
0xa0: {  	[sflag:s22] =	ssyncadd.s32 s3;
	_ =	sdelay $0x1  }
0xa1: {  	s23 =	simm.s32 $0x1B8B  }
0xa2: {  	_ =	swait.ge [sflag:s23], $0x1  }
0xa3: {  	[sflag:s23] =	ssyncset.done $0x0  }
0xa4: {  	s25 =	simm.s32 $0x1B8E;
	s24 =	sld [smem:$0x3FFE];
	[sflag:s23] =	ssyncadd.s32 $0xFFFFFFFF  }
0xa5: {  	s26 =	simm.s32 $execute0_lowered;
	[smem:$0x3FD2] =	sst s25  }
0xa6: {  	s4 =	sshll.u32 s26, $0x1;
	_ =	strace $0x80000046;
	[dreg:$0x1] =	wrdreg $0xFFFFFFFF  }
0xa7: {  	s28 =	simm.s32 $_size_execute0_lowered;
	s2 =	sadd.s32 s2, s4;
	[dreg:$0x0] =	wrdreg $0x0  }
0xa8: {  	s4 =	sshll.u32 s28, $0x1;
	[dreg:$0x2] =	wrdreg s2  }
0xa9: {  	[dreg:$0x3] =	wrdreg s4  }
0xaa: {  	[dreg:$0x4] =	wrdreg $0xC0  }
0xab: {  	_ =	task [dreg:s6], $0x5FFFF  }
0xac: {  	[dreg:$0x1] =	wrdreg $0xFFFFFFFF  }
0xad: {  	[dreg:$0x0] =	wrdreg $0x60  }
0xae: {  	[dreg:$0x2] =	wrdreg s24  }
0xaf: {  	[dreg:$0x3] =	wrdreg $0x9  }
0xb0: {  	_ =	task.clear_ibuf [dreg:s6], $0x4FFFF;
	_ =	strace $0x90000046  }
0xb1: {  	s29 =	simm.s32 $0x9;
	_ =	strace $0x80000048  }
0xb2: {  	_ =	swait.ge [sflag:s29], $0x1  }
0xb3: {  	[sflag:s29] =	ssyncadd.s32 $0xFFFFFFFF  }
0xb4: {  	_ =	strace $0x90000048  }
0xb5: {  	_ =	sfence  }
0xb6: {  	s30 =	sld [smem:$0x0];
	_ =	sdelay $0x2  }
0xb7: {  	s31 =	sshll.u32 s1, $0xD;
	s1 =	sshrl.u32 s1, $0x2  }
0xb8: {  	s3 =	sand.u32 $0x4000, s31;
	s1 =	sadd.s32 s1, s30  }
0xb9: {  	s0 =	sor.u32 s3, s0;
	s1 =	sshll.u32 s1, $0x11  }
0xba: {  	s0 =	sor.u32 s1, s0  }
0xbb: {  	s0 =	sadd.s32 $0x8F2B, s0  }
0xbc: {  	[sflag:s0] =	ssyncadd.remote.s32 $0x1  }
0xbd: {  	_ =	sfence.sel $0xFFFF  }
0xbe: {  	[dreg:$0x0] =	wrdreg $0xFFFFFFFF;
	(pc) =	sbr.abs _section_cstart, $3  }
0xbf: {  	[dreg:$0x1] =	wrdreg $0xFFFFFFFF  }
0xc0: {  	_ =	task.clear_ibuf [dreg:s6], $0x2FFFF;
	_ =	strace $0x9FFFFFFF  }
0xc1: {  	(tm) =	ssettm $0x7FFFFFFF  }
tec
execute0_lowered:
.L_overlay_start_1:
0x0: {  	(tag) =	ssettag $0x1  }
0x1: {  	s3 =	rddreg [dreg:$0x0];
	s2 =	srdreg.scid  }
0x2: {  	s0 =	rddreg [dreg:$0x1];
	s1 =	stileid.u32;
	s7 =	simm.s32 $0x800  }
0x3: {  	s4 =	sand.u32 $0x1, s2;
	s2 =	simm.s32 $0x0;
	s5 =	sshll.u32 s1, $0x9  }
0x4: {  	s6 =	sshll.u32 s4, $0x8;
	[smem:$0x7FF] =	sst s2;
	s4 =	ssub.s32 $0x2, s4  }
0x5: {  	s5 =	sor.u32 s6, s5;
	_ =	strace $0x80000047;
	s30 =	sshrl.u32 s4, $0x1  }
0x6: {  	s6 =	simm.s32 $0x1;
	s5 =	sadd.s32 s5, s3;
	s31 =	ssub.s32 s4, s30  }
0x7: {  	s3 =	sadd.s32 $0x1200, s5;
	s4 =	sadd.s32 $0x3200, s5;
	s5 =	smax.u32 s31, $0x1  }
.LBB2_1:
0x8: {  	[tilespmem:s2], [sflag:$0x1] =	stream.linear.gather [hbm4b:s3+s2], $0x800, $0x38;
	[tilespmem:$0x1000] =	vst v63  }
0x9: {  	_ =	swait.ge [sflag:s6], $0x800  }
0xa: {  	[sflag:s6] =	ssyncset.done $0x0  }
0xb: {  	[sflag:s6] =	ssyncadd.s32 $0xFFFFF800  }
0xc: {  	v0 =	vld [tilespmem:$0x0]  }
0xd: {  	v1 =	vld [tilespmem:$0x80]  }
0xe: {  	v2 =	vld [tilespmem:$0x100]  }
0xf: {  	v3 =	vld [tilespmem:$0x180]  }
0x10: {  	v4 =	vld [tilespmem:$0x200]  }
0x11: {  	v5 =	vld [tilespmem:$0x280]  }
0x12: {  	v6 =	vld [tilespmem:$0x300];
	v7 =	vmax.f32 v0, v1  }
0x13: {  	v8 =	vld [tilespmem:$0x380];
	v7 =	vmax.f32 v7, v2  }
0x14: {  	v7 =	vmax.f32 v7, v3  }
0x15: {  	v7 =	vmax.f32 v7, v4  }
0x16: {  	v7 =	vmax.f32 v7, v5  }
0x17: {  	v7 =	vmax.f32 v7, v6  }
0x18: {  	v7 =	vmax.f32 v7, v8  }
0x19: {  	v53 =	vimm.s32 $0x0;
	v54 =	vimm.s32 $0x0;
	vm0 =	veq.f32 v0, v7  }
0x1a: {  	vm5 =	veq.f32 v1, v7;
	vm3 =	veq.f32 v2, v7;
	vm4 =	veq.f32 v3, v7  }
0x1b: {  	vm2 =	veq.f32 v4, v7;
	v9 =	vsel vm0, $0xF149F2CA, v0;
	v10 =	vsel vm5, $0xF149F2CA, v1  }
0x1c: {  	vm1 =	veq.f32 v5, v7;
	v12 =	vsel vm3, $0xF149F2CA, v2;
	v0 =	vmax.f32 v9, v10  }
0x1d: {  	vm7 =	veq.f32 v6, v7;
	v24 =	vsel vm4, $0xF149F2CA, v3;
	v0 =	vmax.f32 v0, v12  }
0x1e: {  	vm6 =	veq.f32 v8, v7;
	v27 =	vsel vm2, $0xF149F2CA, v4;
	v0 =	vmax.f32 v0, v24  }
0x1f: {  	v1 =	vsel vm7, $0xFFFFFFFF, v53;
	v3 =	vsel vm1, $0xF149F2CA, v5;
	v0 =	vmax.f32 v0, v27  }
0x20: {  	v2 =	vsel vm7, $0xF149F2CA, v6;
	[tilespmem:$0x1F230] =	vst v1;
	v1 =	vsel vm6, $0xFFFFFFFF, v54;
	v55 =	vmax.f32 v0, v3  }
0x21: {  	[tilespmem:$0x1F240] =	vst v1;
	v0 =	vsel vm6, $0xF149F2CA, v8;
	v1 =	vmax.f32 v55, v2  }
0x22: {  	v1 =	vmax.f32 v1, v0  }
0x23: {  	v56 =	vsub.f32 v1, v7;
	_ =	sdelay $0x1  }
0x24: {  	v4 =	vmul.f32 $1.442695020e+00, v56;
	_ =	sdelay $0x1  }
0x25: {  	(erf) = vpow2.f32 v4;
	_ =	sdelay $0x2  }
0x26: {  	v58 =	vld [tilespmem:$0x10]  }
0x27: {  	v59 =	vld [tilespmem:$0x90]  }
0x28: {  	v60 =	vld [tilespmem:$0x110]  }
0x29: {  	v61 =	vld [tilespmem:$0x190]  }
0x2a: {  	v11 =	vld [tilespmem:$0x210]  }
0x2b: {  	v13 =	vld [tilespmem:$0x290]  }
0x2c: {  	v15 =	vld [tilespmem:$0x310];
	v4 =	vpop (erf)  }
0x2d: {  	v17 =	vld [tilespmem:$0x390];
	v57 =	vadd.f32 $1.000000000e+00, v4  }
0x2e: {  	v18 =	vld [tilespmem:$0x20];
	v14 =	vmax.f32 v58, v59  }
0x2f: {  	v25 =	vld [tilespmem:$0xA0];
	v14 =	vmax.f32 v14, v60;
	(erf) = vrcp.f32 v57  }
0x30: {  	v34 =	vimm.s32 $0x0;
	v36 =	vimm.s32 $0x0;
	v14 =	vmax.f32 v14, v61  }
0x31: {  	v42 =	vimm.s32 $0x0;
	v43 =	vimm.s32 $0x0;
	v14 =	vmax.f32 v14, v11  }
0x32: {  	v44 =	vimm.s32 $0x0;
	v45 =	vimm.s32 $0x0;
	v16 =	vmax.f32 v14, v13  }
0x33: {  	v48 =	vimm.s32 $0x0;
	v50 =	vimm.s32 $0x0;
	v62 =	vmax.f32 v16, v15  }
0x34: {  	v52 =	vimm.s32 $0x0;
	v38 =	vmax.f32 v18, v25;
	v63 =	vmax.f32 v62, v17  }
0x35: {  	v46 =	vld [tilespmem:$0x30];
	vm15 =	veq.f32 v60, v63;
	vm10 =	veq.f32 v61, v63;
	vm14 =	veq.f32 v11, v63  }
0x36: {  	v31 =	vld [tilespmem:$0xB0];
	vm9 =	veq.f32 v13, v63;
	vm11 =	veq.f32 v15, v63;
	vm8 =	veq.f32 v17, v63  }
0x37: {  	v16 =	vsel vm15, $0xF149F2CA, v60;
	v5 =	vsel vm9, $0xFFFFFFFF, v34;
	v19 =	vsel vm10, $0xF149F2CA, v61  }
0x38: {  	v6 =	vsel vm14, $0xF149F2CA, v11;
	v11 =	vsel vm9, $0xF149F2CA, v13;
	[tilespmem:$0x1F250] =	vst v5;
	v5 =	vsel vm8, $0xFFFFFFFF, v36;
	v21 =	vpop (erf)  }
0x39: {  	v33 =	vld [tilespmem:$0x120];
	vm6 =	veq.f32 v59, v63;
	v49 =	vnsel vm0, $0x0, v21;
	vm0 =	veq.f32 v58, v63  }
0x3a: {  	v35 =	vld [tilespmem:$0x1A0];
	v54 =	vimm.s32 $0x0;
	v20 =	vsel vm6, $0xF149F2CA, v59;
	v22 =	vsel vm0, $0xF149F2CA, v58  }
0x3b: {  	v26 =	vld [tilespmem:$0x220];
	[tilespmem:$0x1F260] =	vst v5;
	v5 =	vsel vm8, $0xF149F2CA, v17;
	v55 =	vmax.f32 v46, v31;
	v32 =	vmax.f32 v22, v20  }
0x3c: {  	v28 =	vld [tilespmem:$0x2A0];
	vm7 =	veq.f32 v9, v1;
	v14 =	vmul.f32 v21, v4;
	v4 =	vmax.f32 v32, v16  }
0x3d: {  	v29 =	vld [tilespmem:$0x320];
	vm13 =	veq.f32 v10, v1;
	vm8 =	veq.f32 v12, v1;
	v4 =	vmax.f32 v4, v19  }
0x3e: {  	v30 =	vld [tilespmem:$0x3A0];
	v37 =	vmax.f32 v4, v6;
	v4 =	vsel vm11, $0xF149F2CA, v15;
	v15 =	vmax.f32 v38, v33  }
0x3f: {  	v57 =	vnsel vm5, $0x0, v21;
	v13 =	vmax.f32 v37, v11;
	v15 =	vmax.f32 v15, v35  }
0x40: {  	v61 =	vnsel vm3, $0x0, v21;
	v13 =	vmax.f32 v13, v4;
	v40 =	vmax.f32 v15, v26  }
0x41: {  	v58 =	vnsel vm2, $0x0, v21;
	v13 =	vmax.f32 v13, v5;
	v10 =	vmax.f32 v40, v28  }
0x42: {  	v39 =	vnsel vm7, $0x0, v14;
	v9 =	vsub.f32 v13, v63;
	v10 =	vmax.f32 v10, v29  }
0x43: {  	v60 =	vnsel vm13, $0x0, v14;
	v62 =	vnsel vm8, $0x0, v14;
	v41 =	vmax.f32 v10, v30  }
0x44: {  	v63 =	vnsel vm4, $0x0, v21;
	v9 =	vmul.f32 $1.442695020e+00, v9;
	vm9 =	veq.f32 v18, v41  }
0x45: {  	vm12 =	veq.f32 v25, v41;
	vm13 =	veq.f32 v33, v41;
	vm8 =	veq.f32 v35, v41  }
0x46: {  	vm7 =	veq.f32 v30, v41;
	v23 =	vsel vm9, $0xF149F2CA, v18;
	v25 =	vsel vm12, $0xF149F2CA, v25  }
0x47: {  	v18 =	vsel vm13, $0xF149F2CA, v33;
	v8 =	vsel vm8, $0xF149F2CA, v35;
	v33 =	vnsel vm1, $0x0, v21  }
0x48: {  	[tilespmem:$0x1F3E0] =	vst v39;
	(erf) = vpow2.f32 v9;
	v9 =	vsel vm9, $0xFFFFFFFF, v42;
	vm9 =	veq.f32 v26, v41  }
0x49: {  	v51 =	vld [tilespmem:$0x230];
	v47 =	vmax.f32 v23, v25;
	[tilespmem:$0x1F270] =	vst v9;
	v9 =	vsel vm12, $0xFFFFFFFF, v43;
	v10 =	vsel vm9, $0xFFFFFFFF, v48  }
0x4a: {  	v34 =	vld [tilespmem:$0x130];
	v7 =	vmax.f32 v47, v18;
	vm12 =	veq.f32 v28, v41;
	[tilespmem:$0x1F280] =	vst v9;
	v9 =	vsel vm13, $0xFFFFFFFF, v44  }
0x4b: {  	v35 =	vld [tilespmem:$0x1B0];
	[tilespmem:$0x1F2B0] =	vst v10;
	v10 =	vsel vm9, $0xF149F2CA, v26;
	v15 =	vsel vm12, $0xFFFFFFFF, v50;
	v7 =	vmax.f32 v7, v8  }
0x4c: {  	v39 =	vld [tilespmem:$0x1F230];
	vm13 =	veq.f32 v29, v41;
	vm9 =	veq.f32 v27, v1;
	[tilespmem:$0x1F290] =	vst v9;
	v9 =	vsel vm8, $0xFFFFFFFF, v45  }
0x4d: {  	v53 =	vld [tilespmem:$0x2B0];
	[tilespmem:$0x1F2C0] =	vst v15;
	v15 =	vsel vm12, $0xF149F2CA, v28;
	v17 =	vsel vm13, $0xFFFFFFFF, v52;
	v26 =	vmax.f32 v7, v10  }
0x4e: {  	v36 =	vld [tilespmem:$0x330];
	v7 =	vsel vm7, $0xFFFFFFFF, v54;
	vm8 =	veq.f32 v24, v1;
	v27 =	vnsel vm9, $0x0, v14;
	[tilespmem:$0x1F2D0] =	vst v17  }
0x4f: {  	v37 =	vld [tilespmem:$0x3B0];
	v17 =	vsel vm13, $0xF149F2CA, v29;
	[tilespmem:$0x1F2E0] =	vst v7;
	v7 =	vsel vm7, $0xF149F2CA, v30;
	v30 =	vmax.f32 v55, v34  }
0x50: {  	v26 =	vmax.f32 v26, v15;
	v24 =	vnsel vm8, $0x0, v14;
	v56 =	vmax.f32 v30, v35  }
0x51: {  	vm12 =	vnez.u8 v39;
	v26 =	vmax.f32 v26, v17;
	[tilespmem:$0x1F3F0] =	vst v24;
	v24 =	vmax.f32 v56, v51  }
0x52: {  	vm13 =	veq.f32 v3, v1;
	v26 =	vmax.f32 v26, v7;
	v24 =	vmax.f32 v24, v53  }
0x53: {  	v3 =	vnsel vm13, $0x0, v14;
	v12 =	vsub.f32 v26, v41;
	v24 =	vmax.f32 v24, v36  }
0x54: {  	vm13 =	veq.f32 v2, v1;
	v2 =	vnsel vm12, $0x0, v21;
	v38 =	vpop (erf);
	v24 =	vmax.f32 v24, v37  }
0x55: {  	v12 =	vmul.f32 $1.442695020e+00, v12;
	v59 =	vadd.f32 $1.000000000e+00, v38;
	vm1 =	veq.f32 v46, v24  }
0x56: {  	vm2 =	veq.f32 v31, v24;
	vm3 =	veq.f32 v34, v24;
	vm4 =	veq.f32 v35, v24  }
0x57: {  	[tilespmem:$0x1F420] =	vst v33;
	v33 =	vsel vm1, $0xF149F2CA, v46;
	v32 =	vsel vm2, $0xF149F2CA, v31;
	(erf) = vrcp.f32 v59  }
0x58: {  	[tilespmem:$0x1F2A0] =	vst v9;
	vm7 =	veq.f32 v51, v24;
	v31 =	vsel vm3, $0xF149F2CA, v34;
	v9 =	vmax.f32 v33, v32  }
0x59: {  	v42 =	vld [tilespmem:$0x1F240];
	vm5 =	veq.f32 v53, v24;
	v30 =	vsel vm4, $0xF149F2CA, v35;
	v9 =	vmax.f32 v9, v31  }
0x5a: {  	vm8 =	veq.f32 v36, v24;
	v28 =	vsel vm7, $0xF149F2CA, v51;
	v9 =	vmax.f32 v9, v30  }
0x5b: {  	vm9 =	veq.f32 v37, v24;
	v29 =	vsel vm5, $0xF149F2CA, v53;
	v9 =	vmax.f32 v9, v28  }
0x5c: {  	[tilespmem:$0x1F410] =	vst v27;
	v27 =	vsel vm8, $0xF149F2CA, v36;
	(erf) = vpow2.f32 v12;
	v36 =	vmax.f32 v9, v29  }
0x5d: {  	[tilespmem:$0x1F440] =	vst v2;
	v2 =	vld [tilespmem:$0xC0];
	v9 =	vsel vm9, $0xF149F2CA, v37;
	v12 =	vmax.f32 v36, v27  }
0x5e: {  	v40 =	vnsel vm13, $0x0, v14;
	vm13 =	vnez.u8 v42;
	v36 =	vld [tilespmem:$0x40];
	v12 =	vmax.f32 v12, v9  }
0x5f: {  	v50 =	vld [tilespmem:$0x1F250];
	[tilespmem:$0x1F430] =	vst v3;
	v3 =	vnsel vm13, $0x0, v21;
	vm13 =	veq.f32 v0, v1;
	v41 =	vsub.f32 v12, v24  }
0x60: {  	v54 =	vld [tilespmem:$0x1F260];
	vm12 =	veq.f32 v22, v13;
	v0 =	vnsel vm13, $0x0, v14;
	v34 =	vpop (erf)  }
0x61: {  	v14 =	vld [tilespmem:$0x140];
	vm13 =	veq.f32 v20, v13;
	[tilespmem:$0x1F470] =	vst v0;
	v44 =	vmul.f32 $1.442695020e+00, v41;
	v0 =	vmul.f32 v34, v38  }
0x62: {  	v24 =	vnsel vm0, $0x0, v34;
	v59 =	vnsel vm6, $0x0, v34;
	vm6 =	veq.f32 v16, v13  }
0x63: {  	v22 =	vnsel vm15, $0x0, v34;
	v20 =	vnsel vm10, $0x0, v34;
	v47 =	vmax.f32 v36, v2  }
0x64: {  	v45 =	vld [tilespmem:$0x1C0];
	[tilespmem:$0x1F460] =	vst v3;
	v3 =	vnsel vm14, $0x0, v34;
	vm14 =	veq.f32 v11, v13;
	vm15 =	vnez.u8 v50  }
0x65: {  	v46 =	vld [tilespmem:$0x240];
	v35 =	vpop (erf);
	v52 =	vnsel vm11, $0x0, v34;
	vm10 =	veq.f32 v5, v13;
	vm11 =	vnez.u8 v54  }
0x66: {  	v38 =	vld [tilespmem:$0x2C0];
	vm0 =	veq.f32 v27, v12;
	v43 =	vadd.f32 $1.000000000e+00, v35;
	v41 =	vmax.f32 v47, v14  }
0x67: {  	v11 =	vnsel vm15, $0x0, v34;
	v56 =	vnsel vm12, $0x0, v0;
	vm12 =	veq.f32 v19, v13;
	v19 =	vld [tilespmem:$0x340]  }
0x68: {  	[tilespmem:$0x1F400] =	vst v58;
	v39 =	vld [tilespmem:$0x3C0];
	v5 =	vnsel vm11, $0x0, v34;
	v58 =	vnsel vm13, $0x0, v0;
	v21 =	vnsel vm6, $0x0, v0  }
0x69: {  	vm13 =	veq.f32 v6, v13;
	v48 =	vmax.f32 v41, v45;
	v51 =	vnsel vm14, $0x0, v0  }
0x6a: {  	vm6 =	veq.f32 v4, v13;
	v13 =	vimm.s32 $0x0;
	v6 =	vmax.f32 v48, v46  }
0x6b: {  	[tilespmem:$0x1F450] =	vst v40;
	(erf) = vrcp.f32 v43;
	v40 =	vnsel vm12, $0x0, v0;
	v6 =	vmax.f32 v6, v38  }
0x6c: {  	v16 =	vnsel vm13, $0x0, v0;
	v4 =	vnsel vm6, $0x0, v0;
	v53 =	vmax.f32 v6, v19  }
0x6d: {  	v0 =	vnsel vm10, $0x0, v0;
	v48 =	vimm.s32 $0x0;
	v42 =	vmax.f32 v53, v39  }
0x6e: {  	(erf) = vpow2.f32 v44;
	v44 =	vimm.s32 $0x0;
	vm10 =	veq.f32 v36, v42  }
0x6f: {  	vm6 =	veq.f32 v2, v42;
	vm12 =	veq.f32 v14, v42;
	vm13 =	veq.f32 v45, v42  }
0x70: {  	[tilespmem:$0x1F480] =	vst v11;
	vm14 =	veq.f32 v46, v42;
	vm15 =	veq.f32 v38, v42;
	vm11 =	veq.f32 v39, v42  }
0x71: {  	v50 =	vld [tilespmem:$0x1F270];
	[tilespmem:$0x1F4D0] =	vst v0;
	v36 =	vsel vm10, $0xF149F2CA, v36;
	v0 =	vsel vm6, $0xF149F2CA, v2;
	v2 =	vsel vm12, $0xFFFFFFFF, v13  }
0x72: {  	[tilespmem:$0x1F4C0] =	vst v5;
	v6 =	vsel vm13, $0xFFFFFFFF, v44;
	v1 =	vsel vm13, $0xF149F2CA, v45;
	v45 =	vimm.s32 $0x0  }
0x73: {  	[tilespmem:$0x1F4B0] =	vst v4;
	v53 =	vld [tilespmem:$0x1F280];
	v13 =	vsel vm14, $0xF149F2CA, v46;
	v46 =	vimm.s32 $0x0;
	v11 =	vsel vm15, $0xF149F2CA, v38  }
0x74: {  	v4 =	vsel vm11, $0xF149F2CA, v39;
	vm13 =	veq.f32 v23, v26;
	[tilespmem:$0x1F2F0] =	vst v2;
	v2 =	vsel vm12, $0xF149F2CA, v14  }
0x75: {  	v43 =	vmax.f32 v36, v0;
	[tilespmem:$0x1F300] =	vst v6;
	v6 =	vsel vm14, $0xFFFFFFFF, v45;
	v14 =	vsel vm11, $0xFFFFFFFF, v48  }
0x76: {  	[tilespmem:$0x1F490] =	vst v51;
	vm12 =	vnez.u8 v50;
	vm14 =	veq.f32 v25, v26;
	v5 =	vmax.f32 v43, v2  }
0x77: {  	v41 =	vpop (erf);
	[tilespmem:$0x1F310] =	vst v6;
	v6 =	vsel vm15, $0xFFFFFFFF, v46;
	vm15 =	veq.f32 v19, v42;
	v5 =	vmax.f32 v5, v1  }
0x78: {  	v25 =	vld [tilespmem:$0x1F2A0];
	[tilespmem:$0x1F330] =	vst v14;
	v34 =	vpop (erf);
	v14 =	vnsel vm12, $0x0, v41;
	v51 =	vmul.f32 v41, v35;
	vm12 =	vnez.u8 v53  }
0x79: {  	v55 =	vadd.f32 $1.000000000e+00, v34;
	v47 =	vmax.f32 v5, v13;
	v5 =	vsel vm15, $0xF149F2CA, v19  }
0x7a: {  	[tilespmem:$0x1F320] =	vst v6;
	v35 =	vld [tilespmem:$0x1F2B0];
	v6 =	vmax.f32 v47, v11;
	v23 =	vnsel vm13, $0x0, v51;
	v54 =	vnsel vm14, $0x0, v51  }
0x7b: {  	vm14 =	veq.f32 v18, v26;
	(erf) = vrcp.f32 v55;
	v6 =	vmax.f32 v6, v5;
	v55 =	vld [tilespmem:$0x1F290]  }
0x7c: {  	[tilespmem:$0x1F500] =	vst v23;
	v23 =	vnsel vm12, $0x0, v41;
	v18 =	vnsel vm14, $0x0, v51;
	v6 =	vmax.f32 v6, v4  }
0x7d: {  	[tilespmem:$0x1F4A0] =	vst v52;
	v38 =	vld [tilespmem:$0x1F2C0];
	vm11 =	vnez.u8 v25;
	vm12 =	veq.f32 v8, v26;
	v52 =	vsub.f32 v6, v42  }
0x7e: {  	[tilespmem:$0x1F550] =	vst v18;
	v18 =	vnsel vm11, $0x0, v41;
	v8 =	vnsel vm12, $0x0, v51;
	vm12 =	veq.f32 v15, v26;
	v42 =	vld [tilespmem:$0x1F2D0]  }
0x7f: {  	v46 =	vld [tilespmem:$0x1F2E0];
	vm11 =	veq.f32 v33, v12;
	v33 =	vimm.s32 $0x0;
	v19 =	vmul.f32 $1.442695020e+00, v52  }
0x80: {  	vm14 =	vnez.u8 v35;
	v39 =	vnsel vm12, $0x0, v51;
	vm13 =	vnez.u8 v55  }
0x81: {  	[tilespmem:$0x1F510] =	vst v23;
	v35 =	vimm.s32 $0x0;
	v23 =	vnsel vm13, $0x0, v41;
	(erf) = vpow2.f32 v19  }
0x82: {  	[tilespmem:$0x1F4F0] =	vst v14;
	vm13 =	veq.f32 v10, v26;
	v10 =	vnsel vm14, $0x0, v41;
	vm14 =	veq.f32 v17, v26  }
0x83: {  	[tilespmem:$0x1F520] =	vst v54;
	v37 =	vnsel vm13, $0x0, v51;
	vm13 =	vnez.u8 v38;
	vm12 =	vnez.u8 v42  }
0x84: {  	[tilespmem:$0x1F570] =	vst v8;
	v8 =	vld [tilespmem:$0x50];
	v43 =	vnsel vm14, $0x0, v51;
	vm14 =	vnez.u8 v46;
	v42 =	vimm.s32 $0x0  }
0x85: {  	[tilespmem:$0x1F580] =	vst v10;
	v10 =	vld [tilespmem:$0xD0];
	v15 =	vnsel vm13, $0x0, v41;
	v17 =	vnsel vm12, $0x0, v41;
	vm13 =	veq.f32 v7, v26  }
0x86: {  	v41 =	vnsel vm14, $0x0, v41;
	vm12 =	veq.f32 v32, v12;
	[tilespmem:$0x1F5A0] =	vst v15;
	v15 =	vld [tilespmem:$0x150];
	v44 =	vpop (erf);
	v47 =	vnsel vm13, $0x0, v51  }
0x87: {  	v45 =	vld [tilespmem:$0x1D0];
	[tilespmem:$0x1F560] =	vst v18;
	vm13 =	veq.f32 v31, v12;
	v48 =	vnsel vm1, $0x0, v44;
	v51 =	vnsel vm2, $0x0, v44  }
0x88: {  	v50 =	vld [tilespmem:$0x250];
	[tilespmem:$0x1F5B0] =	vst v39;
	v52 =	vnsel vm3, $0x0, v44;
	v54 =	vnsel vm4, $0x0, v44;
	vm3 =	veq.f32 v30, v12  }
0x89: {  	v14 =	vld [tilespmem:$0x2D0];
	[tilespmem:$0x1F540] =	vst v23;
	v55 =	vnsel vm7, $0x0, v44;
	vm1 =	veq.f32 v28, v12;
	v30 =	vnsel vm5, $0x0, v44  }
0x8a: {  	v23 =	vld [tilespmem:$0x350];
	[tilespmem:$0x1F590] =	vst v37;
	vm2 =	veq.f32 v29, v12;
	v31 =	vnsel vm8, $0x0, v44;
	v53 =	vmax.f32 v8, v10  }
0x8b: {  	v26 =	vld [tilespmem:$0x3D0];
	[tilespmem:$0x1F5C0] =	vst v17;
	v38 =	vmul.f32 v44, v34;
	v17 =	vnsel vm9, $0x0, v44;
	v19 =	vmax.f32 v53, v15  }
0x8c: {  	[tilespmem:$0x1F5E0] =	vst v47;
	v44 =	vimm.s32 $0x0;
	v47 =	vimm.s32 $0x0;
	v19 =	vmax.f32 v19, v45  }
0x8d: {  	vm4 =	veq.f32 v0, v6;
	[tilespmem:$0x1F640] =	vst v52;
	v52 =	vimm.s32 $0x0;
	v19 =	vmax.f32 v19, v50  }
0x8e: {  	[tilespmem:$0x1F5D0] =	vst v43;
	v34 =	vnsel vm11, $0x0, v38;
	v39 =	vnsel vm12, $0x0, v38;
	v37 =	vpop (erf);
	v19 =	vmax.f32 v19, v14  }
0x8f: {  	[tilespmem:$0x1F680] =	vst v55;
	v43 =	vnsel vm13, $0x0, v38;
	v32 =	vadd.f32 $1.000000000e+00, v37;
	v19 =	vmax.f32 v19, v23  }
0x90: {  	[tilespmem:$0x1F6C0] =	vst v17;
	v46 =	vnsel vm3, $0x0, v38;
	v55 =	vnsel vm1, $0x0, v38;
	v17 =	vmax.f32 v19, v26  }
0x91: {  	[tilespmem:$0x1F5F0] =	vst v48;
	(erf) = vrcp.f32 v32;
	vm9 =	veq.f32 v8, v17;
	vm11 =	veq.f32 v10, v17  }
0x92: {  	[tilespmem:$0x1F620] =	vst v51;
	vm14 =	veq.f32 v15, v17;
	vm8 =	veq.f32 v45, v17;
	v19 =	vsel vm9, $0xFFFFFFFF, v33  }
0x93: {  	[tilespmem:$0x1F6B0] =	vst v31;
	v27 =	vsel vm9, $0xF149F2CA, v8;
	v29 =	vsel vm11, $0xF149F2CA, v10;
	v8 =	vsel vm8, $0xFFFFFFFF, v44  }
0x94: {  	[tilespmem:$0x1F670] =	vst v46;
	v31 =	vsel vm14, $0xF149F2CA, v15;
	v28 =	vsel vm8, $0xF149F2CA, v45;
	vm9 =	veq.f32 v50, v17  }
0x95: {  	[tilespmem:$0x1F340] =	vst v19;
	v19 =	vsel vm11, $0xFFFFFFFF, v35;
	v45 =	vmax.f32 v27, v29;
	v15 =	vsel vm9, $0xFFFFFFFF, v47  }
0x96: {  	v10 =	vld [tilespmem:$0x60];
	[tilespmem:$0x1F370] =	vst v8;
	v32 =	vsel vm9, $0xF149F2CA, v50;
	vm11 =	veq.f32 v14, v17;
	v50 =	vimm.s32 $0x0  }
0x97: {  	vm12 =	veq.f32 v23, v17;
	v8 =	vmax.f32 v45, v31;
	[tilespmem:$0x1F380] =	vst v15;
	v15 =	vld [tilespmem:$0xE0];
	v18 =	vsel vm11, $0xFFFFFFFF, v50  }
0x98: {  	v51 =	vnsel vm2, $0x0, v38;
	v48 =	vmax.f32 v8, v28;
	v8 =	vld [tilespmem:$0x160];
	[tilespmem:$0x1F390] =	vst v18;
	v18 =	vsel vm12, $0xFFFFFFFF, v52  }
0x99: {  	v25 =	vnsel vm0, $0x0, v38;
	vm13 =	veq.f32 v9, v12;
	v46 =	vimm.s32 $0x0;
	[tilespmem:$0x1F3A0] =	vst v18;
	v18 =	vld [tilespmem:$0x1E0]  }
0x9a: {  	[tilespmem:$0x1F690] =	vst v30;
	v33 =	vsel vm12, $0xF149F2CA, v23;
	v35 =	vsel vm11, $0xF149F2CA, v14;
	v14 =	vld [tilespmem:$0x260];
	v7 =	vmax.f32 v48, v32  }
0x9b: {  	[tilespmem:$0x1F600] =	vst v34;
	v23 =	vld [tilespmem:$0x2E0];
	v44 =	vimm.s32 $0x0;
	vm12 =	veq.f32 v26, v17;
	v7 =	vmax.f32 v7, v35  }
0x9c: {  	[tilespmem:$0x1F630] =	vst v39;
	v30 =	vsel vm12, $0xF149F2CA, v26;
	v26 =	vld [tilespmem:$0x360];
	v7 =	vmax.f32 v7, v33;
	v53 =	vmax.f32 v10, v15  }
0x9d: {  	[tilespmem:$0x1F350] =	vst v19;
	v19 =	vsel vm14, $0xFFFFFFFF, v42;
	v42 =	vld [tilespmem:$0x3E0];
	v34 =	vmax.f32 v7, v30;
	v39 =	vmax.f32 v53, v8  }
0x9e: {  	[tilespmem:$0x1F660] =	vst v54;
	vm14 =	veq.f32 v36, v6;
	v47 =	vpop (erf);
	v54 =	vsub.f32 v34, v17;
	v17 =	vmax.f32 v39, v18  }
0x9f: {  	[tilespmem:$0x1F6A0] =	vst v51;
	v7 =	vnsel vm13, $0x0, v38;
	v51 =	vmul.f32 v47, v37;
	v12 =	vmax.f32 v17, v14  }
0xa0: {  	v45 =	vnsel vm10, $0x0, v47;
	v36 =	vnsel vm6, $0x0, v47;
	v12 =	vmax.f32 v12, v23  }
0xa1: {  	[tilespmem:$0x1F360] =	vst v19;
	v53 =	vimm.s32 $0x0;
	v9 =	vmul.f32 $1.442695020e+00, v54;
	v19 =	vmax.f32 v12, v26  }
0xa2: {  	v50 =	vnsel vm14, $0x0, v51;
	v37 =	vnsel vm4, $0x0, v51;
	v17 =	vmax.f32 v19, v42  }
0xa3: {  	(erf) = vpow2.f32 v9;
	vm2 =	veq.f32 v10, v17;
	vm6 =	veq.f32 v15, v17  }
0xa4: {  	vm9 =	veq.f32 v8, v17;
	vm13 =	veq.f32 v18, v17;
	vm14 =	veq.f32 v14, v17  }
0xa5: {  	v54 =	vld [tilespmem:$0x1F2F0];
	vm5 =	veq.f32 v23, v17;
	v52 =	vsel vm2, $0xF149F2CA, v10;
	v48 =	vsel vm6, $0xF149F2CA, v15  }
0xa6: {  	vm7 =	veq.f32 v26, v17;
	v12 =	vsel vm9, $0xF149F2CA, v8;
	v38 =	vmax.f32 v52, v48  }
0xa7: {  	[tilespmem:$0x1F650] =	vst v43;
	vm8 =	veq.f32 v42, v17;
	v43 =	vsel vm13, $0xF149F2CA, v18;
	v0 =	vmax.f32 v38, v12  }
0xa8: {  	[tilespmem:$0x1F6E0] =	vst v37;
	v8 =	vsel vm14, $0xF149F2CA, v14;
	v39 =	vmax.f32 v0, v43;
	v0 =	vsel vm5, $0xFFFFFFFF, v44  }
0xa9: {  	v10 =	vsel vm7, $0xFFFFFFFF, v46;
	[tilespmem:$0x1F3B0] =	vst v0;
	v0 =	vsel vm5, $0xF149F2CA, v23;
	v9 =	vmax.f32 v39, v8  }
0xaa: {  	v37 =	vld [tilespmem:$0x1F0];
	vm10 =	vnez.u8 v54;
	[tilespmem:$0x1F3C0] =	vst v10;
	v23 =	vmax.f32 v9, v0;
	v9 =	vsel vm8, $0xFFFFFFFF, v53  }
0xab: {  	v15 =	vld [tilespmem:$0x70];
	v10 =	vsel vm7, $0xF149F2CA, v26;
	[tilespmem:$0x1F3D0] =	vst v9;
	v9 =	vnsel vm10, $0x0, v47  }
0xac: {  	vm11 =	veq.f32 v2, v6;
	v18 =	vld [tilespmem:$0xF0];
	v23 =	vmax.f32 v23, v10;
	[tilespmem:$0x1F6F0] =	vst v9;
	v9 =	vsel vm8, $0xF149F2CA, v42  }
0xad: {  	v2 =	vnsel vm11, $0x0, v51;
	v38 =	vld [tilespmem:$0x1F300];
	v26 =	vmax.f32 v23, v9  }
0xae: {  	[tilespmem:$0x1F700] =	vst v2;
	v14 =	vld [tilespmem:$0x170];
	v53 =	vpop (erf);
	v2 =	vsub.f32 v26, v17  }
0xaf: {  	vm7 =	veq.f32 v13, v6;
	v13 =	vld [tilespmem:$0x1F320];
	v44 =	vadd.f32 $1.000000000e+00, v53  }
0xb0: {  	v39 =	vld [tilespmem:$0x270];
	v2 =	vmul.f32 $1.442695020e+00, v2  }
0xb1: {  	v42 =	vld [tilespmem:$0x2F0];
	(erf) = vrcp.f32 v44  }
0xb2: {  	vm4 =	vnez.u8 v38;
	v38 =	vld [tilespmem:$0x1F310];
	(erf) = vpow2.f32 v2  }
0xb3: {  	v46 =	vld [tilespmem:$0x370];
	v19 =	vmax.f32 v15, v18  }
0xb4: {  	vm0 =	veq.f32 v5, v6;
	[tilespmem:$0x1F6D0] =	vst v36;
	v54 =	vld [tilespmem:$0x3F0];
	vm5 =	veq.f32 v1, v6;
	v36 =	vmax.f32 v19, v14  }
0xb5: {  	vm11 =	veq.f32 v11, v6;
	v1 =	vnsel vm5, $0x0, v51;
	v17 =	vmax.f32 v36, v37  }
0xb6: {  	vm10 =	vnez.u8 v13;
	v19 =	vnsel vm4, $0x0, v47;
	v17 =	vmax.f32 v17, v39  }
0xb7: {  	v23 =	vnsel vm15, $0x0, v47;
	v36 =	vmax.f32 v17, v42;
	vm8 =	vnez.u8 v38  }
0xb8: {  	[tilespmem:$0x1F720] =	vst v1;
	v44 =	vnsel vm7, $0x0, v51;
	v1 =	vmax.f32 v36, v46;
	v2 =	vnsel vm8, $0x0, v47  }
0xb9: {  	v17 =	vnsel vm11, $0x0, v51;
	[tilespmem:$0x1F730] =	vst v2;
	v1 =	vmax.f32 v1, v54;
	v2 =	vnsel vm10, $0x0, v47  }
0xba: {  	vm4 =	veq.f32 v15, v1;
	vm5 =	veq.f32 v18, v1;
	vm8 =	veq.f32 v14, v1;
	v11 =	vpop (erf)  }
0xbb: {  	[tilespmem:$0x1F710] =	vst v19;
	vm10 =	veq.f32 v37, v1;
	vm7 =	veq.f32 v39, v1;
	vm11 =	veq.f32 v42, v1;
	v13 =	vpop (erf)  }
0xbc: {  	[tilespmem:$0x1F740] =	vst v44;
	v44 =	vsel vm4, $0xF149F2CA, v15;
	v36 =	vsel vm5, $0xF149F2CA, v18;
	v19 =	vadd.f32 $1.000000000e+00, v13  }
0xbd: {  	[tilespmem:$0x1F760] =	vst v17;
	vm1 =	veq.f32 v46, v1;
	v38 =	vsel vm8, $0xF149F2CA, v14;
	v14 =	vld [tilespmem:$0x1F330];
	v18 =	vmax.f32 v44, v36  }
0xbe: {  	[tilespmem:$0x1F750] =	vst v2;
	v17 =	vsel vm10, $0xF149F2CA, v37;
	v2 =	vmax.f32 v18, v38;
	(erf) = vrcp.f32 v19;
	v19 =	vld [tilespmem:$0x1F340]  }
0xbf: {  	vm3 =	veq.f32 v54, v1;
	v39 =	vsel vm7, $0xF149F2CA, v39;
	v2 =	vmax.f32 v2, v17  }
0xc0: {  	v37 =	vsel vm11, $0xF149F2CA, v42;
	v46 =	vsel vm1, $0xF149F2CA, v46;
	v2 =	vmax.f32 v2, v39  }
0xc1: {  	v42 =	vsel vm3, $0xF149F2CA, v54;
	v54 =	vnsel vm0, $0x0, v51;
	v2 =	vmax.f32 v2, v37  }
0xc2: {  	vm0 =	veq.f32 v4, v6;
	vm15 =	vnez.u8 v14;
	v2 =	vmax.f32 v2, v46  }
0xc3: {  	[tilespmem:$0x1F770] =	vst v23;
	v15 =	vmax.f32 v2, v42;
	v2 =	vnsel vm15, $0x0, v47;
	vm15 =	vnez.u8 v19  }
0xc4: {  	[tilespmem:$0x1F790] =	vst v2;
	v2 =	vmul.f32 v11, v53;
	v4 =	vnsel vm15, $0x0, v11;
	vm15 =	veq.f32 v27, v34;
	v27 =	vld [tilespmem:$0x1F350]  }
0xc5: {  	[tilespmem:$0x1F780] =	vst v54;
	v18 =	vnsel vm0, $0x0, v51;
	vm0 =	veq.f32 v31, v34  }
0xc6: {  	v51 =	vld [tilespmem:$0x1F360];
	[tilespmem:$0x1F7A0] =	vst v18;
	v1 =	vsub.f32 v15, v1;
	v53 =	vnsel vm0, $0x0, v2;
	vm0 =	veq.f32 v28, v34  }
0xc7: {  	v54 =	vld [tilespmem:$0x1F370];
	[tilespmem:$0x1F800] =	vst v53;
	v14 =	vnsel vm0, $0x0, v2;
	vm0 =	veq.f32 v32, v34  }
0xc8: {  	v1 =	vmul.f32 $1.442695020e+00, v1;
	[tilespmem:$0x1F8C0] =	vst v14;
	v19 =	vnsel vm0, $0x0, v2;
	vm0 =	veq.f32 v35, v34  }
0xc9: {  	v18 =	vld [tilespmem:$0x1F380];
	v28 =	vnsel vm0, $0x0, v2;
	[tilespmem:$0x1F7B0] =	vst v4;
	v23 =	vnsel vm15, $0x0, v2;
	vm15 =	vnez.u8 v27  }
0xca: {  	(erf) = vpow2.f32 v1;
	v1 =	vld [tilespmem:$0x400];
	[tilespmem:$0x1F900] =	vst v28;
	v4 =	vnsel vm15, $0x0, v11;
	vm15 =	veq.f32 v29, v34  }
0xcb: {  	[tilespmem:$0x1F7C0] =	vst v23;
	v27 =	vld [tilespmem:$0x1F390];
	v47 =	vnsel vm15, $0x0, v2;
	vm15 =	vnez.u8 v51  }
0xcc: {  	v29 =	vld [tilespmem:$0x1F3A0];
	[tilespmem:$0x1F7D0] =	vst v4;
	v4 =	vnsel vm15, $0x0, v11;
	vm15 =	vnez.u8 v54  }
0xcd: {  	vm0 =	veq.f32 v33, v34;
	[tilespmem:$0x1F7F0] =	vst v4;
	v4 =	vld [tilespmem:$0x480];
	v5 =	vnsel vm15, $0x0, v11  }
0xce: {  	v32 =	vnsel vm12, $0x0, v11;
	vm12 =	veq.f32 v52, v26;
	v31 =	vnsel vm0, $0x0, v2;
	v28 =	vpop (erf);
	[tilespmem:$0x1F8B0] =	vst v5;
	v5 =	vld [tilespmem:$0x500]  }
0xcf: {  	v23 =	vld [tilespmem:$0x580];
	[tilespmem:$0x1F920] =	vst v31;
	v31 =	vmul.f32 v28, v13;
	v35 =	vnsel vm2, $0x0, v28;
	vm15 =	vnez.u8 v18  }
0xd0: {  	[tilespmem:$0x1F930] =	vst v32;
	vm2 =	veq.f32 v12, v26;
	v18 =	vld [tilespmem:$0x600];
	v6 =	vnsel vm15, $0x0, v11;
	vm15 =	vnez.u8 v27  }
0xd1: {  	v12 =	vnsel vm13, $0x0, v28;
	[tilespmem:$0x1F8D0] =	vst v6;
	v6 =	vnsel vm15, $0x0, v11;
	vm15 =	vnez.u8 v29;
	v29 =	vld [tilespmem:$0x680]  }
0xd2: {  	v32 =	vld [tilespmem:$0x700];
	[tilespmem:$0x1F8F0] =	vst v6;
	v6 =	vnsel vm15, $0x0, v11;
	vm15 =	veq.f32 v30, v34;
	v33 =	vmax.f32 v1, v4  }
0xd3: {  	[tilespmem:$0x1F8E0] =	vst v19;
	v51 =	vnsel vm6, $0x0, v28;
	v30 =	vld [tilespmem:$0x780];
	v2 =	vnsel vm15, $0x0, v2;
	v34 =	vmax.f32 v33, v5  }
0xd4: {  	vm6 =	veq.f32 v43, v26;
	v43 =	vimm.s32 $0x0;
	[tilespmem:$0x1F940] =	vst v2;
	v2 =	vmax.f32 v34, v23  }
0xd5: {  	[tilespmem:$0x1F7E0] =	vst v47;
	v47 =	vnsel vm12, $0x0, v31;
	v13 =	vnsel vm6, $0x0, v31;
	v2 =	vmax.f32 v2, v18  }
0xd6: {  	[tilespmem:$0x1F950] =	vst v35;
	v11 =	vnsel vm2, $0x0, v31;
	vm2 =	veq.f32 v10, v26;
	v33 =	vpop (erf);
	v2 =	vmax.f32 v2, v29  }
0xd7: {  	[tilespmem:$0x1F9B0] =	vst v12;
	vm15 =	veq.f32 v48, v26;
	v52 =	vadd.f32 $1.000000000e+00, v33;
	v2 =	vmax.f32 v2, v32  }
0xd8: {  	[tilespmem:$0x1F910] =	vst v6;
	v6 =	vnsel vm9, $0x0, v28;
	v48 =	vimm.s32 $0x0;
	v54 =	vmax.f32 v2, v30  }
0xd9: {  	[tilespmem:$0x1F970] =	vst v51;
	v53 =	vnsel vm15, $0x0, v31;
	(erf) = vrcp.f32 v52;
	vm12 =	veq.f32 v1, v54  }
0xda: {  	[tilespmem:$0x1F960] =	vst v47;
	vm9 =	veq.f32 v4, v54;
	vm13 =	veq.f32 v5, v54;
	vm15 =	veq.f32 v23, v54  }
0xdb: {  	[tilespmem:$0x1F990] =	vst v6;
	vm6 =	veq.f32 v29, v54;
	v27 =	vsel vm12, $0xF149F2CA, v1;
	v6 =	vsel vm9, $0xF149F2CA, v4  }
0xdc: {  	[tilespmem:$0x1F9C0] =	vst v13;
	v13 =	vsel vm13, $0xF149F2CA, v5;
	v2 =	vsel vm15, $0xF149F2CA, v23;
	v19 =	vmax.f32 v27, v6  }
0xdd: {  	[tilespmem:$0x1F9A0] =	vst v11;
	v23 =	vnsel vm14, $0x0, v28;
	vm14 =	veq.f32 v18, v54;
	v1 =	vmax.f32 v19, v13  }
0xde: {  	[tilespmem:$0x1F980] =	vst v53;
	v11 =	vsel vm14, $0xF149F2CA, v18;
	v35 =	vmax.f32 v1, v2;
	v1 =	vsel vm6, $0xFFFFFFFF, v43  }
0xdf: {  	v18 =	vnsel vm2, $0x0, v31;
	[tilespmem:$0x1F4E0] =	vst v1;
	v1 =	vsel vm6, $0xF149F2CA, v29;
	vm6 =	veq.f32 v32, v54  }
0xe0: {  	[tilespmem:$0x1F9D0] =	vst v23;
	v4 =	vsel vm6, $0xFFFFFFFF, v48  }
0xe1: {  	v53 =	vld [tilespmem:$0x1F3B0];
	v52 =	vimm.s32 $0x0;
	[tilespmem:$0x1F530] =	vst v4;
	v4 =	vsel vm6, $0xF149F2CA, v32;
	vm6 =	veq.f32 v30, v54  }
0xe2: {  	[tilespmem:$0x1FA20] =	vst v18;
	v5 =	vsel vm6, $0xFFFFFFFF, v52;
	v18 =	vpop (erf)  }
0xe3: {  	v14 =	vld [tilespmem:$0x1F3C0];
	[tilespmem:$0x1F610] =	vst v5;
	v29 =	vnsel vm4, $0x0, v18  }
0xe4: {  	v19 =	vld [tilespmem:$0x1F3D0];
	v5 =	vsel vm6, $0xF149F2CA, v30;
	v30 =	vnsel vm5, $0x0, v18;
	[tilespmem:$0x1FA50] =	vst v29  }
0xe5: {  	vm6 =	veq.f32 v8, v26;
	v32 =	vnsel vm10, $0x0, v18;
	[tilespmem:$0x1FA70] =	vst v30  }
0xe6: {  	v8 =	vnsel vm6, $0x0, v31;
	vm6 =	vnez.u8 v53;
	[tilespmem:$0x1FAB0] =	vst v32  }
0xe7: {  	v34 =	vnsel vm7, $0x0, v18;
	[tilespmem:$0x1F9E0] =	vst v8;
	v8 =	vnsel vm6, $0x0, v28;
	vm6 =	veq.f32 v0, v26  }
0xe8: {  	[tilespmem:$0x1FB40] =	vst v34;
	v0 =	vnsel vm6, $0x0, v31;
	vm6 =	vnez.u8 v14  }
0xe9: {  	[tilespmem:$0x1FA00] =	vst v0;
	v0 =	vnsel vm6, $0x0, v28;
	vm6 =	vnez.u8 v19  }
0xea: {  	v47 =	vmax.f32 v35, v11;
	v35 =	vnsel vm11, $0x0, v18;
	[tilespmem:$0x1FA10] =	vst v0;
	v0 =	vnsel vm6, $0x0, v28;
	v28 =	vld [tilespmem:$0x1F3E0]  }
0xeb: {  	v51 =	vmax.f32 v47, v1;
	vm4 =	veq.f32 v36, v15;
	v36 =	vnsel vm1, $0x0, v18;
	[tilespmem:$0x1FB60] =	vst v35  }
0xec: {  	v12 =	vmax.f32 v51, v4;
	[tilespmem:$0x1FB80] =	vst v36  }
0xed: {  	v12 =	vmax.f32 v12, v5;
	[tilespmem:$0x1F9F0] =	vst v8;
	vm6 =	veq.f32 v9, v26  }
0xee: {  	v54 =	vsub.f32 v12, v54;
	[tilespmem:$0x1FA30] =	vst v0;
	v26 =	vnsel vm6, $0x0, v31  }
0xef: {  	v29 =	vld [tilespmem:$0x590];
	v31 =	vnsel vm8, $0x0, v18;
	[tilespmem:$0x1FA40] =	vst v26;
	v8 =	vadd.f32 v28, v49  }
0xf0: {  	v23 =	vmul.f32 $1.442695020e+00, v54;
	v0 =	vld [tilespmem:$0x410];
	[tilespmem:$0x1FA90] =	vst v31  }
0xf1: {  	vm7 =	veq.f32 v37, v15;
	v37 =	vnsel vm3, $0x0, v18;
	vm6 =	veq.f32 v17, v15;
	v17 =	vld [tilespmem:$0x510];
	[tilespmem:$0x1F810] =	vst v8  }
0xf2: {  	(erf) = vpow2.f32 v23;
	v28 =	vld [tilespmem:$0x490];
	[tilespmem:$0x1FBA0] =	vst v37  }
0xf3: {  	vm0 =	veq.f32 v44, v15;
	vm2 =	veq.f32 v39, v15;
	v30 =	vld [tilespmem:$0x610]  }
0xf4: {  	vm5 =	veq.f32 v38, v15;
	vm10 =	veq.f32 v46, v15;
	vm11 =	veq.f32 v42, v15;
	v15 =	vld [tilespmem:$0x690]  }
0xf5: {  	v8 =	vld [tilespmem:$0x1F3F0]  }
0xf6: {  	v38 =	vld [tilespmem:$0x1F400]  }
0xf7: {  	v39 =	vld [tilespmem:$0x1F410]  }
0xf8: {  	v31 =	vld [tilespmem:$0x710]  }
0xf9: {  	v43 =	vld [tilespmem:$0x1F420]  }
0xfa: {  	v44 =	vld [tilespmem:$0x1F430]  }
0xfb: {  	v46 =	vld [tilespmem:$0x1F440]  }
0xfc: {  	v47 =	vld [tilespmem:$0x1F450]  }
0xfd: {  	v56 =	vadd.f32 v56, v24;
	v58 =	vadd.f32 v58, v59;
	v51 =	vld [tilespmem:$0x790]  }
0xfe: {  	v59 =	vadd.f32 v21, v22;
	v20 =	vadd.f32 v40, v20;
	v18 =	vmul.f32 v18, v33;
	v52 =	vld [tilespmem:$0x1F460]  }
0xff: {  	v3 =	vadd.f32 v16, v3;
	v48 =	vadd.f32 v62, v61;
	v53 =	vld [tilespmem:$0x1F470]  }
0x100: {  	v14 =	vimm.s32 $0x0;
	v26 =	vadd.f32 v60, v57;
	v22 =	vnsel vm0, $0x0, v18;
	v16 =	vld [tilespmem:$0x420]  }
0x101: {  	v23 =	vnsel vm4, $0x0, v18;
	v24 =	vnsel vm5, $0x0, v18;
	v40 =	vld [tilespmem:$0x1F490];
	v42 =	vmax.f32 v0, v28  }
0x102: {  	v33 =	vnsel vm6, $0x0, v18;
	v35 =	vnsel vm2, $0x0, v18;
	[tilespmem:$0x1F870] =	vst v58;
	v58 =	vld [tilespmem:$0x1F4C0];
	v49 =	vmax.f32 v42, v17  }
0x103: {  	v36 =	vnsel vm7, $0x0, v18;
	vm5 =	veq.f32 v6, v12;
	[tilespmem:$0x1F880] =	vst v59;
	v59 =	vld [tilespmem:$0x1F4D0];
	v57 =	vmax.f32 v49, v29  }
0x104: {  	v37 =	vnsel vm10, $0x0, v18;
	vm10 =	veq.f32 v11, v12;
	v6 =	vld [tilespmem:$0x1F540];
	v62 =	vpop (erf);
	v61 =	vmax.f32 v57, v30  }
0x105: {  	v9 =	vld [tilespmem:$0x1F560];
	v19 =	vadd.f32 $1.000000000e+00, v62;
	v60 =	vadd.f32 v8, v63;
	v21 =	vmax.f32 v61, v15  }
0x106: {  	[tilespmem:$0x1F860] =	vst v56;
	v42 =	vld [tilespmem:$0x620];
	v54 =	vadd.f32 v39, v38;
	v8 =	vadd.f32 v47, v46;
	v21 =	vmax.f32 v21, v31  }
0x107: {  	[tilespmem:$0x1F8A0] =	vst v3;
	(erf) = vrcp.f32 v19;
	v38 =	vnsel vm11, $0x0, v18;
	v18 =	vld [tilespmem:$0x4A0];
	v3 =	vmax.f32 v21, v51  }
0x108: {  	v63 =	vadd.f32 v44, v43;
	v39 =	vld [tilespmem:$0x1F480];
	[tilespmem:$0x1F840] =	vst v8;
	v8 =	vadd.f32 v53, v52;
	vm0 =	veq.f32 v0, v3  }
0x109: {  	[tilespmem:$0x1FAC0] =	vst v33;
	v57 =	vld [tilespmem:$0x1F4B0];
	vm7 =	veq.f32 v28, v3;
	vm1 =	veq.f32 v17, v3;
	vm4 =	veq.f32 v29, v3  }
0x10a: {  	[tilespmem:$0x1FB50] =	vst v35;
	v53 =	vld [tilespmem:$0x1F4A0];
	vm3 =	veq.f32 v30, v3;
	vm2 =	veq.f32 v15, v3;
	vm6 =	veq.f32 v31, v3  }
0x10b: {  	[tilespmem:$0x1F850] =	vst v8;
	vm11 =	veq.f32 v51, v3;
	v8 =	vld [tilespmem:$0x1F550];
	v33 =	vsel vm0, $0xF149F2CA, v0;
	v35 =	vsel vm7, $0xF149F2CA, v28  }
0x10c: {  	[tilespmem:$0x1FA60] =	vst v22;
	v61 =	vld [tilespmem:$0x6A0];
	v17 =	vsel vm1, $0xF149F2CA, v17;
	v29 =	vsel vm4, $0xF149F2CA, v29;
	v30 =	vsel vm3, $0xF149F2CA, v30  }
0x10d: {  	[tilespmem:$0x1FB70] =	vst v36;
	v36 =	vsel vm2, $0xF149F2CA, v15;
	v15 =	vld [tilespmem:$0x520];
	v19 =	vsel vm6, $0xF149F2CA, v31;
	v0 =	vmax.f32 v33, v35  }
0x10e: {  	[tilespmem:$0xA00] =	vst v54;
	v54 =	vld [tilespmem:$0x1F870];
	v56 =	vadd.f32 v40, v39;
	v22 =	vsel vm11, $0xF149F2CA, v51;
	v0 =	vmax.f32 v0, v17  }
0x10f: {  	[tilespmem:$0x1F890] =	vst v20;
	v21 =	vld [tilespmem:$0x5A0];
	v20 =	vmax.f32 v16, v18;
	v49 =	vadd.f32 v57, v53;
	v0 =	vmax.f32 v0, v29  }
0x110: {  	[tilespmem:$0x1FB90] =	vst v37;
	v39 =	vld [tilespmem:$0x7A0];
	v57 =	vadd.f32 v59, v58;
	v0 =	vmax.f32 v0, v30;
	v37 =	vpop (erf);
	v34 =	vadd.f32 v8, v6  }
0x111: {  	[tilespmem:$0x1FA80] =	vst v23;
	v40 =	vld [tilespmem:$0x1F500];
	v0 =	vmax.f32 v0, v36;
	v32 =	vmul.f32 v37, v62;
	v23 =	vnsel vm12, $0x0, v37  }
0x112: {  	[tilespmem:$0x1FBB0] =	vst v38;
	v28 =	vld [tilespmem:$0x1F5A0];
	vm12 =	veq.f32 v27, v12;
	v38 =	vmax.f32 v20, v15;
	v0 =	vmax.f32 v0, v19  }
0x113: {  	[tilespmem:$0x1FAA0] =	vst v24;
	v62 =	vld [tilespmem:$0x720];
	v46 =	vnsel vm9, $0x0, v37;
	v52 =	vnsel vm13, $0x0, v37;
	v24 =	vmax.f32 v0, v22  }
0x114: {  	[tilespmem:$0xA90] =	vst v56;
	v56 =	vld [tilespmem:$0x1F910];
	v11 =	vnsel vm15, $0x0, v37;
	v27 =	vmax.f32 v38, v21;
	v0 =	vsub.f32 v24, v3  }
0x115: {  	[tilespmem:$0x1FBC0] =	vst v23;
	v23 =	vimm.s32 $0x0;
	v43 =	vnsel vm12, $0x0, v32;
	v44 =	vmax.f32 v27, v42;
	v27 =	vld [tilespmem:$0x1F4E0]  }
0x116: {  	v6 =	vld [tilespmem:$0x1F640];
	v51 =	vnsel vm5, $0x0, v32;
	vm5 =	veq.f32 v2, v12;
	v0 =	vmul.f32 $1.442695020e+00, v0  }
0x117: {  	v8 =	vld [tilespmem:$0x1F650];
	[tilespmem:$0x1FBE0] =	vst v46;
	vm12 =	veq.f32 v13, v12;
	v47 =	vmax.f32 v44, v61;
	v13 =	vnsel vm5, $0x0, v32  }
0x118: {  	[tilespmem:$0x1FC00] =	vst v52;
	v46 =	vld [tilespmem:$0x1F520];
	vm5 =	veq.f32 v1, v12;
	(erf) = vpow2.f32 v0;
	v0 =	vmax.f32 v47, v62  }
0x119: {  	v52 =	vld [tilespmem:$0x1F610];
	[tilespmem:$0x1FBD0] =	vst v43;
	v10 =	vnsel vm12, $0x0, v32;
	v43 =	vnsel vm5, $0x0, v32;
	v53 =	vmax.f32 v0, v39  }
0x11a: {  	[tilespmem:$0x1FC20] =	vst v11;
	v2 =	vld [tilespmem:$0x7C0];
	vm5 =	veq.f32 v4, v12;
	vm15 =	vnez.u8 v27;
	vm9 =	veq.f32 v15, v53  }
0x11b: {  	v44 =	vld [tilespmem:$0x1F510];
	[tilespmem:$0x1FC10] =	vst v10;
	vm13 =	veq.f32 v16, v53;
	vm12 =	veq.f32 v18, v53;
	v0 =	vsel vm9, $0xFFFFFFFF, v14  }
0x11c: {  	v4 =	vld [tilespmem:$0x1F630];
	[tilespmem:$0x1FC70] =	vst v43;
	v10 =	vsel vm13, $0xF149F2CA, v16;
	v16 =	vsel vm12, $0xF149F2CA, v18;
	v14 =	vsel vm9, $0xF149F2CA, v15  }
0x11d: {  	v43 =	vld [tilespmem:$0x1F5D0];
	v18 =	vnsel vm14, $0x0, v37;
	vm9 =	veq.f32 v21, v53;
	vm14 =	veq.f32 v42, v53;
	[tilespmem:$0x1F820] =	vst v0  }
0x11e: {  	v15 =	vld [tilespmem:$0x1F580];
	[tilespmem:$0x1FC40] =	vst v18;
	v20 =	vmax.f32 v10, v16;
	v11 =	vsel vm9, $0xF149F2CA, v21;
	v21 =	vnsel vm10, $0x0, v32  }
0x11f: {  	v0 =	vsel vm14, $0xFFFFFFFF, v23;
	v42 =	vsel vm14, $0xF149F2CA, v42;
	vm14 =	veq.f32 v62, v53;
	v18 =	vld [tilespmem:$0x1F590];
	[tilespmem:$0x1FC50] =	vst v21  }
0x120: {  	[tilespmem:$0x1F830] =	vst v0;
	v0 =	vnsel vm15, $0x0, v37;
	v21 =	vsel vm14, $0xF149F2CA, v62;
	vm15 =	veq.f32 v39, v53;
	v62 =	vld [tilespmem:$0x1F530]  }
0x121: {  	[tilespmem:$0x1FC30] =	vst v13;
	v13 =	vmax.f32 v20, v14;
	v20 =	vnsel vm5, $0x0, v32;
	v59 =	vsel vm15, $0xF149F2CA, v39;
	v39 =	vld [tilespmem:$0x1F4F0]  }
0x122: {  	vm10 =	veq.f32 v61, v53;
	v13 =	vmax.f32 v13, v11;
	[tilespmem:$0x1FCB0] =	vst v20;
	v20 =	vld [tilespmem:$0x1F690]  }
0x123: {  	[tilespmem:$0x980] =	vst v60;
	v58 =	vsel vm10, $0xF149F2CA, v61;
	v60 =	vld [tilespmem:$0x1F830];
	v13 =	vmax.f32 v13, v42  }
0x124: {  	v38 =	vmax.f32 v13, v58;
	v13 =	vld [tilespmem:$0x1F570]  }
0x125: {  	v3 =	vmax.f32 v38, v21;
	v38 =	vld [tilespmem:$0x1F5B0]  }
0x126: {  	v61 =	vmax.f32 v3, v59;
	v3 =	vld [tilespmem:$0x4B0]  }
0x127: {  	v23 =	vadd.f32 v40, v39;
	v40 =	vld [tilespmem:$0x1F5C0]  }
0x128: {  	v47 =	vsub.f32 v61, v53;
	v53 =	vld [tilespmem:$0x1F620]  }
0x129: {  	vm5 =	veq.f32 v5, v12;
	v27 =	vpop (erf);
	v39 =	vadd.f32 v18, v15;
	v15 =	vld [tilespmem:$0x1F680]  }
0x12a: {  	v31 =	vadd.f32 $1.000000000e+00, v27;
	vm8 =	vnez.u8 v62;
	v18 =	vnsel vm5, $0x0, v32;
	v32 =	vld [tilespmem:$0x1F6B0]  }
0x12b: {  	[tilespmem:$0x1FC60] =	vst v0;
	v0 =	vnsel vm8, $0x0, v37;
	vm8 =	vnez.u8 v52;
	v52 =	vld [tilespmem:$0x1F6C0]  }
0x12c: {  	(erf) = vrcp.f32 v31;
	v31 =	vadd.f32 v46, v44;
	v44 =	vld [tilespmem:$0x1F5E0]  }
0x12d: {  	v46 =	vld [tilespmem:$0x1F5F0]  }
0x12e: {  	v1 =	vmul.f32 $1.442695020e+00, v47;
	v47 =	vld [tilespmem:$0x1F600]  }
0x12f: {  	[tilespmem:$0x1FBF0] =	vst v51;
	v51 =	vadd.f32 v13, v9;
	v9 =	vld [tilespmem:$0x1F660]  }
0x130: {  	v13 =	vld [tilespmem:$0x1F670]  }
0x131: {  	[tilespmem:$0xA20] =	vst v39;
	v39 =	vld [tilespmem:$0x1FA00]  }
0x132: {  	v38 =	vadd.f32 v38, v28;
	v28 =	vld [tilespmem:$0x1F6A0]  }
0x133: {  	[tilespmem:$0x1FCA0] =	vst v0;
	(erf) = vpow2.f32 v1;
	v1 =	vld [tilespmem:$0x430]  }
0x134: {  	[tilespmem:$0x9A0] =	vst v51;
	v51 =	vld [tilespmem:$0x1F980]  }
0x135: {  	v0 =	vnsel vm8, $0x0, v37;
	[tilespmem:$0x1FCD0] =	vst v18;
	v40 =	vadd.f32 v43, v40;
	v43 =	vadd.f32 v4, v53;
	v4 =	vld [tilespmem:$0x530]  }
0x136: {  	[tilespmem:$0x1FCC0] =	vst v0;
	v53 =	vadd.f32 v55, v15;
	v55 =	vadd.f32 v25, v32;
	v25 =	vld [tilespmem:$0x6B0]  }
0x137: {  	[tilespmem:$0xAA0] =	vst v38;
	v38 =	vld [tilespmem:$0x1F9F0];
	v41 =	vadd.f32 v44, v41  }
0x138: {  	v62 =	vadd.f32 v47, v46;
	v46 =	vadd.f32 v8, v6;
	v6 =	vld [tilespmem:$0x5B0];
	[tilespmem:$0xB20] =	vst v40  }
0x139: {  	v47 =	vadd.f32 v13, v9;
	v9 =	vld [tilespmem:$0x630];
	v0 =	vadd.f32 v28, v20;
	[tilespmem:$0xBA0] =	vst v41  }
0x13a: {  	v40 =	vld [tilespmem:$0x1FA10];
	[tilespmem:$0x830] =	vst v62  }
0x13b: {  	v41 =	vld [tilespmem:$0x1FA80];
	[tilespmem:$0x1FAE0] =	vst v0;
	v0 =	vadd.f32 v7, v52;
	v7 =	vadd.f32 v50, v45  }
0x13c: {  	v5 =	vimm.s32 $0x0;
	vm5 =	veq.f32 v30, v24;
	v20 =	vmax.f32 v1, v3;
	v62 =	vld [tilespmem:$0x1FAC0];
	[tilespmem:$0x9B0] =	vst v47;
	v37 =	vpop (erf)  }
0x13d: {  	v8 =	vnsel vm0, $0x0, v37;
	v18 =	vnsel vm1, $0x0, v37;
	vm1 =	veq.f32 v17, v24;
	v17 =	vld [tilespmem:$0x730];
	[tilespmem:$0x1FB20] =	vst v7  }
0x13e: {  	v15 =	vnsel vm7, $0x0, v37;
	v28 =	vnsel vm4, $0x0, v37;
	vm4 =	veq.f32 v29, v24;
	v29 =	vld [tilespmem:$0x7B0];
	[tilespmem:$0x1FCE0] =	vst v8  }
0x13f: {  	vm8 =	veq.f32 v35, v24;
	v12 =	vmax.f32 v20, v4;
	v32 =	vnsel vm3, $0x0, v37;
	v47 =	vld [tilespmem:$0x1FAE0];
	[tilespmem:$0x1FD00] =	vst v15  }
0x140: {  	v20 =	vimm.s32 $0x0;
	vm0 =	veq.f32 v33, v24;
	v33 =	vnsel vm2, $0x0, v37;
	[tilespmem:$0x1FD60] =	vst v32;
	v7 =	vld [tilespmem:$0x440]  }
0x141: {  	v35 =	vnsel vm6, $0x0, v37;
	v12 =	vmax.f32 v12, v6;
	[tilespmem:$0x1FD80] =	vst v33;
	v32 =	vmul.f32 v37, v27;
	v33 =	vld [tilespmem:$0x1F6D0]  }
0x142: {  	vm2 =	veq.f32 v36, v24;
	[tilespmem:$0x1FDA0] =	vst v35;
	v37 =	vnsel vm11, $0x0, v37;
	v35 =	vld [tilespmem:$0x1F6E0];
	v12 =	vmax.f32 v12, v9  }
0x143: {  	vm3 =	veq.f32 v19, v24;
	v45 =	vpop (erf);
	[tilespmem:$0x1FDC0] =	vst v37;
	v37 =	vld [tilespmem:$0x1F700];
	v12 =	vmax.f32 v12, v25;
	v44 =	vnsel vm0, $0x0, v32  }
0x144: {  	v36 =	vadd.f32 $1.000000000e+00, v45;
	v52 =	vnsel vm1, $0x0, v32;
	[tilespmem:$0x1FCF0] =	vst v44;
	v44 =	vld [tilespmem:$0x1F710];
	v12 =	vmax.f32 v12, v17  }
0x145: {  	v50 =	vnsel vm8, $0x0, v32;
	v8 =	vnsel vm5, $0x0, v32;
	[tilespmem:$0x1FD30] =	vst v52;
	v52 =	vld [tilespmem:$0x1F720];
	v30 =	vmax.f32 v12, v29  }
0x146: {  	v15 =	vnsel vm2, $0x0, v32;
	[tilespmem:$0x1FD70] =	vst v8;
	v8 =	vld [tilespmem:$0x1F740];
	(erf) = vrcp.f32 v36;
	vm7 =	veq.f32 v1, v30  }
0x147: {  	[tilespmem:$0x1FB10] =	vst v0;
	v36 =	vld [tilespmem:$0x1F6F0];
	vm11 =	veq.f32 v3, v30;
	vm6 =	veq.f32 v4, v30;
	vm8 =	veq.f32 v6, v30  }
0x148: {  	[tilespmem:$0x1FD20] =	vst v18;
	vm5 =	veq.f32 v17, v30;
	v12 =	vsel vm7, $0xF149F2CA, v1;
	v0 =	vsel vm8, $0xFFFFFFFF, v5;
	v5 =	vld [tilespmem:$0x540]  }
0x149: {  	[tilespmem:$0x1FD10] =	vst v50;
	v13 =	vsel vm11, $0xF149F2CA, v3;
	v50 =	vsel vm6, $0xF149F2CA, v4;
	v19 =	vsel vm8, $0xF149F2CA, v6;
	v4 =	vld [tilespmem:$0x1F730]  }
0x14a: {  	[tilespmem:$0x1FD90] =	vst v15;
	v6 =	vnsel vm4, $0x0, v32;
	vm8 =	veq.f32 v9, v30;
	vm4 =	veq.f32 v25, v30;
	v3 =	vld [tilespmem:$0x6C0]  }
0x14b: {  	[tilespmem:$0x1FD50] =	vst v6;
	v18 =	vsel vm8, $0xF149F2CA, v9;
	v9 =	vimm.s32 $0x0;
	v15 =	vsel vm4, $0xF149F2CA, v25;
	v6 =	vld [tilespmem:$0x4C0]  }
0x14c: {  	[tilespmem:$0x1FAD0] =	vst v0;
	v0 =	vsel vm4, $0xFFFFFFFF, v9;
	vm4 =	veq.f32 v29, v30;
	v25 =	vadd.f32 v37, v36;
	v37 =	vld [tilespmem:$0x1F780]  }
0x14d: {  	v1 =	vmax.f32 v12, v13;
	[tilespmem:$0x1FAF0] =	vst v0;
	v0 =	vsel vm5, $0xFFFFFFFF, v20;
	v20 =	vsel vm4, $0xF149F2CA, v29;
	v29 =	vld [tilespmem:$0x1F750]  }
0x14e: {  	v17 =	vsel vm5, $0xF149F2CA, v17;
	v1 =	vmax.f32 v1, v50;
	vm5 =	veq.f32 v22, v24;
	v22 =	vld [tilespmem:$0x640]  }
0x14f: {  	[tilespmem:$0x1FD40] =	vst v28;
	v27 =	vnsel vm3, $0x0, v32;
	v1 =	vmax.f32 v1, v19;
	v24 =	vld [tilespmem:$0x1F7C0]  }
0x150: {  	v28 =	vimm.s32 $0x0;
	[tilespmem:$0x1FDB0] =	vst v27;
	v1 =	vmax.f32 v1, v18;
	v27 =	vnsel vm5, $0x0, v32;
	v32 =	vld [tilespmem:$0x1F770]  }
0x151: {  	[tilespmem:$0x1FB00] =	vst v0;
	v0 =	vsel vm4, $0xFFFFFFFF, v28;
	v28 =	vadd.f32 v52, v44;
	v44 =	vld [tilespmem:$0x1F790];
	v1 =	vmax.f32 v1, v15  }
0x152: {  	v52 =	vld [tilespmem:$0x1F7A0];
	v1 =	vmax.f32 v1, v17  }
0x153: {  	vm5 =	veq.f32 v58, v61;
	v58 =	vld [tilespmem:$0x1F9A0];
	v9 =	vmax.f32 v1, v20  }
0x154: {  	[tilespmem:$0x880] =	vst v26;
	v35 =	vadd.f32 v35, v33;
	v33 =	vsub.f32 v9, v30;
	v30 =	vld [tilespmem:$0x1F760]  }
0x155: {  	[tilespmem:$0x940] =	vst v25;
	v25 =	vld [tilespmem:$0x1FB40]  }
0x156: {  	[tilespmem:$0x900] =	vst v48;
	v36 =	vadd.f32 v8, v4;
	v8 =	vld [tilespmem:$0x1F7B0]  }
0x157: {  	[tilespmem:$0xA80] =	vst v63;
	v4 =	vld [tilespmem:$0x5C0]  }
0x158: {  	[tilespmem:$0x1FDD0] =	vst v27;
	v27 =	vmul.f32 $1.442695020e+00, v33;
	v33 =	vld [tilespmem:$0x1F7D0]  }
0x159: {  	[tilespmem:$0x890] =	vst v54;
	v29 =	vadd.f32 v30, v29;
	v30 =	vadd.f32 v37, v32;
	v37 =	vld [tilespmem:$0x1F7E0]  }
0x15a: {  	[tilespmem:$0x1FB30] =	vst v0;
	v0 =	vpop (erf);
	v32 =	vadd.f32 v52, v44;
	v44 =	vld [tilespmem:$0x1F7F0]  }
0x15b: {  	[tilespmem:$0xB30] =	vst v55;
	vm2 =	veq.f32 v16, v61;
	v16 =	vnsel vm14, $0x0, v0;
	v52 =	vadd.f32 v24, v8;
	v8 =	vld [tilespmem:$0x1F800]  }
0x15c: {  	v55 =	vld [tilespmem:$0x1FB00];
	[tilespmem:$0x1FE80] =	vst v16;
	(erf) = vpow2.f32 v27;
	v27 =	vnsel vm13, $0x0, v0  }
0x15d: {  	v16 =	vld [tilespmem:$0x1F880];
	[tilespmem:$0x1FDE0] =	vst v27;
	v27 =	vnsel vm12, $0x0, v0  }
0x15e: {  	vm0 =	veq.f32 v11, v61;
	[tilespmem:$0x1FE00] =	vst v27;
	v27 =	vld [tilespmem:$0x1F850]  }
0x15f: {  	[tilespmem:$0xA40] =	vst v36;
	v48 =	vnsel vm9, $0x0, v0;
	vm13 =	vnez.u8 v60;
	v37 =	vadd.f32 v37, v33;
	v33 =	vld [tilespmem:$0x1F810]  }
0x160: {  	[tilespmem:$0x1FE30] =	vst v48;
	v24 =	vmax.f32 v7, v6;
	v11 =	vnsel vm13, $0x0, v0;
	v44 =	vadd.f32 v8, v44;
	v8 =	vld [tilespmem:$0x740]  }
0x161: {  	v36 =	vld [tilespmem:$0x1FB80];
	v1 =	vmax.f32 v24, v5;
	[tilespmem:$0x1FE50] =	vst v11  }
0x162: {  	v24 =	vld [tilespmem:$0x1F840];
	[tilespmem:$0x910] =	vst v16;
	v1 =	vmax.f32 v1, v4  }
0x163: {  	v16 =	vld [tilespmem:$0x1F8D0];
	[tilespmem:$0xAC0] =	vst v29;
	v1 =	vmax.f32 v1, v22  }
0x164: {  	v1 =	vmax.f32 v1, v3;
	[tilespmem:$0x800] =	vst v33;
	v33 =	vld [tilespmem:$0x1F820]  }
0x165: {  	[tilespmem:$0xB80] =	vst v27;
	v27 =	vld [tilespmem:$0x1F8A0];
	v1 =	vmax.f32 v1, v8  }
0x166: {  	[tilespmem:$0xB40] =	vst v30;
	v29 =	vld [tilespmem:$0x1FB50];
	v1 =	vmax.f32 v1, v2  }
0x167: {  	[tilespmem:$0xBC0] =	vst v32;
	v30 =	vld [tilespmem:$0x1FB60];
	vm9 =	veq.f32 v22, v1  }
0x168: {  	v26 =	vimm.s32 $0x0;
	[tilespmem:$0xB00] =	vst v24;
	v54 =	vsel vm9, $0xF149F2CA, v22;
	v22 =	vld [tilespmem:$0x1F890]  }
0x169: {  	vm1 =	veq.f32 v10, v61;
	vm4 =	veq.f32 v14, v61;
	v32 =	vld [tilespmem:$0x1FB70];
	[tilespmem:$0x950] =	vst v44;
	vm12 =	vnez.u8 v33  }
0x16a: {  	v14 =	vnsel vm10, $0x0, v0;
	v44 =	vld [tilespmem:$0x1FC70];
	[tilespmem:$0xA10] =	vst v27;
	vm13 =	veq.f32 v7, v1;
	v10 =	vnsel vm12, $0x0, v0  }
0x16b: {  	v27 =	vld [tilespmem:$0x1F8F0];
	vm14 =	veq.f32 v5, v1;
	[tilespmem:$0x1FE10] =	vst v10;
	v10 =	vmul.f32 v0, v45;
	v0 =	vnsel vm15, $0x0, v0  }
0x16c: {  	v7 =	vsel vm13, $0xF149F2CA, v7;
	v60 =	vsel vm14, $0xF149F2CA, v5;
	vm12 =	veq.f32 v6, v1;
	v45 =	vld [tilespmem:$0x1F860];
	[tilespmem:$0x1FEA0] =	vst v0  }
0x16d: {  	v33 =	vimm.s32 $0x0;
	v11 =	vsel vm12, $0xF149F2CA, v6;
	v6 =	vld [tilespmem:$0x1F8B0];
	v0 =	vsel vm14, $0xFFFFFFFF, v26;
	[tilespmem:$0x990] =	vst v22  }
0x16e: {  	vm14 =	veq.f32 v8, v1;
	[tilespmem:$0x1FC80] =	vst v0;
	v48 =	vnsel vm1, $0x0, v10;
	vm1 =	veq.f32 v50, v9;
	v50 =	vld [tilespmem:$0x1FAF0]  }
0x16f: {  	vm15 =	veq.f32 v4, v1;
	v24 =	vnsel vm4, $0x0, v10;
	[tilespmem:$0x1FDF0] =	vst v48;
	v48 =	vsel vm14, $0xF149F2CA, v8;
	v8 =	vld [tilespmem:$0x1F8C0]  }
0x170: {  	v63 =	vmax.f32 v7, v11;
	v22 =	vpop (erf);
	v0 =	vsel vm15, $0xFFFFFFFF, v33;
	vm4 =	veq.f32 v42, v61;
	[tilespmem:$0x1FE20] =	vst v24;
	v24 =	vld [tilespmem:$0x1F8E0]  }
0x171: {  	v33 =	vadd.f32 $1.000000000e+00, v22;
	v42 =	vnsel vm4, $0x0, v10;
	vm4 =	veq.f32 v21, v61;
	v21 =	vld [tilespmem:$0x4D0]  }
0x172: {  	[tilespmem:$0x1FC90] =	vst v0;
	v0 =	vmax.f32 v63, v60;
	v63 =	vnsel vm0, $0x0, v10;
	vm0 =	veq.f32 v12, v9;
	v12 =	vld [tilespmem:$0x6D0]  }
0x173: {  	(erf) = vrcp.f32 v33;
	v33 =	vld [tilespmem:$0x1F900]  }
0x174: {  	[tilespmem:$0x1FE40] =	vst v63;
	v63 =	vld [tilespmem:$0x1F920]  }
0x175: {  	[tilespmem:$0x1FE60] =	vst v42;
	v42 =	vnsel vm5, $0x0, v10;
	vm5 =	veq.f32 v59, v61;
	v59 =	vld [tilespmem:$0x1FAA0]  }
0x176: {  	vm10 =	veq.f32 v3, v1;
	v61 =	vld [tilespmem:$0x1FAB0]  }
0x177: {  	[tilespmem:$0xB90] =	vst v57;
	v26 =	vsel vm15, $0xF149F2CA, v4;
	vm15 =	veq.f32 v2, v1;
	v57 =	vadd.f32 v8, v6;
	v8 =	vld [tilespmem:$0x1F930]  }
0x178: {  	[tilespmem:$0xB10] =	vst v49;
	v49 =	vsel vm15, $0xF149F2CA, v2;
	v0 =	vmax.f32 v0, v26;
	v2 =	vadd.f32 v24, v16;
	v16 =	vld [tilespmem:$0x1F940]  }
0x179: {  	[tilespmem:$0x1FE70] =	vst v14;
	v14 =	vsel vm10, $0xF149F2CA, v3;
	v0 =	vmax.f32 v0, v54;
	v24 =	vld [tilespmem:$0x1F950]  }
0x17a: {  	v0 =	vmax.f32 v0, v14;
	v6 =	vadd.f32 v39, v38;
	v38 =	vld [tilespmem:$0x550]  }
0x17b: {  	v0 =	vmax.f32 v0, v48;
	v39 =	vld [tilespmem:$0x1FA60]  }
0x17c: {  	[tilespmem:$0x820] =	vst v23;
	v0 =	vmax.f32 v0, v49;
	v23 =	vadd.f32 v33, v27;
	v27 =	vld [tilespmem:$0x1F960]  }
0x17d: {  	v3 =	vsub.f32 v0, v1;
	v33 =	vld [tilespmem:$0x1F970]  }
0x17e: {  	v4 =	vadd.f32 v63, v56;
	v56 =	vld [tilespmem:$0x1F990]  }
0x17f: {  	[tilespmem:$0x8A0] =	vst v31;
	v63 =	vld [tilespmem:$0x1F9B0];
	v31 =	vmul.f32 $1.442695020e+00, v3  }
0x180: {  	v1 =	vld [tilespmem:$0x450]  }
0x181: {  	(erf) = vpow2.f32 v31;
	v31 =	vld [tilespmem:$0x1F9D0]  }
0x182: {  	[tilespmem:$0x920] =	vst v34;
	v34 =	vadd.f32 v27, v24;
	v24 =	vld [tilespmem:$0x1F9C0]  }
0x183: {  	v3 =	vadd.f32 v51, v33;
	v33 =	vld [tilespmem:$0x1F9E0]  }
0x184: {  	[tilespmem:$0x9D0] =	vst v57;
	v57 =	vld [tilespmem:$0x1FBD0]  }
0x185: {  	v51 =	vld [tilespmem:$0x1FA20]  }
0x186: {  	[tilespmem:$0xAE0] =	vst v6;
	v6 =	vld [tilespmem:$0x1FCC0]  }
0x187: {  	[tilespmem:$0x8B0] =	vst v43;
	v5 =	vadd.f32 v16, v8;
	v8 =	vadd.f32 v58, v56;
	v58 =	vld [tilespmem:$0x1FA30]  }
0x188: {  	[tilespmem:$0x810] =	vst v45;
	v45 =	vnsel vm2, $0x0, v10;
	v56 =	vadd.f32 v24, v63;
	v63 =	vadd.f32 v33, v31;
	v31 =	vld [tilespmem:$0x1FA40]  }
0x189: {  	[tilespmem:$0xA30] =	vst v53;
	v27 =	vnsel vm4, $0x0, v10;
	v10 =	vnsel vm5, $0x0, v10;
	vm5 =	veq.f32 v13, v9;
	v13 =	vld [tilespmem:$0x750]  }
0x18a: {  	[tilespmem:$0x930] =	vst v46;
	v24 =	vadd.f32 v51, v40;
	v40 =	vld [tilespmem:$0x1FA70]  }
0x18b: {  	[tilespmem:$0x8C0] =	vst v35;
	v33 =	vld [tilespmem:$0x1FA50]  }
0x18c: {  	[tilespmem:$0xBD0] =	vst v5;
	v5 =	vld [tilespmem:$0x460]  }
0x18d: {  	[tilespmem:$0x1FE90] =	vst v27;
	v51 =	vadd.f32 v31, v58;
	v58 =	vld [tilespmem:$0x1FA90]  }
0x18e: {  	[tilespmem:$0x960] =	vst v8;
	v8 =	vld [tilespmem:$0x560]  }
0x18f: {  	[tilespmem:$0x1FEB0] =	vst v10;
	v27 =	vadd.f32 v41, v40;
	v40 =	vld [tilespmem:$0x5D0]  }
0x190: {  	[tilespmem:$0x860] =	vst v34;
	v10 =	vadd.f32 v39, v33;
	v39 =	vpop (erf);
	v31 =	vadd.f32 v62, v61;
	v61 =	vld [tilespmem:$0x650]  }
0x191: {  	vm2 =	veq.f32 v17, v9;
	[tilespmem:$0xA60] =	vst v63;
	v17 =	vmul.f32 v39, v22;
	v22 =	vld [tilespmem:$0x1FB30]  }
0x192: {  	v35 =	vimm.s32 $0x0;
	[tilespmem:$0xB60] =	vst v24;
	v33 =	vnsel vm7, $0x0, v39;
	v41 =	vadd.f32 v59, v58;
	v59 =	vld [tilespmem:$0x1FAD0]  }
0x193: {  	vm3 =	veq.f32 v15, v9;
	v34 =	vld [tilespmem:$0x5E0];
	v43 =	vnsel vm11, $0x0, v39;
	[tilespmem:$0x1FEC0] =	vst v33;
	v58 =	vmax.f32 v1, v21  }
0x194: {  	vm4 =	veq.f32 v19, v9;
	v46 =	vnsel vm6, $0x0, v39;
	[tilespmem:$0x1FED0] =	vst v43;
	v43 =	vld [tilespmem:$0x7D0];
	v62 =	vmax.f32 v58, v38  }
0x195: {  	vm7 =	vnez.u8 v50;
	[tilespmem:$0x1FEF0] =	vst v46;
	v33 =	vnsel vm8, $0x0, v39;
	v46 =	vmax.f32 v62, v40;
	v62 =	vld [tilespmem:$0x1FB20]  }
0x196: {  	v63 =	vld [tilespmem:$0x1FCB0];
	vm8 =	vnez.u8 v55;
	[tilespmem:$0x1FF40] =	vst v33;
	v33 =	vnsel vm5, $0x0, v17;
	v53 =	vmax.f32 v46, v61  }
0x197: {  	v24 =	vld [tilespmem:$0x1FD20];
	[tilespmem:$0xBE0] =	vst v51;
	vm11 =	vnez.u8 v22;
	v15 =	vmax.f32 v53, v12;
	vm6 =	vnez.u8 v59  }
0x198: {  	v51 =	vld [tilespmem:$0x1FD60];
	[tilespmem:$0x8F0] =	vst v27;
	v46 =	vimm.s32 $0x0;
	v15 =	vmax.f32 v15, v13;
	v16 =	vnsel vm6, $0x0, v39  }
0x199: {  	v27 =	vld [tilespmem:$0x1FDB0];
	vm6 =	veq.f32 v18, v9;
	v18 =	vpop (erf);
	v15 =	vmax.f32 v15, v43;
	[tilespmem:$0x1FF20] =	vst v16;
	v16 =	vnsel vm7, $0x0, v39  }
0x19a: {  	v59 =	vld [tilespmem:$0x1FB10];
	v58 =	vadd.f32 $1.000000000e+00, v18;
	[tilespmem:$0x840] =	vst v62;
	vm7 =	veq.f32 v1, v15;
	v62 =	vnsel vm0, $0x0, v17  }
0x19b: {  	vm5 =	veq.f32 v38, v15;
	vm0 =	veq.f32 v7, v0;
	v7 =	vld [tilespmem:$0x1FCD0];
	[tilespmem:$0x1FF60] =	vst v16;
	v16 =	vnsel vm8, $0x0, v39  }
0x19c: {  	[tilespmem:$0x9C0] =	vst v28;
	v19 =	vsel vm7, $0xF149F2CA, v1;
	vm8 =	veq.f32 v40, v15;
	v28 =	vsel vm5, $0xF149F2CA, v38;
	v38 =	vld [tilespmem:$0x1FB90]  }
0x19d: {  	[tilespmem:$0x1FEE0] =	vst v33;
	v1 =	vsel vm5, $0xFFFFFFFF, v35;
	vm5 =	veq.f32 v61, v15;
	v35 =	vsel vm8, $0xF149F2CA, v40;
	v40 =	vld [tilespmem:$0x1FBB0]  }
0x19e: {  	[tilespmem:$0x1FF90] =	vst v16;
	v16 =	vnsel vm11, $0x0, v39;
	v39 =	vnsel vm1, $0x0, v17;
	vm1 =	veq.f32 v11, v0;
	v11 =	vld [tilespmem:$0x4E0]  }
0x19f: {  	(erf) = vrcp.f32 v58;
	[tilespmem:$0x1FF10] =	vst v1;
	v58 =	vnsel vm3, $0x0, v17;
	vm3 =	veq.f32 v26, v0;
	v26 =	vld [tilespmem:$0x760]  }
0x1a0: {  	v53 =	vimm.s32 $0x0;
	v1 =	vsel vm8, $0xFFFFFFFF, v46;
	v33 =	vsel vm5, $0xF149F2CA, v61;
	[tilespmem:$0x1FF00] =	vst v39;
	v39 =	vld [tilespmem:$0x1FBA0]  }
0x1a1: {  	vm8 =	veq.f32 v13, v15;
	[tilespmem:$0x1FFA0] =	vst v16;
	v16 =	vsel vm5, $0xFFFFFFFF, v53;
	vm5 =	veq.f32 v20, v9;
	v20 =	vld [tilespmem:$0x1FBF0]  }
0x1a2: {  	v53 =	vsel vm8, $0xF149F2CA, v13;
	v13 =	vadd.f32 v32, v30;
	v30 =	vld [tilespmem:$0x1FC10]  }
0x1a3: {  	[tilespmem:$0xAB0] =	vst v47;
	v55 =	vimm.s32 $0x0;
	v50 =	vnsel vm4, $0x0, v17;
	v32 =	vld [tilespmem:$0x1FC20]  }
0x1a4: {  	v22 =	vimm.s32 $0x0;
	[tilespmem:$0x1FF70] =	vst v58;
	v58 =	vnsel vm2, $0x0, v17;
	vm2 =	veq.f32 v60, v0;
	v60 =	vld [tilespmem:$0x1FCA0]  }
0x1a5: {  	vm4 =	veq.f32 v43, v15;
	[tilespmem:$0xBB0] =	vst v59;
	v59 =	vnsel vm6, $0x0, v17;
	vm6 =	veq.f32 v12, v15;
	v9 =	vld [tilespmem:$0x1FCE0]  }
0x1a6: {  	vm11 =	veq.f32 v21, v15;
	v61 =	vimm.s32 $0x0;
	[tilespmem:$0x1FF80] =	vst v16;
	v16 =	vsel vm6, $0xFFFFFFFF, v55;
	v55 =	vld [tilespmem:$0x1FBC0]  }
0x1a7: {  	[tilespmem:$0x1FF30] =	vst v50;
	v21 =	vsel vm11, $0xF149F2CA, v21;
	v50 =	vsel vm6, $0xF149F2CA, v12;
	v12 =	vsel vm4, $0xFFFFFFFF, v22;
	v22 =	vld [tilespmem:$0x1FC00]  }
0x1a8: {  	v47 =	vmax.f32 v19, v21;
	[tilespmem:$0x1FFB0] =	vst v16;
	v16 =	vsel vm8, $0xFFFFFFFF, v61;
	v61 =	vld [tilespmem:$0x1FBE0]  }
0x1a9: {  	[tilespmem:$0x1FF50] =	vst v1;
	v1 =	vmax.f32 v47, v28;
	v47 =	vld [tilespmem:$0x1FC80]  }
0x1aa: {  	[tilespmem:$0x1FFD0] =	vst v12;
	v12 =	vadd.f32 v29, v25;
	v1 =	vmax.f32 v1, v35;
	v29 =	vadd.f32 v38, v36;
	v38 =	vld [tilespmem:$0x1FC30]  }
0x1ab: {  	[tilespmem:$0xA50] =	vst v2;
	v1 =	vmax.f32 v1, v33;
	v2 =	vadd.f32 v40, v39;
	v39 =	vld [tilespmem:$0x1FC40]  }
0x1ac: {  	[tilespmem:$0x8D0] =	vst v37;
	v37 =	vsel vm4, $0xF149F2CA, v43;
	v1 =	vmax.f32 v1, v50;
	v40 =	vld [tilespmem:$0x1FC50]  }
0x1ad: {  	[tilespmem:$0x850] =	vst v52;
	v52 =	vnsel vm5, $0x0, v17;
	v1 =	vmax.f32 v1, v53;
	v17 =	vadd.f32 v57, v55;
	v55 =	vld [tilespmem:$0x1FC90]  }
0x1ae: {  	v36 =	vadd.f32 v30, v22;
	v30 =	vld [tilespmem:$0x1FD30];
	v25 =	vmax.f32 v1, v37  }
0x1af: {  	[tilespmem:$0xAD0] =	vst v23;
	v23 =	vadd.f32 v20, v61;
	v20 =	vld [tilespmem:$0x1FD10];
	v43 =	vsub.f32 v25, v15  }
0x1b0: {  	v15 =	vld [tilespmem:$0x1FD00]  }
0x1b1: {  	v1 =	vmul.f32 $1.442695020e+00, v43;
	v43 =	vld [tilespmem:$0x1FC60]  }
0x1b2: {  	[tilespmem:$0xB50] =	vst v4;
	v46 =	vadd.f32 v38, v32;
	v4 =	vpop (erf);
	v32 =	vld [tilespmem:$0x1FD40]  }
0x1b3: {  	v38 =	vnsel vm12, $0x0, v4;
	vm12 =	veq.f32 v54, v0;
	v54 =	vld [tilespmem:$0x660]  }
0x1b4: {  	v57 =	vadd.f32 v40, v39;
	v39 =	vnsel vm13, $0x0, v4;
	vm13 =	veq.f32 v14, v0;
	v14 =	vld [tilespmem:$0x1FCF0]  }
0x1b5: {  	[tilespmem:$0x8E0] =	vst v3;
	vm8 =	vnez.u8 v55;
	v55 =	vld [tilespmem:$0x1FD70]  }
0x1b6: {  	[tilespmem:$0x1FFC0] =	vst v16;
	vm6 =	vnez.u8 v47;
	v3 =	vadd.f32 v20, v15;
	v20 =	vld [tilespmem:$0x1FD80];
	v16 =	vadd.f32 v44, v43  }
0x1b7: {  	v44 =	vnsel vm6, $0x0, v4;
	vm6 =	veq.f32 v49, v0;
	v49 =	vadd.f32 v63, v60;
	v63 =	vld [tilespmem:$0x6E0]  }
0x1b8: {  	v22 =	vmax.f32 v5, v11;
	(erf) = vpow2.f32 v1;
	v43 =	vld [tilespmem:$0x1FD50]  }
0x1b9: {  	v60 =	vadd.f32 v7, v6;
	v6 =	vmax.f32 v22, v8;
	v22 =	vld [tilespmem:$0x1FD90]  }
0x1ba: {  	v7 =	vadd.f32 v30, v24;
	v24 =	vld [tilespmem:$0x1FDA0]  }
0x1bb: {  	[tilespmem:$0x9E0] =	vst v56;
	v56 =	vnsel vm14, $0x0, v4;
	vm14 =	veq.f32 v48, v0;
	v0 =	vld [tilespmem:$0x7E0]  }
0x1bc: {  	[tilespmem:$0x870] =	vst v10;
	v61 =	vnsel vm9, $0x0, v4;
	v47 =	vnsel vm10, $0x0, v4;
	v10 =	vadd.f32 v55, v51;
	v55 =	vld [tilespmem:$0x1FE00]  }
0x1bd: {  	v48 =	vnsel vm15, $0x0, v4;
	v40 =	vnsel vm8, $0x0, v4;
	v1 =	vadd.f32 v14, v9;
	v30 =	vld [tilespmem:$0x1FDC0]  }
0x1be: {  	v4 =	vmul.f32 v4, v18;
	v6 =	vmax.f32 v6, v34;
	v51 =	vld [tilespmem:$0x1FDF0];
	v9 =	vadd.f32 v43, v32  }
0x1bf: {  	v6 =	vmax.f32 v6, v54;
	v14 =	vadd.f32 v22, v20;
	v24 =	vadd.f32 v27, v24;
	v32 =	vld [tilespmem:$0x1FDD0]  }
0x1c0: {  	v6 =	vmax.f32 v6, v63;
	v43 =	vld [tilespmem:$0x1FDE0];
	v20 =	vnsel vm0, $0x0, v4;
	v22 =	vnsel vm13, $0x0, v4  }
0x1c1: {  	[tilespmem:$0x970] =	vst v41;
	v27 =	vpop (erf);
	v41 =	vadd.f32 v45, v55;
	v6 =	vmax.f32 v6, v26;
	v45 =	vnsel vm1, $0x0, v4  }
0x1c2: {  	[tilespmem:$0xA70] =	vst v12;
	v55 =	vnsel vm12, $0x0, v4;
	v18 =	vadd.f32 $1.000000000e+00, v27;
	v12 =	vmax.f32 v6, v0  }
0x1c3: {  	vm15 =	veq.f32 v11, v12;
	vm13 =	veq.f32 v8, v12;
	vm4 =	veq.f32 v34, v12  }
0x1c4: {  	[tilespmem:$0xAF0] =	vst v13;
	(erf) = vrcp.f32 v18;
	v13 =	vsel vm15, $0xF149F2CA, v11;
	v15 =	vadd.f32 v32, v30  }
0x1c5: {  	[tilespmem:$0x9F0] =	vst v31;
	v31 =	vadd.f32 v51, v43;
	v51 =	vnsel vm14, $0x0, v4;
	vm14 =	veq.f32 v5, v12  }
0x1c6: {  	[tilespmem:$0xBF0] =	vst v2;
	v30 =	vnsel vm2, $0x0, v4;
	v43 =	vnsel vm3, $0x0, v4;
	v2 =	vsel vm14, $0xF149F2CA, v5  }
0x1c7: {  	[tilespmem:$0xB70] =	vst v29;
	v32 =	vnsel vm6, $0x0, v4;
	v4 =	vsel vm13, $0xF149F2CA, v8;
	v18 =	vmax.f32 v2, v13  }
0x1c8: {  	v29 =	vld [tilespmem:$0x470];
	[tilespmem:$0xC00] =	vst v17;
	vm3 =	veq.f32 v54, v12;
	v5 =	vsel vm4, $0xF149F2CA, v34;
	v8 =	vmax.f32 v18, v4  }
0x1c9: {  	[tilespmem:$0xC80] =	vst v23;
	v23 =	vld [tilespmem:$0x4F0];
	vm2 =	veq.f32 v63, v12;
	v6 =	vsel vm3, $0xF149F2CA, v54;
	v8 =	vmax.f32 v8, v5  }
0x1ca: {  	[tilespmem:$0xF80] =	vst v60;
	v60 =	vld [tilespmem:$0x1FE20];
	vm0 =	veq.f32 v26, v12;
	v17 =	vsel vm2, $0xF149F2CA, v63;
	v8 =	vmax.f32 v8, v6  }
0x1cb: {  	[tilespmem:$0xE00] =	vst v57;
	vm1 =	veq.f32 v0, v12;
	v34 =	vld [tilespmem:$0x570];
	v18 =	vsel vm0, $0xF149F2CA, v26;
	v57 =	vmax.f32 v8, v17  }
0x1cc: {  	v8 =	vsel vm1, $0xF149F2CA, v0;
	v0 =	vmax.f32 v57, v18;
	v57 =	vld [tilespmem:$0x1FE10];
	_ =	sdelay $0x2  }
0x1cd: {  	v63 =	vmax.f32 v29, v23  }
0x1ce: {  	v11 =	vmax.f32 v0, v8;
	v0 =	vmax.f32 v63, v34;
	v63 =	vld [tilespmem:$0x1FE30]  }
0x1cf: {  	[tilespmem:$0xF00] =	vst v49;
	v49 =	vadd.f32 v60, v57;
	v60 =	vld [tilespmem:$0x1FE40];
	_ =	sdelay $0x4  }
0x1d0: {  	[tilespmem:$0xC10] =	vst v1;
	v1 =	vadd.f32 v60, v63;
	v63 =	vld [tilespmem:$0x1FE50]  }
0x1d1: {  	v60 =	vld [tilespmem:$0x1FE60]  }
0x1d2: {  	[tilespmem:$0xD00] =	vst v36;
	v36 =	vld [tilespmem:$0x5F0]  }
0x1d3: {  	[tilespmem:$0xE80] =	vst v16;
	v16 =	vld [tilespmem:$0x6F0]  }
0x1d4: {  	v54 =	vld [tilespmem:$0x670]  }
0x1d5: {  	v26 =	vld [tilespmem:$0x770]  }
0x1d6: {  	[tilespmem:$0xC90] =	vst v3;
	v3 =	vadd.f32 v60, v63;
	v63 =	vld [tilespmem:$0x1FE70]  }
0x1d7: {  	v57 =	vld [tilespmem:$0x7F0]  }
0x1d8: {  	v0 =	vmax.f32 v0, v36  }
0x1d9: {  	v0 =	vmax.f32 v0, v54  }
0x1da: {  	v12 =	vsub.f32 v11, v12;
	v0 =	vmax.f32 v0, v16  }
0x1db: {  	[tilespmem:$0xD80] =	vst v46;
	vm12 =	veq.f32 v19, v25;
	v0 =	vmax.f32 v0, v26;
	v60 =	vadd.f32 v42, v63;
	v63 =	vpop (erf)  }
0x1dc: {  	[tilespmem:$0xD10] =	vst v7;
	v12 =	vmul.f32 $1.442695020e+00, v12;
	v0 =	vmax.f32 v0, v57;
	v7 =	vmul.f32 v63, v27  }
0x1dd: {  	[tilespmem:$0xD20] =	vst v49;
	v49 =	vimm.s32 $0x0;
	vm5 =	veq.f32 v29, v0;
	vm10 =	veq.f32 v36, v0  }
0x1de: {  	[tilespmem:$0xE10] =	vst v10;
	v46 =	vsel vm5, $0xF149F2CA, v29;
	v10 =	vnsel vm12, $0x0, v7;
	vm12 =	veq.f32 v23, v0  }
0x1df: {  	[tilespmem:$0xE90] =	vst v14;
	v14 =	vnsel vm11, $0x0, v63;
	vm11 =	veq.f32 v34, v0;
	v42 =	vsel vm12, $0xF149F2CA, v23  }
0x1e0: {  	vm9 =	veq.f32 v54, v0;
	v29 =	vsel vm11, $0xF149F2CA, v34;
	v34 =	vmax.f32 v46, v42  }
0x1e1: {  	[tilespmem:$0xC20] =	vst v31;
	v31 =	vsel vm10, $0xF149F2CA, v36;
	(erf) = vpow2.f32 v12;
	v27 =	vld [tilespmem:$0x1FEA0];
	v12 =	vmax.f32 v34, v29  }
0x1e2: {  	[tilespmem:$0xF10] =	vst v24;
	vm6 =	veq.f32 v26, v0;
	v19 =	vsel vm9, $0xF149F2CA, v54;
	v34 =	vld [tilespmem:$0x1FEB0];
	v12 =	vmax.f32 v12, v31  }
0x1e3: {  	v24 =	vld [tilespmem:$0x1FE80];
	[tilespmem:$0xCA0] =	vst v41;
	vm8 =	veq.f32 v16, v0;
	v36 =	vmax.f32 v12, v19;
	v12 =	vsel vm6, $0xFFFFFFFF, v49  }
0x1e4: {  	v41 =	vsel vm8, $0xF149F2CA, v16;
	[tilespmem:$0x1FFE0] =	vst v12;
	v12 =	vsel vm6, $0xF149F2CA, v26;
	v26 =	vld [tilespmem:$0x1FE90]  }
0x1e5: {  	[tilespmem:$0xF90] =	vst v15;
	v23 =	vimm.s32 $0x0;
	v54 =	vmax.f32 v36, v41;
	vm6 =	veq.f32 v57, v0;
	v36 =	vld [tilespmem:$0x1FEC0]  }
0x1e6: {  	[tilespmem:$0xDA0] =	vst v1;
	v15 =	vsel vm6, $0xFFFFFFFF, v23  }
0x1e7: {  	v1 =	vmax.f32 v54, v12;
	[tilespmem:$0x1FFF0] =	vst v15;
	v15 =	vadd.f32 v34, v27;
	v34 =	vld [tilespmem:$0x1FF10]  }
0x1e8: {  	v54 =	vld [tilespmem:$0x1FED0]  }
0x1e9: {  	[tilespmem:$0xE20] =	vst v3;
	v3 =	vadd.f32 v26, v24;
	v24 =	vsel vm6, $0xF149F2CA, v57;
	v57 =	vld [tilespmem:$0x1FEE0]  }
0x1ea: {  	[tilespmem:$0xEA0] =	vst v60;
	v60 =	vld [tilespmem:$0x1FEF0];
	v16 =	vadd.f32 v62, v36;
	v36 =	vmax.f32 v1, v24;
	v1 =	vpop (erf)  }
0x1eb: {  	v62 =	vld [tilespmem:$0x1FF00];
	v49 =	vadd.f32 $1.000000000e+00, v1  }
0x1ec: {  	[tilespmem:$0xD90] =	vst v9;
	v9 =	vnsel vm7, $0x0, v63;
	vm7 =	vnez.u8 v34;
	v34 =	vld [tilespmem:$0x1FF70]  }
0x1ed: {  	vm6 =	veq.f32 v21, v25;
	(erf) = vrcp.f32 v49;
	v49 =	vld [tilespmem:$0x1FF20]  }
0x1ee: {  	[tilespmem:$0xFA0] =	vst v15;
	v21 =	vnsel vm6, $0x0, v7;
	vm6 =	veq.f32 v28, v25;
	v15 =	vadd.f32 v57, v54;
	v54 =	vld [tilespmem:$0x1FF30]  }
0x1ef: {  	[tilespmem:$0xC30] =	vst v16;
	v16 =	vnsel vm6, $0x0, v7;
	vm6 =	veq.f32 v35, v25;
	v35 =	vld [tilespmem:$0x1FF80]  }
0x1f0: {  	v57 =	vld [tilespmem:$0x1FF40]  }
0x1f1: {  	v23 =	vadd.f32 v62, v60;
	v60 =	vld [tilespmem:$0x1FF50]  }
0x1f2: {  	v20 =	vadd.f32 v20, v39;
	v62 =	vld [tilespmem:$0x1FF60]  }
0x1f3: {  	v0 =	vsub.f32 v36, v0;
	[tilespmem:$0xCB0] =	vst v15;
	v15 =	vadd.f32 v54, v49;
	v49 =	vld [tilespmem:$0x1FF90]  }
0x1f4: {  	v56 =	vadd.f32 v51, v56;
	v9 =	vadd.f32 v10, v9;
	[tilespmem:$0xF20] =	vst v3;
	v3 =	vnsel vm7, $0x0, v63  }
0x1f5: {  	v26 =	vnsel vm6, $0x0, v7;
	v0 =	vmul.f32 $1.442695020e+00, v0;
	vm6 =	vnez.u8 v35;
	v54 =	vld [tilespmem:$0x1FFA0]  }
0x1f6: {  	[tilespmem:$0xD30] =	vst v23;
	v27 =	vnsel vm6, $0x0, v63;
	vm6 =	veq.f32 v33, v25;
	v23 =	vadd.f32 v59, v57;
	v57 =	vld [tilespmem:$0x1FFB0]  }
0x1f7: {  	(erf) = vpow2.f32 v0;
	v28 =	vnsel vm6, $0x0, v7;
	[tilespmem:$0xDB0] =	vst v15;
	v15 =	vadd.f32 v34, v62;
	v62 =	vld [tilespmem:$0x1FFD0]  }
0x1f8: {  	vm7 =	vnez.u8 v60;
	v60 =	vadd.f32 v30, v44;
	[tilespmem:$0xE30] =	vst v23;
	v23 =	vadd.f32 v58, v49;
	v58 =	vld [tilespmem:$0x1FFC0]  }
0x1f9: {  	[tilespmem:$0xC40] =	vst v20;
	vm6 =	veq.f32 v50, v25;
	v59 =	vadd.f32 v45, v38;
	v45 =	vadd.f32 v43, v40  }
0x1fa: {  	v20 =	vadd.f32 v28, v27;
	v0 =	vnsel vm7, $0x0, v63;
	[tilespmem:$0xD40] =	vst v60;
	v60 =	vadd.f32 v32, v48  }
0x1fb: {  	v34 =	vnsel vm6, $0x0, v7;
	v0 =	vadd.f32 v26, v0;
	[tilespmem:$0xEB0] =	vst v15;
	v15 =	vadd.f32 v52, v54  }
0x1fc: {  	vm7 =	vnez.u8 v57;
	v49 =	vadd.f32 v55, v61;
	v61 =	vadd.f32 v21, v14  }
0x1fd: {  	[tilespmem:$0xF40] =	vst v56;
	v33 =	vnsel vm7, $0x0, v63;
	vm7 =	vnez.u8 v62;
	vm6 =	vnez.u8 v58  }
0x1fe: {  	[tilespmem:$0xF30] =	vst v23;
	v21 =	vadd.f32 v34, v33;
	v23 =	vnsel vm6, $0x0, v63;
	vm6 =	veq.f32 v53, v25  }
0x1ff: {  	[tilespmem:$0xC50] =	vst v9;
	v53 =	vadd.f32 v22, v47;
	v35 =	vnsel vm6, $0x0, v7;
	vm6 =	veq.f32 v37, v25  }
0x200: {  	[tilespmem:$0xCC0] =	vst v59;
	v25 =	vnsel vm7, $0x0, v63;
	v63 =	vpop (erf);
	vm7 =	veq.f32 v6, v11;
	v7 =	vnsel vm6, $0x0, v7  }
0x201: {  	[tilespmem:$0xDC0] =	vst v45;
	v37 =	vnsel vm14, $0x0, v63;
	v38 =	vnsel vm15, $0x0, v63;
	v50 =	vnsel vm13, $0x0, v63  }
0x202: {  	[tilespmem:$0xE50] =	vst v20;
	v52 =	vnsel vm4, $0x0, v63;
	v55 =	vnsel vm3, $0x0, v63;
	v58 =	vnsel vm2, $0x0, v63  }
0x203: {  	[tilespmem:$0xFC0] =	vst v60;
	v54 =	vpop (erf);
	v59 =	vnsel vm0, $0x0, v63;
	v1 =	vmul.f32 v63, v1;
	v62 =	vnsel vm1, $0x0, v63  }
0x204: {  	[tilespmem:$0xDD0] =	vst v0;
	vm14 =	veq.f32 v2, v11;
	v63 =	vadd.f32 v16, v3;
	v57 =	vadd.f32 $1.000000000e+00, v54  }
0x205: {  	[tilespmem:$0xFB0] =	vst v15;
	vm15 =	veq.f32 v13, v11;
	vm4 =	veq.f32 v4, v11;
	vm6 =	veq.f32 v5, v11  }
0x206: {  	[tilespmem:$0xE40] =	vst v49;
	v23 =	vadd.f32 v35, v23;
	vm13 =	veq.f32 v17, v11;
	(erf) = vrcp.f32 v57  }
0x207: {  	[tilespmem:$0xCD0] =	vst v61;
	v26 =	vadd.f32 v7, v25;
	v15 =	vnsel vm14, $0x0, v1;
	v16 =	vnsel vm15, $0x0, v1  }
0x208: {  	[tilespmem:$0xED0] =	vst v21;
	v4 =	vnsel vm4, $0x0, v1;
	v5 =	vnsel vm6, $0x0, v1;
	vm14 =	veq.f32 v18, v11  }
0x209: {  	[tilespmem:$0xEC0] =	vst v53;
	v6 =	vnsel vm7, $0x0, v1;
	vm15 =	veq.f32 v8, v11;
	v28 =	vnsel vm14, $0x0, v1  }
0x20a: {  	[tilespmem:$0xD50] =	vst v63;
	v27 =	vnsel vm13, $0x0, v1;
	v1 =	vnsel vm15, $0x0, v1;
	v43 =	vadd.f32 v28, v59;
	v59 =	vld [tilespmem:$0x1FFE0]  }
0x20b: {  	[tilespmem:$0xF50] =	vst v23;
	v30 =	vadd.f32 v15, v37;
	v1 =	vadd.f32 v1, v62;
	v62 =	vld [tilespmem:$0x1FFF0]  }
0x20c: {  	[tilespmem:$0xFD0] =	vst v26;
	v32 =	vadd.f32 v16, v38  }
0x20d: {  	vm4 =	veq.f32 v46, v36;
	v33 =	vadd.f32 v4, v50;
	[tilespmem:$0xC60] =	vst v30  }
0x20e: {  	vm6 =	veq.f32 v29, v36;
	vm7 =	veq.f32 v31, v36;
	v35 =	vadd.f32 v5, v52;
	[tilespmem:$0xCE0] =	vst v32  }
0x20f: {  	v37 =	vadd.f32 v6, v55;
	v39 =	vadd.f32 v27, v58;
	vm14 =	veq.f32 v24, v36;
	[tilespmem:$0xD60] =	vst v33;
	v34 =	vpop (erf)  }
0x210: {  	[tilespmem:$0xDE0] =	vst v35;
	vm13 =	vnez.u8 v59;
	vm15 =	vnez.u8 v62;
	v38 =	vmul.f32 v34, v54  }
0x211: {  	[tilespmem:$0xE60] =	vst v37;
	v40 =	vnsel vm5, $0x0, v34;
	vm5 =	veq.f32 v42, v36;
	v45 =	vnsel vm12, $0x0, v34  }
0x212: {  	[tilespmem:$0xEE0] =	vst v39;
	v48 =	vnsel vm11, $0x0, v34;
	v50 =	vnsel vm10, $0x0, v34;
	v44 =	vnsel vm4, $0x0, v38  }
0x213: {  	[tilespmem:$0xF60] =	vst v43;
	v53 =	vnsel vm9, $0x0, v34;
	v46 =	vnsel vm5, $0x0, v38;
	v47 =	vadd.f32 v44, v40  }
0x214: {  	[tilespmem:$0xFE0] =	vst v1;
	vm10 =	veq.f32 v19, v36;
	v49 =	vnsel vm6, $0x0, v38;
	v2 =	vadd.f32 v46, v45  }
0x215: {  	vm11 =	veq.f32 v41, v36;
	v51 =	vnsel vm7, $0x0, v38;
	v0 =	vadd.f32 v49, v48;
	[tilespmem:$0xC70] =	vst v47  }
0x216: {  	v55 =	vnsel vm8, $0x0, v34;
	v54 =	vnsel vm10, $0x0, v38;
	v52 =	vadd.f32 v51, v50;
	[tilespmem:$0xCF0] =	vst v2  }
0x217: {  	vm12 =	veq.f32 v12, v36;
	v56 =	vnsel vm11, $0x0, v38;
	v57 =	vadd.f32 v54, v53;
	[tilespmem:$0xD70] =	vst v0  }
0x218: {  	v1 =	vnsel vm13, $0x0, v34;
	v60 =	vnsel vm12, $0x0, v38;
	v58 =	vadd.f32 v56, v55;
	[tilespmem:$0xDF0] =	vst v52  }
0x219: {  	v63 =	vnsel vm14, $0x0, v38;
	v61 =	vadd.f32 v60, v1;
	v1 =	vnsel vm15, $0x0, v34;
	[tilespmem:$0xE70] =	vst v57  }
0x21a: {  	v1 =	vadd.f32 v63, v1;
	[tilespmem:$0xEF0] =	vst v58  }
0x21b: {  	p0 =	sne.s32 s5, $0x1;
	[tilespmem:$0xF70] =	vst v61  }
.Ltmp0:
0x21c: {  	[tilespmem:$0xFF0] =	vst v1;
	(pc) =	sbr.rel @p0 .LBB2_1-.Ltmp0, $4  }
0x21d: {  	[hbm4b:s4+s2] =	stream.linear.scatter [tilespmem:s7], [sflag:$0x1], $0x800, $0x38;
	[tilespmem:$0x1000] =	vst v63  }
0x21e: {  	_ =	swait.ge [sflag:s6], $0x800  }
0x21f: {  	[sflag:s6] =	ssyncset.done $0x0  }
0x220: {  	s5 =	sadd.s32 $0xFFFFFFFF, s5;
	[sflag:s6] =	ssyncadd.s32 $0xFFFFF800  }
0x221: {  	_ =	sfence.sel $0x180000  }
0x222: {  	[bflag:$0x0] =	sbarrier.arrive $0xFFFF  }
0x223: {  	p0 =	sne.s32 s1, $0x0;
	_ =	strace $0x90000047  }
0x224: {  	s0 =	sadd.s32 @!p0 $0x100000, s0;
	[bflag:$0x2] =	sbarrier.arrive $0xFFFF  }
0x225: {  	[sflag:s0] =	ssyncadd.tile.s32 @!p0 $0x1;
	_ =	shalt  }
.Lfunc_end2:
_tile_overlayer_lowered:
.L_overlay_start_2:
0x226: {  	(tag) =	ssettag $0x2  }
0x227: {  	s0 =	rddreg [dreg:$0x0];
	s2 =	stileid.u32  }
0x228: {  	s1 =	rddreg [dreg:$0x1];
	p0 =	sne.s32 s2, $0x0  }
0x229: {  	s3 =	rddreg [dreg:$0x2];
	[bflag:$0x3] =	sbarrier.arrive $0xFFFF;
	s2 =	simm.s32 @!p0 $0x1C01  }
0x22a: {  	[timem:s3], [sflag:s2] =	dma.local @!p0 [hbm:s0], s1  }
0x22b: {  	s0 =	simm.s32 @!p0 $0x1  }
0x22c: {  	_ =	swait.ge @!p0 [sflag:s0], s1  }
0x22d: {  	s1 =	ssub.s32 @!p0 $0x0, s1;
	[sflag:s0] =	ssyncset.done @!p0 $0x0  }
0x22e: {  	[sflag:s0] =	ssyncadd.s32 @!p0 s1  }
0x22f: {  	[bflag:$0x3] =	sbarrier.arrive $0xFFFF  }
0x230: {  	_ =	shalt  }

</sc_bundles>
